<compile_context>
chip_gen: v7x
topology: tpu7x:2x2x1
jax: 0.10.2.dev20260603
libtpu: 0.0.44.dev20260713+nightly
codegen_flags: <defaults>
</compile_context>

<pallas_src>
import functools

import jax
import jax.numpy as jnp
import numpy as np
from jax import lax
from jax.experimental import pallas as pl
from jax.experimental.pallas import tpu as pltpu
from jax.experimental.pallas import tpu_sc as plsc

_FIELD_DIMS = [100000] * 26
_OFFSETS = np.concatenate(([0], np.cumsum(_FIELD_DIMS)[:-1])).astype(np.int32)

_B = 4096
_F = 26
_D = 16
_NW = 32
_SPW = _B // _NW
_IDX_PER_W = _SPW * _F
_CHUNK = 128
_NCH = _IDX_PER_W // _CHUNK
_EMB_ROWS = 2600000
_PACK = 128 // _D


def _extract(j, buf, p_v, sc0_v, er_v, ec0_v, out_v):
    del p_v
    for grp in range(_CHUNK // 16):
        base = grp * 16
        srow = jnp.arange(16, dtype=jnp.int32) + base
        sc0 = sc0_v[j, pl.ds(base, 16)]
        er = er_v[j, pl.ds(base, 16)]
        ec0 = ec0_v[j, pl.ds(base, 16)]
        for d in range(_D):
            vals = plsc.load_gather(buf, [srow, sc0 + d])
            plsc.store_scatter(out_v, [er, ec0 + d], vals)


def _sc_gather(embr_hbm, lin_hbm, p_hbm, sc0_hbm, er_hbm, ec0_hbm, g_hbm,
               e_out, lv_out,
               p_v, sc0_v, er_v, ec0_v, g_v, buf0, buf1, out_v, lin_v,
               sem_g, sem_l):
    wid = lax.axis_index("s") * 2 + lax.axis_index("c")
    pltpu.sync_copy(p_hbm.at[wid], p_v)
    pltpu.sync_copy(sc0_hbm.at[wid], sc0_v)
    pltpu.sync_copy(er_hbm.at[wid], er_v)
    pltpu.sync_copy(ec0_hbm.at[wid], ec0_v)
    pltpu.sync_copy(g_hbm.at[wid], g_v)

    for j in range(_NCH):
        pltpu.make_async_copy(lin_hbm.at[g_v.at[j]], lin_v.at[j], sem_l).start()

    pltpu.make_async_copy(embr_hbm.at[p_v.at[0]], buf0, sem_g).start()

    def body(k, _):
        j = 2 * k
        pltpu.make_async_copy(embr_hbm.at[p_v.at[j + 1]], buf1, sem_g).start()
        pltpu.make_async_copy(embr_hbm.at[p_v.at[0]], buf0, sem_g).wait()
        _extract(j, buf0, p_v, sc0_v, er_v, ec0_v, out_v)

        @pl.when(k < _NCH // 2 - 1)
        def _():
            pltpu.make_async_copy(embr_hbm.at[p_v.at[j + 2]], buf0, sem_g).start()

        pltpu.make_async_copy(embr_hbm.at[p_v.at[0]], buf1, sem_g).wait()
        _extract(j + 1, buf1, p_v, sc0_v, er_v, ec0_v, out_v)
        return 0

    lax.fori_loop(0, _NCH // 2, body, 0)

    pltpu.make_async_copy(lv_out.at[wid], lin_v, sem_l).wait()
    pltpu.sync_copy(out_v, e_out.at[pl.ds(wid * _SPW, _SPW)])
    pltpu.sync_copy(lin_v, lv_out.at[wid])


_gather_call = functools.partial(
    pl.kernel,
    out_type=[
        jax.ShapeDtypeStruct((_B, _F * _D), jnp.float32),
        jax.ShapeDtypeStruct((_NW, _NCH, _CHUNK), jnp.float32),
    ],
    mesh=plsc.VectorSubcoreMesh(
        core_axis_name="c", subcore_axis_name="s", num_cores=2, num_subcores=16
    ),
    scratch_types=[
        pltpu.VMEM((_NCH, _CHUNK), jnp.int32),
        pltpu.VMEM((_NCH, _CHUNK), jnp.int32),
        pltpu.VMEM((_NCH, _CHUNK), jnp.int32),
        pltpu.VMEM((_NCH, _CHUNK), jnp.int32),
        pltpu.VMEM((_NCH, _CHUNK), jnp.int32),
        pltpu.VMEM((_CHUNK, 128), jnp.float32),
        pltpu.VMEM((_CHUNK, 128), jnp.float32),
        pltpu.VMEM((_SPW, _F * _D), jnp.float32),
        pltpu.VMEM((_NCH, _CHUNK), jnp.float32),
        pltpu.SemaphoreType.DMA,
        pltpu.SemaphoreType.DMA,
    ],
    compiler_params=pltpu.CompilerParams(
        use_tc_tiling_on_sc=True, needs_layout_passes=False
    ),
)


_S = 327680
_RB = 4096
_RG = _S // _RB
_NCB = _S // _RB
_LAST_CB = (_EMB_ROWS - 1) // _RB


_LB = _PACK * _RB


def _retile_body(*refs):
    t_refs, lin_ref, o_ref, lo_ref = refs[:_PACK], refs[_PACK], refs[_PACK + 1], refs[_PACK + 2]
    eye128 = jnp.eye(128, dtype=jnp.float32)
    t_cat = jnp.concatenate([t_refs[b][...] for b in range(_PACK)], axis=0)
    o_ref[...] = jax.lax.dot_general(
        t_cat, eye128, (((0,), (0,)), ((), ())),
        preferred_element_type=jnp.float32,
    )
    lo_ref[...] = lin_ref[0, :]


def _retile(embT, linT):
    def spec(b):
        return pl.BlockSpec(
            (_D, _RB), lambda i, b=b: (0, jnp.minimum(b * _NCB + i, _LAST_CB))
        )

    return pl.pallas_call(
        _retile_body,
        grid=(_RG,),
        in_specs=[spec(b) for b in range(_PACK)]
        + [pl.BlockSpec((1, _LB), lambda i: (0, i))],
        out_specs=[
            pl.BlockSpec((_RB, 128), lambda i: (i, 0)),
            pl.BlockSpec((_LB,), lambda i: (i,)),
        ],
        out_shape=[
            jax.ShapeDtypeStruct((_S, 128), jnp.float32),
            jax.ShapeDtypeStruct((_EMB_ROWS,), jnp.float32),
        ],
        compiler_params=pltpu.CompilerParams(fuse_transposed_lhs_in_matmul=True),
    )(*([embT] * _PACK + [linT]))


_BB = 512


def _mlp_body(e_ref, lv_ref, w1_ref, b1_ref, s1_ref, t1_ref,
              w2_ref, b2_ref, s2_ref, t2_ref,
              w3_ref, b3_ref, s3_ref, t3_ref,
              wout_ref, cout_ref, o_ref):
    h = jnp.dot(e_ref[...], w1_ref[...], preferred_element_type=jnp.float32)
    h = jnp.maximum((h + b1_ref[...]) * s1_ref[...] + t1_ref[...], 0.0)
    h = jnp.dot(h, w2_ref[...], preferred_element_type=jnp.float32)
    h = jnp.maximum((h + b2_ref[...]) * s2_ref[...] + t2_ref[...], 0.0)
    h = jnp.dot(h, w3_ref[...], preferred_element_type=jnp.float32)
    h = jnp.maximum((h + b3_ref[...]) * s3_ref[...] + t3_ref[...], 0.0)
    out = jnp.dot(h, wout_ref[...], preferred_element_type=jnp.float32)
    lr = jnp.sum(lv_ref[...], axis=1, keepdims=True)
    o_ref[...] = out + lr + cout_ref[...]


def kernel(x, lin_table, lin_bias, emb_table, W1, b1, g1, be1,
           W2, b2, g2, be2, W3, b3, g3, be3, Wout, bout):
    offsets = jnp.asarray(_OFFSETS, dtype=x.dtype)
    xo = x + offsets[None, :]
    shape3 = (_NW, _NCH, _CHUNK)
    g = xo.reshape(shape3)
    p = (g % _S).astype(jnp.int32)
    sc0 = ((g // _S) * _D).astype(jnp.int32)
    flat = jnp.arange(_B * _F, dtype=jnp.int32)
    er = ((flat // _F) % _SPW).reshape(shape3)
    ec0 = ((flat % _F) * _D).reshape(shape3)

    embr, lin_flat = _retile(emb_table.T, lin_table.T)

    e, lv = _gather_call(_sc_gather)(embr, lin_flat, p, sc0, er, ec0, g)
    lv = lv.reshape(_B, _F)

    inv = np.float32(1.0) / np.sqrt(np.float32(1.0 + 1e-5))
    s1 = (g1 * inv).reshape(1, -1)
    s2 = (g2 * inv).reshape(1, -1)
    s3 = (g3 * inv).reshape(1, -1)

    h_dim = W1.shape[1]
    full = lambda shape: pl.BlockSpec(shape, lambda i: (0, 0))
    out = pl.pallas_call(
        _mlp_body,
        grid=(_B // _BB,),
        in_specs=[
            pl.BlockSpec((_BB, _F * _D), lambda i: (i, 0)),
            pl.BlockSpec((_BB, _F), lambda i: (i, 0)),
            full((_F * _D, h_dim)), full((1, h_dim)), full((1, h_dim)), full((1, h_dim)),
            full((h_dim, h_dim)), full((1, h_dim)), full((1, h_dim)), full((1, h_dim)),
            full((h_dim, h_dim)), full((1, h_dim)), full((1, h_dim)), full((1, h_dim)),
            full((h_dim, 1)), full((1, 1)),
        ],
        out_specs=pl.BlockSpec((_BB, 1), lambda i: (i, 0)),
        out_shape=jax.ShapeDtypeStruct((_B, 1), jnp.float32),
    )(
        e, lv,
        W1, b1.reshape(1, -1), s1, be1.reshape(1, -1),
        W2, b2.reshape(1, -1), s2, be2.reshape(1, -1),
        W3, b3.reshape(1, -1), s3, be3.reshape(1, -1),
        Wout, (bout + lin_bias).reshape(1, 1),
    )
    return out

# --- scband reference (transcript-rebuilt; emitter-appended) ---
"""Pipeline reference for scband-fnn-64192581206745 (READ-ONLY COPY).

The authoritative reference and input builder live on the scoring server;
editing this copy changes nothing except your own understanding.
"""

import jax, jax.numpy as jnp
import numpy as np

FIELD_DIMS = [100000] * 26
OFFSETS = np.concatenate(([0], np.cumsum(FIELD_DIMS)[:-1])).astype(np.int32)
TOTAL = int(np.sum(FIELD_DIMS))
EMBED_DIM = 16
B = 4096
N_FIELDS = 26
EMB_OUT = N_FIELDS * EMBED_DIM  # 416
H = 400


def setup_inputs(seed: int = 0) -> dict:
    key = jax.random.key(seed)
    ks = jax.random.split(key, 16)
    inp = {}
    # per-field local indices in [0, 100000); offsets are added inside reference
    inp["x"] = jax.random.randint(ks[0], (B, N_FIELDS), 0, 100000, dtype=jnp.int32)
    # FeaturesLinear: Embedding(sum(field_dims), 1) + scalar bias
    inp["lin_table"] = jax.random.normal(ks[1], (TOTAL, 1), dtype=jnp.float32) * 0.01
    inp["lin_bias"] = jnp.zeros((1,), dtype=jnp.float32)
    # FeaturesEmbedding: Embedding(sum(field_dims), embed_dim)
    inp["emb_table"] = jax.random.normal(ks[2], (TOTAL, EMBED_DIM), dtype=jnp.float32) * 0.01
    # MLP: 416 -> 400 -> 400 -> 400 -> 1, each hidden layer has Linear + BatchNorm1d(gamma,beta) + ReLU (+Dropout, identity in eval)
    inp["W1"] = jax.random.normal(ks[3], (EMB_OUT, H), dtype=jnp.float32) * 0.05
    inp["b1"] = jnp.zeros((H,), dtype=jnp.float32)
    inp["g1"] = jnp.ones((H,), dtype=jnp.float32)
    inp["be1"] = jnp.zeros((H,), dtype=jnp.float32)
    inp["W2"] = jax.random.normal(ks[4], (H, H), dtype=jnp.float32) * 0.05
    inp["b2"] = jnp.zeros((H,), dtype=jnp.float32)
    inp["g2"] = jnp.ones((H,), dtype=jnp.float32)
    inp["be2"] = jnp.zeros((H,), dtype=jnp.float32)
    inp["W3"] = jax.random.normal(ks[5], (H, H), dtype=jnp.float32) * 0.05
    inp["b3"] = jnp.zeros((H,), dtype=jnp.float32)
    inp["g3"] = jnp.ones((H,), dtype=jnp.float32)
    inp["be3"] = jnp.zeros((H,), dtype=jnp.float32)
    inp["Wout"] = jax.random.normal(ks[6], (H, 1), dtype=jnp.float32) * 0.05
    inp["bout"] = jnp.zeros((1,), dtype=jnp.float32)
    return inp


def reference(x, lin_table, lin_bias, emb_table, W1, b1, g1, be1, W2, b2, g2, be2, W3, b3, g3, be3, Wout, bout):
    offsets = jnp.asarray(OFFSETS, dtype=x.dtype)
    xo = x + offsets[None, :]  # global row ids into shared tables
    # FeaturesLinear: sum of per-field scalar weights + bias -> [B, 1]
    lr = jnp.sum(jnp.take(lin_table, xo, axis=0), axis=1) + lin_bias
    # FeaturesEmbedding -> [B, F, D] -> flatten [B, F*D]
    e = jnp.take(emb_table, xo, axis=0).reshape(x.shape[0], -1)
    # BatchNorm1d in eval mode: running_mean=0, running_var=1, eps=1e-5
    inv = 1.0 / jnp.sqrt(1.0 + 1e-5)
    h = e @ W1 + b1
    h = g1 * (h * inv) + be1
    h = jax.nn.relu(h)
    h = h @ W2 + b2
    h = g2 * (h * inv) + be2
    h = jax.nn.relu(h)
    h = h @ W3 + b3
    h = g3 * (h * inv) + be3
    h = jax.nn.relu(h)
    out = h @ Wout + bout
    return lr + out  # [B, 1]

if __name__ == "__main__":
    import jax
    _d = setup_inputs()
    print(jax.jit(kernel)(*tuple(_d.values())))

</pallas_src>

<mosaic_0001>
#map = affine_map<(d0, d1) -> (0, 0)>
#map1 = affine_map<(d0, d1) -> (0)>
#map2 = affine_map<(d0, d1) -> (0, 0, 0)>
module attributes {stable_mosaic.version = 14 : i64} {
  func.func @_sc_gather(%arg0: i32, %arg1: i32, %arg2: memref<327680x128xf32, #tpu.memory_space<hbm>>, %arg3: memref<2600000xf32, #tpu.memory_space<hbm>>, %arg4: memref<32x26x128xi32, #tpu.memory_space<hbm>>, %arg5: memref<32x26x128xi32, #tpu.memory_space<hbm>>, %arg6: memref<32x26x128xi32, #tpu.memory_space<hbm>>, %arg7: memref<32x26x128xi32, #tpu.memory_space<hbm>>, %arg8: memref<32x26x128xi32, #tpu.memory_space<hbm>>, %arg9: memref<4096x416xf32, #tpu.memory_space<hbm>>, %arg10: memref<32x26x128xf32, #tpu.memory_space<hbm>>, %arg11: memref<26x128xi32, #tpu.memory_space<vmem>>, %arg12: memref<26x128xi32, #tpu.memory_space<vmem>>, %arg13: memref<26x128xi32, #tpu.memory_space<vmem>>, %arg14: memref<26x128xi32, #tpu.memory_space<vmem>>, %arg15: memref<26x128xi32, #tpu.memory_space<vmem>>, %arg16: memref<128x128xf32, #tpu.memory_space<vmem>>, %arg17: memref<128x128xf32, #tpu.memory_space<vmem>>, %arg18: memref<128x416xf32, #tpu.memory_space<vmem>>, %arg19: memref<26x128xf32, #tpu.memory_space<vmem>>, %arg20: memref<!tpu.dma_semaphore, #tpu.memory_space<semaphore_mem>>, %arg21: memref<!tpu.dma_semaphore, #tpu.memory_space<semaphore_mem>>) attributes {dimension_semantics = [#tpu.dimension_semantics<core_parallel>, #tpu.dimension_semantics<subcore_parallel>], iteration_bounds = array<i64: 2, 16>, scalar_prefetch = 0 : i64, scratch_operands = 11 : i64, tpu.core_type = #tpu.core_type<sc_vector_subcore>, window_params = [{transform_indices = #map}, {transform_indices = #map1}, {transform_indices = #map2}, {transform_indices = #map2}, {transform_indices = #map2}, {transform_indices = #map2}, {transform_indices = #map2}, {transform_indices = #map}, {transform_indices = #map2}]} {
    %mul3A = arith.constant 2 : i32
    %mul3A_0 = arith.muli %arg1, %mul3A : i32
    %add3A = arith.addi %mul3A_0, %arg0 : i32
    "tpu.region"() ({
      %run_scoped3A = tpu.sem_alloc : memref<!tpu.dma_semaphore, #tpu.memory_space<semaphore_mem>>
      %dma_start3A_282 = arith.constant 0 : i32
      %dma_start3A_283 = arith.constant 0 : i32
      %dma_start3A_284 = tpu.memref_slice %arg4[%add3A, %dma_start3A_282, %dma_start3A_283] : memref<32x26x128xi32, #tpu.memory_space<hbm>> -> memref<1x26x128xi32, #tpu.memory_space<hbm>>
      %dma_start3A_285 = tpu.memref_squeeze %dma_start3A_284 : memref<1x26x128xi32, #tpu.memory_space<hbm>> -> memref<26x128xi32, #tpu.memory_space<hbm>>
      %dma_start3A_286 = arith.constant 0 : i32
      %dma_start3A_287 = arith.constant 0 : i32
      %dma_start3A_288 = tpu.memref_slice %arg4[%add3A, %dma_start3A_286, %dma_start3A_287] : memref<32x26x128xi32, #tpu.memory_space<hbm>> -> memref<1x26x128xi32, #tpu.memory_space<hbm>>
      %dma_start3A_289 = tpu.memref_squeeze %dma_start3A_288 : memref<1x26x128xi32, #tpu.memory_space<hbm>> -> memref<26x128xi32, #tpu.memory_space<hbm>>
      tpu.enqueue_dma source(%dma_start3A_289 : memref<26x128xi32, #tpu.memory_space<hbm>>) target(%arg11 : memref<26x128xi32, #tpu.memory_space<vmem>>) target_semaphore(%run_scoped3A : memref<!tpu.dma_semaphore, #tpu.memory_space<semaphore_mem>>)
      %dma_wait3A_290 = arith.constant 0 : i32
      %dma_wait3A_291 = arith.constant 0 : i32
      %dma_wait3A_292 = tpu.memref_slice %arg4[%add3A, %dma_wait3A_290, %dma_wait3A_291] : memref<32x26x128xi32, #tpu.memory_space<hbm>> -> memref<1x26x128xi32, #tpu.memory_space<hbm>>
      %dma_wait3A_293 = tpu.memref_squeeze %dma_wait3A_292 : memref<1x26x128xi32, #tpu.memory_space<hbm>> -> memref<26x128xi32, #tpu.memory_space<hbm>>
      %dma_wait3A_294 = arith.constant 0 : i32
      %dma_wait3A_295 = arith.constant 0 : i32
      %dma_wait3A_296 = tpu.memref_slice %arg4[%add3A, %dma_wait3A_294, %dma_wait3A_295] : memref<32x26x128xi32, #tpu.memory_space<hbm>> -> memref<1x26x128xi32, #tpu.memory_space<hbm>>
      %dma_wait3A_297 = tpu.memref_squeeze %dma_wait3A_296 : memref<1x26x128xi32, #tpu.memory_space<hbm>> -> memref<26x128xi32, #tpu.memory_space<hbm>>
      tpu.wait_dma2 semaphore(%run_scoped3A : memref<!tpu.dma_semaphore, #tpu.memory_space<semaphore_mem>>) src(%dma_wait3A_297 : memref<26x128xi32, #tpu.memory_space<hbm>>) dst(%arg11 : memref<26x128xi32, #tpu.memory_space<vmem>>)
      tpu.yield
    }) : () -> ()
    "tpu.region"() ({
      %run_scoped3A = tpu.sem_alloc : memref<!tpu.dma_semaphore, #tpu.memory_space<semaphore_mem>>
      %dma_start3A_282 = arith.constant 0 : i32
      %dma_start3A_283 = arith.constant 0 : i32
      %dma_start3A_284 = tpu.memref_slice %arg5[%add3A, %dma_start3A_282, %dma_start3A_283] : memref<32x26x128xi32, #tpu.memory_space<hbm>> -> memref<1x26x128xi32, #tpu.memory_space<hbm>>
      %dma_start3A_285 = tpu.memref_squeeze %dma_start3A_284 : memref<1x26x128xi32, #tpu.memory_space<hbm>> -> memref<26x128xi32, #tpu.memory_space<hbm>>
      %dma_start3A_286 = arith.constant 0 : i32
      %dma_start3A_287 = arith.constant 0 : i32
      %dma_start3A_288 = tpu.memref_slice %arg5[%add3A, %dma_start3A_286, %dma_start3A_287] : memref<32x26x128xi32, #tpu.memory_space<hbm>> -> memref<1x26x128xi32, #tpu.memory_space<hbm>>
      %dma_start3A_289 = tpu.memref_squeeze %dma_start3A_288 : memref<1x26x128xi32, #tpu.memory_space<hbm>> -> memref<26x128xi32, #tpu.memory_space<hbm>>
      tpu.enqueue_dma source(%dma_start3A_289 : memref<26x128xi32, #tpu.memory_space<hbm>>) target(%arg12 : memref<26x128xi32, #tpu.memory_space<vmem>>) target_semaphore(%run_scoped3A : memref<!tpu.dma_semaphore, #tpu.memory_space<semaphore_mem>>)
      %dma_wait3A_290 = arith.constant 0 : i32
      %dma_wait3A_291 = arith.constant 0 : i32
      %dma_wait3A_292 = tpu.memref_slice %arg5[%add3A, %dma_wait3A_290, %dma_wait3A_291] : memref<32x26x128xi32, #tpu.memory_space<hbm>> -> memref<1x26x128xi32, #tpu.memory_space<hbm>>
      %dma_wait3A_293 = tpu.memref_squeeze %dma_wait3A_292 : memref<1x26x128xi32, #tpu.memory_space<hbm>> -> memref<26x128xi32, #tpu.memory_space<hbm>>
      %dma_wait3A_294 = arith.constant 0 : i32
      %dma_wait3A_295 = arith.constant 0 : i32
      %dma_wait3A_296 = tpu.memref_slice %arg5[%add3A, %dma_wait3A_294, %dma_wait3A_295] : memref<32x26x128xi32, #tpu.memory_space<hbm>> -> memref<1x26x128xi32, #tpu.memory_space<hbm>>
      %dma_wait3A_297 = tpu.memref_squeeze %dma_wait3A_296 : memref<1x26x128xi32, #tpu.memory_space<hbm>> -> memref<26x128xi32, #tpu.memory_space<hbm>>
      tpu.wait_dma2 semaphore(%run_scoped3A : memref<!tpu.dma_semaphore, #tpu.memory_space<semaphore_mem>>) src(%dma_wait3A_297 : memref<26x128xi32, #tpu.memory_space<hbm>>) dst(%arg12 : memref<26x128xi32, #tpu.memory_space<vmem>>)
      tpu.yield
    }) : () -> ()
    "tpu.region"() ({
      %run_scoped3A = tpu.sem_alloc : memref<!tpu.dma_semaphore, #tpu.memory_space<semaphore_mem>>
      %dma_start3A_282 = arith.constant 0 : i32
      %dma_start3A_283 = arith.constant 0 : i32
      %dma_start3A_284 = tpu.memref_slice %arg6[%add3A, %dma_start3A_282, %dma_start3A_283] : memref<32x26x128xi32, #tpu.memory_space<hbm>> -> memref<1x26x128xi32, #tpu.memory_space<hbm>>
      %dma_start3A_285 = tpu.memref_squeeze %dma_start3A_284 : memref<1x26x128xi32, #tpu.memory_space<hbm>> -> memref<26x128xi32, #tpu.memory_space<hbm>>
      %dma_start3A_286 = arith.constant 0 : i32
      %dma_start3A_287 = arith.constant 0 : i32
      %dma_start3A_288 = tpu.memref_slice %arg6[%add3A, %dma_start3A_286, %dma_start3A_287] : memref<32x26x128xi32, #tpu.memory_space<hbm>> -> memref<1x26x128xi32, #tpu.memory_space<hbm>>
      %dma_start3A_289 = tpu.memref_squeeze %dma_start3A_288 : memref<1x26x128xi32, #tpu.memory_space<hbm>> -> memref<26x128xi32, #tpu.memory_space<hbm>>
      tpu.enqueue_dma source(%dma_start3A_289 : memref<26x128xi32, #tpu.memory_space<hbm>>) target(%arg13 : memref<26x128xi32, #tpu.memory_space<vmem>>) target_semaphore(%run_scoped3A : memref<!tpu.dma_semaphore, #tpu.memory_space<semaphore_mem>>)
      %dma_wait3A_290 = arith.constant 0 : i32
      %dma_wait3A_291 = arith.constant 0 : i32
      %dma_wait3A_292 = tpu.memref_slice %arg6[%add3A, %dma_wait3A_290, %dma_wait3A_291] : memref<32x26x128xi32, #tpu.memory_space<hbm>> -> memref<1x26x128xi32, #tpu.memory_space<hbm>>
      %dma_wait3A_293 = tpu.memref_squeeze %dma_wait3A_292 : memref<1x26x128xi32, #tpu.memory_space<hbm>> -> memref<26x128xi32, #tpu.memory_space<hbm>>
      %dma_wait3A_294 = arith.constant 0 : i32
      %dma_wait3A_295 = arith.constant 0 : i32
      %dma_wait3A_296 = tpu.memref_slice %arg6[%add3A, %dma_wait3A_294, %dma_wait3A_295] : memref<32x26x128xi32, #tpu.memory_space<hbm>> -> memref<1x26x128xi32, #tpu.memory_space<hbm>>
      %dma_wait3A_297 = tpu.memref_squeeze %dma_wait3A_296 : memref<1x26x128xi32, #tpu.memory_space<hbm>> -> memref<26x128xi32, #tpu.memory_space<hbm>>
      tpu.wait_dma2 semaphore(%run_scoped3A : memref<!tpu.dma_semaphore, #tpu.memory_space<semaphore_mem>>) src(%dma_wait3A_297 : memref<26x128xi32, #tpu.memory_space<hbm>>) dst(%arg13 : memref<26x128xi32, #tpu.memory_space<vmem>>)
      tpu.yield
    }) : () -> ()
    "tpu.region"() ({
      %run_scoped3A = tpu.sem_alloc : memref<!tpu.dma_semaphore, #tpu.memory_space<semaphore_mem>>
      %dma_start3A_282 = arith.constant 0 : i32
      %dma_start3A_283 = arith.constant 0 : i32
      %dma_start3A_284 = tpu.memref_slice %arg7[%add3A, %dma_start3A_282, %dma_start3A_283] : memref<32x26x128xi32, #tpu.memory_space<hbm>> -> memref<1x26x128xi32, #tpu.memory_space<hbm>>
      %dma_start3A_285 = tpu.memref_squeeze %dma_start3A_284 : memref<1x26x128xi32, #tpu.memory_space<hbm>> -> memref<26x128xi32, #tpu.memory_space<hbm>>
      %dma_start3A_286 = arith.constant 0 : i32
      %dma_start3A_287 = arith.constant 0 : i32
      %dma_start3A_288 = tpu.memref_slice %arg7[%add3A, %dma_start3A_286, %dma_start3A_287] : memref<32x26x128xi32, #tpu.memory_space<hbm>> -> memref<1x26x128xi32, #tpu.memory_space<hbm>>
      %dma_start3A_289 = tpu.memref_squeeze %dma_start3A_288 : memref<1x26x128xi32, #tpu.memory_space<hbm>> -> memref<26x128xi32, #tpu.memory_space<hbm>>
      tpu.enqueue_dma source(%dma_start3A_289 : memref<26x128xi32, #tpu.memory_space<hbm>>) target(%arg14 : memref<26x128xi32, #tpu.memory_space<vmem>>) target_semaphore(%run_scoped3A : memref<!tpu.dma_semaphore, #tpu.memory_space<semaphore_mem>>)
      %dma_wait3A_290 = arith.constant 0 : i32
      %dma_wait3A_291 = arith.constant 0 : i32
      %dma_wait3A_292 = tpu.memref_slice %arg7[%add3A, %dma_wait3A_290, %dma_wait3A_291] : memref<32x26x128xi32, #tpu.memory_space<hbm>> -> memref<1x26x128xi32, #tpu.memory_space<hbm>>
      %dma_wait3A_293 = tpu.memref_squeeze %dma_wait3A_292 : memref<1x26x128xi32, #tpu.memory_space<hbm>> -> memref<26x128xi32, #tpu.memory_space<hbm>>
      %dma_wait3A_294 = arith.constant 0 : i32
      %dma_wait3A_295 = arith.constant 0 : i32
      %dma_wait3A_296 = tpu.memref_slice %arg7[%add3A, %dma_wait3A_294, %dma_wait3A_295] : memref<32x26x128xi32, #tpu.memory_space<hbm>> -> memref<1x26x128xi32, #tpu.memory_space<hbm>>
      %dma_wait3A_297 = tpu.memref_squeeze %dma_wait3A_296 : memref<1x26x128xi32, #tpu.memory_space<hbm>> -> memref<26x128xi32, #tpu.memory_space<hbm>>
      tpu.wait_dma2 semaphore(%run_scoped3A : memref<!tpu.dma_semaphore, #tpu.memory_space<semaphore_mem>>) src(%dma_wait3A_297 : memref<26x128xi32, #tpu.memory_space<hbm>>) dst(%arg14 : memref<26x128xi32, #tpu.memory_space<vmem>>)
      tpu.yield
    }) : () -> ()
    "tpu.region"() ({
      %run_scoped3A = tpu.sem_alloc : memref<!tpu.dma_semaphore, #tpu.memory_space<semaphore_mem>>
      %dma_start3A_282 = arith.constant 0 : i32
      %dma_start3A_283 = arith.constant 0 : i32
      %dma_start3A_284 = tpu.memref_slice %arg8[%add3A, %dma_start3A_282, %dma_start3A_283] : memref<32x26x128xi32, #tpu.memory_space<hbm>> -> memref<1x26x128xi32, #tpu.memory_space<hbm>>
      %dma_start3A_285 = tpu.memref_squeeze %dma_start3A_284 : memref<1x26x128xi32, #tpu.memory_space<hbm>> -> memref<26x128xi32, #tpu.memory_space<hbm>>
      %dma_start3A_286 = arith.constant 0 : i32
      %dma_start3A_287 = arith.constant 0 : i32
      %dma_start3A_288 = tpu.memref_slice %arg8[%add3A, %dma_start3A_286, %dma_start3A_287] : memref<32x26x128xi32, #tpu.memory_space<hbm>> -> memref<1x26x128xi32, #tpu.memory_space<hbm>>
      %dma_start3A_289 = tpu.memref_squeeze %dma_start3A_288 : memref<1x26x128xi32, #tpu.memory_space<hbm>> -> memref<26x128xi32, #tpu.memory_space<hbm>>
      tpu.enqueue_dma source(%dma_start3A_289 : memref<26x128xi32, #tpu.memory_space<hbm>>) target(%arg15 : memref<26x128xi32, #tpu.memory_space<vmem>>) target_semaphore(%run_scoped3A : memref<!tpu.dma_semaphore, #tpu.memory_space<semaphore_mem>>)
      %dma_wait3A_290 = arith.constant 0 : i32
      %dma_wait3A_291 = arith.constant 0 : i32
      %dma_wait3A_292 = tpu.memref_slice %arg8[%add3A, %dma_wait3A_290, %dma_wait3A_291] : memref<32x26x128xi32, #tpu.memory_space<hbm>> -> memref<1x26x128xi32, #tpu.memory_space<hbm>>
      %dma_wait3A_293 = tpu.memref_squeeze %dma_wait3A_292 : memref<1x26x128xi32, #tpu.memory_space<hbm>> -> memref<26x128xi32, #tpu.memory_space<hbm>>
      %dma_wait3A_294 = arith.constant 0 : i32
      %dma_wait3A_295 = arith.constant 0 : i32
      %dma_wait3A_296 = tpu.memref_slice %arg8[%add3A, %dma_wait3A_294, %dma_wait3A_295] : memref<32x26x128xi32, #tpu.memory_space<hbm>> -> memref<1x26x128xi32, #tpu.memory_space<hbm>>
      %dma_wait3A_297 = tpu.memref_squeeze %dma_wait3A_296 : memref<1x26x128xi32, #tpu.memory_space<hbm>> -> memref<26x128xi32, #tpu.memory_space<hbm>>
      tpu.wait_dma2 semaphore(%run_scoped3A : memref<!tpu.dma_semaphore, #tpu.memory_space<semaphore_mem>>) src(%dma_wait3A_297 : memref<26x128xi32, #tpu.memory_space<hbm>>) dst(%arg15 : memref<26x128xi32, #tpu.memory_space<vmem>>)
      tpu.yield
    }) : () -> ()
    %dma_start3A = arith.constant 0 : i32
    %dma_start3A_1 = arith.constant 0 : i32
    %dma_start3A_2 = arith.constant 0 : i32
    %dma_start3A_3 = tpu.memref_slice %arg19[%dma_start3A_1, %dma_start3A_2] : memref<26x128xf32, #tpu.memory_space<vmem>> -> memref<1x128xf32, #tpu.memory_space<vmem>>
    %dma_start3A_4 = tpu.memref_squeeze %dma_start3A_3 : memref<1x128xf32, #tpu.memory_space<vmem>> -> memref<128xf32, #tpu.memory_space<vmem>>
    %dma_start3A_5 = arith.constant 0 : i32
    %dma_start3A_6 = tpu.memref_slice %arg15[%dma_start3A, %dma_start3A_5] : memref<26x128xi32, #tpu.memory_space<vmem>> -> memref<1x128xi32, #tpu.memory_space<vmem>>
    %dma_start3A_7 = tpu.memref_squeeze %dma_start3A_6 : memref<1x128xi32, #tpu.memory_space<vmem>> -> memref<128xi32, #tpu.memory_space<vmem>>
    %dma_start3A_8 = arith.constant 0 : i32
    %dma_start3A_9 = tpu.memref_slice %arg3[%dma_start3A_8] : memref<2600000xf32, #tpu.memory_space<hbm>> -> memref<2600000xf32, #tpu.memory_space<hbm>>
    tpu.enqueue_indirect_dma source(%dma_start3A_9 : memref<2600000xf32, #tpu.memory_space<hbm>>) target(%dma_start3A_4 : memref<128xf32, #tpu.memory_space<vmem>>) offsets(%dma_start3A_7 : memref<128xi32, #tpu.memory_space<vmem>>) semaphore(%arg21 : memref<!tpu.dma_semaphore, #tpu.memory_space<semaphore_mem>>)
    %dma_start3A_10 = arith.constant 1 : i32
    %dma_start3A_11 = arith.constant 1 : i32
    %dma_start3A_12 = arith.constant 0 : i32
    %dma_start3A_13 = tpu.memref_slice %arg19[%dma_start3A_11, %dma_start3A_12] : memref<26x128xf32, #tpu.memory_space<vmem>> -> memref<1x128xf32, #tpu.memory_space<vmem>>
    %dma_start3A_14 = tpu.memref_squeeze %dma_start3A_13 : memref<1x128xf32, #tpu.memory_space<vmem>> -> memref<128xf32, #tpu.memory_space<vmem>>
    %dma_start3A_15 = arith.constant 0 : i32
    %dma_start3A_16 = tpu.memref_slice %arg15[%dma_start3A_10, %dma_start3A_15] : memref<26x128xi32, #tpu.memory_space<vmem>> -> memref<1x128xi32, #tpu.memory_space<vmem>>
    %dma_start3A_17 = tpu.memref_squeeze %dma_start3A_16 : memref<1x128xi32, #tpu.memory_space<vmem>> -> memref<128xi32, #tpu.memory_space<vmem>>
    %dma_start3A_18 = arith.constant 0 : i32
    %dma_start3A_19 = tpu.memref_slice %arg3[%dma_start3A_18] : memref<2600000xf32, #tpu.memory_space<hbm>> -> memref<2600000xf32, #tpu.memory_space<hbm>>
    tpu.enqueue_indirect_dma source(%dma_start3A_19 : memref<2600000xf32, #tpu.memory_space<hbm>>) target(%dma_start3A_14 : memref<128xf32, #tpu.memory_space<vmem>>) offsets(%dma_start3A_17 : memref<128xi32, #tpu.memory_space<vmem>>) semaphore(%arg21 : memref<!tpu.dma_semaphore, #tpu.memory_space<semaphore_mem>>)
    %dma_start3A_20 = arith.constant 2 : i32
    %dma_start3A_21 = arith.constant 2 : i32
    %dma_start3A_22 = arith.constant 0 : i32
    %dma_start3A_23 = tpu.memref_slice %arg19[%dma_start3A_21, %dma_start3A_22] : memref<26x128xf32, #tpu.memory_space<vmem>> -> memref<1x128xf32, #tpu.memory_space<vmem>>
    %dma_start3A_24 = tpu.memref_squeeze %dma_start3A_23 : memref<1x128xf32, #tpu.memory_space<vmem>> -> memref<128xf32, #tpu.memory_space<vmem>>
    %dma_start3A_25 = arith.constant 0 : i32
    %dma_start3A_26 = tpu.memref_slice %arg15[%dma_start3A_20, %dma_start3A_25] : memref<26x128xi32, #tpu.memory_space<vmem>> -> memref<1x128xi32, #tpu.memory_space<vmem>>
    %dma_start3A_27 = tpu.memref_squeeze %dma_start3A_26 : memref<1x128xi32, #tpu.memory_space<vmem>> -> memref<128xi32, #tpu.memory_space<vmem>>
    %dma_start3A_28 = arith.constant 0 : i32
    %dma_start3A_29 = tpu.memref_slice %arg3[%dma_start3A_28] : memref<2600000xf32, #tpu.memory_space<hbm>> -> memref<2600000xf32, #tpu.memory_space<hbm>>
    tpu.enqueue_indirect_dma source(%dma_start3A_29 : memref<2600000xf32, #tpu.memory_space<hbm>>) target(%dma_start3A_24 : memref<128xf32, #tpu.memory_space<vmem>>) offsets(%dma_start3A_27 : memref<128xi32, #tpu.memory_space<vmem>>) semaphore(%arg21 : memref<!tpu.dma_semaphore, #tpu.memory_space<semaphore_mem>>)
    %dma_start3A_30 = arith.constant 3 : i32
    %dma_start3A_31 = arith.constant 3 : i32
    %dma_start3A_32 = arith.constant 0 : i32
    %dma_start3A_33 = tpu.memref_slice %arg19[%dma_start3A_31, %dma_start3A_32] : memref<26x128xf32, #tpu.memory_space<vmem>> -> memref<1x128xf32, #tpu.memory_space<vmem>>
    %dma_start3A_34 = tpu.memref_squeeze %dma_start3A_33 : memref<1x128xf32, #tpu.memory_space<vmem>> -> memref<128xf32, #tpu.memory_space<vmem>>
    %dma_start3A_35 = arith.constant 0 : i32
    %dma_start3A_36 = tpu.memref_slice %arg15[%dma_start3A_30, %dma_start3A_35] : memref<26x128xi32, #tpu.memory_space<vmem>> -> memref<1x128xi32, #tpu.memory_space<vmem>>
    %dma_start3A_37 = tpu.memref_squeeze %dma_start3A_36 : memref<1x128xi32, #tpu.memory_space<vmem>> -> memref<128xi32, #tpu.memory_space<vmem>>
    %dma_start3A_38 = arith.constant 0 : i32
    %dma_start3A_39 = tpu.memref_slice %arg3[%dma_start3A_38] : memref<2600000xf32, #tpu.memory_space<hbm>> -> memref<2600000xf32, #tpu.memory_space<hbm>>
    tpu.enqueue_indirect_dma source(%dma_start3A_39 : memref<2600000xf32, #tpu.memory_space<hbm>>) target(%dma_start3A_34 : memref<128xf32, #tpu.memory_space<vmem>>) offsets(%dma_start3A_37 : memref<128xi32, #tpu.memory_space<vmem>>) semaphore(%arg21 : memref<!tpu.dma_semaphore, #tpu.memory_space<semaphore_mem>>)
    %dma_start3A_40 = arith.constant 4 : i32
    %dma_start3A_41 = arith.constant 4 : i32
    %dma_start3A_42 = arith.constant 0 : i32
    %dma_start3A_43 = tpu.memref_slice %arg19[%dma_start3A_41, %dma_start3A_42] : memref<26x128xf32, #tpu.memory_space<vmem>> -> memref<1x128xf32, #tpu.memory_space<vmem>>
    %dma_start3A_44 = tpu.memref_squeeze %dma_start3A_43 : memref<1x128xf32, #tpu.memory_space<vmem>> -> memref<128xf32, #tpu.memory_space<vmem>>
    %dma_start3A_45 = arith.constant 0 : i32
    %dma_start3A_46 = tpu.memref_slice %arg15[%dma_start3A_40, %dma_start3A_45] : memref<26x128xi32, #tpu.memory_space<vmem>> -> memref<1x128xi32, #tpu.memory_space<vmem>>
    %dma_start3A_47 = tpu.memref_squeeze %dma_start3A_46 : memref<1x128xi32, #tpu.memory_space<vmem>> -> memref<128xi32, #tpu.memory_space<vmem>>
    %dma_start3A_48 = arith.constant 0 : i32
    %dma_start3A_49 = tpu.memref_slice %arg3[%dma_start3A_48] : memref<2600000xf32, #tpu.memory_space<hbm>> -> memref<2600000xf32, #tpu.memory_space<hbm>>
    tpu.enqueue_indirect_dma source(%dma_start3A_49 : memref<2600000xf32, #tpu.memory_space<hbm>>) target(%dma_start3A_44 : memref<128xf32, #tpu.memory_space<vmem>>) offsets(%dma_start3A_47 : memref<128xi32, #tpu.memory_space<vmem>>) semaphore(%arg21 : memref<!tpu.dma_semaphore, #tpu.memory_space<semaphore_mem>>)
    %dma_start3A_50 = arith.constant 5 : i32
    %dma_start3A_51 = arith.constant 5 : i32
    %dma_start3A_52 = arith.constant 0 : i32
    %dma_start3A_53 = tpu.memref_slice %arg19[%dma_start3A_51, %dma_start3A_52] : memref<26x128xf32, #tpu.memory_space<vmem>> -> memref<1x128xf32, #tpu.memory_space<vmem>>
    %dma_start3A_54 = tpu.memref_squeeze %dma_start3A_53 : memref<1x128xf32, #tpu.memory_space<vmem>> -> memref<128xf32, #tpu.memory_space<vmem>>
    %dma_start3A_55 = arith.constant 0 : i32
    %dma_start3A_56 = tpu.memref_slice %arg15[%dma_start3A_50, %dma_start3A_55] : memref<26x128xi32, #tpu.memory_space<vmem>> -> memref<1x128xi32, #tpu.memory_space<vmem>>
    %dma_start3A_57 = tpu.memref_squeeze %dma_start3A_56 : memref<1x128xi32, #tpu.memory_space<vmem>> -> memref<128xi32, #tpu.memory_space<vmem>>
    %dma_start3A_58 = arith.constant 0 : i32
    %dma_start3A_59 = tpu.memref_slice %arg3[%dma_start3A_58] : memref<2600000xf32, #tpu.memory_space<hbm>> -> memref<2600000xf32, #tpu.memory_space<hbm>>
    tpu.enqueue_indirect_dma source(%dma_start3A_59 : memref<2600000xf32, #tpu.memory_space<hbm>>) target(%dma_start3A_54 : memref<128xf32, #tpu.memory_space<vmem>>) offsets(%dma_start3A_57 : memref<128xi32, #tpu.memory_space<vmem>>) semaphore(%arg21 : memref<!tpu.dma_semaphore, #tpu.memory_space<semaphore_mem>>)
    %dma_start3A_60 = arith.constant 6 : i32
    %dma_start3A_61 = arith.constant 6 : i32
    %dma_start3A_62 = arith.constant 0 : i32
    %dma_start3A_63 = tpu.memref_slice %arg19[%dma_start3A_61, %dma_start3A_62] : memref<26x128xf32, #tpu.memory_space<vmem>> -> memref<1x128xf32, #tpu.memory_space<vmem>>
    %dma_start3A_64 = tpu.memref_squeeze %dma_start3A_63 : memref<1x128xf32, #tpu.memory_space<vmem>> -> memref<128xf32, #tpu.memory_space<vmem>>
    %dma_start3A_65 = arith.constant 0 : i32
    %dma_start3A_66 = tpu.memref_slice %arg15[%dma_start3A_60, %dma_start3A_65] : memref<26x128xi32, #tpu.memory_space<vmem>> -> memref<1x128xi32, #tpu.memory_space<vmem>>
    %dma_start3A_67 = tpu.memref_squeeze %dma_start3A_66 : memref<1x128xi32, #tpu.memory_space<vmem>> -> memref<128xi32, #tpu.memory_space<vmem>>
    %dma_start3A_68 = arith.constant 0 : i32
    %dma_start3A_69 = tpu.memref_slice %arg3[%dma_start3A_68] : memref<2600000xf32, #tpu.memory_space<hbm>> -> memref<2600000xf32, #tpu.memory_space<hbm>>
    tpu.enqueue_indirect_dma source(%dma_start3A_69 : memref<2600000xf32, #tpu.memory_space<hbm>>) target(%dma_start3A_64 : memref<128xf32, #tpu.memory_space<vmem>>) offsets(%dma_start3A_67 : memref<128xi32, #tpu.memory_space<vmem>>) semaphore(%arg21 : memref<!tpu.dma_semaphore, #tpu.memory_space<semaphore_mem>>)
    %dma_start3A_70 = arith.constant 7 : i32
    %dma_start3A_71 = arith.constant 7 : i32
    %dma_start3A_72 = arith.constant 0 : i32
    %dma_start3A_73 = tpu.memref_slice %arg19[%dma_start3A_71, %dma_start3A_72] : memref<26x128xf32, #tpu.memory_space<vmem>> -> memref<1x128xf32, #tpu.memory_space<vmem>>
    %dma_start3A_74 = tpu.memref_squeeze %dma_start3A_73 : memref<1x128xf32, #tpu.memory_space<vmem>> -> memref<128xf32, #tpu.memory_space<vmem>>
    %dma_start3A_75 = arith.constant 0 : i32
    %dma_start3A_76 = tpu.memref_slice %arg15[%dma_start3A_70, %dma_start3A_75] : memref<26x128xi32, #tpu.memory_space<vmem>> -> memref<1x128xi32, #tpu.memory_space<vmem>>
    %dma_start3A_77 = tpu.memref_squeeze %dma_start3A_76 : memref<1x128xi32, #tpu.memory_space<vmem>> -> memref<128xi32, #tpu.memory_space<vmem>>
    %dma_start3A_78 = arith.constant 0 : i32
    %dma_start3A_79 = tpu.memref_slice %arg3[%dma_start3A_78] : memref<2600000xf32, #tpu.memory_space<hbm>> -> memref<2600000xf32, #tpu.memory_space<hbm>>
    tpu.enqueue_indirect_dma source(%dma_start3A_79 : memref<2600000xf32, #tpu.memory_space<hbm>>) target(%dma_start3A_74 : memref<128xf32, #tpu.memory_space<vmem>>) offsets(%dma_start3A_77 : memref<128xi32, #tpu.memory_space<vmem>>) semaphore(%arg21 : memref<!tpu.dma_semaphore, #tpu.memory_space<semaphore_mem>>)
    %dma_start3A_80 = arith.constant 8 : i32
    %dma_start3A_81 = arith.constant 8 : i32
    %dma_start3A_82 = arith.constant 0 : i32
    %dma_start3A_83 = tpu.memref_slice %arg19[%dma_start3A_81, %dma_start3A_82] : memref<26x128xf32, #tpu.memory_space<vmem>> -> memref<1x128xf32, #tpu.memory_space<vmem>>
    %dma_start3A_84 = tpu.memref_squeeze %dma_start3A_83 : memref<1x128xf32, #tpu.memory_space<vmem>> -> memref<128xf32, #tpu.memory_space<vmem>>
    %dma_start3A_85 = arith.constant 0 : i32
    %dma_start3A_86 = tpu.memref_slice %arg15[%dma_start3A_80, %dma_start3A_85] : memref<26x128xi32, #tpu.memory_space<vmem>> -> memref<1x128xi32, #tpu.memory_space<vmem>>
    %dma_start3A_87 = tpu.memref_squeeze %dma_start3A_86 : memref<1x128xi32, #tpu.memory_space<vmem>> -> memref<128xi32, #tpu.memory_space<vmem>>
    %dma_start3A_88 = arith.constant 0 : i32
    %dma_start3A_89 = tpu.memref_slice %arg3[%dma_start3A_88] : memref<2600000xf32, #tpu.memory_space<hbm>> -> memref<2600000xf32, #tpu.memory_space<hbm>>
    tpu.enqueue_indirect_dma source(%dma_start3A_89 : memref<2600000xf32, #tpu.memory_space<hbm>>) target(%dma_start3A_84 : memref<128xf32, #tpu.memory_space<vmem>>) offsets(%dma_start3A_87 : memref<128xi32, #tpu.memory_space<vmem>>) semaphore(%arg21 : memref<!tpu.dma_semaphore, #tpu.memory_space<semaphore_mem>>)
    %dma_start3A_90 = arith.constant 9 : i32
    %dma_start3A_91 = arith.constant 9 : i32
    %dma_start3A_92 = arith.constant 0 : i32
    %dma_start3A_93 = tpu.memref_slice %arg19[%dma_start3A_91, %dma_start3A_92] : memref<26x128xf32, #tpu.memory_space<vmem>> -> memref<1x128xf32, #tpu.memory_space<vmem>>
    %dma_start3A_94 = tpu.memref_squeeze %dma_start3A_93 : memref<1x128xf32, #tpu.memory_space<vmem>> -> memref<128xf32, #tpu.memory_space<vmem>>
    %dma_start3A_95 = arith.constant 0 : i32
    %dma_start3A_96 = tpu.memref_slice %arg15[%dma_start3A_90, %dma_start3A_95] : memref<26x128xi32, #tpu.memory_space<vmem>> -> memref<1x128xi32, #tpu.memory_space<vmem>>
    %dma_start3A_97 = tpu.memref_squeeze %dma_start3A_96 : memref<1x128xi32, #tpu.memory_space<vmem>> -> memref<128xi32, #tpu.memory_space<vmem>>
    %dma_start3A_98 = arith.constant 0 : i32
    %dma_start3A_99 = tpu.memref_slice %arg3[%dma_start3A_98] : memref<2600000xf32, #tpu.memory_space<hbm>> -> memref<2600000xf32, #tpu.memory_space<hbm>>
    tpu.enqueue_indirect_dma source(%dma_start3A_99 : memref<2600000xf32, #tpu.memory_space<hbm>>) target(%dma_start3A_94 : memref<128xf32, #tpu.memory_space<vmem>>) offsets(%dma_start3A_97 : memref<128xi32, #tpu.memory_space<vmem>>) semaphore(%arg21 : memref<!tpu.dma_semaphore, #tpu.memory_space<semaphore_mem>>)
    %dma_start3A_100 = arith.constant 10 : i32
    %dma_start3A_101 = arith.constant 10 : i32
    %dma_start3A_102 = arith.constant 0 : i32
    %dma_start3A_103 = tpu.memref_slice %arg19[%dma_start3A_101, %dma_start3A_102] : memref<26x128xf32, #tpu.memory_space<vmem>> -> memref<1x128xf32, #tpu.memory_space<vmem>>
    %dma_start3A_104 = tpu.memref_squeeze %dma_start3A_103 : memref<1x128xf32, #tpu.memory_space<vmem>> -> memref<128xf32, #tpu.memory_space<vmem>>
    %dma_start3A_105 = arith.constant 0 : i32
    %dma_start3A_106 = tpu.memref_slice %arg15[%dma_start3A_100, %dma_start3A_105] : memref<26x128xi32, #tpu.memory_space<vmem>> -> memref<1x128xi32, #tpu.memory_space<vmem>>
    %dma_start3A_107 = tpu.memref_squeeze %dma_start3A_106 : memref<1x128xi32, #tpu.memory_space<vmem>> -> memref<128xi32, #tpu.memory_space<vmem>>
    %dma_start3A_108 = arith.constant 0 : i32
    %dma_start3A_109 = tpu.memref_slice %arg3[%dma_start3A_108] : memref<2600000xf32, #tpu.memory_space<hbm>> -> memref<2600000xf32, #tpu.memory_space<hbm>>
    tpu.enqueue_indirect_dma source(%dma_start3A_109 : memref<2600000xf32, #tpu.memory_space<hbm>>) target(%dma_start3A_104 : memref<128xf32, #tpu.memory_space<vmem>>) offsets(%dma_start3A_107 : memref<128xi32, #tpu.memory_space<vmem>>) semaphore(%arg21 : memref<!tpu.dma_semaphore, #tpu.memory_space<semaphore_mem>>)
    %dma_start3A_110 = arith.constant 11 : i32
    %dma_start3A_111 = arith.constant 11 : i32
    %dma_start3A_112 = arith.constant 0 : i32
    %dma_start3A_113 = tpu.memref_slice %arg19[%dma_start3A_111, %dma_start3A_112] : memref<26x128xf32, #tpu.memory_space<vmem>> -> memref<1x128xf32, #tpu.memory_space<vmem>>
    %dma_start3A_114 = tpu.memref_squeeze %dma_start3A_113 : memref<1x128xf32, #tpu.memory_space<vmem>> -> memref<128xf32, #tpu.memory_space<vmem>>
    %dma_start3A_115 = arith.constant 0 : i32
    %dma_start3A_116 = tpu.memref_slice %arg15[%dma_start3A_110, %dma_start3A_115] : memref<26x128xi32, #tpu.memory_space<vmem>> -> memref<1x128xi32, #tpu.memory_space<vmem>>
    %dma_start3A_117 = tpu.memref_squeeze %dma_start3A_116 : memref<1x128xi32, #tpu.memory_space<vmem>> -> memref<128xi32, #tpu.memory_space<vmem>>
    %dma_start3A_118 = arith.constant 0 : i32
    %dma_start3A_119 = tpu.memref_slice %arg3[%dma_start3A_118] : memref<2600000xf32, #tpu.memory_space<hbm>> -> memref<2600000xf32, #tpu.memory_space<hbm>>
    tpu.enqueue_indirect_dma source(%dma_start3A_119 : memref<2600000xf32, #tpu.memory_space<hbm>>) target(%dma_start3A_114 : memref<128xf32, #tpu.memory_space<vmem>>) offsets(%dma_start3A_117 : memref<128xi32, #tpu.memory_space<vmem>>) semaphore(%arg21 : memref<!tpu.dma_semaphore, #tpu.memory_space<semaphore_mem>>)
    %dma_start3A_120 = arith.constant 12 : i32
    %dma_start3A_121 = arith.constant 12 : i32
    %dma_start3A_122 = arith.constant 0 : i32
    %dma_start3A_123 = tpu.memref_slice %arg19[%dma_start3A_121, %dma_start3A_122] : memref<26x128xf32, #tpu.memory_space<vmem>> -> memref<1x128xf32, #tpu.memory_space<vmem>>
    %dma_start3A_124 = tpu.memref_squeeze %dma_start3A_123 : memref<1x128xf32, #tpu.memory_space<vmem>> -> memref<128xf32, #tpu.memory_space<vmem>>
    %dma_start3A_125 = arith.constant 0 : i32
    %dma_start3A_126 = tpu.memref_slice %arg15[%dma_start3A_120, %dma_start3A_125] : memref<26x128xi32, #tpu.memory_space<vmem>> -> memref<1x128xi32, #tpu.memory_space<vmem>>
    %dma_start3A_127 = tpu.memref_squeeze %dma_start3A_126 : memref<1x128xi32, #tpu.memory_space<vmem>> -> memref<128xi32, #tpu.memory_space<vmem>>
    %dma_start3A_128 = arith.constant 0 : i32
    %dma_start3A_129 = tpu.memref_slice %arg3[%dma_start3A_128] : memref<2600000xf32, #tpu.memory_space<hbm>> -> memref<2600000xf32, #tpu.memory_space<hbm>>
    tpu.enqueue_indirect_dma source(%dma_start3A_129 : memref<2600000xf32, #tpu.memory_space<hbm>>) target(%dma_start3A_124 : memref<128xf32, #tpu.memory_space<vmem>>) offsets(%dma_start3A_127 : memref<128xi32, #tpu.memory_space<vmem>>) semaphore(%arg21 : memref<!tpu.dma_semaphore, #tpu.memory_space<semaphore_mem>>)
    %dma_start3A_130 = arith.constant 13 : i32
    %dma_start3A_131 = arith.constant 13 : i32
    %dma_start3A_132 = arith.constant 0 : i32
    %dma_start3A_133 = tpu.memref_slice %arg19[%dma_start3A_131, %dma_start3A_132] : memref<26x128xf32, #tpu.memory_space<vmem>> -> memref<1x128xf32, #tpu.memory_space<vmem>>
    %dma_start3A_134 = tpu.memref_squeeze %dma_start3A_133 : memref<1x128xf32, #tpu.memory_space<vmem>> -> memref<128xf32, #tpu.memory_space<vmem>>
    %dma_start3A_135 = arith.constant 0 : i32
    %dma_start3A_136 = tpu.memref_slice %arg15[%dma_start3A_130, %dma_start3A_135] : memref<26x128xi32, #tpu.memory_space<vmem>> -> memref<1x128xi32, #tpu.memory_space<vmem>>
    %dma_start3A_137 = tpu.memref_squeeze %dma_start3A_136 : memref<1x128xi32, #tpu.memory_space<vmem>> -> memref<128xi32, #tpu.memory_space<vmem>>
    %dma_start3A_138 = arith.constant 0 : i32
    %dma_start3A_139 = tpu.memref_slice %arg3[%dma_start3A_138] : memref<2600000xf32, #tpu.memory_space<hbm>> -> memref<2600000xf32, #tpu.memory_space<hbm>>
    tpu.enqueue_indirect_dma source(%dma_start3A_139 : memref<2600000xf32, #tpu.memory_space<hbm>>) target(%dma_start3A_134 : memref<128xf32, #tpu.memory_space<vmem>>) offsets(%dma_start3A_137 : memref<128xi32, #tpu.memory_space<vmem>>) semaphore(%arg21 : memref<!tpu.dma_semaphore, #tpu.memory_space<semaphore_mem>>)
    %dma_start3A_140 = arith.constant 14 : i32
    %dma_start3A_141 = arith.constant 14 : i32
    %dma_start3A_142 = arith.constant 0 : i32
    %dma_start3A_143 = tpu.memref_slice %arg19[%dma_start3A_141, %dma_start3A_142] : memref<26x128xf32, #tpu.memory_space<vmem>> -> memref<1x128xf32, #tpu.memory_space<vmem>>
    %dma_start3A_144 = tpu.memref_squeeze %dma_start3A_143 : memref<1x128xf32, #tpu.memory_space<vmem>> -> memref<128xf32, #tpu.memory_space<vmem>>
    %dma_start3A_145 = arith.constant 0 : i32
    %dma_start3A_146 = tpu.memref_slice %arg15[%dma_start3A_140, %dma_start3A_145] : memref<26x128xi32, #tpu.memory_space<vmem>> -> memref<1x128xi32, #tpu.memory_space<vmem>>
    %dma_start3A_147 = tpu.memref_squeeze %dma_start3A_146 : memref<1x128xi32, #tpu.memory_space<vmem>> -> memref<128xi32, #tpu.memory_space<vmem>>
    %dma_start3A_148 = arith.constant 0 : i32
    %dma_start3A_149 = tpu.memref_slice %arg3[%dma_start3A_148] : memref<2600000xf32, #tpu.memory_space<hbm>> -> memref<2600000xf32, #tpu.memory_space<hbm>>
    tpu.enqueue_indirect_dma source(%dma_start3A_149 : memref<2600000xf32, #tpu.memory_space<hbm>>) target(%dma_start3A_144 : memref<128xf32, #tpu.memory_space<vmem>>) offsets(%dma_start3A_147 : memref<128xi32, #tpu.memory_space<vmem>>) semaphore(%arg21 : memref<!tpu.dma_semaphore, #tpu.memory_space<semaphore_mem>>)
    %dma_start3A_150 = arith.constant 15 : i32
    %dma_start3A_151 = arith.constant 15 : i32
    %dma_start3A_152 = arith.constant 0 : i32
    %dma_start3A_153 = tpu.memref_slice %arg19[%dma_start3A_151, %dma_start3A_152] : memref<26x128xf32, #tpu.memory_space<vmem>> -> memref<1x128xf32, #tpu.memory_space<vmem>>
    %dma_start3A_154 = tpu.memref_squeeze %dma_start3A_153 : memref<1x128xf32, #tpu.memory_space<vmem>> -> memref<128xf32, #tpu.memory_space<vmem>>
    %dma_start3A_155 = arith.constant 0 : i32
    %dma_start3A_156 = tpu.memref_slice %arg15[%dma_start3A_150, %dma_start3A_155] : memref<26x128xi32, #tpu.memory_space<vmem>> -> memref<1x128xi32, #tpu.memory_space<vmem>>
    %dma_start3A_157 = tpu.memref_squeeze %dma_start3A_156 : memref<1x128xi32, #tpu.memory_space<vmem>> -> memref<128xi32, #tpu.memory_space<vmem>>
    %dma_start3A_158 = arith.constant 0 : i32
    %dma_start3A_159 = tpu.memref_slice %arg3[%dma_start3A_158] : memref<2600000xf32, #tpu.memory_space<hbm>> -> memref<2600000xf32, #tpu.memory_space<hbm>>
    tpu.enqueue_indirect_dma source(%dma_start3A_159 : memref<2600000xf32, #tpu.memory_space<hbm>>) target(%dma_start3A_154 : memref<128xf32, #tpu.memory_space<vmem>>) offsets(%dma_start3A_157 : memref<128xi32, #tpu.memory_space<vmem>>) semaphore(%arg21 : memref<!tpu.dma_semaphore, #tpu.memory_space<semaphore_mem>>)
    %dma_start3A_160 = arith.constant 16 : i32
    %dma_start3A_161 = arith.constant 16 : i32
    %dma_start3A_162 = arith.constant 0 : i32
    %dma_start3A_163 = tpu.memref_slice %arg19[%dma_start3A_161, %dma_start3A_162] : memref<26x128xf32, #tpu.memory_space<vmem>> -> memref<1x128xf32, #tpu.memory_space<vmem>>
    %dma_start3A_164 = tpu.memref_squeeze %dma_start3A_163 : memref<1x128xf32, #tpu.memory_space<vmem>> -> memref<128xf32, #tpu.memory_space<vmem>>
    %dma_start3A_165 = arith.constant 0 : i32
    %dma_start3A_166 = tpu.memref_slice %arg15[%dma_start3A_160, %dma_start3A_165] : memref<26x128xi32, #tpu.memory_space<vmem>> -> memref<1x128xi32, #tpu.memory_space<vmem>>
    %dma_start3A_167 = tpu.memref_squeeze %dma_start3A_166 : memref<1x128xi32, #tpu.memory_space<vmem>> -> memref<128xi32, #tpu.memory_space<vmem>>
    %dma_start3A_168 = arith.constant 0 : i32
    %dma_start3A_169 = tpu.memref_slice %arg3[%dma_start3A_168] : memref<2600000xf32, #tpu.memory_space<hbm>> -> memref<2600000xf32, #tpu.memory_space<hbm>>
    tpu.enqueue_indirect_dma source(%dma_start3A_169 : memref<2600000xf32, #tpu.memory_space<hbm>>) target(%dma_start3A_164 : memref<128xf32, #tpu.memory_space<vmem>>) offsets(%dma_start3A_167 : memref<128xi32, #tpu.memory_space<vmem>>) semaphore(%arg21 : memref<!tpu.dma_semaphore, #tpu.memory_space<semaphore_mem>>)
    %dma_start3A_170 = arith.constant 17 : i32
    %dma_start3A_171 = arith.constant 17 : i32
    %dma_start3A_172 = arith.constant 0 : i32
    %dma_start3A_173 = tpu.memref_slice %arg19[%dma_start3A_171, %dma_start3A_172] : memref<26x128xf32, #tpu.memory_space<vmem>> -> memref<1x128xf32, #tpu.memory_space<vmem>>
    %dma_start3A_174 = tpu.memref_squeeze %dma_start3A_173 : memref<1x128xf32, #tpu.memory_space<vmem>> -> memref<128xf32, #tpu.memory_space<vmem>>
    %dma_start3A_175 = arith.constant 0 : i32
    %dma_start3A_176 = tpu.memref_slice %arg15[%dma_start3A_170, %dma_start3A_175] : memref<26x128xi32, #tpu.memory_space<vmem>> -> memref<1x128xi32, #tpu.memory_space<vmem>>
    %dma_start3A_177 = tpu.memref_squeeze %dma_start3A_176 : memref<1x128xi32, #tpu.memory_space<vmem>> -> memref<128xi32, #tpu.memory_space<vmem>>
    %dma_start3A_178 = arith.constant 0 : i32
    %dma_start3A_179 = tpu.memref_slice %arg3[%dma_start3A_178] : memref<2600000xf32, #tpu.memory_space<hbm>> -> memref<2600000xf32, #tpu.memory_space<hbm>>
    tpu.enqueue_indirect_dma source(%dma_start3A_179 : memref<2600000xf32, #tpu.memory_space<hbm>>) target(%dma_start3A_174 : memref<128xf32, #tpu.memory_space<vmem>>) offsets(%dma_start3A_177 : memref<128xi32, #tpu.memory_space<vmem>>) semaphore(%arg21 : memref<!tpu.dma_semaphore, #tpu.memory_space<semaphore_mem>>)
    %dma_start3A_180 = arith.constant 18 : i32
    %dma_start3A_181 = arith.constant 18 : i32
    %dma_start3A_182 = arith.constant 0 : i32
    %dma_start3A_183 = tpu.memref_slice %arg19[%dma_start3A_181, %dma_start3A_182] : memref<26x128xf32, #tpu.memory_space<vmem>> -> memref<1x128xf32, #tpu.memory_space<vmem>>
    %dma_start3A_184 = tpu.memref_squeeze %dma_start3A_183 : memref<1x128xf32, #tpu.memory_space<vmem>> -> memref<128xf32, #tpu.memory_space<vmem>>
    %dma_start3A_185 = arith.constant 0 : i32
    %dma_start3A_186 = tpu.memref_slice %arg15[%dma_start3A_180, %dma_start3A_185] : memref<26x128xi32, #tpu.memory_space<vmem>> -> memref<1x128xi32, #tpu.memory_space<vmem>>
    %dma_start3A_187 = tpu.memref_squeeze %dma_start3A_186 : memref<1x128xi32, #tpu.memory_space<vmem>> -> memref<128xi32, #tpu.memory_space<vmem>>
    %dma_start3A_188 = arith.constant 0 : i32
    %dma_start3A_189 = tpu.memref_slice %arg3[%dma_start3A_188] : memref<2600000xf32, #tpu.memory_space<hbm>> -> memref<2600000xf32, #tpu.memory_space<hbm>>
    tpu.enqueue_indirect_dma source(%dma_start3A_189 : memref<2600000xf32, #tpu.memory_space<hbm>>) target(%dma_start3A_184 : memref<128xf32, #tpu.memory_space<vmem>>) offsets(%dma_start3A_187 : memref<128xi32, #tpu.memory_space<vmem>>) semaphore(%arg21 : memref<!tpu.dma_semaphore, #tpu.memory_space<semaphore_mem>>)
    %dma_start3A_190 = arith.constant 19 : i32
    %dma_start3A_191 = arith.constant 19 : i32
    %dma_start3A_192 = arith.constant 0 : i32
    %dma_start3A_193 = tpu.memref_slice %arg19[%dma_start3A_191, %dma_start3A_192] : memref<26x128xf32, #tpu.memory_space<vmem>> -> memref<1x128xf32, #tpu.memory_space<vmem>>
    %dma_start3A_194 = tpu.memref_squeeze %dma_start3A_193 : memref<1x128xf32, #tpu.memory_space<vmem>> -> memref<128xf32, #tpu.memory_space<vmem>>
    %dma_start3A_195 = arith.constant 0 : i32
    %dma_start3A_196 = tpu.memref_slice %arg15[%dma_start3A_190, %dma_start3A_195] : memref<26x128xi32, #tpu.memory_space<vmem>> -> memref<1x128xi32, #tpu.memory_space<vmem>>
    %dma_start3A_197 = tpu.memref_squeeze %dma_start3A_196 : memref<1x128xi32, #tpu.memory_space<vmem>> -> memref<128xi32, #tpu.memory_space<vmem>>
    %dma_start3A_198 = arith.constant 0 : i32
    %dma_start3A_199 = tpu.memref_slice %arg3[%dma_start3A_198] : memref<2600000xf32, #tpu.memory_space<hbm>> -> memref<2600000xf32, #tpu.memory_space<hbm>>
    tpu.enqueue_indirect_dma source(%dma_start3A_199 : memref<2600000xf32, #tpu.memory_space<hbm>>) target(%dma_start3A_194 : memref<128xf32, #tpu.memory_space<vmem>>) offsets(%dma_start3A_197 : memref<128xi32, #tpu.memory_space<vmem>>) semaphore(%arg21 : memref<!tpu.dma_semaphore, #tpu.memory_space<semaphore_mem>>)
    %dma_start3A_200 = arith.constant 20 : i32
    %dma_start3A_201 = arith.constant 20 : i32
    %dma_start3A_202 = arith.constant 0 : i32
    %dma_start3A_203 = tpu.memref_slice %arg19[%dma_start3A_201, %dma_start3A_202] : memref<26x128xf32, #tpu.memory_space<vmem>> -> memref<1x128xf32, #tpu.memory_space<vmem>>
    %dma_start3A_204 = tpu.memref_squeeze %dma_start3A_203 : memref<1x128xf32, #tpu.memory_space<vmem>> -> memref<128xf32, #tpu.memory_space<vmem>>
    %dma_start3A_205 = arith.constant 0 : i32
    %dma_start3A_206 = tpu.memref_slice %arg15[%dma_start3A_200, %dma_start3A_205] : memref<26x128xi32, #tpu.memory_space<vmem>> -> memref<1x128xi32, #tpu.memory_space<vmem>>
    %dma_start3A_207 = tpu.memref_squeeze %dma_start3A_206 : memref<1x128xi32, #tpu.memory_space<vmem>> -> memref<128xi32, #tpu.memory_space<vmem>>
    %dma_start3A_208 = arith.constant 0 : i32
    %dma_start3A_209 = tpu.memref_slice %arg3[%dma_start3A_208] : memref<2600000xf32, #tpu.memory_space<hbm>> -> memref<2600000xf32, #tpu.memory_space<hbm>>
    tpu.enqueue_indirect_dma source(%dma_start3A_209 : memref<2600000xf32, #tpu.memory_space<hbm>>) target(%dma_start3A_204 : memref<128xf32, #tpu.memory_space<vmem>>) offsets(%dma_start3A_207 : memref<128xi32, #tpu.memory_space<vmem>>) semaphore(%arg21 : memref<!tpu.dma_semaphore, #tpu.memory_space<semaphore_mem>>)
    %dma_start3A_210 = arith.constant 21 : i32
    %dma_start3A_211 = arith.constant 21 : i32
    %dma_start3A_212 = arith.constant 0 : i32
    %dma_start3A_213 = tpu.memref_slice %arg19[%dma_start3A_211, %dma_start3A_212] : memref<26x128xf32, #tpu.memory_space<vmem>> -> memref<1x128xf32, #tpu.memory_space<vmem>>
    %dma_start3A_214 = tpu.memref_squeeze %dma_start3A_213 : memref<1x128xf32, #tpu.memory_space<vmem>> -> memref<128xf32, #tpu.memory_space<vmem>>
    %dma_start3A_215 = arith.constant 0 : i32
    %dma_start3A_216 = tpu.memref_slice %arg15[%dma_start3A_210, %dma_start3A_215] : memref<26x128xi32, #tpu.memory_space<vmem>> -> memref<1x128xi32, #tpu.memory_space<vmem>>
    %dma_start3A_217 = tpu.memref_squeeze %dma_start3A_216 : memref<1x128xi32, #tpu.memory_space<vmem>> -> memref<128xi32, #tpu.memory_space<vmem>>
    %dma_start3A_218 = arith.constant 0 : i32
    %dma_start3A_219 = tpu.memref_slice %arg3[%dma_start3A_218] : memref<2600000xf32, #tpu.memory_space<hbm>> -> memref<2600000xf32, #tpu.memory_space<hbm>>
    tpu.enqueue_indirect_dma source(%dma_start3A_219 : memref<2600000xf32, #tpu.memory_space<hbm>>) target(%dma_start3A_214 : memref<128xf32, #tpu.memory_space<vmem>>) offsets(%dma_start3A_217 : memref<128xi32, #tpu.memory_space<vmem>>) semaphore(%arg21 : memref<!tpu.dma_semaphore, #tpu.memory_space<semaphore_mem>>)
    %dma_start3A_220 = arith.constant 22 : i32
    %dma_start3A_221 = arith.constant 22 : i32
    %dma_start3A_222 = arith.constant 0 : i32
    %dma_start3A_223 = tpu.memref_slice %arg19[%dma_start3A_221, %dma_start3A_222] : memref<26x128xf32, #tpu.memory_space<vmem>> -> memref<1x128xf32, #tpu.memory_space<vmem>>
    %dma_start3A_224 = tpu.memref_squeeze %dma_start3A_223 : memref<1x128xf32, #tpu.memory_space<vmem>> -> memref<128xf32, #tpu.memory_space<vmem>>
    %dma_start3A_225 = arith.constant 0 : i32
    %dma_start3A_226 = tpu.memref_slice %arg15[%dma_start3A_220, %dma_start3A_225] : memref<26x128xi32, #tpu.memory_space<vmem>> -> memref<1x128xi32, #tpu.memory_space<vmem>>
    %dma_start3A_227 = tpu.memref_squeeze %dma_start3A_226 : memref<1x128xi32, #tpu.memory_space<vmem>> -> memref<128xi32, #tpu.memory_space<vmem>>
    %dma_start3A_228 = arith.constant 0 : i32
    %dma_start3A_229 = tpu.memref_slice %arg3[%dma_start3A_228] : memref<2600000xf32, #tpu.memory_space<hbm>> -> memref<2600000xf32, #tpu.memory_space<hbm>>
    tpu.enqueue_indirect_dma source(%dma_start3A_229 : memref<2600000xf32, #tpu.memory_space<hbm>>) target(%dma_start3A_224 : memref<128xf32, #tpu.memory_space<vmem>>) offsets(%dma_start3A_227 : memref<128xi32, #tpu.memory_space<vmem>>) semaphore(%arg21 : memref<!tpu.dma_semaphore, #tpu.memory_space<semaphore_mem>>)
    %dma_start3A_230 = arith.constant 23 : i32
    %dma_start3A_231 = arith.constant 23 : i32
    %dma_start3A_232 = arith.constant 0 : i32
    %dma_start3A_233 = tpu.memref_slice %arg19[%dma_start3A_231, %dma_start3A_232] : memref<26x128xf32, #tpu.memory_space<vmem>> -> memref<1x128xf32, #tpu.memory_space<vmem>>
    %dma_start3A_234 = tpu.memref_squeeze %dma_start3A_233 : memref<1x128xf32, #tpu.memory_space<vmem>> -> memref<128xf32, #tpu.memory_space<vmem>>
    %dma_start3A_235 = arith.constant 0 : i32
    %dma_start3A_236 = tpu.memref_slice %arg15[%dma_start3A_230, %dma_start3A_235] : memref<26x128xi32, #tpu.memory_space<vmem>> -> memref<1x128xi32, #tpu.memory_space<vmem>>
    %dma_start3A_237 = tpu.memref_squeeze %dma_start3A_236 : memref<1x128xi32, #tpu.memory_space<vmem>> -> memref<128xi32, #tpu.memory_space<vmem>>
    %dma_start3A_238 = arith.constant 0 : i32
    %dma_start3A_239 = tpu.memref_slice %arg3[%dma_start3A_238] : memref<2600000xf32, #tpu.memory_space<hbm>> -> memref<2600000xf32, #tpu.memory_space<hbm>>
    tpu.enqueue_indirect_dma source(%dma_start3A_239 : memref<2600000xf32, #tpu.memory_space<hbm>>) target(%dma_start3A_234 : memref<128xf32, #tpu.memory_space<vmem>>) offsets(%dma_start3A_237 : memref<128xi32, #tpu.memory_space<vmem>>) semaphore(%arg21 : memref<!tpu.dma_semaphore, #tpu.memory_space<semaphore_mem>>)
    %dma_start3A_240 = arith.constant 24 : i32
    %dma_start3A_241 = arith.constant 24 : i32
    %dma_start3A_242 = arith.constant 0 : i32
    %dma_start3A_243 = tpu.memref_slice %arg19[%dma_start3A_241, %dma_start3A_242] : memref<26x128xf32, #tpu.memory_space<vmem>> -> memref<1x128xf32, #tpu.memory_space<vmem>>
    %dma_start3A_244 = tpu.memref_squeeze %dma_start3A_243 : memref<1x128xf32, #tpu.memory_space<vmem>> -> memref<128xf32, #tpu.memory_space<vmem>>
    %dma_start3A_245 = arith.constant 0 : i32
    %dma_start3A_246 = tpu.memref_slice %arg15[%dma_start3A_240, %dma_start3A_245] : memref<26x128xi32, #tpu.memory_space<vmem>> -> memref<1x128xi32, #tpu.memory_space<vmem>>
    %dma_start3A_247 = tpu.memref_squeeze %dma_start3A_246 : memref<1x128xi32, #tpu.memory_space<vmem>> -> memref<128xi32, #tpu.memory_space<vmem>>
    %dma_start3A_248 = arith.constant 0 : i32
    %dma_start3A_249 = tpu.memref_slice %arg3[%dma_start3A_248] : memref<2600000xf32, #tpu.memory_space<hbm>> -> memref<2600000xf32, #tpu.memory_space<hbm>>
    tpu.enqueue_indirect_dma source(%dma_start3A_249 : memref<2600000xf32, #tpu.memory_space<hbm>>) target(%dma_start3A_244 : memref<128xf32, #tpu.memory_space<vmem>>) offsets(%dma_start3A_247 : memref<128xi32, #tpu.memory_space<vmem>>) semaphore(%arg21 : memref<!tpu.dma_semaphore, #tpu.memory_space<semaphore_mem>>)
    %dma_start3A_250 = arith.constant 25 : i32
    %dma_start3A_251 = arith.constant 25 : i32
    %dma_start3A_252 = arith.constant 0 : i32
    %dma_start3A_253 = tpu.memref_slice %arg19[%dma_start3A_251, %dma_start3A_252] : memref<26x128xf32, #tpu.memory_space<vmem>> -> memref<1x128xf32, #tpu.memory_space<vmem>>
    %dma_start3A_254 = tpu.memref_squeeze %dma_start3A_253 : memref<1x128xf32, #tpu.memory_space<vmem>> -> memref<128xf32, #tpu.memory_space<vmem>>
    %dma_start3A_255 = arith.constant 0 : i32
    %dma_start3A_256 = tpu.memref_slice %arg15[%dma_start3A_250, %dma_start3A_255] : memref<26x128xi32, #tpu.memory_space<vmem>> -> memref<1x128xi32, #tpu.memory_space<vmem>>
    %dma_start3A_257 = tpu.memref_squeeze %dma_start3A_256 : memref<1x128xi32, #tpu.memory_space<vmem>> -> memref<128xi32, #tpu.memory_space<vmem>>
    %dma_start3A_258 = arith.constant 0 : i32
    %dma_start3A_259 = tpu.memref_slice %arg3[%dma_start3A_258] : memref<2600000xf32, #tpu.memory_space<hbm>> -> memref<2600000xf32, #tpu.memory_space<hbm>>
    tpu.enqueue_indirect_dma source(%dma_start3A_259 : memref<2600000xf32, #tpu.memory_space<hbm>>) target(%dma_start3A_254 : memref<128xf32, #tpu.memory_space<vmem>>) offsets(%dma_start3A_257 : memref<128xi32, #tpu.memory_space<vmem>>) semaphore(%arg21 : memref<!tpu.dma_semaphore, #tpu.memory_space<semaphore_mem>>)
    %dma_start3A_260 = arith.constant 0 : i32
    %dma_start3A_261 = arith.constant 0 : i32
    %dma_start3A_262 = tpu.memref_slice %arg11[%dma_start3A_260, %dma_start3A_261] : memref<26x128xi32, #tpu.memory_space<vmem>> -> memref<1x128xi32, #tpu.memory_space<vmem>>
    %dma_start3A_263 = tpu.memref_squeeze %dma_start3A_262 : memref<1x128xi32, #tpu.memory_space<vmem>> -> memref<128xi32, #tpu.memory_space<vmem>>
    %dma_start3A_264 = arith.constant 0 : i32
    %dma_start3A_265 = arith.constant 0 : i32
    %dma_start3A_266 = tpu.memref_slice %arg2[%dma_start3A_264, %dma_start3A_265] : memref<327680x128xf32, #tpu.memory_space<hbm>> -> memref<327680x128xf32, #tpu.memory_space<hbm>>
    tpu.enqueue_indirect_dma source(%dma_start3A_266 : memref<327680x128xf32, #tpu.memory_space<hbm>>) target(%arg16 : memref<128x128xf32, #tpu.memory_space<vmem>>) offsets(%dma_start3A_263 : memref<128xi32, #tpu.memory_space<vmem>>) semaphore(%arg20 : memref<!tpu.dma_semaphore, #tpu.memory_space<semaphore_mem>>)
    %scan3A = arith.constant 0 : i32
    %scan3A_267 = arith.constant 0 : i32
    %scan3A_268 = arith.constant 13 : i32
    %scan3A_269 = arith.addi %scan3A_267, %scan3A_268 : i32
    %scan3A_270 = arith.constant 1 : i32
    %scan3A_271 = scf.for %scan3A_282 = %scan3A_267 to %scan3A_269 step %scan3A_270 iter_args(%scan3A_283 = %scan3A) -> (i32)  : i32 {
      %mul3A_284 = arith.constant 2 : i32
      %mul3A_285 = arith.muli %mul3A_284, %scan3A_282 : i32
      %add3A_286 = arith.constant 1 : i32
      %add3A_287 = arith.addi %mul3A_285, %add3A_286 : i32
      %dma_start3A_288 = arith.constant 0 : i32
      %dma_start3A_289 = tpu.memref_slice %arg11[%add3A_287, %dma_start3A_288] : memref<26x128xi32, #tpu.memory_space<vmem>> -> memref<1x128xi32, #tpu.memory_space<vmem>>
      %dma_start3A_290 = tpu.memref_squeeze %dma_start3A_289 : memref<1x128xi32, #tpu.memory_space<vmem>> -> memref<128xi32, #tpu.memory_space<vmem>>
      %dma_start3A_291 = arith.constant 0 : i32
      %dma_start3A_292 = arith.constant 0 : i32
      %dma_start3A_293 = tpu.memref_slice %arg2[%dma_start3A_291, %dma_start3A_292] : memref<327680x128xf32, #tpu.memory_space<hbm>> -> memref<327680x128xf32, #tpu.memory_space<hbm>>
      tpu.enqueue_indirect_dma source(%dma_start3A_293 : memref<327680x128xf32, #tpu.memory_space<hbm>>) target(%arg17 : memref<128x128xf32, #tpu.memory_space<vmem>>) offsets(%dma_start3A_290 : memref<128xi32, #tpu.memory_space<vmem>>) semaphore(%arg20 : memref<!tpu.dma_semaphore, #tpu.memory_space<semaphore_mem>>)
      %dma_wait3A_294 = arith.constant 0 : i32
      %dma_wait3A_295 = arith.constant 0 : i32
      %dma_wait3A_296 = tpu.memref_slice %arg11[%dma_wait3A_294, %dma_wait3A_295] : memref<26x128xi32, #tpu.memory_space<vmem>> -> memref<1x128xi32, #tpu.memory_space<vmem>>
      %dma_wait3A_297 = tpu.memref_squeeze %dma_wait3A_296 : memref<1x128xi32, #tpu.memory_space<vmem>> -> memref<128xi32, #tpu.memory_space<vmem>>
      %dma_wait3A_298 = arith.constant 0 : i32
      %dma_wait3A_299 = arith.constant 0 : i32
      %dma_wait3A_300 = tpu.memref_slice %arg2[%dma_wait3A_298, %dma_wait3A_299] : memref<327680x128xf32, #tpu.memory_space<hbm>> -> memref<327680x128xf32, #tpu.memory_space<hbm>>
      tpu.wait_indirect_dma semaphore(%arg20 : memref<!tpu.dma_semaphore, #tpu.memory_space<semaphore_mem>>) src(%dma_wait3A_300 : memref<327680x128xf32, #tpu.memory_space<hbm>>) dst(%arg16 : memref<128x128xf32, #tpu.memory_space<vmem>>)
      %iota3A = tpu.iota {dimensions = array<i32: 0>} : vector<16xi32>
      %add3A_301 = arith.constant 0 : i32
      %add3A_302 = vector.broadcast %add3A_301 : i32 to vector<16xi32>
      %add3A_303 = arith.addi %iota3A, %add3A_302 : vector<16xi32>
      %get3A = arith.index_cast %mul3A_285 : i32 to index
      %get3A_304 = arith.constant 0 : index
      %get3A_305 = tpu.vector_load %arg12[%get3A, %get3A_304] {strides = array<i32>} : memref<26x128xi32, #tpu.memory_space<vmem>>, vector<16xi32>,
      %get3A_306 = arith.index_cast %mul3A_285 : i32 to index
      %get3A_307 = arith.constant 0 : index
      %get3A_308 = tpu.vector_load %arg13[%get3A_306, %get3A_307] {strides = array<i32>} : memref<26x128xi32, #tpu.memory_space<vmem>>, vector<16xi32>,
      %get3A_309 = arith.index_cast %mul3A_285 : i32 to index
      %get3A_310 = arith.constant 0 : index
      %get3A_311 = tpu.vector_load %arg14[%get3A_309, %get3A_310] {strides = array<i32>} : memref<26x128xi32, #tpu.memory_space<vmem>>, vector<16xi32>,
      %add3A_312 = arith.constant 0 : i32
      %add3A_313 = vector.broadcast %add3A_312 : i32 to vector<16xi32>
      %add3A_314 = arith.addi %get3A_305, %add3A_313 : vector<16xi32>
      %gather3A = tpu.vector_load_idx %arg16[%add3A_303, %add3A_314] : memref<128x128xf32, #tpu.memory_space<vmem>>[vector<16xi32>, vector<16xi32>], vector<16xf32>,
      %add3A_315 = arith.constant 0 : i32
      %add3A_316 = vector.broadcast %add3A_315 : i32 to vector<16xi32>
      %add3A_317 = arith.addi %get3A_311, %add3A_316 : vector<16xi32>
      tpu.vector_store_idx %arg18[%get3A_308, %add3A_317], %gather3A : memref<128x416xf32, #tpu.memory_space<vmem>>[vector<16xi32>, vector<16xi32>], vector<16xf32>,
      %add3A_318 = arith.constant 1 : i32
      %add3A_319 = vector.broadcast %add3A_318 : i32 to vector<16xi32>
      %add3A_320 = arith.addi %get3A_305, %add3A_319 : vector<16xi32>
      %gather3A_321 = tpu.vector_load_idx %arg16[%add3A_303, %add3A_320] : memref<128x128xf32, #tpu.memory_space<vmem>>[vector<16xi32>, vector<16xi32>], vector<16xf32>,
      %add3A_322 = arith.constant 1 : i32
      %add3A_323 = vector.broadcast %add3A_322 : i32 to vector<16xi32>
      %add3A_324 = arith.addi %get3A_311, %add3A_323 : vector<16xi32>
      tpu.vector_store_idx %arg18[%get3A_308, %add3A_324], %gather3A_321 : memref<128x416xf32, #tpu.memory_space<vmem>>[vector<16xi32>, vector<16xi32>], vector<16xf32>,
      %add3A_325 = arith.constant 2 : i32
      %add3A_326 = vector.broadcast %add3A_325 : i32 to vector<16xi32>
      %add3A_327 = arith.addi %get3A_305, %add3A_326 : vector<16xi32>
      %gather3A_328 = tpu.vector_load_idx %arg16[%add3A_303, %add3A_327] : memref<128x128xf32, #tpu.memory_space<vmem>>[vector<16xi32>, vector<16xi32>], vector<16xf32>,
      %add3A_329 = arith.constant 2 : i32
      %add3A_330 = vector.broadcast %add3A_329 : i32 to vector<16xi32>
      %add3A_331 = arith.addi %get3A_311, %add3A_330 : vector<16xi32>
      tpu.vector_store_idx %arg18[%get3A_308, %add3A_331], %gather3A_328 : memref<128x416xf32, #tpu.memory_space<vmem>>[vector<16xi32>, vector<16xi32>], vector<16xf32>,
      %add3A_332 = arith.constant 3 : i32
      %add3A_333 = vector.broadcast %add3A_332 : i32 to vector<16xi32>
      %add3A_334 = arith.addi %get3A_305, %add3A_333 : vector<16xi32>
      %gather3A_335 = tpu.vector_load_idx %arg16[%add3A_303, %add3A_334] : memref<128x128xf32, #tpu.memory_space<vmem>>[vector<16xi32>, vector<16xi32>], vector<16xf32>,
      %add3A_336 = arith.constant 3 : i32
      %add3A_337 = vector.broadcast %add3A_336 : i32 to vector<16xi32>
      %add3A_338 = arith.addi %get3A_311, %add3A_337 : vector<16xi32>
      tpu.vector_store_idx %arg18[%get3A_308, %add3A_338], %gather3A_335 : memref<128x416xf32, #tpu.memory_space<vmem>>[vector<16xi32>, vector<16xi32>], vector<16xf32>,
      %add3A_339 = arith.constant 4 : i32
      %add3A_340 = vector.broadcast %add3A_339 : i32 to vector<16xi32>
      %add3A_341 = arith.addi %get3A_305, %add3A_340 : vector<16xi32>
      %gather3A_342 = tpu.vector_load_idx %arg16[%add3A_303, %add3A_341] : memref<128x128xf32, #tpu.memory_space<vmem>>[vector<16xi32>, vector<16xi32>], vector<16xf32>,
      %add3A_343 = arith.constant 4 : i32
      %add3A_344 = vector.broadcast %add3A_343 : i32 to vector<16xi32>
      %add3A_345 = arith.addi %get3A_311, %add3A_344 : vector<16xi32>
      tpu.vector_store_idx %arg18[%get3A_308, %add3A_345], %gather3A_342 : memref<128x416xf32, #tpu.memory_space<vmem>>[vector<16xi32>, vector<16xi32>], vector<16xf32>,
      %add3A_346 = arith.constant 5 : i32
      %add3A_347 = vector.broadcast %add3A_346 : i32 to vector<16xi32>
      %add3A_348 = arith.addi %get3A_305, %add3A_347 : vector<16xi32>
      %gather3A_349 = tpu.vector_load_idx %arg16[%add3A_303, %add3A_348] : memref<128x128xf32, #tpu.memory_space<vmem>>[vector<16xi32>, vector<16xi32>], vector<16xf32>,
      %add3A_350 = arith.constant 5 : i32
      %add3A_351 = vector.broadcast %add3A_350 : i32 to vector<16xi32>
      %add3A_352 = arith.addi %get3A_311, %add3A_351 : vector<16xi32>
      tpu.vector_store_idx %arg18[%get3A_308, %add3A_352], %gather3A_349 : memref<128x416xf32, #tpu.memory_space<vmem>>[vector<16xi32>, vector<16xi32>], vector<16xf32>,
      %add3A_353 = arith.constant 6 : i32
      %add3A_354 = vector.broadcast %add3A_353 : i32 to vector<16xi32>
      %add3A_355 = arith.addi %get3A_305, %add3A_354 : vector<16xi32>
      %gather3A_356 = tpu.vector_load_idx %arg16[%add3A_303, %add3A_355] : memref<128x128xf32, #tpu.memory_space<vmem>>[vector<16xi32>, vector<16xi32>], vector<16xf32>,
      %add3A_357 = arith.constant 6 : i32
      %add3A_358 = vector.broadcast %add3A_357 : i32 to vector<16xi32>
      %add3A_359 = arith.addi %get3A_311, %add3A_358 : vector<16xi32>
      tpu.vector_store_idx %arg18[%get3A_308, %add3A_359], %gather3A_356 : memref<128x416xf32, #tpu.memory_space<vmem>>[vector<16xi32>, vector<16xi32>], vector<16xf32>,
      %add3A_360 = arith.constant 7 : i32
      %add3A_361 = vector.broadcast %add3A_360 : i32 to vector<16xi32>
      %add3A_362 = arith.addi %get3A_305, %add3A_361 : vector<16xi32>
      %gather3A_363 = tpu.vector_load_idx %arg16[%add3A_303, %add3A_362] : memref<128x128xf32, #tpu.memory_space<vmem>>[vector<16xi32>, vector<16xi32>], vector<16xf32>,
      %add3A_364 = arith.constant 7 : i32
      %add3A_365 = vector.broadcast %add3A_364 : i32 to vector<16xi32>
      %add3A_366 = arith.addi %get3A_311, %add3A_365 : vector<16xi32>
      tpu.vector_store_idx %arg18[%get3A_308, %add3A_366], %gather3A_363 : memref<128x416xf32, #tpu.memory_space<vmem>>[vector<16xi32>, vector<16xi32>], vector<16xf32>,
      %add3A_367 = arith.constant 8 : i32
      %add3A_368 = vector.broadcast %add3A_367 : i32 to vector<16xi32>
      %add3A_369 = arith.addi %get3A_305, %add3A_368 : vector<16xi32>
      %gather3A_370 = tpu.vector_load_idx %arg16[%add3A_303, %add3A_369] : memref<128x128xf32, #tpu.memory_space<vmem>>[vector<16xi32>, vector<16xi32>], vector<16xf32>,
      %add3A_371 = arith.constant 8 : i32
      %add3A_372 = vector.broadcast %add3A_371 : i32 to vector<16xi32>
      %add3A_373 = arith.addi %get3A_311, %add3A_372 : vector<16xi32>
      tpu.vector_store_idx %arg18[%get3A_308, %add3A_373], %gather3A_370 : memref<128x416xf32, #tpu.memory_space<vmem>>[vector<16xi32>, vector<16xi32>], vector<16xf32>,
      %add3A_374 = arith.constant 9 : i32
      %add3A_375 = vector.broadcast %add3A_374 : i32 to vector<16xi32>
      %add3A_376 = arith.addi %get3A_305, %add3A_375 : vector<16xi32>
      %gather3A_377 = tpu.vector_load_idx %arg16[%add3A_303, %add3A_376] : memref<128x128xf32, #tpu.memory_space<vmem>>[vector<16xi32>, vector<16xi32>], vector<16xf32>,
      %add3A_378 = arith.constant 9 : i32
      %add3A_379 = vector.broadcast %add3A_378 : i32 to vector<16xi32>
      %add3A_380 = arith.addi %get3A_311, %add3A_379 : vector<16xi32>
      tpu.vector_store_idx %arg18[%get3A_308, %add3A_380], %gather3A_377 : memref<128x416xf32, #tpu.memory_space<vmem>>[vector<16xi32>, vector<16xi32>], vector<16xf32>,
      %add3A_381 = arith.constant 10 : i32
      %add3A_382 = vector.broadcast %add3A_381 : i32 to vector<16xi32>
      %add3A_383 = arith.addi %get3A_305, %add3A_382 : vector<16xi32>
      %gather3A_384 = tpu.vector_load_idx %arg16[%add3A_303, %add3A_383] : memref<128x128xf32, #tpu.memory_space<vmem>>[vector<16xi32>, vector<16xi32>], vector<16xf32>,
      %add3A_385 = arith.constant 10 : i32
      %add3A_386 = vector.broadcast %add3A_385 : i32 to vector<16xi32>
      %add3A_387 = arith.addi %get3A_311, %add3A_386 : vector<16xi32>
      tpu.vector_store_idx %arg18[%get3A_308, %add3A_387], %gather3A_384 : memref<128x416xf32, #tpu.memory_space<vmem>>[vector<16xi32>, vector<16xi32>], vector<16xf32>,
      %add3A_388 = arith.constant 11 : i32
      %add3A_389 = vector.broadcast %add3A_388 : i32 to vector<16xi32>
      %add3A_390 = arith.addi %get3A_305, %add3A_389 : vector<16xi32>
      %gather3A_391 = tpu.vector_load_idx %arg16[%add3A_303, %add3A_390] : memref<128x128xf32, #tpu.memory_space<vmem>>[vector<16xi32>, vector<16xi32>], vector<16xf32>,
      %add3A_392 = arith.constant 11 : i32
      %add3A_393 = vector.broadcast %add3A_392 : i32 to vector<16xi32>
      %add3A_394 = arith.addi %get3A_311, %add3A_393 : vector<16xi32>
      tpu.vector_store_idx %arg18[%get3A_308, %add3A_394], %gather3A_391 : memref<128x416xf32, #tpu.memory_space<vmem>>[vector<16xi32>, vector<16xi32>], vector<16xf32>,
      %add3A_395 = arith.constant 12 : i32
      %add3A_396 = vector.broadcast %add3A_395 : i32 to vector<16xi32>
      %add3A_397 = arith.addi %get3A_305, %add3A_396 : vector<16xi32>
      %gather3A_398 = tpu.vector_load_idx %arg16[%add3A_303, %add3A_397] : memref<128x128xf32, #tpu.memory_space<vmem>>[vector<16xi32>, vector<16xi32>], vector<16xf32>,
      %add3A_399 = arith.constant 12 : i32
      %add3A_400 = vector.broadcast %add3A_399 : i32 to vector<16xi32>
      %add3A_401 = arith.addi %get3A_311, %add3A_400 : vector<16xi32>
      tpu.vector_store_idx %arg18[%get3A_308, %add3A_401], %gather3A_398 : memref<128x416xf32, #tpu.memory_space<vmem>>[vector<16xi32>, vector<16xi32>], vector<16xf32>,
      %add3A_402 = arith.constant 13 : i32
      %add3A_403 = vector.broadcast %add3A_402 : i32 to vector<16xi32>
      %add3A_404 = arith.addi %get3A_305, %add3A_403 : vector<16xi32>
      %gather3A_405 = tpu.vector_load_idx %arg16[%add3A_303, %add3A_404] : memref<128x128xf32, #tpu.memory_space<vmem>>[vector<16xi32>, vector<16xi32>], vector<16xf32>,
      %add3A_406 = arith.constant 13 : i32
      %add3A_407 = vector.broadcast %add3A_406 : i32 to vector<16xi32>
      %add3A_408 = arith.addi %get3A_311, %add3A_407 : vector<16xi32>
      tpu.vector_store_idx %arg18[%get3A_308, %add3A_408], %gather3A_405 : memref<128x416xf32, #tpu.memory_space<vmem>>[vector<16xi32>, vector<16xi32>], vector<16xf32>,
      %add3A_409 = arith.constant 14 : i32
      %add3A_410 = vector.broadcast %add3A_409 : i32 to vector<16xi32>
      %add3A_411 = arith.addi %get3A_305, %add3A_410 : vector<16xi32>
      %gather3A_412 = tpu.vector_load_idx %arg16[%add3A_303, %add3A_411] : memref<128x128xf32, #tpu.memory_space<vmem>>[vector<16xi32>, vector<16xi32>], vector<16xf32>,
      %add3A_413 = arith.constant 14 : i32
      %add3A_414 = vector.broadcast %add3A_413 : i32 to vector<16xi32>
      %add3A_415 = arith.addi %get3A_311, %add3A_414 : vector<16xi32>
      tpu.vector_store_idx %arg18[%get3A_308, %add3A_415], %gather3A_412 : memref<128x416xf32, #tpu.memory_space<vmem>>[vector<16xi32>, vector<16xi32>], vector<16xf32>,
      %add3A_416 = arith.constant 15 : i32
      %add3A_417 = vector.broadcast %add3A_416 : i32 to vector<16xi32>
      %add3A_418 = arith.addi %get3A_305, %add3A_417 : vector<16xi32>
      %gather3A_419 = tpu.vector_load_idx %arg16[%add3A_303, %add3A_418] : memref<128x128xf32, #tpu.memory_space<vmem>>[vector<16xi32>, vector<16xi32>], vector<16xf32>,
      %add3A_420 = arith.constant 15 : i32
      %add3A_421 = vector.broadcast %add3A_420 : i32 to vector<16xi32>
      %add3A_422 = arith.addi %get3A_311, %add3A_421 : vector<16xi32>
      tpu.vector_store_idx %arg18[%get3A_308, %add3A_422], %gather3A_419 : memref<128x416xf32, #tpu.memory_space<vmem>>[vector<16xi32>, vector<16xi32>], vector<16xf32>,
      %iota3A_423 = tpu.iota {dimensions = array<i32: 0>} : vector<16xi32>
      %add3A_424 = arith.constant 16 : i32
      %add3A_425 = vector.broadcast %add3A_424 : i32 to vector<16xi32>
      %add3A_426 = arith.addi %iota3A_423, %add3A_425 : vector<16xi32>
      %get3A_427 = arith.index_cast %mul3A_285 : i32 to index
      %get3A_428 = arith.constant 16 : index
      %get3A_429 = tpu.vector_load %arg12[%get3A_427, %get3A_428] {strides = array<i32>} : memref<26x128xi32, #tpu.memory_space<vmem>>, vector<16xi32>,
      %get3A_430 = arith.index_cast %mul3A_285 : i32 to index
      %get3A_431 = arith.constant 16 : index
      %get3A_432 = tpu.vector_load %arg13[%get3A_430, %get3A_431] {strides = array<i32>} : memref<26x128xi32, #tpu.memory_space<vmem>>, vector<16xi32>,
      %get3A_433 = arith.index_cast %mul3A_285 : i32 to index
      %get3A_434 = arith.constant 16 : index
      %get3A_435 = tpu.vector_load %arg14[%get3A_433, %get3A_434] {strides = array<i32>} : memref<26x128xi32, #tpu.memory_space<vmem>>, vector<16xi32>,
      %add3A_436 = arith.constant 0 : i32
      %add3A_437 = vector.broadcast %add3A_436 : i32 to vector<16xi32>
      %add3A_438 = arith.addi %get3A_429, %add3A_437 : vector<16xi32>
      %gather3A_439 = tpu.vector_load_idx %arg16[%add3A_426, %add3A_438] : memref<128x128xf32, #tpu.memory_space<vmem>>[vector<16xi32>, vector<16xi32>], vector<16xf32>,
      %add3A_440 = arith.constant 0 : i32
      %add3A_441 = vector.broadcast %add3A_440 : i32 to vector<16xi32>
      %add3A_442 = arith.addi %get3A_435, %add3A_441 : vector<16xi32>
      tpu.vector_store_idx %arg18[%get3A_432, %add3A_442], %gather3A_439 : memref<128x416xf32, #tpu.memory_space<vmem>>[vector<16xi32>, vector<16xi32>], vector<16xf32>,
      %add3A_443 = arith.constant 1 : i32
      %add3A_444 = vector.broadcast %add3A_443 : i32 to vector<16xi32>
      %add3A_445 = arith.addi %get3A_429, %add3A_444 : vector<16xi32>
      %gather3A_446 = tpu.vector_load_idx %arg16[%add3A_426, %add3A_445] : memref<128x128xf32, #tpu.memory_space<vmem>>[vector<16xi32>, vector<16xi32>], vector<16xf32>,
      %add3A_447 = arith.constant 1 : i32
      %add3A_448 = vector.broadcast %add3A_447 : i32 to vector<16xi32>
      %add3A_449 = arith.addi %get3A_435, %add3A_448 : vector<16xi32>
      tpu.vector_store_idx %arg18[%get3A_432, %add3A_449], %gather3A_446 : memref<128x416xf32, #tpu.memory_space<vmem>>[vector<16xi32>, vector<16xi32>], vector<16xf32>,
      %add3A_450 = arith.constant 2 : i32
      %add3A_451 = vector.broadcast %add3A_450 : i32 to vector<16xi32>
      %add3A_452 = arith.addi %get3A_429, %add3A_451 : vector<16xi32>
      %gather3A_453 = tpu.vector_load_idx %arg16[%add3A_426, %add3A_452] : memref<128x128xf32, #tpu.memory_space<vmem>>[vector<16xi32>, vector<16xi32>], vector<16xf32>,
      %add3A_454 = arith.constant 2 : i32
      %add3A_455 = vector.broadcast %add3A_454 : i32 to vector<16xi32>
      %add3A_456 = arith.addi %get3A_435, %add3A_455 : vector<16xi32>
      tpu.vector_store_idx %arg18[%get3A_432, %add3A_456], %gather3A_453 : memref<128x416xf32, #tpu.memory_space<vmem>>[vector<16xi32>, vector<16xi32>], vector<16xf32>,
      %add3A_457 = arith.constant 3 : i32
      %add3A_458 = vector.broadcast %add3A_457 : i32 to vector<16xi32>
      %add3A_459 = arith.addi %get3A_429, %add3A_458 : vector<16xi32>
      %gather3A_460 = tpu.vector_load_idx %arg16[%add3A_426, %add3A_459] : memref<128x128xf32, #tpu.memory_space<vmem>>[vector<16xi32>, vector<16xi32>], vector<16xf32>,
      %add3A_461 = arith.constant 3 : i32
      %add3A_462 = vector.broadcast %add3A_461 : i32 to vector<16xi32>
      %add3A_463 = arith.addi %get3A_435, %add3A_462 : vector<16xi32>
      tpu.vector_store_idx %arg18[%get3A_432, %add3A_463], %gather3A_460 : memref<128x416xf32, #tpu.memory_space<vmem>>[vector<16xi32>, vector<16xi32>], vector<16xf32>,
      %add3A_464 = arith.constant 4 : i32
      %add3A_465 = vector.broadcast %add3A_464 : i32 to vector<16xi32>
      %add3A_466 = arith.addi %get3A_429, %add3A_465 : vector<16xi32>
      %gather3A_467 = tpu.vector_load_idx %arg16[%add3A_426, %add3A_466] : memref<128x128xf32, #tpu.memory_space<vmem>>[vector<16xi32>, vector<16xi32>], vector<16xf32>,
      %add3A_468 = arith.constant 4 : i32
      %add3A_469 = vector.broadcast %add3A_468 : i32 to vector<16xi32>
      %add3A_470 = arith.addi %get3A_435, %add3A_469 : vector<16xi32>
      tpu.vector_store_idx %arg18[%get3A_432, %add3A_470], %gather3A_467 : memref<128x416xf32, #tpu.memory_space<vmem>>[vector<16xi32>, vector<16xi32>], vector<16xf32>,
      %add3A_471 = arith.constant 5 : i32
      %add3A_472 = vector.broadcast %add3A_471 : i32 to vector<16xi32>
      %add3A_473 = arith.addi %get3A_429, %add3A_472 : vector<16xi32>
      %gather3A_474 = tpu.vector_load_idx %arg16[%add3A_426, %add3A_473] : memref<128x128xf32, #tpu.memory_space<vmem>>[vector<16xi32>, vector<16xi32>], vector<16xf32>,
      %add3A_475 = arith.constant 5 : i32
      %add3A_476 = vector.broadcast %add3A_475 : i32 to vector<16xi32>
      %add3A_477 = arith.addi %get3A_435, %add3A_476 : vector<16xi32>
      tpu.vector_store_idx %arg18[%get3A_432, %add3A_477], %gather3A_474 : memref<128x416xf32, #tpu.memory_space<vmem>>[vector<16xi32>, vector<16xi32>], vector<16xf32>,
      %add3A_478 = arith.constant 6 : i32
      %add3A_479 = vector.broadcast %add3A_478 : i32 to vector<16xi32>
      %add3A_480 = arith.addi %get3A_429, %add3A_479 : vector<16xi32>
      %gather3A_481 = tpu.vector_load_idx %arg16[%add3A_426, %add3A_480] : memref<128x128xf32, #tpu.memory_space<vmem>>[vector<16xi32>, vector<16xi32>], vector<16xf32>,
      %add3A_482 = arith.constant 6 : i32
      %add3A_483 = vector.broadcast %add3A_482 : i32 to vector<16xi32>
      %add3A_484 = arith.addi %get3A_435, %add3A_483 : vector<16xi32>
      tpu.vector_store_idx %arg18[%get3A_432, %add3A_484], %gather3A_481 : memref<128x416xf32, #tpu.memory_space<vmem>>[vector<16xi32>, vector<16xi32>], vector<16xf32>,
      %add3A_485 = arith.constant 7 : i32
      %add3A_486 = vector.broadcast %add3A_485 : i32 to vector<16xi32>
      %add3A_487 = arith.addi %get3A_429, %add3A_486 : vector<16xi32>
      %gather3A_488 = tpu.vector_load_idx %arg16[%add3A_426, %add3A_487] : memref<128x128xf32, #tpu.memory_space<vmem>>[vector<16xi32>, vector<16xi32>], vector<16xf32>,
      %add3A_489 = arith.constant 7 : i32
      %add3A_490 = vector.broadcast %add3A_489 : i32 to vector<16xi32>
      %add3A_491 = arith.addi %get3A_435, %add3A_490 : vector<16xi32>
      tpu.vector_store_idx %arg18[%get3A_432, %add3A_491], %gather3A_488 : memref<128x416xf32, #tpu.memory_space<vmem>>[vector<16xi32>, vector<16xi32>], vector<16xf32>,
      %add3A_492 = arith.constant 8 : i32
      %add3A_493 = vector.broadcast %add3A_492 : i32 to vector<16xi32>
      %add3A_494 = arith.addi %get3A_429, %add3A_493 : vector<16xi32>
      %gather3A_495 = tpu.vector_load_idx %arg16[%add3A_426, %add3A_494] : memref<128x128xf32, #tpu.memory_space<vmem>>[vector<16xi32>, vector<16xi32>], vector<16xf32>,
      %add3A_496 = arith.constant 8 : i32
      %add3A_497 = vector.broadcast %add3A_496 : i32 to vector<16xi32>
      %add3A_498 = arith.addi %get3A_435, %add3A_497 : vector<16xi32>
      tpu.vector_store_idx %arg18[%get3A_432, %add3A_498], %gather3A_495 : memref<128x416xf32, #tpu.memory_space<vmem>>[vector<16xi32>, vector<16xi32>], vector<16xf32>,
      %add3A_499 = arith.constant 9 : i32
      %add3A_500 = vector.broadcast %add3A_499 : i32 to vector<16xi32>
      %add3A_501 = arith.addi %get3A_429, %add3A_500 : vector<16xi32>
      %gather3A_502 = tpu.vector_load_idx %arg16[%add3A_426, %add3A_501] : memref<128x128xf32, #tpu.memory_space<vmem>>[vector<16xi32>, vector<16xi32>], vector<16xf32>,
      %add3A_503 = arith.constant 9 : i32
      %add3A_504 = vector.broadcast %add3A_503 : i32 to vector<16xi32>
      %add3A_505 = arith.addi %get3A_435, %add3A_504 : vector<16xi32>
      tpu.vector_store_idx %arg18[%get3A_432, %add3A_505], %gather3A_502 : memref<128x416xf32, #tpu.memory_space<vmem>>[vector<16xi32>, vector<16xi32>], vector<16xf32>,
      %add3A_506 = arith.constant 10 : i32
      %add3A_507 = vector.broadcast %add3A_506 : i32 to vector<16xi32>
      %add3A_508 = arith.addi %get3A_429, %add3A_507 : vector<16xi32>
      %gather3A_509 = tpu.vector_load_idx %arg16[%add3A_426, %add3A_508] : memref<128x128xf32, #tpu.memory_space<vmem>>[vector<16xi32>, vector<16xi32>], vector<16xf32>,
      %add3A_510 = arith.constant 10 : i32
      %add3A_511 = vector.broadcast %add3A_510 : i32 to vector<16xi32>
      %add3A_512 = arith.addi %get3A_435, %add3A_511 : vector<16xi32>
      tpu.vector_store_idx %arg18[%get3A_432, %add3A_512], %gather3A_509 : memref<128x416xf32, #tpu.memory_space<vmem>>[vector<16xi32>, vector<16xi32>], vector<16xf32>,
      %add3A_513 = arith.constant 11 : i32
      %add3A_514 = vector.broadcast %add3A_513 : i32 to vector<16xi32>
      %add3A_515 = arith.addi %get3A_429, %add3A_514 : vector<16xi32>
      %gather3A_516 = tpu.vector_load_idx %arg16[%add3A_426, %add3A_515] : memref<128x128xf32, #tpu.memory_space<vmem>>[vector<16xi32>, vector<16xi32>], vector<16xf32>,
      %add3A_517 = arith.constant 11 : i32
      %add3A_518 = vector.broadcast %add3A_517 : i32 to vector<16xi32>
      %add3A_519 = arith.addi %get3A_435, %add3A_518 : vector<16xi32>
      tpu.vector_store_idx %arg18[%get3A_432, %add3A_519], %gather3A_516 : memref<128x416xf32, #tpu.memory_space<vmem>>[vector<16xi32>, vector<16xi32>], vector<16xf32>,
      %add3A_520 = arith.constant 12 : i32
      %add3A_521 = vector.broadcast %add3A_520 : i32 to vector<16xi32>
      %add3A_522 = arith.addi %get3A_429, %add3A_521 : vector<16xi32>
      %gather3A_523 = tpu.vector_load_idx %arg16[%add3A_426, %add3A_522] : memref<128x128xf32, #tpu.memory_space<vmem>>[vector<16xi32>, vector<16xi32>], vector<16xf32>,
      %add3A_524 = arith.constant 12 : i32
      %add3A_525 = vector.broadcast %add3A_524 : i32 to vector<16xi32>
      %add3A_526 = arith.addi %get3A_435, %add3A_525 : vector<16xi32>
      tpu.vector_store_idx %arg18[%get3A_432, %add3A_526], %gather3A_523 : memref<128x416xf32, #tpu.memory_space<vmem>>[vector<16xi32>, vector<16xi32>], vector<16xf32>,
      %add3A_527 = arith.constant 13 : i32
      %add3A_528 = vector.broadcast %add3A_527 : i32 to vector<16xi32>
      %add3A_529 = arith.addi %get3A_429, %add3A_528 : vector<16xi32>
      %gather3A_530 = tpu.vector_load_idx %arg16[%add3A_426, %add3A_529] : memref<128x128xf32, #tpu.memory_space<vmem>>[vector<16xi32>, vector<16xi32>], vector<16xf32>,
      %add3A_531 = arith.constant 13 : i32
      %add3A_532 = vector.broadcast %add3A_531 : i32 to vector<16xi32>
      %add3A_533 = arith.addi %get3A_435, %add3A_532 : vector<16xi32>
      tpu.vector_store_idx %arg18[%get3A_432, %add3A_533], %gather3A_530 : memref<128x416xf32, #tpu.memory_space<vmem>>[vector<16xi32>, vector<16xi32>], vector<16xf32>,
      %add3A_534 = arith.constant 14 : i32
      %add3A_535 = vector.broadcast %add3A_534 : i32 to vector<16xi32>
      %add3A_536 = arith.addi %get3A_429, %add3A_535 : vector<16xi32>
      %gather3A_537 = tpu.vector_load_idx %arg16[%add3A_426, %add3A_536] : memref<128x128xf32, #tpu.memory_space<vmem>>[vector<16xi32>, vector<16xi32>], vector<16xf32>,
      %add3A_538 = arith.constant 14 : i32
      %add3A_539 = vector.broadcast %add3A_538 : i32 to vector<16xi32>
      %add3A_540 = arith.addi %get3A_435, %add3A_539 : vector<16xi32>
      tpu.vector_store_idx %arg18[%get3A_432, %add3A_540], %gather3A_537 : memref<128x416xf32, #tpu.memory_space<vmem>>[vector<16xi32>, vector<16xi32>], vector<16xf32>,
      %add3A_541 = arith.constant 15 : i32
      %add3A_542 = vector.broadcast %add3A_541 : i32 to vector<16xi32>
      %add3A_543 = arith.addi %get3A_429, %add3A_542 : vector<16xi32>
      %gather3A_544 = tpu.vector_load_idx %arg16[%add3A_426, %add3A_543] : memref<128x128xf32, #tpu.memory_space<vmem>>[vector<16xi32>, vector<16xi32>], vector<16xf32>,
      %add3A_545 = arith.constant 15 : i32
      %add3A_546 = vector.broadcast %add3A_545 : i32 to vector<16xi32>
      %add3A_547 = arith.addi %get3A_435, %add3A_546 : vector<16xi32>
      tpu.vector_store_idx %arg18[%get3A_432, %add3A_547], %gather3A_544 : memref<128x416xf32, #tpu.memory_space<vmem>>[vector<16xi32>, vector<16xi32>], vector<16xf32>,
      %iota3A_548 = tpu.iota {dimensions = array<i32: 0>} : vector<16xi32>
      %add3A_549 = arith.constant 32 : i32
      %add3A_550 = vector.broadcast %add3A_549 : i32 to vector<16xi32>
      %add3A_551 = arith.addi %iota3A_548, %add3A_550 : vector<16xi32>
      %get3A_552 = arith.index_cast %mul3A_285 : i32 to index
      %get3A_553 = arith.constant 32 : index
      %get3A_554 = tpu.vector_load %arg12[%get3A_552, %get3A_553] {strides = array<i32>} : memref<26x128xi32, #tpu.memory_space<vmem>>, vector<16xi32>,
      %get3A_555 = arith.index_cast %mul3A_285 : i32 to index
      %get3A_556 = arith.constant 32 : index
      %get3A_557 = tpu.vector_load %arg13[%get3A_555, %get3A_556] {strides = array<i32>} : memref<26x128xi32, #tpu.memory_space<vmem>>, vector<16xi32>,
      %get3A_558 = arith.index_cast %mul3A_285 : i32 to index
      %get3A_559 = arith.constant 32 : index
      %get3A_560 = tpu.vector_load %arg14[%get3A_558, %get3A_559] {strides = array<i32>} : memref<26x128xi32, #tpu.memory_space<vmem>>, vector<16xi32>,
      %add3A_561 = arith.constant 0 : i32
      %add3A_562 = vector.broadcast %add3A_561 : i32 to vector<16xi32>
      %add3A_563 = arith.addi %get3A_554, %add3A_562 : vector<16xi32>
      %gather3A_564 = tpu.vector_load_idx %arg16[%add3A_551, %add3A_563] : memref<128x128xf32, #tpu.memory_space<vmem>>[vector<16xi32>, vector<16xi32>], vector<16xf32>,
      %add3A_565 = arith.constant 0 : i32
      %add3A_566 = vector.broadcast %add3A_565 : i32 to vector<16xi32>
      %add3A_567 = arith.addi %get3A_560, %add3A_566 : vector<16xi32>
      tpu.vector_store_idx %arg18[%get3A_557, %add3A_567], %gather3A_564 : memref<128x416xf32, #tpu.memory_space<vmem>>[vector<16xi32>, vector<16xi32>], vector<16xf32>,
      %add3A_568 = arith.constant 1 : i32
      %add3A_569 = vector.broadcast %add3A_568 : i32 to vector<16xi32>
      %add3A_570 = arith.addi %get3A_554, %add3A_569 : vector<16xi32>
      %gather3A_571 = tpu.vector_load_idx %arg16[%add3A_551, %add3A_570] : memref<128x128xf32, #tpu.memory_space<vmem>>[vector<16xi32>, vector<16xi32>], vector<16xf32>,
      %add3A_572 = arith.constant 1 : i32
      %add3A_573 = vector.broadcast %add3A_572 : i32 to vector<16xi32>
      %add3A_574 = arith.addi %get3A_560, %add3A_573 : vector<16xi32>
      tpu.vector_store_idx %arg18[%get3A_557, %add3A_574], %gather3A_571 : memref<128x416xf32, #tpu.memory_space<vmem>>[vector<16xi32>, vector<16xi32>], vector<16xf32>,
      %add3A_575 = arith.constant 2 : i32
      %add3A_576 = vector.broadcast %add3A_575 : i32 to vector<16xi32>
      %add3A_577 = arith.addi %get3A_554, %add3A_576 : vector<16xi32>
      %gather3A_578 = tpu.vector_load_idx %arg16[%add3A_551, %add3A_577] : memref<128x128xf32, #tpu.memory_space<vmem>>[vector<16xi32>, vector<16xi32>], vector<16xf32>,
      %add3A_579 = arith.constant 2 : i32
      %add3A_580 = vector.broadcast %add3A_579 : i32 to vector<16xi32>
      %add3A_581 = arith.addi %get3A_560, %add3A_580 : vector<16xi32>
      tpu.vector_store_idx %arg18[%get3A_557, %add3A_581], %gather3A_578 : memref<128x416xf32, #tpu.memory_space<vmem>>[vector<16xi32>, vector<16xi32>], vector<16xf32>,
      %add3A_582 = arith.constant 3 : i32
      %add3A_583 = vector.broadcast %add3A_582 : i32 to vector<16xi32>
      %add3A_584 = arith.addi %get3A_554, %add3A_583 : vector<16xi32>
      %gather3A_585 = tpu.vector_load_idx %arg16[%add3A_551, %add3A_584] : memref<128x128xf32, #tpu.memory_space<vmem>>[vector<16xi32>, vector<16xi32>], vector<16xf32>,
      %add3A_586 = arith.constant 3 : i32
      %add3A_587 = vector.broadcast %add3A_586 : i32 to vector<16xi32>
      %add3A_588 = arith.addi %get3A_560, %add3A_587 : vector<16xi32>
      tpu.vector_store_idx %arg18[%get3A_557, %add3A_588], %gather3A_585 : memref<128x416xf32, #tpu.memory_space<vmem>>[vector<16xi32>, vector<16xi32>], vector<16xf32>,
      %add3A_589 = arith.constant 4 : i32
      %add3A_590 = vector.broadcast %add3A_589 : i32 to vector<16xi32>
      %add3A_591 = arith.addi %get3A_554, %add3A_590 : vector<16xi32>
      %gather3A_592 = tpu.vector_load_idx %arg16[%add3A_551, %add3A_591] : memref<128x128xf32, #tpu.memory_space<vmem>>[vector<16xi32>, vector<16xi32>], vector<16xf32>,
      %add3A_593 = arith.constant 4 : i32
      %add3A_594 = vector.broadcast %add3A_593 : i32 to vector<16xi32>
      %add3A_595 = arith.addi %get3A_560, %add3A_594 : vector<16xi32>
      tpu.vector_store_idx %arg18[%get3A_557, %add3A_595], %gather3A_592 : memref<128x416xf32, #tpu.memory_space<vmem>>[vector<16xi32>, vector<16xi32>], vector<16xf32>,
      %add3A_596 = arith.constant 5 : i32
      %add3A_597 = vector.broadcast %add3A_596 : i32 to vector<16xi32>
      %add3A_598 = arith.addi %get3A_554, %add3A_597 : vector<16xi32>
      %gather3A_599 = tpu.vector_load_idx %arg16[%add3A_551, %add3A_598] : memref<128x128xf32, #tpu.memory_space<vmem>>[vector<16xi32>, vector<16xi32>], vector<16xf32>,
      %add3A_600 = arith.constant 5 : i32
      %add3A_601 = vector.broadcast %add3A_600 : i32 to vector<16xi32>
      %add3A_602 = arith.addi %get3A_560, %add3A_601 : vector<16xi32>
      tpu.vector_store_idx %arg18[%get3A_557, %add3A_602], %gather3A_599 : memref<128x416xf32, #tpu.memory_space<vmem>>[vector<16xi32>, vector<16xi32>], vector<16xf32>,
      %add3A_603 = arith.constant 6 : i32
      %add3A_604 = vector.broadcast %add3A_603 : i32 to vector<16xi32>
      %add3A_605 = arith.addi %get3A_554, %add3A_604 : vector<16xi32>
      %gather3A_606 = tpu.vector_load_idx %arg16[%add3A_551, %add3A_605] : memref<128x128xf32, #tpu.memory_space<vmem>>[vector<16xi32>, vector<16xi32>], vector<16xf32>,
      %add3A_607 = arith.constant 6 : i32
      %add3A_608 = vector.broadcast %add3A_607 : i32 to vector<16xi32>
      %add3A_609 = arith.addi %get3A_560, %add3A_608 : vector<16xi32>
      tpu.vector_store_idx %arg18[%get3A_557, %add3A_609], %gather3A_606 : memref<128x416xf32, #tpu.memory_space<vmem>>[vector<16xi32>, vector<16xi32>], vector<16xf32>,
      %add3A_610 = arith.constant 7 : i32
      %add3A_611 = vector.broadcast %add3A_610 : i32 to vector<16xi32>
      %add3A_612 = arith.addi %get3A_554, %add3A_611 : vector<16xi32>
      %gather3A_613 = tpu.vector_load_idx %arg16[%add3A_551, %add3A_612] : memref<128x128xf32, #tpu.memory_space<vmem>>[vector<16xi32>, vector<16xi32>], vector<16xf32>,
      %add3A_614 = arith.constant 7 : i32
      %add3A_615 = vector.broadcast %add3A_614 : i32 to vector<16xi32>
      %add3A_616 = arith.addi %get3A_560, %add3A_615 : vector<16xi32>
      tpu.vector_store_idx %arg18[%get3A_557, %add3A_616], %gather3A_613 : memref<128x416xf32, #tpu.memory_space<vmem>>[vector<16xi32>, vector<16xi32>], vector<16xf32>,
      %add3A_617 = arith.constant 8 : i32
      %add3A_618 = vector.broadcast %add3A_617 : i32 to vector<16xi32>
      %add3A_619 = arith.addi %get3A_554, %add3A_618 : vector<16xi32>
      %gather3A_620 = tpu.vector_load_idx %arg16[%add3A_551, %add3A_619] : memref<128x128xf32, #tpu.memory_space<vmem>>[vector<16xi32>, vector<16xi32>], vector<16xf32>,
      %add3A_621 = arith.constant 8 : i32
      %add3A_622 = vector.broadcast %add3A_621 : i32 to vector<16xi32>
      %add3A_623 = arith.addi %get3A_560, %add3A_622 : vector<16xi32>
      tpu.vector_store_idx %arg18[%get3A_557, %add3A_623], %gather3A_620 : memref<128x416xf32, #tpu.memory_space<vmem>>[vector<16xi32>, vector<16xi32>], vector<16xf32>,
      %add3A_624 = arith.constant 9 : i32
      %add3A_625 = vector.broadcast %add3A_624 : i32 to vector<16xi32>
      %add3A_626 = arith.addi %get3A_554, %add3A_625 : vector<16xi32>
      %gather3A_627 = tpu.vector_load_idx %arg16[%add3A_551, %add3A_626] : memref<128x128xf32, #tpu.memory_space<vmem>>[vector<16xi32>, vector<16xi32>], vector<16xf32>,
      %add3A_628 = arith.constant 9 : i32
      %add3A_629 = vector.broadcast %add3A_628 : i32 to vector<16xi32>
      %add3A_630 = arith.addi %get3A_560, %add3A_629 : vector<16xi32>
      tpu.vector_store_idx %arg18[%get3A_557, %add3A_630], %gather3A_627 : memref<128x416xf32, #tpu.memory_space<vmem>>[vector<16xi32>, vector<16xi32>], vector<16xf32>,
      %add3A_631 = arith.constant 10 : i32
      %add3A_632 = vector.broadcast %add3A_631 : i32 to vector<16xi32>
      %add3A_633 = arith.addi %get3A_554, %add3A_632 : vector<16xi32>
      %gather3A_634 = tpu.vector_load_idx %arg16[%add3A_551, %add3A_633] : memref<128x128xf32, #tpu.memory_space<vmem>>[vector<16xi32>, vector<16xi32>], vector<16xf32>,
      %add3A_635 = arith.constant 10 : i32
      %add3A_636 = vector.broadcast %add3A_635 : i32 to vector<16xi32>
      %add3A_637 = arith.addi %get3A_560, %add3A_636 : vector<16xi32>
      tpu.vector_store_idx %arg18[%get3A_557, %add3A_637], %gather3A_634 : memref<128x416xf32, #tpu.memory_space<vmem>>[vector<16xi32>, vector<16xi32>], vector<16xf32>,
      %add3A_638 = arith.constant 11 : i32
      %add3A_639 = vector.broadcast %add3A_638 : i32 to vector<16xi32>
      %add3A_640 = arith.addi %get3A_554, %add3A_639 : vector<16xi32>
      %gather3A_641 = tpu.vector_load_idx %arg16[%add3A_551, %add3A_640] : memref<128x128xf32, #tpu.memory_space<vmem>>[vector<16xi32>, vector<16xi32>], vector<16xf32>,
      %add3A_642 = arith.constant 11 : i32
      %add3A_643 = vector.broadcast %add3A_642 : i32 to vector<16xi32>
      %add3A_644 = arith.addi %get3A_560, %add3A_643 : vector<16xi32>
      tpu.vector_store_idx %arg18[%get3A_557, %add3A_644], %gather3A_641 : memref<128x416xf32, #tpu.memory_space<vmem>>[vector<16xi32>, vector<16xi32>], vector<16xf32>,
      %add3A_645 = arith.constant 12 : i32
      %add3A_646 = vector.broadcast %add3A_645 : i32 to vector<16xi32>
      %add3A_647 = arith.addi %get3A_554, %add3A_646 : vector<16xi32>
      %gather3A_648 = tpu.vector_load_idx %arg16[%add3A_551, %add3A_647] : memref<128x128xf32, #tpu.memory_space<vmem>>[vector<16xi32>, vector<16xi32>], vector<16xf32>,
      %add3A_649 = arith.constant 12 : i32
      %add3A_650 = vector.broadcast %add3A_649 : i32 to vector<16xi32>
      %add3A_651 = arith.addi %get3A_560, %add3A_650 : vector<16xi32>
      tpu.vector_store_idx %arg18[%get3A_557, %add3A_651], %gather3A_648 : memref<128x416xf32, #tpu.memory_space<vmem>>[vector<16xi32>, vector<16xi32>], vector<16xf32>,
      %add3A_652 = arith.constant 13 : i32
      %add3A_653 = vector.broadcast %add3A_652 : i32 to vector<16xi32>
      %add3A_654 = arith.addi %get3A_554, %add3A_653 : vector<16xi32>
      %gather3A_655 = tpu.vector_load_idx %arg16[%add3A_551, %add3A_654] : memref<128x128xf32, #tpu.memory_space<vmem>>[vector<16xi32>, vector<16xi32>], vector<16xf32>,
      %add3A_656 = arith.constant 13 : i32
      %add3A_657 = vector.broadcast %add3A_656 : i32 to vector<16xi32>
      %add3A_658 = arith.addi %get3A_560, %add3A_657 : vector<16xi32>
      tpu.vector_store_idx %arg18[%get3A_557, %add3A_658], %gather3A_655 : memref<128x416xf32, #tpu.memory_space<vmem>>[vector<16xi32>, vector<16xi32>], vector<16xf32>,
      %add3A_659 = arith.constant 14 : i32
      %add3A_660 = vector.broadcast %add3A_659 : i32 to vector<16xi32>
      %add3A_661 = arith.addi %get3A_554, %add3A_660 : vector<16xi32>
      %gather3A_662 = tpu.vector_load_idx %arg16[%add3A_551, %add3A_661] : memref<128x128xf32, #tpu.memory_space<vmem>>[vector<16xi32>, vector<16xi32>], vector<16xf32>,
      %add3A_663 = arith.constant 14 : i32
      %add3A_664 = vector.broadcast %add3A_663 : i32 to vector<16xi32>
      %add3A_665 = arith.addi %get3A_560, %add3A_664 : vector<16xi32>
      tpu.vector_store_idx %arg18[%get3A_557, %add3A_665], %gather3A_662 : memref<128x416xf32, #tpu.memory_space<vmem>>[vector<16xi32>, vector<16xi32>], vector<16xf32>,
      %add3A_666 = arith.constant 15 : i32
      %add3A_667 = vector.broadcast %add3A_666 : i32 to vector<16xi32>
      %add3A_668 = arith.addi %get3A_554, %add3A_667 : vector<16xi32>
      %gather3A_669 = tpu.vector_load_idx %arg16[%add3A_551, %add3A_668] : memref<128x128xf32, #tpu.memory_space<vmem>>[vector<16xi32>, vector<16xi32>], vector<16xf32>,
      %add3A_670 = arith.constant 15 : i32
      %add3A_671 = vector.broadcast %add3A_670 : i32 to vector<16xi32>
      %add3A_672 = arith.addi %get3A_560, %add3A_671 : vector<16xi32>
      tpu.vector_store_idx %arg18[%get3A_557, %add3A_672], %gather3A_669 : memref<128x416xf32, #tpu.memory_space<vmem>>[vector<16xi32>, vector<16xi32>], vector<16xf32>,
      %iota3A_673 = tpu.iota {dimensions = array<i32: 0>} : vector<16xi32>
      %add3A_674 = arith.constant 48 : i32
      %add3A_675 = vector.broadcast %add3A_674 : i32 to vector<16xi32>
      %add3A_676 = arith.addi %iota3A_673, %add3A_675 : vector<16xi32>
      %get3A_677 = arith.index_cast %mul3A_285 : i32 to index
      %get3A_678 = arith.constant 48 : index
      %get3A_679 = tpu.vector_load %arg12[%get3A_677, %get3A_678] {strides = array<i32>} : memref<26x128xi32, #tpu.memory_space<vmem>>, vector<16xi32>,
      %get3A_680 = arith.index_cast %mul3A_285 : i32 to index
      %get3A_681 = arith.constant 48 : index
      %get3A_682 = tpu.vector_load %arg13[%get3A_680, %get3A_681] {strides = array<i32>} : memref<26x128xi32, #tpu.memory_space<vmem>>, vector<16xi32>,
      %get3A_683 = arith.index_cast %mul3A_285 : i32 to index
      %get3A_684 = arith.constant 48 : index
      %get3A_685 = tpu.vector_load %arg14[%get3A_683, %get3A_684] {strides = array<i32>} : memref<26x128xi32, #tpu.memory_space<vmem>>, vector<16xi32>,
      %add3A_686 = arith.constant 0 : i32
      %add3A_687 = vector.broadcast %add3A_686 : i32 to vector<16xi32>
      %add3A_688 = arith.addi %get3A_679, %add3A_687 : vector<16xi32>
      %gather3A_689 = tpu.vector_load_idx %arg16[%add3A_676, %add3A_688] : memref<128x128xf32, #tpu.memory_space<vmem>>[vector<16xi32>, vector<16xi32>], vector<16xf32>,
      %add3A_690 = arith.constant 0 : i32
      %add3A_691 = vector.broadcast %add3A_690 : i32 to vector<16xi32>
      %add3A_692 = arith.addi %get3A_685, %add3A_691 : vector<16xi32>
      tpu.vector_store_idx %arg18[%get3A_682, %add3A_692], %gather3A_689 : memref<128x416xf32, #tpu.memory_space<vmem>>[vector<16xi32>, vector<16xi32>], vector<16xf32>,
      %add3A_693 = arith.constant 1 : i32
      %add3A_694 = vector.broadcast %add3A_693 : i32 to vector<16xi32>
      %add3A_695 = arith.addi %get3A_679, %add3A_694 : vector<16xi32>
      %gather3A_696 = tpu.vector_load_idx %arg16[%add3A_676, %add3A_695] : memref<128x128xf32, #tpu.memory_space<vmem>>[vector<16xi32>, vector<16xi32>], vector<16xf32>,
      %add3A_697 = arith.constant 1 : i32
      %add3A_698 = vector.broadcast %add3A_697 : i32 to vector<16xi32>
      %add3A_699 = arith.addi %get3A_685, %add3A_698 : vector<16xi32>
      tpu.vector_store_idx %arg18[%get3A_682, %add3A_699], %gather3A_696 : memref<128x416xf32, #tpu.memory_space<vmem>>[vector<16xi32>, vector<16xi32>], vector<16xf32>,
      %add3A_700 = arith.constant 2 : i32
      %add3A_701 = vector.broadcast %add3A_700 : i32 to vector<16xi32>
      %add3A_702 = arith.addi %get3A_679, %add3A_701 : vector<16xi32>
      %gather3A_703 = tpu.vector_load_idx %arg16[%add3A_676, %add3A_702] : memref<128x128xf32, #tpu.memory_space<vmem>>[vector<16xi32>, vector<16xi32>], vector<16xf32>,
      %add3A_704 = arith.constant 2 : i32
      %add3A_705 = vector.broadcast %add3A_704 : i32 to vector<16xi32>
      %add3A_706 = arith.addi %get3A_685, %add3A_705 : vector<16xi32>
      tpu.vector_store_idx %arg18[%get3A_682, %add3A_706], %gather3A_703 : memref<128x416xf32, #tpu.memory_space<vmem>>[vector<16xi32>, vector<16xi32>], vector<16xf32>,
      %add3A_707 = arith.constant 3 : i32
      %add3A_708 = vector.broadcast %add3A_707 : i32 to vector<16xi32>
      %add3A_709 = arith.addi %get3A_679, %add3A_708 : vector<16xi32>
      %gather3A_710 = tpu.vector_load_idx %arg16[%add3A_676, %add3A_709] : memref<128x128xf32, #tpu.memory_space<vmem>>[vector<16xi32>, vector<16xi32>], vector<16xf32>,
      %add3A_711 = arith.constant 3 : i32
      %add3A_712 = vector.broadcast %add3A_711 : i32 to vector<16xi32>
      %add3A_713 = arith.addi %get3A_685, %add3A_712 : vector<16xi32>
      tpu.vector_store_idx %arg18[%get3A_682, %add3A_713], %gather3A_710 : memref<128x416xf32, #tpu.memory_space<vmem>>[vector<16xi32>, vector<16xi32>], vector<16xf32>,
      %add3A_714 = arith.constant 4 : i32
      %add3A_715 = vector.broadcast %add3A_714 : i32 to vector<16xi32>
      %add3A_716 = arith.addi %get3A_679, %add3A_715 : vector<16xi32>
      %gather3A_717 = tpu.vector_load_idx %arg16[%add3A_676, %add3A_716] : memref<128x128xf32, #tpu.memory_space<vmem>>[vector<16xi32>, vector<16xi32>], vector<16xf32>,
      %add3A_718 = arith.constant 4 : i32
      %add3A_719 = vector.broadcast %add3A_718 : i32 to vector<16xi32>
      %add3A_720 = arith.addi %get3A_685, %add3A_719 : vector<16xi32>
      tpu.vector_store_idx %arg18[%get3A_682, %add3A_720], %gather3A_717 : memref<128x416xf32, #tpu.memory_space<vmem>>[vector<16xi32>, vector<16xi32>], vector<16xf32>,
      %add3A_721 = arith.constant 5 : i32
      %add3A_722 = vector.broadcast %add3A_721 : i32 to vector<16xi32>
      %add3A_723 = arith.addi %get3A_679, %add3A_722 : vector<16xi32>
      %gather3A_724 = tpu.vector_load_idx %arg16[%add3A_676, %add3A_723] : memref<128x128xf32, #tpu.memory_space<vmem>>[vector<16xi32>, vector<16xi32>], vector<16xf32>,
      %add3A_725 = arith.constant 5 : i32
      %add3A_726 = vector.broadcast %add3A_725 : i32 to vector<16xi32>
      %add3A_727 = arith.addi %get3A_685, %add3A_726 : vector<16xi32>
      tpu.vector_store_idx %arg18[%get3A_682, %add3A_727], %gather3A_724 : memref<128x416xf32, #tpu.memory_space<vmem>>[vector<16xi32>, vector<16xi32>], vector<16xf32>,
      %add3A_728 = arith.constant 6 : i32
      %add3A_729 = vector.broadcast %add3A_728 : i32 to vector<16xi32>
      %add3A_730 = arith.addi %get3A_679, %add3A_729 : vector<16xi32>
      %gather3A_731 = tpu.vector_load_idx %arg16[%add3A_676, %add3A_730] : memref<128x128xf32, #tpu.memory_space<vmem>>[vector<16xi32>, vector<16xi32>], vector<16xf32>,
      %add3A_732 = arith.constant 6 : i32
      %add3A_733 = vector.broadcast %add3A_732 : i32 to vector<16xi32>
      %add3A_734 = arith.addi %get3A_685, %add3A_733 : vector<16xi32>
      tpu.vector_store_idx %arg18[%get3A_682, %add3A_734], %gather3A_731 : memref<128x416xf32, #tpu.memory_space<vmem>>[vector<16xi32>, vector<16xi32>], vector<16xf32>,
      %add3A_735 = arith.constant 7 : i32
      %add3A_736 = vector.broadcast %add3A_735 : i32 to vector<16xi32>
      %add3A_737 = arith.addi %get3A_679, %add3A_736 : vector<16xi32>
      %gather3A_738 = tpu.vector_load_idx %arg16[%add3A_676, %add3A_737] : memref<128x128xf32, #tpu.memory_space<vmem>>[vector<16xi32>, vector<16xi32>], vector<16xf32>,
      %add3A_739 = arith.constant 7 : i32
      %add3A_740 = vector.broadcast %add3A_739 : i32 to vector<16xi32>
      %add3A_741 = arith.addi %get3A_685, %add3A_740 : vector<16xi32>
      tpu.vector_store_idx %arg18[%get3A_682, %add3A_741], %gather3A_738 : memref<128x416xf32, #tpu.memory_space<vmem>>[vector<16xi32>, vector<16xi32>], vector<16xf32>,
      %add3A_742 = arith.constant 8 : i32
      %add3A_743 = vector.broadcast %add3A_742 : i32 to vector<16xi32>
      %add3A_744 = arith.addi %get3A_679, %add3A_743 : vector<16xi32>
      %gather3A_745 = tpu.vector_load_idx %arg16[%add3A_676, %add3A_744] : memref<128x128xf32, #tpu.memory_space<vmem>>[vector<16xi32>, vector<16xi32>], vector<16xf32>,
      %add3A_746 = arith.constant 8 : i32
      %add3A_747 = vector.broadcast %add3A_746 : i32 to vector<16xi32>
      %add3A_748 = arith.addi %get3A_685, %add3A_747 : vector<16xi32>
      tpu.vector_store_idx %arg18[%get3A_682, %add3A_748], %gather3A_745 : memref<128x416xf32, #tpu.memory_space<vmem>>[vector<16xi32>, vector<16xi32>], vector<16xf32>,
      %add3A_749 = arith.constant 9 : i32
      %add3A_750 = vector.broadcast %add3A_749 : i32 to vector<16xi32>
      %add3A_751 = arith.addi %get3A_679, %add3A_750 : vector<16xi32>
      %gather3A_752 = tpu.vector_load_idx %arg16[%add3A_676, %add3A_751] : memref<128x128xf32, #tpu.memory_space<vmem>>[vector<16xi32>, vector<16xi32>], vector<16xf32>,
      %add3A_753 = arith.constant 9 : i32
      %add3A_754 = vector.broadcast %add3A_753 : i32 to vector<16xi32>
      %add3A_755 = arith.addi %get3A_685, %add3A_754 : vector<16xi32>
      tpu.vector_store_idx %arg18[%get3A_682, %add3A_755], %gather3A_752 : memref<128x416xf32, #tpu.memory_space<vmem>>[vector<16xi32>, vector<16xi32>], vector<16xf32>,
      %add3A_756 = arith.constant 10 : i32
      %add3A_757 = vector.broadcast %add3A_756 : i32 to vector<16xi32>
      %add3A_758 = arith.addi %get3A_679, %add3A_757 : vector<16xi32>
      %gather3A_759 = tpu.vector_load_idx %arg16[%add3A_676, %add3A_758] : memref<128x128xf32, #tpu.memory_space<vmem>>[vector<16xi32>, vector<16xi32>], vector<16xf32>,
      %add3A_760 = arith.constant 10 : i32
      %add3A_761 = vector.broadcast %add3A_760 : i32 to vector<16xi32>
      %add3A_762 = arith.addi %get3A_685, %add3A_761 : vector<16xi32>
      tpu.vector_store_idx %arg18[%get3A_682, %add3A_762], %gather3A_759 : memref<128x416xf32, #tpu.memory_space<vmem>>[vector<16xi32>, vector<16xi32>], vector<16xf32>,
      %add3A_763 = arith.constant 11 : i32
      %add3A_764 = vector.broadcast %add3A_763 : i32 to vector<16xi32>
      %add3A_765 = arith.addi %get3A_679, %add3A_764 : vector<16xi32>
      %gather3A_766 = tpu.vector_load_idx %arg16[%add3A_676, %add3A_765] : memref<128x128xf32, #tpu.memory_space<vmem>>[vector<16xi32>, vector<16xi32>], vector<16xf32>,
      %add3A_767 = arith.constant 11 : i32
      %add3A_768 = vector.broadcast %add3A_767 : i32 to vector<16xi32>
      %add3A_769 = arith.addi %get3A_685, %add3A_768 : vector<16xi32>
      tpu.vector_store_idx %arg18[%get3A_682, %add3A_769], %gather3A_766 : memref<128x416xf32, #tpu.memory_space<vmem>>[vector<16xi32>, vector<16xi32>], vector<16xf32>,
      %add3A_770 = arith.constant 12 : i32
      %add3A_771 = vector.broadcast %add3A_770 : i32 to vector<16xi32>
      %add3A_772 = arith.addi %get3A_679, %add3A_771 : vector<16xi32>
      %gather3A_773 = tpu.vector_load_idx %arg16[%add3A_676, %add3A_772] : memref<128x128xf32, #tpu.memory_space<vmem>>[vector<16xi32>, vector<16xi32>], vector<16xf32>,
      %add3A_774 = arith.constant 12 : i32
      %add3A_775 = vector.broadcast %add3A_774 : i32 to vector<16xi32>
      %add3A_776 = arith.addi %get3A_685, %add3A_775 : vector<16xi32>
      tpu.vector_store_idx %arg18[%get3A_682, %add3A_776], %gather3A_773 : memref<128x416xf32, #tpu.memory_space<vmem>>[vector<16xi32>, vector<16xi32>], vector<16xf32>,
      %add3A_777 = arith.constant 13 : i32
      %add3A_778 = vector.broadcast %add3A_777 : i32 to vector<16xi32>
      %add3A_779 = arith.addi %get3A_679, %add3A_778 : vector<16xi32>
      %gather3A_780 = tpu.vector_load_idx %arg16[%add3A_676, %add3A_779] : memref<128x128xf32, #tpu.memory_space<vmem>>[vector<16xi32>, vector<16xi32>], vector<16xf32>,
      %add3A_781 = arith.constant 13 : i32
      %add3A_782 = vector.broadcast %add3A_781 : i32 to vector<16xi32>
      %add3A_783 = arith.addi %get3A_685, %add3A_782 : vector<16xi32>
      tpu.vector_store_idx %arg18[%get3A_682, %add3A_783], %gather3A_780 : memref<128x416xf32, #tpu.memory_space<vmem>>[vector<16xi32>, vector<16xi32>], vector<16xf32>,
      %add3A_784 = arith.constant 14 : i32
      %add3A_785 = vector.broadcast %add3A_784 : i32 to vector<16xi32>
      %add3A_786 = arith.addi %get3A_679, %add3A_785 : vector<16xi32>
      %gather3A_787 = tpu.vector_load_idx %arg16[%add3A_676, %add3A_786] : memref<128x128xf32, #tpu.memory_space<vmem>>[vector<16xi32>, vector<16xi32>], vector<16xf32>,
      %add3A_788 = arith.constant 14 : i32
      %add3A_789 = vector.broadcast %add3A_788 : i32 to vector<16xi32>
      %add3A_790 = arith.addi %get3A_685, %add3A_789 : vector<16xi32>
      tpu.vector_store_idx %arg18[%get3A_682, %add3A_790], %gather3A_787 : memref<128x416xf32, #tpu.memory_space<vmem>>[vector<16xi32>, vector<16xi32>], vector<16xf32>,
      %add3A_791 = arith.constant 15 : i32
      %add3A_792 = vector.broadcast %add3A_791 : i32 to vector<16xi32>
      %add3A_793 = arith.addi %get3A_679, %add3A_792 : vector<16xi32>
      %gather3A_794 = tpu.vector_load_idx %arg16[%add3A_676, %add3A_793] : memref<128x128xf32, #tpu.memory_space<vmem>>[vector<16xi32>, vector<16xi32>], vector<16xf32>,
      %add3A_795 = arith.constant 15 : i32
      %add3A_796 = vector.broadcast %add3A_795 : i32 to vector<16xi32>
      %add3A_797 = arith.addi %get3A_685, %add3A_796 : vector<16xi32>
      tpu.vector_store_idx %arg18[%get3A_682, %add3A_797], %gather3A_794 : memref<128x416xf32, #tpu.memory_space<vmem>>[vector<16xi32>, vector<16xi32>], vector<16xf32>,
      %iota3A_798 = tpu.iota {dimensions = array<i32: 0>} : vector<16xi32>
      %add3A_799 = arith.constant 64 : i32
      %add3A_800 = vector.broadcast %add3A_799 : i32 to vector<16xi32>
      %add3A_801 = arith.addi %iota3A_798, %add3A_800 : vector<16xi32>
      %get3A_802 = arith.index_cast %mul3A_285 : i32 to index
      %get3A_803 = arith.constant 64 : index
      %get3A_804 = tpu.vector_load %arg12[%get3A_802, %get3A_803] {strides = array<i32>} : memref<26x128xi32, #tpu.memory_space<vmem>>, vector<16xi32>,
      %get3A_805 = arith.index_cast %mul3A_285 : i32 to index
      %get3A_806 = arith.constant 64 : index
      %get3A_807 = tpu.vector_load %arg13[%get3A_805, %get3A_806] {strides = array<i32>} : memref<26x128xi32, #tpu.memory_space<vmem>>, vector<16xi32>,
      %get3A_808 = arith.index_cast %mul3A_285 : i32 to index
      %get3A_809 = arith.constant 64 : index
      %get3A_810 = tpu.vector_load %arg14[%get3A_808, %get3A_809] {strides = array<i32>} : memref<26x128xi32, #tpu.memory_space<vmem>>, vector<16xi32>,
      %add3A_811 = arith.constant 0 : i32
      %add3A_812 = vector.broadcast %add3A_811 : i32 to vector<16xi32>
      %add3A_813 = arith.addi %get3A_804, %add3A_812 : vector<16xi32>
      %gather3A_814 = tpu.vector_load_idx %arg16[%add3A_801, %add3A_813] : memref<128x128xf32, #tpu.memory_space<vmem>>[vector<16xi32>, vector<16xi32>], vector<16xf32>,
      %add3A_815 = arith.constant 0 : i32
      %add3A_816 = vector.broadcast %add3A_815 : i32 to vector<16xi32>
      %add3A_817 = arith.addi %get3A_810, %add3A_816 : vector<16xi32>
      tpu.vector_store_idx %arg18[%get3A_807, %add3A_817], %gather3A_814 : memref<128x416xf32, #tpu.memory_space<vmem>>[vector<16xi32>, vector<16xi32>], vector<16xf32>,
      %add3A_818 = arith.constant 1 : i32
      %add3A_819 = vector.broadcast %add3A_818 : i32 to vector<16xi32>
      %add3A_820 = arith.addi %get3A_804, %add3A_819 : vector<16xi32>
      %gather3A_821 = tpu.vector_load_idx %arg16[%add3A_801, %add3A_820] : memref<128x128xf32, #tpu.memory_space<vmem>>[vector<16xi32>, vector<16xi32>], vector<16xf32>,
      %add3A_822 = arith.constant 1 : i32
      %add3A_823 = vector.broadcast %add3A_822 : i32 to vector<16xi32>
      %add3A_824 = arith.addi %get3A_810, %add3A_823 : vector<16xi32>
      tpu.vector_store_idx %arg18[%get3A_807, %add3A_824], %gather3A_821 : memref<128x416xf32, #tpu.memory_space<vmem>>[vector<16xi32>, vector<16xi32>], vector<16xf32>,
      %add3A_825 = arith.constant 2 : i32
      %add3A_826 = vector.broadcast %add3A_825 : i32 to vector<16xi32>
      %add3A_827 = arith.addi %get3A_804, %add3A_826 : vector<16xi32>
      %gather3A_828 = tpu.vector_load_idx %arg16[%add3A_801, %add3A_827] : memref<128x128xf32, #tpu.memory_space<vmem>>[vector<16xi32>, vector<16xi32>], vector<16xf32>,
      %add3A_829 = arith.constant 2 : i32
      %add3A_830 = vector.broadcast %add3A_829 : i32 to vector<16xi32>
      %add3A_831 = arith.addi %get3A_810, %add3A_830 : vector<16xi32>
      tpu.vector_store_idx %arg18[%get3A_807, %add3A_831], %gather3A_828 : memref<128x416xf32, #tpu.memory_space<vmem>>[vector<16xi32>, vector<16xi32>], vector<16xf32>,
      %add3A_832 = arith.constant 3 : i32
      %add3A_833 = vector.broadcast %add3A_832 : i32 to vector<16xi32>
      %add3A_834 = arith.addi %get3A_804, %add3A_833 : vector<16xi32>
      %gather3A_835 = tpu.vector_load_idx %arg16[%add3A_801, %add3A_834] : memref<128x128xf32, #tpu.memory_space<vmem>>[vector<16xi32>, vector<16xi32>], vector<16xf32>,
      %add3A_836 = arith.constant 3 : i32
      %add3A_837 = vector.broadcast %add3A_836 : i32 to vector<16xi32>
      %add3A_838 = arith.addi %get3A_810, %add3A_837 : vector<16xi32>
      tpu.vector_store_idx %arg18[%get3A_807, %add3A_838], %gather3A_835 : memref<128x416xf32, #tpu.memory_space<vmem>>[vector<16xi32>, vector<16xi32>], vector<16xf32>,
      %add3A_839 = arith.constant 4 : i32
      %add3A_840 = vector.broadcast %add3A_839 : i32 to vector<16xi32>
      %add3A_841 = arith.addi %get3A_804, %add3A_840 : vector<16xi32>
      %gather3A_842 = tpu.vector_load_idx %arg16[%add3A_801, %add3A_841] : memref<128x128xf32, #tpu.memory_space<vmem>>[vector<16xi32>, vector<16xi32>], vector<16xf32>,
      %add3A_843 = arith.constant 4 : i32
      %add3A_844 = vector.broadcast %add3A_843 : i32 to vector<16xi32>
      %add3A_845 = arith.addi %get3A_810, %add3A_844 : vector<16xi32>
      tpu.vector_store_idx %arg18[%get3A_807, %add3A_845], %gather3A_842 : memref<128x416xf32, #tpu.memory_space<vmem>>[vector<16xi32>, vector<16xi32>], vector<16xf32>,
      %add3A_846 = arith.constant 5 : i32
      %add3A_847 = vector.broadcast %add3A_846 : i32 to vector<16xi32>
      %add3A_848 = arith.addi %get3A_804, %add3A_847 : vector<16xi32>
      %gather3A_849 = tpu.vector_load_idx %arg16[%add3A_801, %add3A_848] : memref<128x128xf32, #tpu.memory_space<vmem>>[vector<16xi32>, vector<16xi32>], vector<16xf32>,
      %add3A_850 = arith.constant 5 : i32
      %add3A_851 = vector.broadcast %add3A_850 : i32 to vector<16xi32>
      %add3A_852 = arith.addi %get3A_810, %add3A_851 : vector<16xi32>
      tpu.vector_store_idx %arg18[%get3A_807, %add3A_852], %gather3A_849 : memref<128x416xf32, #tpu.memory_space<vmem>>[vector<16xi32>, vector<16xi32>], vector<16xf32>,
      %add3A_853 = arith.constant 6 : i32
      %add3A_854 = vector.broadcast %add3A_853 : i32 to vector<16xi32>
      %add3A_855 = arith.addi %get3A_804, %add3A_854 : vector<16xi32>
      %gather3A_856 = tpu.vector_load_idx %arg16[%add3A_801, %add3A_855] : memref<128x128xf32, #tpu.memory_space<vmem>>[vector<16xi32>, vector<16xi32>], vector<16xf32>,
      %add3A_857 = arith.constant 6 : i32
      %add3A_858 = vector.broadcast %add3A_857 : i32 to vector<16xi32>
      %add3A_859 = arith.addi %get3A_810, %add3A_858 : vector<16xi32>
      tpu.vector_store_idx %arg18[%get3A_807, %add3A_859], %gather3A_856 : memref<128x416xf32, #tpu.memory_space<vmem>>[vector<16xi32>, vector<16xi32>], vector<16xf32>,
      %add3A_860 = arith.constant 7 : i32
      %add3A_861 = vector.broadcast %add3A_860 : i32 to vector<16xi32>
      %add3A_862 = arith.addi %get3A_804, %add3A_861 : vector<16xi32>
      %gather3A_863 = tpu.vector_load_idx %arg16[%add3A_801, %add3A_862] : memref<128x128xf32, #tpu.memory_space<vmem>>[vector<16xi32>, vector<16xi32>], vector<16xf32>,
      %add3A_864 = arith.constant 7 : i32
      %add3A_865 = vector.broadcast %add3A_864 : i32 to vector<16xi32>
      %add3A_866 = arith.addi %get3A_810, %add3A_865 : vector<16xi32>
      tpu.vector_store_idx %arg18[%get3A_807, %add3A_866], %gather3A_863 : memref<128x416xf32, #tpu.memory_space<vmem>>[vector<16xi32>, vector<16xi32>], vector<16xf32>,
      %add3A_867 = arith.constant 8 : i32
      %add3A_868 = vector.broadcast %add3A_867 : i32 to vector<16xi32>
      %add3A_869 = arith.addi %get3A_804, %add3A_868 : vector<16xi32>
      %gather3A_870 = tpu.vector_load_idx %arg16[%add3A_801, %add3A_869] : memref<128x128xf32, #tpu.memory_space<vmem>>[vector<16xi32>, vector<16xi32>], vector<16xf32>,
      %add3A_871 = arith.constant 8 : i32
      %add3A_872 = vector.broadcast %add3A_871 : i32 to vector<16xi32>
      %add3A_873 = arith.addi %get3A_810, %add3A_872 : vector<16xi32>
      tpu.vector_store_idx %arg18[%get3A_807, %add3A_873], %gather3A_870 : memref<128x416xf32, #tpu.memory_space<vmem>>[vector<16xi32>, vector<16xi32>], vector<16xf32>,
      %add3A_874 = arith.constant 9 : i32
      %add3A_875 = vector.broadcast %add3A_874 : i32 to vector<16xi32>
      %add3A_876 = arith.addi %get3A_804, %add3A_875 : vector<16xi32>
      %gather3A_877 = tpu.vector_load_idx %arg16[%add3A_801, %add3A_876] : memref<128x128xf32, #tpu.memory_space<vmem>>[vector<16xi32>, vector<16xi32>], vector<16xf32>,
      %add3A_878 = arith.constant 9 : i32
      %add3A_879 = vector.broadcast %add3A_878 : i32 to vector<16xi32>
      %add3A_880 = arith.addi %get3A_810, %add3A_879 : vector<16xi32>
      tpu.vector_store_idx %arg18[%get3A_807, %add3A_880], %gather3A_877 : memref<128x416xf32, #tpu.memory_space<vmem>>[vector<16xi32>, vector<16xi32>], vector<16xf32>,
      %add3A_881 = arith.constant 10 : i32
      %add3A_882 = vector.broadcast %add3A_881 : i32 to vector<16xi32>
      %add3A_883 = arith.addi %get3A_804, %add3A_882 : vector<16xi32>
      %gather3A_884 = tpu.vector_load_idx %arg16[%add3A_801, %add3A_883] : memref<128x128xf32, #tpu.memory_space<vmem>>[vector<16xi32>, vector<16xi32>], vector<16xf32>,
      %add3A_885 = arith.constant 10 : i32
      %add3A_886 = vector.broadcast %add3A_885 : i32 to vector<16xi32>
      %add3A_887 = arith.addi %get3A_810, %add3A_886 : vector<16xi32>
      tpu.vector_store_idx %arg18[%get3A_807, %add3A_887], %gather3A_884 : memref<128x416xf32, #tpu.memory_space<vmem>>[vector<16xi32>, vector<16xi32>], vector<16xf32>,
      %add3A_888 = arith.constant 11 : i32
      %add3A_889 = vector.broadcast %add3A_888 : i32 to vector<16xi32>
      %add3A_890 = arith.addi %get3A_804, %add3A_889 : vector<16xi32>
      %gather3A_891 = tpu.vector_load_idx %arg16[%add3A_801, %add3A_890] : memref<128x128xf32, #tpu.memory_space<vmem>>[vector<16xi32>, vector<16xi32>], vector<16xf32>,
      %add3A_892 = arith.constant 11 : i32
      %add3A_893 = vector.broadcast %add3A_892 : i32 to vector<16xi32>
      %add3A_894 = arith.addi %get3A_810, %add3A_893 : vector<16xi32>
      tpu.vector_store_idx %arg18[%get3A_807, %add3A_894], %gather3A_891 : memref<128x416xf32, #tpu.memory_space<vmem>>[vector<16xi32>, vector<16xi32>], vector<16xf32>,
      %add3A_895 = arith.constant 12 : i32
      %add3A_896 = vector.broadcast %add3A_895 : i32 to vector<16xi32>
      %add3A_897 = arith.addi %get3A_804, %add3A_896 : vector<16xi32>
      %gather3A_898 = tpu.vector_load_idx %arg16[%add3A_801, %add3A_897] : memref<128x128xf32, #tpu.memory_space<vmem>>[vector<16xi32>, vector<16xi32>], vector<16xf32>,
      %add3A_899 = arith.constant 12 : i32
      %add3A_900 = vector.broadcast %add3A_899 : i32 to vector<16xi32>
      %add3A_901 = arith.addi %get3A_810, %add3A_900 : vector<16xi32>
      tpu.vector_store_idx %arg18[%get3A_807, %add3A_901], %gather3A_898 : memref<128x416xf32, #tpu.memory_space<vmem>>[vector<16xi32>, vector<16xi32>], vector<16xf32>,
      %add3A_902 = arith.constant 13 : i32
      %add3A_903 = vector.broadcast %add3A_902 : i32 to vector<16xi32>
      %add3A_904 = arith.addi %get3A_804, %add3A_903 : vector<16xi32>
      %gather3A_905 = tpu.vector_load_idx %arg16[%add3A_801, %add3A_904] : memref<128x128xf32, #tpu.memory_space<vmem>>[vector<16xi32>, vector<16xi32>], vector<16xf32>,
      %add3A_906 = arith.constant 13 : i32
      %add3A_907 = vector.broadcast %add3A_906 : i32 to vector<16xi32>
      %add3A_908 = arith.addi %get3A_810, %add3A_907 : vector<16xi32>
      tpu.vector_store_idx %arg18[%get3A_807, %add3A_908], %gather3A_905 : memref<128x416xf32, #tpu.memory_space<vmem>>[vector<16xi32>, vector<16xi32>], vector<16xf32>,
      %add3A_909 = arith.constant 14 : i32
      %add3A_910 = vector.broadcast %add3A_909 : i32 to vector<16xi32>
      %add3A_911 = arith.addi %get3A_804, %add3A_910 : vector<16xi32>
      %gather3A_912 = tpu.vector_load_idx %arg16[%add3A_801, %add3A_911] : memref<128x128xf32, #tpu.memory_space<vmem>>[vector<16xi32>, vector<16xi32>], vector<16xf32>,
      %add3A_913 = arith.constant 14 : i32
      %add3A_914 = vector.broadcast %add3A_913 : i32 to vector<16xi32>
      %add3A_915 = arith.addi %get3A_810, %add3A_914 : vector<16xi32>
      tpu.vector_store_idx %arg18[%get3A_807, %add3A_915], %gather3A_912 : memref<128x416xf32, #tpu.memory_space<vmem>>[vector<16xi32>, vector<16xi32>], vector<16xf32>,
      %add3A_916 = arith.constant 15 : i32
      %add3A_917 = vector.broadcast %add3A_916 : i32 to vector<16xi32>
      %add3A_918 = arith.addi %get3A_804, %add3A_917 : vector<16xi32>
      %gather3A_919 = tpu.vector_load_idx %arg16[%add3A_801, %add3A_918] : memref<128x128xf32, #tpu.memory_space<vmem>>[vector<16xi32>, vector<16xi32>], vector<16xf32>,
      %add3A_920 = arith.constant 15 : i32
      %add3A_921 = vector.broadcast %add3A_920 : i32 to vector<16xi32>
      %add3A_922 = arith.addi %get3A_810, %add3A_921 : vector<16xi32>
      tpu.vector_store_idx %arg18[%get3A_807, %add3A_922], %gather3A_919 : memref<128x416xf32, #tpu.memory_space<vmem>>[vector<16xi32>, vector<16xi32>], vector<16xf32>,
      %iota3A_923 = tpu.iota {dimensions = array<i32: 0>} : vector<16xi32>
      %add3A_924 = arith.constant 80 : i32
      %add3A_925 = vector.broadcast %add3A_924 : i32 to vector<16xi32>
      %add3A_926 = arith.addi %iota3A_923, %add3A_925 : vector<16xi32>
      %get3A_927 = arith.index_cast %mul3A_285 : i32 to index
      %get3A_928 = arith.constant 80 : index
      %get3A_929 = tpu.vector_load %arg12[%get3A_927, %get3A_928] {strides = array<i32>} : memref<26x128xi32, #tpu.memory_space<vmem>>, vector<16xi32>,
      %get3A_930 = arith.index_cast %mul3A_285 : i32 to index
      %get3A_931 = arith.constant 80 : index
      %get3A_932 = tpu.vector_load %arg13[%get3A_930, %get3A_931] {strides = array<i32>} : memref<26x128xi32, #tpu.memory_space<vmem>>, vector<16xi32>,
      %get3A_933 = arith.index_cast %mul3A_285 : i32 to index
      %get3A_934 = arith.constant 80 : index
      %get3A_935 = tpu.vector_load %arg14[%get3A_933, %get3A_934] {strides = array<i32>} : memref<26x128xi32, #tpu.memory_space<vmem>>, vector<16xi32>,
      %add3A_936 = arith.constant 0 : i32
      %add3A_937 = vector.broadcast %add3A_936 : i32 to vector<16xi32>
      %add3A_938 = arith.addi %get3A_929, %add3A_937 : vector<16xi32>
      %gather3A_939 = tpu.vector_load_idx %arg16[%add3A_926, %add3A_938] : memref<128x128xf32, #tpu.memory_space<vmem>>[vector<16xi32>, vector<16xi32>], vector<16xf32>,
      %add3A_940 = arith.constant 0 : i32
      %add3A_941 = vector.broadcast %add3A_940 : i32 to vector<16xi32>
      %add3A_942 = arith.addi %get3A_935, %add3A_941 : vector<16xi32>
      tpu.vector_store_idx %arg18[%get3A_932, %add3A_942], %gather3A_939 : memref<128x416xf32, #tpu.memory_space<vmem>>[vector<16xi32>, vector<16xi32>], vector<16xf32>,
      %add3A_943 = arith.constant 1 : i32
      %add3A_944 = vector.broadcast %add3A_943 : i32 to vector<16xi32>
      %add3A_945 = arith.addi %get3A_929, %add3A_944 : vector<16xi32>
      %gather3A_946 = tpu.vector_load_idx %arg16[%add3A_926, %add3A_945] : memref<128x128xf32, #tpu.memory_space<vmem>>[vector<16xi32>, vector<16xi32>], vector<16xf32>,
      %add3A_947 = arith.constant 1 : i32
      %add3A_948 = vector.broadcast %add3A_947 : i32 to vector<16xi32>
      %add3A_949 = arith.addi %get3A_935, %add3A_948 : vector<16xi32>
      tpu.vector_store_idx %arg18[%get3A_932, %add3A_949], %gather3A_946 : memref<128x416xf32, #tpu.memory_space<vmem>>[vector<16xi32>, vector<16xi32>], vector<16xf32>,
      %add3A_950 = arith.constant 2 : i32
      %add3A_951 = vector.broadcast %add3A_950 : i32 to vector<16xi32>
      %add3A_952 = arith.addi %get3A_929, %add3A_951 : vector<16xi32>
      %gather3A_953 = tpu.vector_load_idx %arg16[%add3A_926, %add3A_952] : memref<128x128xf32, #tpu.memory_space<vmem>>[vector<16xi32>, vector<16xi32>], vector<16xf32>,
      %add3A_954 = arith.constant 2 : i32
      %add3A_955 = vector.broadcast %add3A_954 : i32 to vector<16xi32>
      %add3A_956 = arith.addi %get3A_935, %add3A_955 : vector<16xi32>
      tpu.vector_store_idx %arg18[%get3A_932, %add3A_956], %gather3A_953 : memref<128x416xf32, #tpu.memory_space<vmem>>[vector<16xi32>, vector<16xi32>], vector<16xf32>,
      %add3A_957 = arith.constant 3 : i32
      %add3A_958 = vector.broadcast %add3A_957 : i32 to vector<16xi32>
      %add3A_959 = arith.addi %get3A_929, %add3A_958 : vector<16xi32>
      %gather3A_960 = tpu.vector_load_idx %arg16[%add3A_926, %add3A_959] : memref<128x128xf32, #tpu.memory_space<vmem>>[vector<16xi32>, vector<16xi32>], vector<16xf32>,
      %add3A_961 = arith.constant 3 : i32
      %add3A_962 = vector.broadcast %add3A_961 : i32 to vector<16xi32>
      %add3A_963 = arith.addi %get3A_935, %add3A_962 : vector<16xi32>
      tpu.vector_store_idx %arg18[%get3A_932, %add3A_963], %gather3A_960 : memref<128x416xf32, #tpu.memory_space<vmem>>[vector<16xi32>, vector<16xi32>], vector<16xf32>,
      %add3A_964 = arith.constant 4 : i32
      %add3A_965 = vector.broadcast %add3A_964 : i32 to vector<16xi32>
      %add3A_966 = arith.addi %get3A_929, %add3A_965 : vector<16xi32>
      %gather3A_967 = tpu.vector_load_idx %arg16[%add3A_926, %add3A_966] : memref<128x128xf32, #tpu.memory_space<vmem>>[vector<16xi32>, vector<16xi32>], vector<16xf32>,
      %add3A_968 = arith.constant 4 : i32
      %add3A_969 = vector.broadcast %add3A_968 : i32 to vector<16xi32>
      %add3A_970 = arith.addi %get3A_935, %add3A_969 : vector<16xi32>
      tpu.vector_store_idx %arg18[%get3A_932, %add3A_970], %gather3A_967 : memref<128x416xf32, #tpu.memory_space<vmem>>[vector<16xi32>, vector<16xi32>], vector<16xf32>,
      %add3A_971 = arith.constant 5 : i32
      %add3A_972 = vector.broadcast %add3A_971 : i32 to vector<16xi32>
      %add3A_973 = arith.addi %get3A_929, %add3A_972 : vector<16xi32>
      %gather3A_974 = tpu.vector_load_idx %arg16[%add3A_926, %add3A_973] : memref<128x128xf32, #tpu.memory_space<vmem>>[vector<16xi32>, vector<16xi32>], vector<16xf32>,
      %add3A_975 = arith.constant 5 : i32
      %add3A_976 = vector.broadcast %add3A_975 : i32 to vector<16xi32>
      %add3A_977 = arith.addi %get3A_935, %add3A_976 : vector<16xi32>
      tpu.vector_store_idx %arg18[%get3A_932, %add3A_977], %gather3A_974 : memref<128x416xf32, #tpu.memory_space<vmem>>[vector<16xi32>, vector<16xi32>], vector<16xf32>,
      %add3A_978 = arith.constant 6 : i32
      %add3A_979 = vector.broadcast %add3A_978 : i32 to vector<16xi32>
      %add3A_980 = arith.addi %get3A_929, %add3A_979 : vector<16xi32>
      %gather3A_981 = tpu.vector_load_idx %arg16[%add3A_926, %add3A_980] : memref<128x128xf32, #tpu.memory_space<vmem>>[vector<16xi32>, vector<16xi32>], vector<16xf32>,
      %add3A_982 = arith.constant 6 : i32
      %add3A_983 = vector.broadcast %add3A_982 : i32 to vector<16xi32>
      %add3A_984 = arith.addi %get3A_935, %add3A_983 : vector<16xi32>
      tpu.vector_store_idx %arg18[%get3A_932, %add3A_984], %gather3A_981 : memref<128x416xf32, #tpu.memory_space<vmem>>[vector<16xi32>, vector<16xi32>], vector<16xf32>,
      %add3A_985 = arith.constant 7 : i32
      %add3A_986 = vector.broadcast %add3A_985 : i32 to vector<16xi32>
      %add3A_987 = arith.addi %get3A_929, %add3A_986 : vector<16xi32>
      %gather3A_988 = tpu.vector_load_idx %arg16[%add3A_926, %add3A_987] : memref<128x128xf32, #tpu.memory_space<vmem>>[vector<16xi32>, vector<16xi32>], vector<16xf32>,
      %add3A_989 = arith.constant 7 : i32
      %add3A_990 = vector.broadcast %add3A_989 : i32 to vector<16xi32>
      %add3A_991 = arith.addi %get3A_935, %add3A_990 : vector<16xi32>
      tpu.vector_store_idx %arg18[%get3A_932, %add3A_991], %gather3A_988 : memref<128x416xf32, #tpu.memory_space<vmem>>[vector<16xi32>, vector<16xi32>], vector<16xf32>,
      %add3A_992 = arith.constant 8 : i32
      %add3A_993 = vector.broadcast %add3A_992 : i32 to vector<16xi32>
      %add3A_994 = arith.addi %get3A_929, %add3A_993 : vector<16xi32>
      %gather3A_995 = tpu.vector_load_idx %arg16[%add3A_926, %add3A_994] : memref<128x128xf32, #tpu.memory_space<vmem>>[vector<16xi32>, vector<16xi32>], vector<16xf32>,
      %add3A_996 = arith.constant 8 : i32
      %add3A_997 = vector.broadcast %add3A_996 : i32 to vector<16xi32>
      %add3A_998 = arith.addi %get3A_935, %add3A_997 : vector<16xi32>
      tpu.vector_store_idx %arg18[%get3A_932, %add3A_998], %gather3A_995 : memref<128x416xf32, #tpu.memory_space<vmem>>[vector<16xi32>, vector<16xi32>], vector<16xf32>,
      %add3A_999 = arith.constant 9 : i32
      %add3A_1000 = vector.broadcast %add3A_999 : i32 to vector<16xi32>
      %add3A_1001 = arith.addi %get3A_929, %add3A_1000 : vector<16xi32>
      %gather3A_1002 = tpu.vector_load_idx %arg16[%add3A_926, %add3A_1001] : memref<128x128xf32, #tpu.memory_space<vmem>>[vector<16xi32>, vector<16xi32>], vector<16xf32>,
      %add3A_1003 = arith.constant 9 : i32
      %add3A_1004 = vector.broadcast %add3A_1003 : i32 to vector<16xi32>
      %add3A_1005 = arith.addi %get3A_935, %add3A_1004 : vector<16xi32>
      tpu.vector_store_idx %arg18[%get3A_932, %add3A_1005], %gather3A_1002 : memref<128x416xf32, #tpu.memory_space<vmem>>[vector<16xi32>, vector<16xi32>], vector<16xf32>,
      %add3A_1006 = arith.constant 10 : i32
      %add3A_1007 = vector.broadcast %add3A_1006 : i32 to vector<16xi32>
      %add3A_1008 = arith.addi %get3A_929, %add3A_1007 : vector<16xi32>
      %gather3A_1009 = tpu.vector_load_idx %arg16[%add3A_926, %add3A_1008] : memref<128x128xf32, #tpu.memory_space<vmem>>[vector<16xi32>, vector<16xi32>], vector<16xf32>,
      %add3A_1010 = arith.constant 10 : i32
      %add3A_1011 = vector.broadcast %add3A_1010 : i32 to vector<16xi32>
      %add3A_1012 = arith.addi %get3A_935, %add3A_1011 : vector<16xi32>
      tpu.vector_store_idx %arg18[%get3A_932, %add3A_1012], %gather3A_1009 : memref<128x416xf32, #tpu.memory_space<vmem>>[vector<16xi32>, vector<16xi32>], vector<16xf32>,
      %add3A_1013 = arith.constant 11 : i32
      %add3A_1014 = vector.broadcast %add3A_1013 : i32 to vector<16xi32>
      %add3A_1015 = arith.addi %get3A_929, %add3A_1014 : vector<16xi32>
      %gather3A_1016 = tpu.vector_load_idx %arg16[%add3A_926, %add3A_1015] : memref<128x128xf32, #tpu.memory_space<vmem>>[vector<16xi32>, vector<16xi32>], vector<16xf32>,
      %add3A_1017 = arith.constant 11 : i32
      %add3A_1018 = vector.broadcast %add3A_1017 : i32 to vector<16xi32>
      %add3A_1019 = arith.addi %get3A_935, %add3A_1018 : vector<16xi32>
      tpu.vector_store_idx %arg18[%get3A_932, %add3A_1019], %gather3A_1016 : memref<128x416xf32, #tpu.memory_space<vmem>>[vector<16xi32>, vector<16xi32>], vector<16xf32>,
      %add3A_1020 = arith.constant 12 : i32
      %add3A_1021 = vector.broadcast %add3A_1020 : i32 to vector<16xi32>
      %add3A_1022 = arith.addi %get3A_929, %add3A_1021 : vector<16xi32>
      %gather3A_1023 = tpu.vector_load_idx %arg16[%add3A_926, %add3A_1022] : memref<128x128xf32, #tpu.memory_space<vmem>>[vector<16xi32>, vector<16xi32>], vector<16xf32>,
      %add3A_1024 = arith.constant 12 : i32
      %add3A_1025 = vector.broadcast %add3A_1024 : i32 to vector<16xi32>
      %add3A_1026 = arith.addi %get3A_935, %add3A_1025 : vector<16xi32>
      tpu.vector_store_idx %arg18[%get3A_932, %add3A_1026], %gather3A_1023 : memref<128x416xf32, #tpu.memory_space<vmem>>[vector<16xi32>, vector<16xi32>], vector<16xf32>,
      %add3A_1027 = arith.constant 13 : i32
      %add3A_1028 = vector.broadcast %add3A_1027 : i32 to vector<16xi32>
      %add3A_1029 = arith.addi %get3A_929, %add3A_1028 : vector<16xi32>
      %gather3A_1030 = tpu.vector_load_idx %arg16[%add3A_926, %add3A_1029] : memref<128x128xf32, #tpu.memory_space<vmem>>[vector<16xi32>, vector<16xi32>], vector<16xf32>,
      %add3A_1031 = arith.constant 13 : i32
      %add3A_1032 = vector.broadcast %add3A_1031 : i32 to vector<16xi32>
      %add3A_1033 = arith.addi %get3A_935, %add3A_1032 : vector<16xi32>
      tpu.vector_store_idx %arg18[%get3A_932, %add3A_1033], %gather3A_1030 : memref<128x416xf32, #tpu.memory_space<vmem>>[vector<16xi32>, vector<16xi32>], vector<16xf32>,
      %add3A_1034 = arith.constant 14 : i32
      %add3A_1035 = vector.broadcast %add3A_1034 : i32 to vector<16xi32>
      %add3A_1036 = arith.addi %get3A_929, %add3A_1035 : vector<16xi32>
      %gather3A_1037 = tpu.vector_load_idx %arg16[%add3A_926, %add3A_1036] : memref<128x128xf32, #tpu.memory_space<vmem>>[vector<16xi32>, vector<16xi32>], vector<16xf32>,
      %add3A_1038 = arith.constant 14 : i32
      %add3A_1039 = vector.broadcast %add3A_1038 : i32 to vector<16xi32>
      %add3A_1040 = arith.addi %get3A_935, %add3A_1039 : vector<16xi32>
      tpu.vector_store_idx %arg18[%get3A_932, %add3A_1040], %gather3A_1037 : memref<128x416xf32, #tpu.memory_space<vmem>>[vector<16xi32>, vector<16xi32>], vector<16xf32>,
      %add3A_1041 = arith.constant 15 : i32
      %add3A_1042 = vector.broadcast %add3A_1041 : i32 to vector<16xi32>
      %add3A_1043 = arith.addi %get3A_929, %add3A_1042 : vector<16xi32>
      %gather3A_1044 = tpu.vector_load_idx %arg16[%add3A_926, %add3A_1043] : memref<128x128xf32, #tpu.memory_space<vmem>>[vector<16xi32>, vector<16xi32>], vector<16xf32>,
      %add3A_1045 = arith.constant 15 : i32
      %add3A_1046 = vector.broadcast %add3A_1045 : i32 to vector<16xi32>
      %add3A_1047 = arith.addi %get3A_935, %add3A_1046 : vector<16xi32>
      tpu.vector_store_idx %arg18[%get3A_932, %add3A_1047], %gather3A_1044 : memref<128x416xf32, #tpu.memory_space<vmem>>[vector<16xi32>, vector<16xi32>], vector<16xf32>,
      %iota3A_1048 = tpu.iota {dimensions = array<i32: 0>} : vector<16xi32>
      %add3A_1049 = arith.constant 96 : i32
      %add3A_1050 = vector.broadcast %add3A_1049 : i32 to vector<16xi32>
      %add3A_1051 = arith.addi %iota3A_1048, %add3A_1050 : vector<16xi32>
      %get3A_1052 = arith.index_cast %mul3A_285 : i32 to index
      %get3A_1053 = arith.constant 96 : index
      %get3A_1054 = tpu.vector_load %arg12[%get3A_1052, %get3A_1053] {strides = array<i32>} : memref<26x128xi32, #tpu.memory_space<vmem>>, vector<16xi32>,
      %get3A_1055 = arith.index_cast %mul3A_285 : i32 to index
      %get3A_1056 = arith.constant 96 : index
      %get3A_1057 = tpu.vector_load %arg13[%get3A_1055, %get3A_1056] {strides = array<i32>} : memref<26x128xi32, #tpu.memory_space<vmem>>, vector<16xi32>,
      %get3A_1058 = arith.index_cast %mul3A_285 : i32 to index
      %get3A_1059 = arith.constant 96 : index
      %get3A_1060 = tpu.vector_load %arg14[%get3A_1058, %get3A_1059] {strides = array<i32>} : memref<26x128xi32, #tpu.memory_space<vmem>>, vector<16xi32>,
      %add3A_1061 = arith.constant 0 : i32
      %add3A_1062 = vector.broadcast %add3A_1061 : i32 to vector<16xi32>
      %add3A_1063 = arith.addi %get3A_1054, %add3A_1062 : vector<16xi32>
      %gather3A_1064 = tpu.vector_load_idx %arg16[%add3A_1051, %add3A_1063] : memref<128x128xf32, #tpu.memory_space<vmem>>[vector<16xi32>, vector<16xi32>], vector<16xf32>,
      %add3A_1065 = arith.constant 0 : i32
      %add3A_1066 = vector.broadcast %add3A_1065 : i32 to vector<16xi32>
      %add3A_1067 = arith.addi %get3A_1060, %add3A_1066 : vector<16xi32>
      tpu.vector_store_idx %arg18[%get3A_1057, %add3A_1067], %gather3A_1064 : memref<128x416xf32, #tpu.memory_space<vmem>>[vector<16xi32>, vector<16xi32>], vector<16xf32>,
      %add3A_1068 = arith.constant 1 : i32
      %add3A_1069 = vector.broadcast %add3A_1068 : i32 to vector<16xi32>
      %add3A_1070 = arith.addi %get3A_1054, %add3A_1069 : vector<16xi32>
      %gather3A_1071 = tpu.vector_load_idx %arg16[%add3A_1051, %add3A_1070] : memref<128x128xf32, #tpu.memory_space<vmem>>[vector<16xi32>, vector<16xi32>], vector<16xf32>,
      %add3A_1072 = arith.constant 1 : i32
      %add3A_1073 = vector.broadcast %add3A_1072 : i32 to vector<16xi32>
      %add3A_1074 = arith.addi %get3A_1060, %add3A_1073 : vector<16xi32>
      tpu.vector_store_idx %arg18[%get3A_1057, %add3A_1074], %gather3A_1071 : memref<128x416xf32, #tpu.memory_space<vmem>>[vector<16xi32>, vector<16xi32>], vector<16xf32>,
      %add3A_1075 = arith.constant 2 : i32
      %add3A_1076 = vector.broadcast %add3A_1075 : i32 to vector<16xi32>
      %add3A_1077 = arith.addi %get3A_1054, %add3A_1076 : vector<16xi32>
      %gather3A_1078 = tpu.vector_load_idx %arg16[%add3A_1051, %add3A_1077] : memref<128x128xf32, #tpu.memory_space<vmem>>[vector<16xi32>, vector<16xi32>], vector<16xf32>,
      %add3A_1079 = arith.constant 2 : i32
      %add3A_1080 = vector.broadcast %add3A_1079 : i32 to vector<16xi32>
      %add3A_1081 = arith.addi %get3A_1060, %add3A_1080 : vector<16xi32>
      tpu.vector_store_idx %arg18[%get3A_1057, %add3A_1081], %gather3A_1078 : memref<128x416xf32, #tpu.memory_space<vmem>>[vector<16xi32>, vector<16xi32>], vector<16xf32>,
      %add3A_1082 = arith.constant 3 : i32
      %add3A_1083 = vector.broadcast %add3A_1082 : i32 to vector<16xi32>
      %add3A_1084 = arith.addi %get3A_1054, %add3A_1083 : vector<16xi32>
      %gather3A_1085 = tpu.vector_load_idx %arg16[%add3A_1051, %add3A_1084] : memref<128x128xf32, #tpu.memory_space<vmem>>[vector<16xi32>, vector<16xi32>], vector<16xf32>,
      %add3A_1086 = arith.constant 3 : i32
      %add3A_1087 = vector.broadcast %add3A_1086 : i32 to vector<16xi32>
      %add3A_1088 = arith.addi %get3A_1060, %add3A_1087 : vector<16xi32>
      tpu.vector_store_idx %arg18[%get3A_1057, %add3A_1088], %gather3A_1085 : memref<128x416xf32, #tpu.memory_space<vmem>>[vector<16xi32>, vector<16xi32>], vector<16xf32>,
      %add3A_1089 = arith.constant 4 : i32
      %add3A_1090 = vector.broadcast %add3A_1089 : i32 to vector<16xi32>
      %add3A_1091 = arith.addi %get3A_1054, %add3A_1090 : vector<16xi32>
      %gather3A_1092 = tpu.vector_load_idx %arg16[%add3A_1051, %add3A_1091] : memref<128x128xf32, #tpu.memory_space<vmem>>[vector<16xi32>, vector<16xi32>], vector<16xf32>,
      %add3A_1093 = arith.constant 4 : i32
      %add3A_1094 = vector.broadcast %add3A_1093 : i32 to vector<16xi32>
      %add3A_1095 = arith.addi %get3A_1060, %add3A_1094 : vector<16xi32>
      tpu.vector_store_idx %arg18[%get3A_1057, %add3A_1095], %gather3A_1092 : memref<128x416xf32, #tpu.memory_space<vmem>>[vector<16xi32>, vector<16xi32>], vector<16xf32>,
      %add3A_1096 = arith.constant 5 : i32
      %add3A_1097 = vector.broadcast %add3A_1096 : i32 to vector<16xi32>
      %add3A_1098 = arith.addi %get3A_1054, %add3A_1097 : vector<16xi32>
      %gather3A_1099 = tpu.vector_load_idx %arg16[%add3A_1051, %add3A_1098] : memref<128x128xf32, #tpu.memory_space<vmem>>[vector<16xi32>, vector<16xi32>], vector<16xf32>,
      %add3A_1100 = arith.constant 5 : i32
      %add3A_1101 = vector.broadcast %add3A_1100 : i32 to vector<16xi32>
      %add3A_1102 = arith.addi %get3A_1060, %add3A_1101 : vector<16xi32>
      tpu.vector_store_idx %arg18[%get3A_1057, %add3A_1102], %gather3A_1099 : memref<128x416xf32, #tpu.memory_space<vmem>>[vector<16xi32>, vector<16xi32>], vector<16xf32>,
      %add3A_1103 = arith.constant 6 : i32
      %add3A_1104 = vector.broadcast %add3A_1103 : i32 to vector<16xi32>
      %add3A_1105 = arith.addi %get3A_1054, %add3A_1104 : vector<16xi32>
      %gather3A_1106 = tpu.vector_load_idx %arg16[%add3A_1051, %add3A_1105] : memref<128x128xf32, #tpu.memory_space<vmem>>[vector<16xi32>, vector<16xi32>], vector<16xf32>,
      %add3A_1107 = arith.constant 6 : i32
      %add3A_1108 = vector.broadcast %add3A_1107 : i32 to vector<16xi32>
      %add3A_1109 = arith.addi %get3A_1060, %add3A_1108 : vector<16xi32>
      tpu.vector_store_idx %arg18[%get3A_1057, %add3A_1109], %gather3A_1106 : memref<128x416xf32, #tpu.memory_space<vmem>>[vector<16xi32>, vector<16xi32>], vector<16xf32>,
      %add3A_1110 = arith.constant 7 : i32
      %add3A_1111 = vector.broadcast %add3A_1110 : i32 to vector<16xi32>
      %add3A_1112 = arith.addi %get3A_1054, %add3A_1111 : vector<16xi32>
      %gather3A_1113 = tpu.vector_load_idx %arg16[%add3A_1051, %add3A_1112] : memref<128x128xf32, #tpu.memory_space<vmem>>[vector<16xi32>, vector<16xi32>], vector<16xf32>,
      %add3A_1114 = arith.constant 7 : i32
      %add3A_1115 = vector.broadcast %add3A_1114 : i32 to vector<16xi32>
      %add3A_1116 = arith.addi %get3A_1060, %add3A_1115 : vector<16xi32>
      tpu.vector_store_idx %arg18[%get3A_1057, %add3A_1116], %gather3A_1113 : memref<128x416xf32, #tpu.memory_space<vmem>>[vector<16xi32>, vector<16xi32>], vector<16xf32>,
      %add3A_1117 = arith.constant 8 : i32
      %add3A_1118 = vector.broadcast %add3A_1117 : i32 to vector<16xi32>
      %add3A_1119 = arith.addi %get3A_1054, %add3A_1118 : vector<16xi32>
      %gather3A_1120 = tpu.vector_load_idx %arg16[%add3A_1051, %add3A_1119] : memref<128x128xf32, #tpu.memory_space<vmem>>[vector<16xi32>, vector<16xi32>], vector<16xf32>,
      %add3A_1121 = arith.constant 8 : i32
      %add3A_1122 = vector.broadcast %add3A_1121 : i32 to vector<16xi32>
      %add3A_1123 = arith.addi %get3A_1060, %add3A_1122 : vector<16xi32>
      tpu.vector_store_idx %arg18[%get3A_1057, %add3A_1123], %gather3A_1120 : memref<128x416xf32, #tpu.memory_space<vmem>>[vector<16xi32>, vector<16xi32>], vector<16xf32>,
      %add3A_1124 = arith.constant 9 : i32
      %add3A_1125 = vector.broadcast %add3A_1124 : i32 to vector<16xi32>
      %add3A_1126 = arith.addi %get3A_1054, %add3A_1125 : vector<16xi32>
      %gather3A_1127 = tpu.vector_load_idx %arg16[%add3A_1051, %add3A_1126] : memref<128x128xf32, #tpu.memory_space<vmem>>[vector<16xi32>, vector<16xi32>], vector<16xf32>,
      %add3A_1128 = arith.constant 9 : i32
      %add3A_1129 = vector.broadcast %add3A_1128 : i32 to vector<16xi32>
      %add3A_1130 = arith.addi %get3A_1060, %add3A_1129 : vector<16xi32>
      tpu.vector_store_idx %arg18[%get3A_1057, %add3A_1130], %gather3A_1127 : memref<128x416xf32, #tpu.memory_space<vmem>>[vector<16xi32>, vector<16xi32>], vector<16xf32>,
      %add3A_1131 = arith.constant 10 : i32
      %add3A_1132 = vector.broadcast %add3A_1131 : i32 to vector<16xi32>
      %add3A_1133 = arith.addi %get3A_1054, %add3A_1132 : vector<16xi32>
      %gather3A_1134 = tpu.vector_load_idx %arg16[%add3A_1051, %add3A_1133] : memref<128x128xf32, #tpu.memory_space<vmem>>[vector<16xi32>, vector<16xi32>], vector<16xf32>,
      %add3A_1135 = arith.constant 10 : i32
      %add3A_1136 = vector.broadcast %add3A_1135 : i32 to vector<16xi32>
      %add3A_1137 = arith.addi %get3A_1060, %add3A_1136 : vector<16xi32>
      tpu.vector_store_idx %arg18[%get3A_1057, %add3A_1137], %gather3A_1134 : memref<128x416xf32, #tpu.memory_space<vmem>>[vector<16xi32>, vector<16xi32>], vector<16xf32>,
      %add3A_1138 = arith.constant 11 : i32
      %add3A_1139 = vector.broadcast %add3A_1138 : i32 to vector<16xi32>
      %add3A_1140 = arith.addi %get3A_1054, %add3A_1139 : vector<16xi32>
      %gather3A_1141 = tpu.vector_load_idx %arg16[%add3A_1051, %add3A_1140] : memref<128x128xf32, #tpu.memory_space<vmem>>[vector<16xi32>, vector<16xi32>], vector<16xf32>,
      %add3A_1142 = arith.constant 11 : i32
      %add3A_1143 = vector.broadcast %add3A_1142 : i32 to vector<16xi32>
      %add3A_1144 = arith.addi %get3A_1060, %add3A_1143 : vector<16xi32>
      tpu.vector_store_idx %arg18[%get3A_1057, %add3A_1144], %gather3A_1141 : memref<128x416xf32, #tpu.memory_space<vmem>>[vector<16xi32>, vector<16xi32>], vector<16xf32>,
      %add3A_1145 = arith.constant 12 : i32
      %add3A_1146 = vector.broadcast %add3A_1145 : i32 to vector<16xi32>
      %add3A_1147 = arith.addi %get3A_1054, %add3A_1146 : vector<16xi32>
      %gather3A_1148 = tpu.vector_load_idx %arg16[%add3A_1051, %add3A_1147] : memref<128x128xf32, #tpu.memory_space<vmem>>[vector<16xi32>, vector<16xi32>], vector<16xf32>,
      %add3A_1149 = arith.constant 12 : i32
      %add3A_1150 = vector.broadcast %add3A_1149 : i32 to vector<16xi32>
      %add3A_1151 = arith.addi %get3A_1060, %add3A_1150 : vector<16xi32>
      tpu.vector_store_idx %arg18[%get3A_1057, %add3A_1151], %gather3A_1148 : memref<128x416xf32, #tpu.memory_space<vmem>>[vector<16xi32>, vector<16xi32>], vector<16xf32>,
      %add3A_1152 = arith.constant 13 : i32
      %add3A_1153 = vector.broadcast %add3A_1152 : i32 to vector<16xi32>
      %add3A_1154 = arith.addi %get3A_1054, %add3A_1153 : vector<16xi32>
      %gather3A_1155 = tpu.vector_load_idx %arg16[%add3A_1051, %add3A_1154] : memref<128x128xf32, #tpu.memory_space<vmem>>[vector<16xi32>, vector<16xi32>], vector<16xf32>,
      %add3A_1156 = arith.constant 13 : i32
      %add3A_1157 = vector.broadcast %add3A_1156 : i32 to vector<16xi32>
      %add3A_1158 = arith.addi %get3A_1060, %add3A_1157 : vector<16xi32>
      tpu.vector_store_idx %arg18[%get3A_1057, %add3A_1158], %gather3A_1155 : memref<128x416xf32, #tpu.memory_space<vmem>>[vector<16xi32>, vector<16xi32>], vector<16xf32>,
      %add3A_1159 = arith.constant 14 : i32
      %add3A_1160 = vector.broadcast %add3A_1159 : i32 to vector<16xi32>
      %add3A_1161 = arith.addi %get3A_1054, %add3A_1160 : vector<16xi32>
      %gather3A_1162 = tpu.vector_load_idx %arg16[%add3A_1051, %add3A_1161] : memref<128x128xf32, #tpu.memory_space<vmem>>[vector<16xi32>, vector<16xi32>], vector<16xf32>,
      %add3A_1163 = arith.constant 14 : i32
      %add3A_1164 = vector.broadcast %add3A_1163 : i32 to vector<16xi32>
      %add3A_1165 = arith.addi %get3A_1060, %add3A_1164 : vector<16xi32>
      tpu.vector_store_idx %arg18[%get3A_1057, %add3A_1165], %gather3A_1162 : memref<128x416xf32, #tpu.memory_space<vmem>>[vector<16xi32>, vector<16xi32>], vector<16xf32>,
      %add3A_1166 = arith.constant 15 : i32
      %add3A_1167 = vector.broadcast %add3A_1166 : i32 to vector<16xi32>
      %add3A_1168 = arith.addi %get3A_1054, %add3A_1167 : vector<16xi32>
      %gather3A_1169 = tpu.vector_load_idx %arg16[%add3A_1051, %add3A_1168] : memref<128x128xf32, #tpu.memory_space<vmem>>[vector<16xi32>, vector<16xi32>], vector<16xf32>,
      %add3A_1170 = arith.constant 15 : i32
      %add3A_1171 = vector.broadcast %add3A_1170 : i32 to vector<16xi32>
      %add3A_1172 = arith.addi %get3A_1060, %add3A_1171 : vector<16xi32>
      tpu.vector_store_idx %arg18[%get3A_1057, %add3A_1172], %gather3A_1169 : memref<128x416xf32, #tpu.memory_space<vmem>>[vector<16xi32>, vector<16xi32>], vector<16xf32>,
      %iota3A_1173 = tpu.iota {dimensions = array<i32: 0>} : vector<16xi32>
      %add3A_1174 = arith.constant 112 : i32
      %add3A_1175 = vector.broadcast %add3A_1174 : i32 to vector<16xi32>
      %add3A_1176 = arith.addi %iota3A_1173, %add3A_1175 : vector<16xi32>
      %get3A_1177 = arith.index_cast %mul3A_285 : i32 to index
      %get3A_1178 = arith.constant 112 : index
      %get3A_1179 = tpu.vector_load %arg12[%get3A_1177, %get3A_1178] {strides = array<i32>} : memref<26x128xi32, #tpu.memory_space<vmem>>, vector<16xi32>,
      %get3A_1180 = arith.index_cast %mul3A_285 : i32 to index
      %get3A_1181 = arith.constant 112 : index
      %get3A_1182 = tpu.vector_load %arg13[%get3A_1180, %get3A_1181] {strides = array<i32>} : memref<26x128xi32, #tpu.memory_space<vmem>>, vector<16xi32>,
      %get3A_1183 = arith.index_cast %mul3A_285 : i32 to index
      %get3A_1184 = arith.constant 112 : index
      %get3A_1185 = tpu.vector_load %arg14[%get3A_1183, %get3A_1184] {strides = array<i32>} : memref<26x128xi32, #tpu.memory_space<vmem>>, vector<16xi32>,
      %add3A_1186 = arith.constant 0 : i32
      %add3A_1187 = vector.broadcast %add3A_1186 : i32 to vector<16xi32>
      %add3A_1188 = arith.addi %get3A_1179, %add3A_1187 : vector<16xi32>
      %gather3A_1189 = tpu.vector_load_idx %arg16[%add3A_1176, %add3A_1188] : memref<128x128xf32, #tpu.memory_space<vmem>>[vector<16xi32>, vector<16xi32>], vector<16xf32>,
      %add3A_1190 = arith.constant 0 : i32
      %add3A_1191 = vector.broadcast %add3A_1190 : i32 to vector<16xi32>
      %add3A_1192 = arith.addi %get3A_1185, %add3A_1191 : vector<16xi32>
      tpu.vector_store_idx %arg18[%get3A_1182, %add3A_1192], %gather3A_1189 : memref<128x416xf32, #tpu.memory_space<vmem>>[vector<16xi32>, vector<16xi32>], vector<16xf32>,
      %add3A_1193 = arith.constant 1 : i32
      %add3A_1194 = vector.broadcast %add3A_1193 : i32 to vector<16xi32>
      %add3A_1195 = arith.addi %get3A_1179, %add3A_1194 : vector<16xi32>
      %gather3A_1196 = tpu.vector_load_idx %arg16[%add3A_1176, %add3A_1195] : memref<128x128xf32, #tpu.memory_space<vmem>>[vector<16xi32>, vector<16xi32>], vector<16xf32>,
      %add3A_1197 = arith.constant 1 : i32
      %add3A_1198 = vector.broadcast %add3A_1197 : i32 to vector<16xi32>
      %add3A_1199 = arith.addi %get3A_1185, %add3A_1198 : vector<16xi32>
      tpu.vector_store_idx %arg18[%get3A_1182, %add3A_1199], %gather3A_1196 : memref<128x416xf32, #tpu.memory_space<vmem>>[vector<16xi32>, vector<16xi32>], vector<16xf32>,
      %add3A_1200 = arith.constant 2 : i32
      %add3A_1201 = vector.broadcast %add3A_1200 : i32 to vector<16xi32>
      %add3A_1202 = arith.addi %get3A_1179, %add3A_1201 : vector<16xi32>
      %gather3A_1203 = tpu.vector_load_idx %arg16[%add3A_1176, %add3A_1202] : memref<128x128xf32, #tpu.memory_space<vmem>>[vector<16xi32>, vector<16xi32>], vector<16xf32>,
      %add3A_1204 = arith.constant 2 : i32
      %add3A_1205 = vector.broadcast %add3A_1204 : i32 to vector<16xi32>
      %add3A_1206 = arith.addi %get3A_1185, %add3A_1205 : vector<16xi32>
      tpu.vector_store_idx %arg18[%get3A_1182, %add3A_1206], %gather3A_1203 : memref<128x416xf32, #tpu.memory_space<vmem>>[vector<16xi32>, vector<16xi32>], vector<16xf32>,
      %add3A_1207 = arith.constant 3 : i32
      %add3A_1208 = vector.broadcast %add3A_1207 : i32 to vector<16xi32>
      %add3A_1209 = arith.addi %get3A_1179, %add3A_1208 : vector<16xi32>
      %gather3A_1210 = tpu.vector_load_idx %arg16[%add3A_1176, %add3A_1209] : memref<128x128xf32, #tpu.memory_space<vmem>>[vector<16xi32>, vector<16xi32>], vector<16xf32>,
      %add3A_1211 = arith.constant 3 : i32
      %add3A_1212 = vector.broadcast %add3A_1211 : i32 to vector<16xi32>
      %add3A_1213 = arith.addi %get3A_1185, %add3A_1212 : vector<16xi32>
      tpu.vector_store_idx %arg18[%get3A_1182, %add3A_1213], %gather3A_1210 : memref<128x416xf32, #tpu.memory_space<vmem>>[vector<16xi32>, vector<16xi32>], vector<16xf32>,
      %add3A_1214 = arith.constant 4 : i32
      %add3A_1215 = vector.broadcast %add3A_1214 : i32 to vector<16xi32>
      %add3A_1216 = arith.addi %get3A_1179, %add3A_1215 : vector<16xi32>
      %gather3A_1217 = tpu.vector_load_idx %arg16[%add3A_1176, %add3A_1216] : memref<128x128xf32, #tpu.memory_space<vmem>>[vector<16xi32>, vector<16xi32>], vector<16xf32>,
      %add3A_1218 = arith.constant 4 : i32
      %add3A_1219 = vector.broadcast %add3A_1218 : i32 to vector<16xi32>
      %add3A_1220 = arith.addi %get3A_1185, %add3A_1219 : vector<16xi32>
      tpu.vector_store_idx %arg18[%get3A_1182, %add3A_1220], %gather3A_1217 : memref<128x416xf32, #tpu.memory_space<vmem>>[vector<16xi32>, vector<16xi32>], vector<16xf32>,
      %add3A_1221 = arith.constant 5 : i32
      %add3A_1222 = vector.broadcast %add3A_1221 : i32 to vector<16xi32>
      %add3A_1223 = arith.addi %get3A_1179, %add3A_1222 : vector<16xi32>
      %gather3A_1224 = tpu.vector_load_idx %arg16[%add3A_1176, %add3A_1223] : memref<128x128xf32, #tpu.memory_space<vmem>>[vector<16xi32>, vector<16xi32>], vector<16xf32>,
      %add3A_1225 = arith.constant 5 : i32
      %add3A_1226 = vector.broadcast %add3A_1225 : i32 to vector<16xi32>
      %add3A_1227 = arith.addi %get3A_1185, %add3A_1226 : vector<16xi32>
      tpu.vector_store_idx %arg18[%get3A_1182, %add3A_1227], %gather3A_1224 : memref<128x416xf32, #tpu.memory_space<vmem>>[vector<16xi32>, vector<16xi32>], vector<16xf32>,
      %add3A_1228 = arith.constant 6 : i32
      %add3A_1229 = vector.broadcast %add3A_1228 : i32 to vector<16xi32>
      %add3A_1230 = arith.addi %get3A_1179, %add3A_1229 : vector<16xi32>
      %gather3A_1231 = tpu.vector_load_idx %arg16[%add3A_1176, %add3A_1230] : memref<128x128xf32, #tpu.memory_space<vmem>>[vector<16xi32>, vector<16xi32>], vector<16xf32>,
      %add3A_1232 = arith.constant 6 : i32
      %add3A_1233 = vector.broadcast %add3A_1232 : i32 to vector<16xi32>
      %add3A_1234 = arith.addi %get3A_1185, %add3A_1233 : vector<16xi32>
      tpu.vector_store_idx %arg18[%get3A_1182, %add3A_1234], %gather3A_1231 : memref<128x416xf32, #tpu.memory_space<vmem>>[vector<16xi32>, vector<16xi32>], vector<16xf32>,
      %add3A_1235 = arith.constant 7 : i32
      %add3A_1236 = vector.broadcast %add3A_1235 : i32 to vector<16xi32>
      %add3A_1237 = arith.addi %get3A_1179, %add3A_1236 : vector<16xi32>
      %gather3A_1238 = tpu.vector_load_idx %arg16[%add3A_1176, %add3A_1237] : memref<128x128xf32, #tpu.memory_space<vmem>>[vector<16xi32>, vector<16xi32>], vector<16xf32>,
      %add3A_1239 = arith.constant 7 : i32
      %add3A_1240 = vector.broadcast %add3A_1239 : i32 to vector<16xi32>
      %add3A_1241 = arith.addi %get3A_1185, %add3A_1240 : vector<16xi32>
      tpu.vector_store_idx %arg18[%get3A_1182, %add3A_1241], %gather3A_1238 : memref<128x416xf32, #tpu.memory_space<vmem>>[vector<16xi32>, vector<16xi32>], vector<16xf32>,
      %add3A_1242 = arith.constant 8 : i32
      %add3A_1243 = vector.broadcast %add3A_1242 : i32 to vector<16xi32>
      %add3A_1244 = arith.addi %get3A_1179, %add3A_1243 : vector<16xi32>
      %gather3A_1245 = tpu.vector_load_idx %arg16[%add3A_1176, %add3A_1244] : memref<128x128xf32, #tpu.memory_space<vmem>>[vector<16xi32>, vector<16xi32>], vector<16xf32>,
      %add3A_1246 = arith.constant 8 : i32
      %add3A_1247 = vector.broadcast %add3A_1246 : i32 to vector<16xi32>
      %add3A_1248 = arith.addi %get3A_1185, %add3A_1247 : vector<16xi32>
      tpu.vector_store_idx %arg18[%get3A_1182, %add3A_1248], %gather3A_1245 : memref<128x416xf32, #tpu.memory_space<vmem>>[vector<16xi32>, vector<16xi32>], vector<16xf32>,
      %add3A_1249 = arith.constant 9 : i32
      %add3A_1250 = vector.broadcast %add3A_1249 : i32 to vector<16xi32>
      %add3A_1251 = arith.addi %get3A_1179, %add3A_1250 : vector<16xi32>
      %gather3A_1252 = tpu.vector_load_idx %arg16[%add3A_1176, %add3A_1251] : memref<128x128xf32, #tpu.memory_space<vmem>>[vector<16xi32>, vector<16xi32>], vector<16xf32>,
      %add3A_1253 = arith.constant 9 : i32
      %add3A_1254 = vector.broadcast %add3A_1253 : i32 to vector<16xi32>
      %add3A_1255 = arith.addi %get3A_1185, %add3A_1254 : vector<16xi32>
      tpu.vector_store_idx %arg18[%get3A_1182, %add3A_1255], %gather3A_1252 : memref<128x416xf32, #tpu.memory_space<vmem>>[vector<16xi32>, vector<16xi32>], vector<16xf32>,
      %add3A_1256 = arith.constant 10 : i32
      %add3A_1257 = vector.broadcast %add3A_1256 : i32 to vector<16xi32>
      %add3A_1258 = arith.addi %get3A_1179, %add3A_1257 : vector<16xi32>
      %gather3A_1259 = tpu.vector_load_idx %arg16[%add3A_1176, %add3A_1258] : memref<128x128xf32, #tpu.memory_space<vmem>>[vector<16xi32>, vector<16xi32>], vector<16xf32>,
      %add3A_1260 = arith.constant 10 : i32
      %add3A_1261 = vector.broadcast %add3A_1260 : i32 to vector<16xi32>
      %add3A_1262 = arith.addi %get3A_1185, %add3A_1261 : vector<16xi32>
      tpu.vector_store_idx %arg18[%get3A_1182, %add3A_1262], %gather3A_1259 : memref<128x416xf32, #tpu.memory_space<vmem>>[vector<16xi32>, vector<16xi32>], vector<16xf32>,
      %add3A_1263 = arith.constant 11 : i32
      %add3A_1264 = vector.broadcast %add3A_1263 : i32 to vector<16xi32>
      %add3A_1265 = arith.addi %get3A_1179, %add3A_1264 : vector<16xi32>
      %gather3A_1266 = tpu.vector_load_idx %arg16[%add3A_1176, %add3A_1265] : memref<128x128xf32, #tpu.memory_space<vmem>>[vector<16xi32>, vector<16xi32>], vector<16xf32>,
      %add3A_1267 = arith.constant 11 : i32
      %add3A_1268 = vector.broadcast %add3A_1267 : i32 to vector<16xi32>
      %add3A_1269 = arith.addi %get3A_1185, %add3A_1268 : vector<16xi32>
      tpu.vector_store_idx %arg18[%get3A_1182, %add3A_1269], %gather3A_1266 : memref<128x416xf32, #tpu.memory_space<vmem>>[vector<16xi32>, vector<16xi32>], vector<16xf32>,
      %add3A_1270 = arith.constant 12 : i32
      %add3A_1271 = vector.broadcast %add3A_1270 : i32 to vector<16xi32>
      %add3A_1272 = arith.addi %get3A_1179, %add3A_1271 : vector<16xi32>
      %gather3A_1273 = tpu.vector_load_idx %arg16[%add3A_1176, %add3A_1272] : memref<128x128xf32, #tpu.memory_space<vmem>>[vector<16xi32>, vector<16xi32>], vector<16xf32>,
      %add3A_1274 = arith.constant 12 : i32
      %add3A_1275 = vector.broadcast %add3A_1274 : i32 to vector<16xi32>
      %add3A_1276 = arith.addi %get3A_1185, %add3A_1275 : vector<16xi32>
      tpu.vector_store_idx %arg18[%get3A_1182, %add3A_1276], %gather3A_1273 : memref<128x416xf32, #tpu.memory_space<vmem>>[vector<16xi32>, vector<16xi32>], vector<16xf32>,
      %add3A_1277 = arith.constant 13 : i32
      %add3A_1278 = vector.broadcast %add3A_1277 : i32 to vector<16xi32>
      %add3A_1279 = arith.addi %get3A_1179, %add3A_1278 : vector<16xi32>
      %gather3A_1280 = tpu.vector_load_idx %arg16[%add3A_1176, %add3A_1279] : memref<128x128xf32, #tpu.memory_space<vmem>>[vector<16xi32>, vector<16xi32>], vector<16xf32>,
      %add3A_1281 = arith.constant 13 : i32
      %add3A_1282 = vector.broadcast %add3A_1281 : i32 to vector<16xi32>
      %add3A_1283 = arith.addi %get3A_1185, %add3A_1282 : vector<16xi32>
      tpu.vector_store_idx %arg18[%get3A_1182, %add3A_1283], %gather3A_1280 : memref<128x416xf32, #tpu.memory_space<vmem>>[vector<16xi32>, vector<16xi32>], vector<16xf32>,
      %add3A_1284 = arith.constant 14 : i32
      %add3A_1285 = vector.broadcast %add3A_1284 : i32 to vector<16xi32>
      %add3A_1286 = arith.addi %get3A_1179, %add3A_1285 : vector<16xi32>
      %gather3A_1287 = tpu.vector_load_idx %arg16[%add3A_1176, %add3A_1286] : memref<128x128xf32, #tpu.memory_space<vmem>>[vector<16xi32>, vector<16xi32>], vector<16xf32>,
      %add3A_1288 = arith.constant 14 : i32
      %add3A_1289 = vector.broadcast %add3A_1288 : i32 to vector<16xi32>
      %add3A_1290 = arith.addi %get3A_1185, %add3A_1289 : vector<16xi32>
      tpu.vector_store_idx %arg18[%get3A_1182, %add3A_1290], %gather3A_1287 : memref<128x416xf32, #tpu.memory_space<vmem>>[vector<16xi32>, vector<16xi32>], vector<16xf32>,
      %add3A_1291 = arith.constant 15 : i32
      %add3A_1292 = vector.broadcast %add3A_1291 : i32 to vector<16xi32>
      %add3A_1293 = arith.addi %get3A_1179, %add3A_1292 : vector<16xi32>
      %gather3A_1294 = tpu.vector_load_idx %arg16[%add3A_1176, %add3A_1293] : memref<128x128xf32, #tpu.memory_space<vmem>>[vector<16xi32>, vector<16xi32>], vector<16xf32>,
      %add3A_1295 = arith.constant 15 : i32
      %add3A_1296 = vector.broadcast %add3A_1295 : i32 to vector<16xi32>
      %add3A_1297 = arith.addi %get3A_1185, %add3A_1296 : vector<16xi32>
      tpu.vector_store_idx %arg18[%get3A_1182, %add3A_1297], %gather3A_1294 : memref<128x416xf32, #tpu.memory_space<vmem>>[vector<16xi32>, vector<16xi32>], vector<16xf32>,
      %lt3A = arith.constant 12 : i32
      %lt3A_1298 = arith.cmpi slt, %scan3A_282, %lt3A : i32
      %convert_element_type3A = arith.extui %lt3A_1298 : i1 to i32
      %cond3A = arith.constant 0 : i32
      %cond3A_1299 = arith.cmpi ne, %convert_element_type3A, %cond3A : i32
      scf.if %cond3A_1299 {
        %add3A_2310 = arith.constant 2 : i32
        %add3A_2311 = arith.addi %mul3A_285, %add3A_2310 : i32
        %dma_start3A_2312 = arith.constant 0 : i32
        %dma_start3A_2313 = tpu.memref_slice %arg11[%add3A_2311, %dma_start3A_2312] : memref<26x128xi32, #tpu.memory_space<vmem>> -> memref<1x128xi32, #tpu.memory_space<vmem>>
        %dma_start3A_2314 = tpu.memref_squeeze %dma_start3A_2313 : memref<1x128xi32, #tpu.memory_space<vmem>> -> memref<128xi32, #tpu.memory_space<vmem>>
        %dma_start3A_2315 = arith.constant 0 : i32
        %dma_start3A_2316 = arith.constant 0 : i32
        %dma_start3A_2317 = tpu.memref_slice %arg2[%dma_start3A_2315, %dma_start3A_2316] : memref<327680x128xf32, #tpu.memory_space<hbm>> -> memref<327680x128xf32, #tpu.memory_space<hbm>>
        tpu.enqueue_indirect_dma source(%dma_start3A_2317 : memref<327680x128xf32, #tpu.memory_space<hbm>>) target(%arg16 : memref<128x128xf32, #tpu.memory_space<vmem>>) offsets(%dma_start3A_2314 : memref<128xi32, #tpu.memory_space<vmem>>) semaphore(%arg20 : memref<!tpu.dma_semaphore, #tpu.memory_space<semaphore_mem>>)
      } else {
      }
      %dma_wait3A_1300 = arith.constant 0 : i32
      %dma_wait3A_1301 = arith.constant 0 : i32
      %dma_wait3A_1302 = tpu.memref_slice %arg11[%dma_wait3A_1300, %dma_wait3A_1301] : memref<26x128xi32, #tpu.memory_space<vmem>> -> memref<1x128xi32, #tpu.memory_space<vmem>>
      %dma_wait3A_1303 = tpu.memref_squeeze %dma_wait3A_1302 : memref<1x128xi32, #tpu.memory_space<vmem>> -> memref<128xi32, #tpu.memory_space<vmem>>
      %dma_wait3A_1304 = arith.constant 0 : i32
      %dma_wait3A_1305 = arith.constant 0 : i32
      %dma_wait3A_1306 = tpu.memref_slice %arg2[%dma_wait3A_1304, %dma_wait3A_1305] : memref<327680x128xf32, #tpu.memory_space<hbm>> -> memref<327680x128xf32, #tpu.memory_space<hbm>>
      tpu.wait_indirect_dma semaphore(%arg20 : memref<!tpu.dma_semaphore, #tpu.memory_space<semaphore_mem>>) src(%dma_wait3A_1306 : memref<327680x128xf32, #tpu.memory_space<hbm>>) dst(%arg17 : memref<128x128xf32, #tpu.memory_space<vmem>>)
      %add3A_1307 = arith.constant 1 : i32
      %add3A_1308 = arith.addi %mul3A_285, %add3A_1307 : i32
      %iota3A_1309 = tpu.iota {dimensions = array<i32: 0>} : vector<16xi32>
      %add3A_1310 = arith.constant 0 : i32
      %add3A_1311 = vector.broadcast %add3A_1310 : i32 to vector<16xi32>
      %add3A_1312 = arith.addi %iota3A_1309, %add3A_1311 : vector<16xi32>
      %get3A_1313 = arith.index_cast %add3A_1308 : i32 to index
      %get3A_1314 = arith.constant 0 : index
      %get3A_1315 = tpu.vector_load %arg12[%get3A_1313, %get3A_1314] {strides = array<i32>} : memref<26x128xi32, #tpu.memory_space<vmem>>, vector<16xi32>,
      %get3A_1316 = arith.index_cast %add3A_1308 : i32 to index
      %get3A_1317 = arith.constant 0 : index
      %get3A_1318 = tpu.vector_load %arg13[%get3A_1316, %get3A_1317] {strides = array<i32>} : memref<26x128xi32, #tpu.memory_space<vmem>>, vector<16xi32>,
      %get3A_1319 = arith.index_cast %add3A_1308 : i32 to index
      %get3A_1320 = arith.constant 0 : index
      %get3A_1321 = tpu.vector_load %arg14[%get3A_1319, %get3A_1320] {strides = array<i32>} : memref<26x128xi32, #tpu.memory_space<vmem>>, vector<16xi32>,
      %add3A_1322 = arith.constant 0 : i32
      %add3A_1323 = vector.broadcast %add3A_1322 : i32 to vector<16xi32>
      %add3A_1324 = arith.addi %get3A_1315, %add3A_1323 : vector<16xi32>
      %gather3A_1325 = tpu.vector_load_idx %arg17[%add3A_1312, %add3A_1324] : memref<128x128xf32, #tpu.memory_space<vmem>>[vector<16xi32>, vector<16xi32>], vector<16xf32>,
      %add3A_1326 = arith.constant 0 : i32
      %add3A_1327 = vector.broadcast %add3A_1326 : i32 to vector<16xi32>
      %add3A_1328 = arith.addi %get3A_1321, %add3A_1327 : vector<16xi32>
      tpu.vector_store_idx %arg18[%get3A_1318, %add3A_1328], %gather3A_1325 : memref<128x416xf32, #tpu.memory_space<vmem>>[vector<16xi32>, vector<16xi32>], vector<16xf32>,
      %add3A_1329 = arith.constant 1 : i32
      %add3A_1330 = vector.broadcast %add3A_1329 : i32 to vector<16xi32>
      %add3A_1331 = arith.addi %get3A_1315, %add3A_1330 : vector<16xi32>
      %gather3A_1332 = tpu.vector_load_idx %arg17[%add3A_1312, %add3A_1331] : memref<128x128xf32, #tpu.memory_space<vmem>>[vector<16xi32>, vector<16xi32>], vector<16xf32>,
      %add3A_1333 = arith.constant 1 : i32
      %add3A_1334 = vector.broadcast %add3A_1333 : i32 to vector<16xi32>
      %add3A_1335 = arith.addi %get3A_1321, %add3A_1334 : vector<16xi32>
      tpu.vector_store_idx %arg18[%get3A_1318, %add3A_1335], %gather3A_1332 : memref<128x416xf32, #tpu.memory_space<vmem>>[vector<16xi32>, vector<16xi32>], vector<16xf32>,
      %add3A_1336 = arith.constant 2 : i32
      %add3A_1337 = vector.broadcast %add3A_1336 : i32 to vector<16xi32>
      %add3A_1338 = arith.addi %get3A_1315, %add3A_1337 : vector<16xi32>
      %gather3A_1339 = tpu.vector_load_idx %arg17[%add3A_1312, %add3A_1338] : memref<128x128xf32, #tpu.memory_space<vmem>>[vector<16xi32>, vector<16xi32>], vector<16xf32>,
      %add3A_1340 = arith.constant 2 : i32
      %add3A_1341 = vector.broadcast %add3A_1340 : i32 to vector<16xi32>
      %add3A_1342 = arith.addi %get3A_1321, %add3A_1341 : vector<16xi32>
      tpu.vector_store_idx %arg18[%get3A_1318, %add3A_1342], %gather3A_1339 : memref<128x416xf32, #tpu.memory_space<vmem>>[vector<16xi32>, vector<16xi32>], vector<16xf32>,
      %add3A_1343 = arith.constant 3 : i32
      %add3A_1344 = vector.broadcast %add3A_1343 : i32 to vector<16xi32>
      %add3A_1345 = arith.addi %get3A_1315, %add3A_1344 : vector<16xi32>
      %gather3A_1346 = tpu.vector_load_idx %arg17[%add3A_1312, %add3A_1345] : memref<128x128xf32, #tpu.memory_space<vmem>>[vector<16xi32>, vector<16xi32>], vector<16xf32>,
      %add3A_1347 = arith.constant 3 : i32
      %add3A_1348 = vector.broadcast %add3A_1347 : i32 to vector<16xi32>
      %add3A_1349 = arith.addi %get3A_1321, %add3A_1348 : vector<16xi32>
      tpu.vector_store_idx %arg18[%get3A_1318, %add3A_1349], %gather3A_1346 : memref<128x416xf32, #tpu.memory_space<vmem>>[vector<16xi32>, vector<16xi32>], vector<16xf32>,
      %add3A_1350 = arith.constant 4 : i32
      %add3A_1351 = vector.broadcast %add3A_1350 : i32 to vector<16xi32>
      %add3A_1352 = arith.addi %get3A_1315, %add3A_1351 : vector<16xi32>
      %gather3A_1353 = tpu.vector_load_idx %arg17[%add3A_1312, %add3A_1352] : memref<128x128xf32, #tpu.memory_space<vmem>>[vector<16xi32>, vector<16xi32>], vector<16xf32>,
      %add3A_1354 = arith.constant 4 : i32
      %add3A_1355 = vector.broadcast %add3A_1354 : i32 to vector<16xi32>
      %add3A_1356 = arith.addi %get3A_1321, %add3A_1355 : vector<16xi32>
      tpu.vector_store_idx %arg18[%get3A_1318, %add3A_1356], %gather3A_1353 : memref<128x416xf32, #tpu.memory_space<vmem>>[vector<16xi32>, vector<16xi32>], vector<16xf32>,
      %add3A_1357 = arith.constant 5 : i32
      %add3A_1358 = vector.broadcast %add3A_1357 : i32 to vector<16xi32>
      %add3A_1359 = arith.addi %get3A_1315, %add3A_1358 : vector<16xi32>
      %gather3A_1360 = tpu.vector_load_idx %arg17[%add3A_1312, %add3A_1359] : memref<128x128xf32, #tpu.memory_space<vmem>>[vector<16xi32>, vector<16xi32>], vector<16xf32>,
      %add3A_1361 = arith.constant 5 : i32
      %add3A_1362 = vector.broadcast %add3A_1361 : i32 to vector<16xi32>
      %add3A_1363 = arith.addi %get3A_1321, %add3A_1362 : vector<16xi32>
      tpu.vector_store_idx %arg18[%get3A_1318, %add3A_1363], %gather3A_1360 : memref<128x416xf32, #tpu.memory_space<vmem>>[vector<16xi32>, vector<16xi32>], vector<16xf32>,
      %add3A_1364 = arith.constant 6 : i32
      %add3A_1365 = vector.broadcast %add3A_1364 : i32 to vector<16xi32>
      %add3A_1366 = arith.addi %get3A_1315, %add3A_1365 : vector<16xi32>
      %gather3A_1367 = tpu.vector_load_idx %arg17[%add3A_1312, %add3A_1366] : memref<128x128xf32, #tpu.memory_space<vmem>>[vector<16xi32>, vector<16xi32>], vector<16xf32>,
      %add3A_1368 = arith.constant 6 : i32
      %add3A_1369 = vector.broadcast %add3A_1368 : i32 to vector<16xi32>
      %add3A_1370 = arith.addi %get3A_1321, %add3A_1369 : vector<16xi32>
      tpu.vector_store_idx %arg18[%get3A_1318, %add3A_1370], %gather3A_1367 : memref<128x416xf32, #tpu.memory_space<vmem>>[vector<16xi32>, vector<16xi32>], vector<16xf32>,
      %add3A_1371 = arith.constant 7 : i32
      %add3A_1372 = vector.broadcast %add3A_1371 : i32 to vector<16xi32>
      %add3A_1373 = arith.addi %get3A_1315, %add3A_1372 : vector<16xi32>
      %gather3A_1374 = tpu.vector_load_idx %arg17[%add3A_1312, %add3A_1373] : memref<128x128xf32, #tpu.memory_space<vmem>>[vector<16xi32>, vector<16xi32>], vector<16xf32>,
      %add3A_1375 = arith.constant 7 : i32
      %add3A_1376 = vector.broadcast %add3A_1375 : i32 to vector<16xi32>
      %add3A_1377 = arith.addi %get3A_1321, %add3A_1376 : vector<16xi32>
      tpu.vector_store_idx %arg18[%get3A_1318, %add3A_1377], %gather3A_1374 : memref<128x416xf32, #tpu.memory_space<vmem>>[vector<16xi32>, vector<16xi32>], vector<16xf32>,
      %add3A_1378 = arith.constant 8 : i32
      %add3A_1379 = vector.broadcast %add3A_1378 : i32 to vector<16xi32>
      %add3A_1380 = arith.addi %get3A_1315, %add3A_1379 : vector<16xi32>
      %gather3A_1381 = tpu.vector_load_idx %arg17[%add3A_1312, %add3A_1380] : memref<128x128xf32, #tpu.memory_space<vmem>>[vector<16xi32>, vector<16xi32>], vector<16xf32>,
      %add3A_1382 = arith.constant 8 : i32
      %add3A_1383 = vector.broadcast %add3A_1382 : i32 to vector<16xi32>
      %add3A_1384 = arith.addi %get3A_1321, %add3A_1383 : vector<16xi32>
      tpu.vector_store_idx %arg18[%get3A_1318, %add3A_1384], %gather3A_1381 : memref<128x416xf32, #tpu.memory_space<vmem>>[vector<16xi32>, vector<16xi32>], vector<16xf32>,
      %add3A_1385 = arith.constant 9 : i32
      %add3A_1386 = vector.broadcast %add3A_1385 : i32 to vector<16xi32>
      %add3A_1387 = arith.addi %get3A_1315, %add3A_1386 : vector<16xi32>
      %gather3A_1388 = tpu.vector_load_idx %arg17[%add3A_1312, %add3A_1387] : memref<128x128xf32, #tpu.memory_space<vmem>>[vector<16xi32>, vector<16xi32>], vector<16xf32>,
      %add3A_1389 = arith.constant 9 : i32
      %add3A_1390 = vector.broadcast %add3A_1389 : i32 to vector<16xi32>
      %add3A_1391 = arith.addi %get3A_1321, %add3A_1390 : vector<16xi32>
      tpu.vector_store_idx %arg18[%get3A_1318, %add3A_1391], %gather3A_1388 : memref<128x416xf32, #tpu.memory_space<vmem>>[vector<16xi32>, vector<16xi32>], vector<16xf32>,
      %add3A_1392 = arith.constant 10 : i32
      %add3A_1393 = vector.broadcast %add3A_1392 : i32 to vector<16xi32>
      %add3A_1394 = arith.addi %get3A_1315, %add3A_1393 : vector<16xi32>
      %gather3A_1395 = tpu.vector_load_idx %arg17[%add3A_1312, %add3A_1394] : memref<128x128xf32, #tpu.memory_space<vmem>>[vector<16xi32>, vector<16xi32>], vector<16xf32>,
      %add3A_1396 = arith.constant 10 : i32
      %add3A_1397 = vector.broadcast %add3A_1396 : i32 to vector<16xi32>
      %add3A_1398 = arith.addi %get3A_1321, %add3A_1397 : vector<16xi32>
      tpu.vector_store_idx %arg18[%get3A_1318, %add3A_1398], %gather3A_1395 : memref<128x416xf32, #tpu.memory_space<vmem>>[vector<16xi32>, vector<16xi32>], vector<16xf32>,
      %add3A_1399 = arith.constant 11 : i32
      %add3A_1400 = vector.broadcast %add3A_1399 : i32 to vector<16xi32>
      %add3A_1401 = arith.addi %get3A_1315, %add3A_1400 : vector<16xi32>
      %gather3A_1402 = tpu.vector_load_idx %arg17[%add3A_1312, %add3A_1401] : memref<128x128xf32, #tpu.memory_space<vmem>>[vector<16xi32>, vector<16xi32>], vector<16xf32>,
      %add3A_1403 = arith.constant 11 : i32
      %add3A_1404 = vector.broadcast %add3A_1403 : i32 to vector<16xi32>
      %add3A_1405 = arith.addi %get3A_1321, %add3A_1404 : vector<16xi32>
      tpu.vector_store_idx %arg18[%get3A_1318, %add3A_1405], %gather3A_1402 : memref<128x416xf32, #tpu.memory_space<vmem>>[vector<16xi32>, vector<16xi32>], vector<16xf32>,
      %add3A_1406 = arith.constant 12 : i32
      %add3A_1407 = vector.broadcast %add3A_1406 : i32 to vector<16xi32>
      %add3A_1408 = arith.addi %get3A_1315, %add3A_1407 : vector<16xi32>
      %gather3A_1409 = tpu.vector_load_idx %arg17[%add3A_1312, %add3A_1408] : memref<128x128xf32, #tpu.memory_space<vmem>>[vector<16xi32>, vector<16xi32>], vector<16xf32>,
      %add3A_1410 = arith.constant 12 : i32
      %add3A_1411 = vector.broadcast %add3A_1410 : i32 to vector<16xi32>
      %add3A_1412 = arith.addi %get3A_1321, %add3A_1411 : vector<16xi32>
      tpu.vector_store_idx %arg18[%get3A_1318, %add3A_1412], %gather3A_1409 : memref<128x416xf32, #tpu.memory_space<vmem>>[vector<16xi32>, vector<16xi32>], vector<16xf32>,
      %add3A_1413 = arith.constant 13 : i32
      %add3A_1414 = vector.broadcast %add3A_1413 : i32 to vector<16xi32>
      %add3A_1415 = arith.addi %get3A_1315, %add3A_1414 : vector<16xi32>
      %gather3A_1416 = tpu.vector_load_idx %arg17[%add3A_1312, %add3A_1415] : memref<128x128xf32, #tpu.memory_space<vmem>>[vector<16xi32>, vector<16xi32>], vector<16xf32>,
      %add3A_1417 = arith.constant 13 : i32
      %add3A_1418 = vector.broadcast %add3A_1417 : i32 to vector<16xi32>
      %add3A_1419 = arith.addi %get3A_1321, %add3A_1418 : vector<16xi32>
      tpu.vector_store_idx %arg18[%get3A_1318, %add3A_1419], %gather3A_1416 : memref<128x416xf32, #tpu.memory_space<vmem>>[vector<16xi32>, vector<16xi32>], vector<16xf32>,
      %add3A_1420 = arith.constant 14 : i32
      %add3A_1421 = vector.broadcast %add3A_1420 : i32 to vector<16xi32>
      %add3A_1422 = arith.addi %get3A_1315, %add3A_1421 : vector<16xi32>
      %gather3A_1423 = tpu.vector_load_idx %arg17[%add3A_1312, %add3A_1422] : memref<128x128xf32, #tpu.memory_space<vmem>>[vector<16xi32>, vector<16xi32>], vector<16xf32>,
      %add3A_1424 = arith.constant 14 : i32
      %add3A_1425 = vector.broadcast %add3A_1424 : i32 to vector<16xi32>
      %add3A_1426 = arith.addi %get3A_1321, %add3A_1425 : vector<16xi32>
      tpu.vector_store_idx %arg18[%get3A_1318, %add3A_1426], %gather3A_1423 : memref<128x416xf32, #tpu.memory_space<vmem>>[vector<16xi32>, vector<16xi32>], vector<16xf32>,
      %add3A_1427 = arith.constant 15 : i32
      %add3A_1428 = vector.broadcast %add3A_1427 : i32 to vector<16xi32>
      %add3A_1429 = arith.addi %get3A_1315, %add3A_1428 : vector<16xi32>
      %gather3A_1430 = tpu.vector_load_idx %arg17[%add3A_1312, %add3A_1429] : memref<128x128xf32, #tpu.memory_space<vmem>>[vector<16xi32>, vector<16xi32>], vector<16xf32>,
      %add3A_1431 = arith.constant 15 : i32
      %add3A_1432 = vector.broadcast %add3A_1431 : i32 to vector<16xi32>
      %add3A_1433 = arith.addi %get3A_1321, %add3A_1432 : vector<16xi32>
      tpu.vector_store_idx %arg18[%get3A_1318, %add3A_1433], %gather3A_1430 : memref<128x416xf32, #tpu.memory_space<vmem>>[vector<16xi32>, vector<16xi32>], vector<16xf32>,
      %iota3A_1434 = tpu.iota {dimensions = array<i32: 0>} : vector<16xi32>
      %add3A_1435 = arith.constant 16 : i32
      %add3A_1436 = vector.broadcast %add3A_1435 : i32 to vector<16xi32>
      %add3A_1437 = arith.addi %iota3A_1434, %add3A_1436 : vector<16xi32>
      %get3A_1438 = arith.index_cast %add3A_1308 : i32 to index
      %get3A_1439 = arith.constant 16 : index
      %get3A_1440 = tpu.vector_load %arg12[%get3A_1438, %get3A_1439] {strides = array<i32>} : memref<26x128xi32, #tpu.memory_space<vmem>>, vector<16xi32>,
      %get3A_1441 = arith.index_cast %add3A_1308 : i32 to index
      %get3A_1442 = arith.constant 16 : index
      %get3A_1443 = tpu.vector_load %arg13[%get3A_1441, %get3A_1442] {strides = array<i32>} : memref<26x128xi32, #tpu.memory_space<vmem>>, vector<16xi32>,
      %get3A_1444 = arith.index_cast %add3A_1308 : i32 to index
      %get3A_1445 = arith.constant 16 : index
      %get3A_1446 = tpu.vector_load %arg14[%get3A_1444, %get3A_1445] {strides = array<i32>} : memref<26x128xi32, #tpu.memory_space<vmem>>, vector<16xi32>,
      %add3A_1447 = arith.constant 0 : i32
      %add3A_1448 = vector.broadcast %add3A_1447 : i32 to vector<16xi32>
      %add3A_1449 = arith.addi %get3A_1440, %add3A_1448 : vector<16xi32>
      %gather3A_1450 = tpu.vector_load_idx %arg17[%add3A_1437, %add3A_1449] : memref<128x128xf32, #tpu.memory_space<vmem>>[vector<16xi32>, vector<16xi32>], vector<16xf32>,
      %add3A_1451 = arith.constant 0 : i32
      %add3A_1452 = vector.broadcast %add3A_1451 : i32 to vector<16xi32>
      %add3A_1453 = arith.addi %get3A_1446, %add3A_1452 : vector<16xi32>
      tpu.vector_store_idx %arg18[%get3A_1443, %add3A_1453], %gather3A_1450 : memref<128x416xf32, #tpu.memory_space<vmem>>[vector<16xi32>, vector<16xi32>], vector<16xf32>,
      %add3A_1454 = arith.constant 1 : i32
      %add3A_1455 = vector.broadcast %add3A_1454 : i32 to vector<16xi32>
      %add3A_1456 = arith.addi %get3A_1440, %add3A_1455 : vector<16xi32>
      %gather3A_1457 = tpu.vector_load_idx %arg17[%add3A_1437, %add3A_1456] : memref<128x128xf32, #tpu.memory_space<vmem>>[vector<16xi32>, vector<16xi32>], vector<16xf32>,
      %add3A_1458 = arith.constant 1 : i32
      %add3A_1459 = vector.broadcast %add3A_1458 : i32 to vector<16xi32>
      %add3A_1460 = arith.addi %get3A_1446, %add3A_1459 : vector<16xi32>
      tpu.vector_store_idx %arg18[%get3A_1443, %add3A_1460], %gather3A_1457 : memref<128x416xf32, #tpu.memory_space<vmem>>[vector<16xi32>, vector<16xi32>], vector<16xf32>,
      %add3A_1461 = arith.constant 2 : i32
      %add3A_1462 = vector.broadcast %add3A_1461 : i32 to vector<16xi32>
      %add3A_1463 = arith.addi %get3A_1440, %add3A_1462 : vector<16xi32>
      %gather3A_1464 = tpu.vector_load_idx %arg17[%add3A_1437, %add3A_1463] : memref<128x128xf32, #tpu.memory_space<vmem>>[vector<16xi32>, vector<16xi32>], vector<16xf32>,
      %add3A_1465 = arith.constant 2 : i32
      %add3A_1466 = vector.broadcast %add3A_1465 : i32 to vector<16xi32>
      %add3A_1467 = arith.addi %get3A_1446, %add3A_1466 : vector<16xi32>
      tpu.vector_store_idx %arg18[%get3A_1443, %add3A_1467], %gather3A_1464 : memref<128x416xf32, #tpu.memory_space<vmem>>[vector<16xi32>, vector<16xi32>], vector<16xf32>,
      %add3A_1468 = arith.constant 3 : i32
      %add3A_1469 = vector.broadcast %add3A_1468 : i32 to vector<16xi32>
      %add3A_1470 = arith.addi %get3A_1440, %add3A_1469 : vector<16xi32>
      %gather3A_1471 = tpu.vector_load_idx %arg17[%add3A_1437, %add3A_1470] : memref<128x128xf32, #tpu.memory_space<vmem>>[vector<16xi32>, vector<16xi32>], vector<16xf32>,
      %add3A_1472 = arith.constant 3 : i32
      %add3A_1473 = vector.broadcast %add3A_1472 : i32 to vector<16xi32>
      %add3A_1474 = arith.addi %get3A_1446, %add3A_1473 : vector<16xi32>
      tpu.vector_store_idx %arg18[%get3A_1443, %add3A_1474], %gather3A_1471 : memref<128x416xf32, #tpu.memory_space<vmem>>[vector<16xi32>, vector<16xi32>], vector<16xf32>,
      %add3A_1475 = arith.constant 4 : i32
      %add3A_1476 = vector.broadcast %add3A_1475 : i32 to vector<16xi32>
      %add3A_1477 = arith.addi %get3A_1440, %add3A_1476 : vector<16xi32>
      %gather3A_1478 = tpu.vector_load_idx %arg17[%add3A_1437, %add3A_1477] : memref<128x128xf32, #tpu.memory_space<vmem>>[vector<16xi32>, vector<16xi32>], vector<16xf32>,
      %add3A_1479 = arith.constant 4 : i32
      %add3A_1480 = vector.broadcast %add3A_1479 : i32 to vector<16xi32>
      %add3A_1481 = arith.addi %get3A_1446, %add3A_1480 : vector<16xi32>
      tpu.vector_store_idx %arg18[%get3A_1443, %add3A_1481], %gather3A_1478 : memref<128x416xf32, #tpu.memory_space<vmem>>[vector<16xi32>, vector<16xi32>], vector<16xf32>,
      %add3A_1482 = arith.constant 5 : i32
      %add3A_1483 = vector.broadcast %add3A_1482 : i32 to vector<16xi32>
      %add3A_1484 = arith.addi %get3A_1440, %add3A_1483 : vector<16xi32>
      %gather3A_1485 = tpu.vector_load_idx %arg17[%add3A_1437, %add3A_1484] : memref<128x128xf32, #tpu.memory_space<vmem>>[vector<16xi32>, vector<16xi32>], vector<16xf32>,
      %add3A_1486 = arith.constant 5 : i32
      %add3A_1487 = vector.broadcast %add3A_1486 : i32 to vector<16xi32>
      %add3A_1488 = arith.addi %get3A_1446, %add3A_1487 : vector<16xi32>
      tpu.vector_store_idx %arg18[%get3A_1443, %add3A_1488], %gather3A_1485 : memref<128x416xf32, #tpu.memory_space<vmem>>[vector<16xi32>, vector<16xi32>], vector<16xf32>,
      %add3A_1489 = arith.constant 6 : i32
      %add3A_1490 = vector.broadcast %add3A_1489 : i32 to vector<16xi32>
      %add3A_1491 = arith.addi %get3A_1440, %add3A_1490 : vector<16xi32>
      %gather3A_1492 = tpu.vector_load_idx %arg17[%add3A_1437, %add3A_1491] : memref<128x128xf32, #tpu.memory_space<vmem>>[vector<16xi32>, vector<16xi32>], vector<16xf32>,
      %add3A_1493 = arith.constant 6 : i32
      %add3A_1494 = vector.broadcast %add3A_1493 : i32 to vector<16xi32>
      %add3A_1495 = arith.addi %get3A_1446, %add3A_1494 : vector<16xi32>
      tpu.vector_store_idx %arg18[%get3A_1443, %add3A_1495], %gather3A_1492 : memref<128x416xf32, #tpu.memory_space<vmem>>[vector<16xi32>, vector<16xi32>], vector<16xf32>,
      %add3A_1496 = arith.constant 7 : i32
      %add3A_1497 = vector.broadcast %add3A_1496 : i32 to vector<16xi32>
      %add3A_1498 = arith.addi %get3A_1440, %add3A_1497 : vector<16xi32>
      %gather3A_1499 = tpu.vector_load_idx %arg17[%add3A_1437, %add3A_1498] : memref<128x128xf32, #tpu.memory_space<vmem>>[vector<16xi32>, vector<16xi32>], vector<16xf32>,
      %add3A_1500 = arith.constant 7 : i32
      %add3A_1501 = vector.broadcast %add3A_1500 : i32 to vector<16xi32>
      %add3A_1502 = arith.addi %get3A_1446, %add3A_1501 : vector<16xi32>
      tpu.vector_store_idx %arg18[%get3A_1443, %add3A_1502], %gather3A_1499 : memref<128x416xf32, #tpu.memory_space<vmem>>[vector<16xi32>, vector<16xi32>], vector<16xf32>,
      %add3A_1503 = arith.constant 8 : i32
      %add3A_1504 = vector.broadcast %add3A_1503 : i32 to vector<16xi32>
      %add3A_1505 = arith.addi %get3A_1440, %add3A_1504 : vector<16xi32>
      %gather3A_1506 = tpu.vector_load_idx %arg17[%add3A_1437, %add3A_1505] : memref<128x128xf32, #tpu.memory_space<vmem>>[vector<16xi32>, vector<16xi32>], vector<16xf32>,
      %add3A_1507 = arith.constant 8 : i32
      %add3A_1508 = vector.broadcast %add3A_1507 : i32 to vector<16xi32>
      %add3A_1509 = arith.addi %get3A_1446, %add3A_1508 : vector<16xi32>
      tpu.vector_store_idx %arg18[%get3A_1443, %add3A_1509], %gather3A_1506 : memref<128x416xf32, #tpu.memory_space<vmem>>[vector<16xi32>, vector<16xi32>], vector<16xf32>,
      %add3A_1510 = arith.constant 9 : i32
      %add3A_1511 = vector.broadcast %add3A_1510 : i32 to vector<16xi32>
      %add3A_1512 = arith.addi %get3A_1440, %add3A_1511 : vector<16xi32>
      %gather3A_1513 = tpu.vector_load_idx %arg17[%add3A_1437, %add3A_1512] : memref<128x128xf32, #tpu.memory_space<vmem>>[vector<16xi32>, vector<16xi32>], vector<16xf32>,
      %add3A_1514 = arith.constant 9 : i32
      %add3A_1515 = vector.broadcast %add3A_1514 : i32 to vector<16xi32>
      %add3A_1516 = arith.addi %get3A_1446, %add3A_1515 : vector<16xi32>
      tpu.vector_store_idx %arg18[%get3A_1443, %add3A_1516], %gather3A_1513 : memref<128x416xf32, #tpu.memory_space<vmem>>[vector<16xi32>, vector<16xi32>], vector<16xf32>,
      %add3A_1517 = arith.constant 10 : i32
      %add3A_1518 = vector.broadcast %add3A_1517 : i32 to vector<16xi32>
      %add3A_1519 = arith.addi %get3A_1440, %add3A_1518 : vector<16xi32>
      %gather3A_1520 = tpu.vector_load_idx %arg17[%add3A_1437, %add3A_1519] : memref<128x128xf32, #tpu.memory_space<vmem>>[vector<16xi32>, vector<16xi32>], vector<16xf32>,
      %add3A_1521 = arith.constant 10 : i32
      %add3A_1522 = vector.broadcast %add3A_1521 : i32 to vector<16xi32>
      %add3A_1523 = arith.addi %get3A_1446, %add3A_1522 : vector<16xi32>
      tpu.vector_store_idx %arg18[%get3A_1443, %add3A_1523], %gather3A_1520 : memref<128x416xf32, #tpu.memory_space<vmem>>[vector<16xi32>, vector<16xi32>], vector<16xf32>,
      %add3A_1524 = arith.constant 11 : i32
      %add3A_1525 = vector.broadcast %add3A_1524 : i32 to vector<16xi32>
      %add3A_1526 = arith.addi %get3A_1440, %add3A_1525 : vector<16xi32>
      %gather3A_1527 = tpu.vector_load_idx %arg17[%add3A_1437, %add3A_1526] : memref<128x128xf32, #tpu.memory_space<vmem>>[vector<16xi32>, vector<16xi32>], vector<16xf32>,
      %add3A_1528 = arith.constant 11 : i32
      %add3A_1529 = vector.broadcast %add3A_1528 : i32 to vector<16xi32>
      %add3A_1530 = arith.addi %get3A_1446, %add3A_1529 : vector<16xi32>
      tpu.vector_store_idx %arg18[%get3A_1443, %add3A_1530], %gather3A_1527 : memref<128x416xf32, #tpu.memory_space<vmem>>[vector<16xi32>, vector<16xi32>], vector<16xf32>,
      %add3A_1531 = arith.constant 12 : i32
      %add3A_1532 = vector.broadcast %add3A_1531 : i32 to vector<16xi32>
      %add3A_1533 = arith.addi %get3A_1440, %add3A_1532 : vector<16xi32>
      %gather3A_1534 = tpu.vector_load_idx %arg17[%add3A_1437, %add3A_1533] : memref<128x128xf32, #tpu.memory_space<vmem>>[vector<16xi32>, vector<16xi32>], vector<16xf32>,
      %add3A_1535 = arith.constant 12 : i32
      %add3A_1536 = vector.broadcast %add3A_1535 : i32 to vector<16xi32>
      %add3A_1537 = arith.addi %get3A_1446, %add3A_1536 : vector<16xi32>
      tpu.vector_store_idx %arg18[%get3A_1443, %add3A_1537], %gather3A_1534 : memref<128x416xf32, #tpu.memory_space<vmem>>[vector<16xi32>, vector<16xi32>], vector<16xf32>,
      %add3A_1538 = arith.constant 13 : i32
      %add3A_1539 = vector.broadcast %add3A_1538 : i32 to vector<16xi32>
      %add3A_1540 = arith.addi %get3A_1440, %add3A_1539 : vector<16xi32>
      %gather3A_1541 = tpu.vector_load_idx %arg17[%add3A_1437, %add3A_1540] : memref<128x128xf32, #tpu.memory_space<vmem>>[vector<16xi32>, vector<16xi32>], vector<16xf32>,
      %add3A_1542 = arith.constant 13 : i32
      %add3A_1543 = vector.broadcast %add3A_1542 : i32 to vector<16xi32>
      %add3A_1544 = arith.addi %get3A_1446, %add3A_1543 : vector<16xi32>
      tpu.vector_store_idx %arg18[%get3A_1443, %add3A_1544], %gather3A_1541 : memref<128x416xf32, #tpu.memory_space<vmem>>[vector<16xi32>, vector<16xi32>], vector<16xf32>,
      %add3A_1545 = arith.constant 14 : i32
      %add3A_1546 = vector.broadcast %add3A_1545 : i32 to vector<16xi32>
      %add3A_1547 = arith.addi %get3A_1440, %add3A_1546 : vector<16xi32>
      %gather3A_1548 = tpu.vector_load_idx %arg17[%add3A_1437, %add3A_1547] : memref<128x128xf32, #tpu.memory_space<vmem>>[vector<16xi32>, vector<16xi32>], vector<16xf32>,
      %add3A_1549 = arith.constant 14 : i32
      %add3A_1550 = vector.broadcast %add3A_1549 : i32 to vector<16xi32>
      %add3A_1551 = arith.addi %get3A_1446, %add3A_1550 : vector<16xi32>
      tpu.vector_store_idx %arg18[%get3A_1443, %add3A_1551], %gather3A_1548 : memref<128x416xf32, #tpu.memory_space<vmem>>[vector<16xi32>, vector<16xi32>], vector<16xf32>,
      %add3A_1552 = arith.constant 15 : i32
      %add3A_1553 = vector.broadcast %add3A_1552 : i32 to vector<16xi32>
      %add3A_1554 = arith.addi %get3A_1440, %add3A_1553 : vector<16xi32>
      %gather3A_1555 = tpu.vector_load_idx %arg17[%add3A_1437, %add3A_1554] : memref<128x128xf32, #tpu.memory_space<vmem>>[vector<16xi32>, vector<16xi32>], vector<16xf32>,
      %add3A_1556 = arith.constant 15 : i32
      %add3A_1557 = vector.broadcast %add3A_1556 : i32 to vector<16xi32>
      %add3A_1558 = arith.addi %get3A_1446, %add3A_1557 : vector<16xi32>
      tpu.vector_store_idx %arg18[%get3A_1443, %add3A_1558], %gather3A_1555 : memref<128x416xf32, #tpu.memory_space<vmem>>[vector<16xi32>, vector<16xi32>], vector<16xf32>,
      %iota3A_1559 = tpu.iota {dimensions = array<i32: 0>} : vector<16xi32>
      %add3A_1560 = arith.constant 32 : i32
      %add3A_1561 = vector.broadcast %add3A_1560 : i32 to vector<16xi32>
      %add3A_1562 = arith.addi %iota3A_1559, %add3A_1561 : vector<16xi32>
      %get3A_1563 = arith.index_cast %add3A_1308 : i32 to index
      %get3A_1564 = arith.constant 32 : index
      %get3A_1565 = tpu.vector_load %arg12[%get3A_1563, %get3A_1564] {strides = array<i32>} : memref<26x128xi32, #tpu.memory_space<vmem>>, vector<16xi32>,
      %get3A_1566 = arith.index_cast %add3A_1308 : i32 to index
      %get3A_1567 = arith.constant 32 : index
      %get3A_1568 = tpu.vector_load %arg13[%get3A_1566, %get3A_1567] {strides = array<i32>} : memref<26x128xi32, #tpu.memory_space<vmem>>, vector<16xi32>,
      %get3A_1569 = arith.index_cast %add3A_1308 : i32 to index
      %get3A_1570 = arith.constant 32 : index
      %get3A_1571 = tpu.vector_load %arg14[%get3A_1569, %get3A_1570] {strides = array<i32>} : memref<26x128xi32, #tpu.memory_space<vmem>>, vector<16xi32>,
      %add3A_1572 = arith.constant 0 : i32
      %add3A_1573 = vector.broadcast %add3A_1572 : i32 to vector<16xi32>
      %add3A_1574 = arith.addi %get3A_1565, %add3A_1573 : vector<16xi32>
      %gather3A_1575 = tpu.vector_load_idx %arg17[%add3A_1562, %add3A_1574] : memref<128x128xf32, #tpu.memory_space<vmem>>[vector<16xi32>, vector<16xi32>], vector<16xf32>,
      %add3A_1576 = arith.constant 0 : i32
      %add3A_1577 = vector.broadcast %add3A_1576 : i32 to vector<16xi32>
      %add3A_1578 = arith.addi %get3A_1571, %add3A_1577 : vector<16xi32>
      tpu.vector_store_idx %arg18[%get3A_1568, %add3A_1578], %gather3A_1575 : memref<128x416xf32, #tpu.memory_space<vmem>>[vector<16xi32>, vector<16xi32>], vector<16xf32>,
      %add3A_1579 = arith.constant 1 : i32
      %add3A_1580 = vector.broadcast %add3A_1579 : i32 to vector<16xi32>
      %add3A_1581 = arith.addi %get3A_1565, %add3A_1580 : vector<16xi32>
      %gather3A_1582 = tpu.vector_load_idx %arg17[%add3A_1562, %add3A_1581] : memref<128x128xf32, #tpu.memory_space<vmem>>[vector<16xi32>, vector<16xi32>], vector<16xf32>,
      %add3A_1583 = arith.constant 1 : i32
      %add3A_1584 = vector.broadcast %add3A_1583 : i32 to vector<16xi32>
      %add3A_1585 = arith.addi %get3A_1571, %add3A_1584 : vector<16xi32>
      tpu.vector_store_idx %arg18[%get3A_1568, %add3A_1585], %gather3A_1582 : memref<128x416xf32, #tpu.memory_space<vmem>>[vector<16xi32>, vector<16xi32>], vector<16xf32>,
      %add3A_1586 = arith.constant 2 : i32
      %add3A_1587 = vector.broadcast %add3A_1586 : i32 to vector<16xi32>
      %add3A_1588 = arith.addi %get3A_1565, %add3A_1587 : vector<16xi32>
      %gather3A_1589 = tpu.vector_load_idx %arg17[%add3A_1562, %add3A_1588] : memref<128x128xf32, #tpu.memory_space<vmem>>[vector<16xi32>, vector<16xi32>], vector<16xf32>,
      %add3A_1590 = arith.constant 2 : i32
      %add3A_1591 = vector.broadcast %add3A_1590 : i32 to vector<16xi32>
      %add3A_1592 = arith.addi %get3A_1571, %add3A_1591 : vector<16xi32>
      tpu.vector_store_idx %arg18[%get3A_1568, %add3A_1592], %gather3A_1589 : memref<128x416xf32, #tpu.memory_space<vmem>>[vector<16xi32>, vector<16xi32>], vector<16xf32>,
      %add3A_1593 = arith.constant 3 : i32
      %add3A_1594 = vector.broadcast %add3A_1593 : i32 to vector<16xi32>
      %add3A_1595 = arith.addi %get3A_1565, %add3A_1594 : vector<16xi32>
      %gather3A_1596 = tpu.vector_load_idx %arg17[%add3A_1562, %add3A_1595] : memref<128x128xf32, #tpu.memory_space<vmem>>[vector<16xi32>, vector<16xi32>], vector<16xf32>,
      %add3A_1597 = arith.constant 3 : i32
      %add3A_1598 = vector.broadcast %add3A_1597 : i32 to vector<16xi32>
      %add3A_1599 = arith.addi %get3A_1571, %add3A_1598 : vector<16xi32>
      tpu.vector_store_idx %arg18[%get3A_1568, %add3A_1599], %gather3A_1596 : memref<128x416xf32, #tpu.memory_space<vmem>>[vector<16xi32>, vector<16xi32>], vector<16xf32>,
      %add3A_1600 = arith.constant 4 : i32
      %add3A_1601 = vector.broadcast %add3A_1600 : i32 to vector<16xi32>
      %add3A_1602 = arith.addi %get3A_1565, %add3A_1601 : vector<16xi32>
      %gather3A_1603 = tpu.vector_load_idx %arg17[%add3A_1562, %add3A_1602] : memref<128x128xf32, #tpu.memory_space<vmem>>[vector<16xi32>, vector<16xi32>], vector<16xf32>,
      %add3A_1604 = arith.constant 4 : i32
      %add3A_1605 = vector.broadcast %add3A_1604 : i32 to vector<16xi32>
      %add3A_1606 = arith.addi %get3A_1571, %add3A_1605 : vector<16xi32>
      tpu.vector_store_idx %arg18[%get3A_1568, %add3A_1606], %gather3A_1603 : memref<128x416xf32, #tpu.memory_space<vmem>>[vector<16xi32>, vector<16xi32>], vector<16xf32>,
      %add3A_1607 = arith.constant 5 : i32
      %add3A_1608 = vector.broadcast %add3A_1607 : i32 to vector<16xi32>
      %add3A_1609 = arith.addi %get3A_1565, %add3A_1608 : vector<16xi32>
      %gather3A_1610 = tpu.vector_load_idx %arg17[%add3A_1562, %add3A_1609] : memref<128x128xf32, #tpu.memory_space<vmem>>[vector<16xi32>, vector<16xi32>], vector<16xf32>,
      %add3A_1611 = arith.constant 5 : i32
      %add3A_1612 = vector.broadcast %add3A_1611 : i32 to vector<16xi32>
      %add3A_1613 = arith.addi %get3A_1571, %add3A_1612 : vector<16xi32>
      tpu.vector_store_idx %arg18[%get3A_1568, %add3A_1613], %gather3A_1610 : memref<128x416xf32, #tpu.memory_space<vmem>>[vector<16xi32>, vector<16xi32>], vector<16xf32>,
      %add3A_1614 = arith.constant 6 : i32
      %add3A_1615 = vector.broadcast %add3A_1614 : i32 to vector<16xi32>
      %add3A_1616 = arith.addi %get3A_1565, %add3A_1615 : vector<16xi32>
      %gather3A_1617 = tpu.vector_load_idx %arg17[%add3A_1562, %add3A_1616] : memref<128x128xf32, #tpu.memory_space<vmem>>[vector<16xi32>, vector<16xi32>], vector<16xf32>,
      %add3A_1618 = arith.constant 6 : i32
      %add3A_1619 = vector.broadcast %add3A_1618 : i32 to vector<16xi32>
      %add3A_1620 = arith.addi %get3A_1571, %add3A_1619 : vector<16xi32>
      tpu.vector_store_idx %arg18[%get3A_1568, %add3A_1620], %gather3A_1617 : memref<128x416xf32, #tpu.memory_space<vmem>>[vector<16xi32>, vector<16xi32>], vector<16xf32>,
      %add3A_1621 = arith.constant 7 : i32
      %add3A_1622 = vector.broadcast %add3A_1621 : i32 to vector<16xi32>
      %add3A_1623 = arith.addi %get3A_1565, %add3A_1622 : vector<16xi32>
      %gather3A_1624 = tpu.vector_load_idx %arg17[%add3A_1562, %add3A_1623] : memref<128x128xf32, #tpu.memory_space<vmem>>[vector<16xi32>, vector<16xi32>], vector<16xf32>,
      %add3A_1625 = arith.constant 7 : i32
      %add3A_1626 = vector.broadcast %add3A_1625 : i32 to vector<16xi32>
      %add3A_1627 = arith.addi %get3A_1571, %add3A_1626 : vector<16xi32>
      tpu.vector_store_idx %arg18[%get3A_1568, %add3A_1627], %gather3A_1624 : memref<128x416xf32, #tpu.memory_space<vmem>>[vector<16xi32>, vector<16xi32>], vector<16xf32>,
      %add3A_1628 = arith.constant 8 : i32
      %add3A_1629 = vector.broadcast %add3A_1628 : i32 to vector<16xi32>
      %add3A_1630 = arith.addi %get3A_1565, %add3A_1629 : vector<16xi32>
      %gather3A_1631 = tpu.vector_load_idx %arg17[%add3A_1562, %add3A_1630] : memref<128x128xf32, #tpu.memory_space<vmem>>[vector<16xi32>, vector<16xi32>], vector<16xf32>,
      %add3A_1632 = arith.constant 8 : i32
      %add3A_1633 = vector.broadcast %add3A_1632 : i32 to vector<16xi32>
      %add3A_1634 = arith.addi %get3A_1571, %add3A_1633 : vector<16xi32>
      tpu.vector_store_idx %arg18[%get3A_1568, %add3A_1634], %gather3A_1631 : memref<128x416xf32, #tpu.memory_space<vmem>>[vector<16xi32>, vector<16xi32>], vector<16xf32>,
      %add3A_1635 = arith.constant 9 : i32
      %add3A_1636 = vector.broadcast %add3A_1635 : i32 to vector<16xi32>
      %add3A_1637 = arith.addi %get3A_1565, %add3A_1636 : vector<16xi32>
      %gather3A_1638 = tpu.vector_load_idx %arg17[%add3A_1562, %add3A_1637] : memref<128x128xf32, #tpu.memory_space<vmem>>[vector<16xi32>, vector<16xi32>], vector<16xf32>,
      %add3A_1639 = arith.constant 9 : i32
      %add3A_1640 = vector.broadcast %add3A_1639 : i32 to vector<16xi32>
      %add3A_1641 = arith.addi %get3A_1571, %add3A_1640 : vector<16xi32>
      tpu.vector_store_idx %arg18[%get3A_1568, %add3A_1641], %gather3A_1638 : memref<128x416xf32, #tpu.memory_space<vmem>>[vector<16xi32>, vector<16xi32>], vector<16xf32>,
      %add3A_1642 = arith.constant 10 : i32
      %add3A_1643 = vector.broadcast %add3A_1642 : i32 to vector<16xi32>
      %add3A_1644 = arith.addi %get3A_1565, %add3A_1643 : vector<16xi32>
      %gather3A_1645 = tpu.vector_load_idx %arg17[%add3A_1562, %add3A_1644] : memref<128x128xf32, #tpu.memory_space<vmem>>[vector<16xi32>, vector<16xi32>], vector<16xf32>,
      %add3A_1646 = arith.constant 10 : i32
      %add3A_1647 = vector.broadcast %add3A_1646 : i32 to vector<16xi32>
      %add3A_1648 = arith.addi %get3A_1571, %add3A_1647 : vector<16xi32>
      tpu.vector_store_idx %arg18[%get3A_1568, %add3A_1648], %gather3A_1645 : memref<128x416xf32, #tpu.memory_space<vmem>>[vector<16xi32>, vector<16xi32>], vector<16xf32>,
      %add3A_1649 = arith.constant 11 : i32
      %add3A_1650 = vector.broadcast %add3A_1649 : i32 to vector<16xi32>
      %add3A_1651 = arith.addi %get3A_1565, %add3A_1650 : vector<16xi32>
      %gather3A_1652 = tpu.vector_load_idx %arg17[%add3A_1562, %add3A_1651] : memref<128x128xf32, #tpu.memory_space<vmem>>[vector<16xi32>, vector<16xi32>], vector<16xf32>,
      %add3A_1653 = arith.constant 11 : i32
      %add3A_1654 = vector.broadcast %add3A_1653 : i32 to vector<16xi32>
      %add3A_1655 = arith.addi %get3A_1571, %add3A_1654 : vector<16xi32>
      tpu.vector_store_idx %arg18[%get3A_1568, %add3A_1655], %gather3A_1652 : memref<128x416xf32, #tpu.memory_space<vmem>>[vector<16xi32>, vector<16xi32>], vector<16xf32>,
      %add3A_1656 = arith.constant 12 : i32
      %add3A_1657 = vector.broadcast %add3A_1656 : i32 to vector<16xi32>
      %add3A_1658 = arith.addi %get3A_1565, %add3A_1657 : vector<16xi32>
      %gather3A_1659 = tpu.vector_load_idx %arg17[%add3A_1562, %add3A_1658] : memref<128x128xf32, #tpu.memory_space<vmem>>[vector<16xi32>, vector<16xi32>], vector<16xf32>,
      %add3A_1660 = arith.constant 12 : i32
      %add3A_1661 = vector.broadcast %add3A_1660 : i32 to vector<16xi32>
      %add3A_1662 = arith.addi %get3A_1571, %add3A_1661 : vector<16xi32>
      tpu.vector_store_idx %arg18[%get3A_1568, %add3A_1662], %gather3A_1659 : memref<128x416xf32, #tpu.memory_space<vmem>>[vector<16xi32>, vector<16xi32>], vector<16xf32>,
      %add3A_1663 = arith.constant 13 : i32
      %add3A_1664 = vector.broadcast %add3A_1663 : i32 to vector<16xi32>
      %add3A_1665 = arith.addi %get3A_1565, %add3A_1664 : vector<16xi32>
      %gather3A_1666 = tpu.vector_load_idx %arg17[%add3A_1562, %add3A_1665] : memref<128x128xf32, #tpu.memory_space<vmem>>[vector<16xi32>, vector<16xi32>], vector<16xf32>,
      %add3A_1667 = arith.constant 13 : i32
      %add3A_1668 = vector.broadcast %add3A_1667 : i32 to vector<16xi32>
      %add3A_1669 = arith.addi %get3A_1571, %add3A_1668 : vector<16xi32>
      tpu.vector_store_idx %arg18[%get3A_1568, %add3A_1669], %gather3A_1666 : memref<128x416xf32, #tpu.memory_space<vmem>>[vector<16xi32>, vector<16xi32>], vector<16xf32>,
      %add3A_1670 = arith.constant 14 : i32
      %add3A_1671 = vector.broadcast %add3A_1670 : i32 to vector<16xi32>
      %add3A_1672 = arith.addi %get3A_1565, %add3A_1671 : vector<16xi32>
      %gather3A_1673 = tpu.vector_load_idx %arg17[%add3A_1562, %add3A_1672] : memref<128x128xf32, #tpu.memory_space<vmem>>[vector<16xi32>, vector<16xi32>], vector<16xf32>,
      %add3A_1674 = arith.constant 14 : i32
      %add3A_1675 = vector.broadcast %add3A_1674 : i32 to vector<16xi32>
      %add3A_1676 = arith.addi %get3A_1571, %add3A_1675 : vector<16xi32>
      tpu.vector_store_idx %arg18[%get3A_1568, %add3A_1676], %gather3A_1673 : memref<128x416xf32, #tpu.memory_space<vmem>>[vector<16xi32>, vector<16xi32>], vector<16xf32>,
      %add3A_1677 = arith.constant 15 : i32
      %add3A_1678 = vector.broadcast %add3A_1677 : i32 to vector<16xi32>
      %add3A_1679 = arith.addi %get3A_1565, %add3A_1678 : vector<16xi32>
      %gather3A_1680 = tpu.vector_load_idx %arg17[%add3A_1562, %add3A_1679] : memref<128x128xf32, #tpu.memory_space<vmem>>[vector<16xi32>, vector<16xi32>], vector<16xf32>,
      %add3A_1681 = arith.constant 15 : i32
      %add3A_1682 = vector.broadcast %add3A_1681 : i32 to vector<16xi32>
      %add3A_1683 = arith.addi %get3A_1571, %add3A_1682 : vector<16xi32>
      tpu.vector_store_idx %arg18[%get3A_1568, %add3A_1683], %gather3A_1680 : memref<128x416xf32, #tpu.memory_space<vmem>>[vector<16xi32>, vector<16xi32>], vector<16xf32>,
      %iota3A_1684 = tpu.iota {dimensions = array<i32: 0>} : vector<16xi32>
      %add3A_1685 = arith.constant 48 : i32
      %add3A_1686 = vector.broadcast %add3A_1685 : i32 to vector<16xi32>
      %add3A_1687 = arith.addi %iota3A_1684, %add3A_1686 : vector<16xi32>
      %get3A_1688 = arith.index_cast %add3A_1308 : i32 to index
      %get3A_1689 = arith.constant 48 : index
      %get3A_1690 = tpu.vector_load %arg12[%get3A_1688, %get3A_1689] {strides = array<i32>} : memref<26x128xi32, #tpu.memory_space<vmem>>, vector<16xi32>,
      %get3A_1691 = arith.index_cast %add3A_1308 : i32 to index
      %get3A_1692 = arith.constant 48 : index
      %get3A_1693 = tpu.vector_load %arg13[%get3A_1691, %get3A_1692] {strides = array<i32>} : memref<26x128xi32, #tpu.memory_space<vmem>>, vector<16xi32>,
      %get3A_1694 = arith.index_cast %add3A_1308 : i32 to index
      %get3A_1695 = arith.constant 48 : index
      %get3A_1696 = tpu.vector_load %arg14[%get3A_1694, %get3A_1695] {strides = array<i32>} : memref<26x128xi32, #tpu.memory_space<vmem>>, vector<16xi32>,
      %add3A_1697 = arith.constant 0 : i32
      %add3A_1698 = vector.broadcast %add3A_1697 : i32 to vector<16xi32>
      %add3A_1699 = arith.addi %get3A_1690, %add3A_1698 : vector<16xi32>
      %gather3A_1700 = tpu.vector_load_idx %arg17[%add3A_1687, %add3A_1699] : memref<128x128xf32, #tpu.memory_space<vmem>>[vector<16xi32>, vector<16xi32>], vector<16xf32>,
      %add3A_1701 = arith.constant 0 : i32
      %add3A_1702 = vector.broadcast %add3A_1701 : i32 to vector<16xi32>
      %add3A_1703 = arith.addi %get3A_1696, %add3A_1702 : vector<16xi32>
      tpu.vector_store_idx %arg18[%get3A_1693, %add3A_1703], %gather3A_1700 : memref<128x416xf32, #tpu.memory_space<vmem>>[vector<16xi32>, vector<16xi32>], vector<16xf32>,
      %add3A_1704 = arith.constant 1 : i32
      %add3A_1705 = vector.broadcast %add3A_1704 : i32 to vector<16xi32>
      %add3A_1706 = arith.addi %get3A_1690, %add3A_1705 : vector<16xi32>
      %gather3A_1707 = tpu.vector_load_idx %arg17[%add3A_1687, %add3A_1706] : memref<128x128xf32, #tpu.memory_space<vmem>>[vector<16xi32>, vector<16xi32>], vector<16xf32>,
      %add3A_1708 = arith.constant 1 : i32
      %add3A_1709 = vector.broadcast %add3A_1708 : i32 to vector<16xi32>
      %add3A_1710 = arith.addi %get3A_1696, %add3A_1709 : vector<16xi32>
      tpu.vector_store_idx %arg18[%get3A_1693, %add3A_1710], %gather3A_1707 : memref<128x416xf32, #tpu.memory_space<vmem>>[vector<16xi32>, vector<16xi32>], vector<16xf32>,
      %add3A_1711 = arith.constant 2 : i32
      %add3A_1712 = vector.broadcast %add3A_1711 : i32 to vector<16xi32>
      %add3A_1713 = arith.addi %get3A_1690, %add3A_1712 : vector<16xi32>
      %gather3A_1714 = tpu.vector_load_idx %arg17[%add3A_1687, %add3A_1713] : memref<128x128xf32, #tpu.memory_space<vmem>>[vector<16xi32>, vector<16xi32>], vector<16xf32>,
      %add3A_1715 = arith.constant 2 : i32
      %add3A_1716 = vector.broadcast %add3A_1715 : i32 to vector<16xi32>
      %add3A_1717 = arith.addi %get3A_1696, %add3A_1716 : vector<16xi32>
      tpu.vector_store_idx %arg18[%get3A_1693, %add3A_1717], %gather3A_1714 : memref<128x416xf32, #tpu.memory_space<vmem>>[vector<16xi32>, vector<16xi32>], vector<16xf32>,
      %add3A_1718 = arith.constant 3 : i32
      %add3A_1719 = vector.broadcast %add3A_1718 : i32 to vector<16xi32>
      %add3A_1720 = arith.addi %get3A_1690, %add3A_1719 : vector<16xi32>
      %gather3A_1721 = tpu.vector_load_idx %arg17[%add3A_1687, %add3A_1720] : memref<128x128xf32, #tpu.memory_space<vmem>>[vector<16xi32>, vector<16xi32>], vector<16xf32>,
      %add3A_1722 = arith.constant 3 : i32
      %add3A_1723 = vector.broadcast %add3A_1722 : i32 to vector<16xi32>
      %add3A_1724 = arith.addi %get3A_1696, %add3A_1723 : vector<16xi32>
      tpu.vector_store_idx %arg18[%get3A_1693, %add3A_1724], %gather3A_1721 : memref<128x416xf32, #tpu.memory_space<vmem>>[vector<16xi32>, vector<16xi32>], vector<16xf32>,
      %add3A_1725 = arith.constant 4 : i32
      %add3A_1726 = vector.broadcast %add3A_1725 : i32 to vector<16xi32>
      %add3A_1727 = arith.addi %get3A_1690, %add3A_1726 : vector<16xi32>
      %gather3A_1728 = tpu.vector_load_idx %arg17[%add3A_1687, %add3A_1727] : memref<128x128xf32, #tpu.memory_space<vmem>>[vector<16xi32>, vector<16xi32>], vector<16xf32>,
      %add3A_1729 = arith.constant 4 : i32
      %add3A_1730 = vector.broadcast %add3A_1729 : i32 to vector<16xi32>
      %add3A_1731 = arith.addi %get3A_1696, %add3A_1730 : vector<16xi32>
      tpu.vector_store_idx %arg18[%get3A_1693, %add3A_1731], %gather3A_1728 : memref<128x416xf32, #tpu.memory_space<vmem>>[vector<16xi32>, vector<16xi32>], vector<16xf32>,
      %add3A_1732 = arith.constant 5 : i32
      %add3A_1733 = vector.broadcast %add3A_1732 : i32 to vector<16xi32>
      %add3A_1734 = arith.addi %get3A_1690, %add3A_1733 : vector<16xi32>
      %gather3A_1735 = tpu.vector_load_idx %arg17[%add3A_1687, %add3A_1734] : memref<128x128xf32, #tpu.memory_space<vmem>>[vector<16xi32>, vector<16xi32>], vector<16xf32>,
      %add3A_1736 = arith.constant 5 : i32
      %add3A_1737 = vector.broadcast %add3A_1736 : i32 to vector<16xi32>
      %add3A_1738 = arith.addi %get3A_1696, %add3A_1737 : vector<16xi32>
      tpu.vector_store_idx %arg18[%get3A_1693, %add3A_1738], %gather3A_1735 : memref<128x416xf32, #tpu.memory_space<vmem>>[vector<16xi32>, vector<16xi32>], vector<16xf32>,
      %add3A_1739 = arith.constant 6 : i32
      %add3A_1740 = vector.broadcast %add3A_1739 : i32 to vector<16xi32>
      %add3A_1741 = arith.addi %get3A_1690, %add3A_1740 : vector<16xi32>
      %gather3A_1742 = tpu.vector_load_idx %arg17[%add3A_1687, %add3A_1741] : memref<128x128xf32, #tpu.memory_space<vmem>>[vector<16xi32>, vector<16xi32>], vector<16xf32>,
      %add3A_1743 = arith.constant 6 : i32
      %add3A_1744 = vector.broadcast %add3A_1743 : i32 to vector<16xi32>
      %add3A_1745 = arith.addi %get3A_1696, %add3A_1744 : vector<16xi32>
      tpu.vector_store_idx %arg18[%get3A_1693, %add3A_1745], %gather3A_1742 : memref<128x416xf32, #tpu.memory_space<vmem>>[vector<16xi32>, vector<16xi32>], vector<16xf32>,
      %add3A_1746 = arith.constant 7 : i32
      %add3A_1747 = vector.broadcast %add3A_1746 : i32 to vector<16xi32>
      %add3A_1748 = arith.addi %get3A_1690, %add3A_1747 : vector<16xi32>
      %gather3A_1749 = tpu.vector_load_idx %arg17[%add3A_1687, %add3A_1748] : memref<128x128xf32, #tpu.memory_space<vmem>>[vector<16xi32>, vector<16xi32>], vector<16xf32>,
      %add3A_1750 = arith.constant 7 : i32
      %add3A_1751 = vector.broadcast %add3A_1750 : i32 to vector<16xi32>
      %add3A_1752 = arith.addi %get3A_1696, %add3A_1751 : vector<16xi32>
      tpu.vector_store_idx %arg18[%get3A_1693, %add3A_1752], %gather3A_1749 : memref<128x416xf32, #tpu.memory_space<vmem>>[vector<16xi32>, vector<16xi32>], vector<16xf32>,
      %add3A_1753 = arith.constant 8 : i32
      %add3A_1754 = vector.broadcast %add3A_1753 : i32 to vector<16xi32>
      %add3A_1755 = arith.addi %get3A_1690, %add3A_1754 : vector<16xi32>
      %gather3A_1756 = tpu.vector_load_idx %arg17[%add3A_1687, %add3A_1755] : memref<128x128xf32, #tpu.memory_space<vmem>>[vector<16xi32>, vector<16xi32>], vector<16xf32>,
      %add3A_1757 = arith.constant 8 : i32
      %add3A_1758 = vector.broadcast %add3A_1757 : i32 to vector<16xi32>
      %add3A_1759 = arith.addi %get3A_1696, %add3A_1758 : vector<16xi32>
      tpu.vector_store_idx %arg18[%get3A_1693, %add3A_1759], %gather3A_1756 : memref<128x416xf32, #tpu.memory_space<vmem>>[vector<16xi32>, vector<16xi32>], vector<16xf32>,
      %add3A_1760 = arith.constant 9 : i32
      %add3A_1761 = vector.broadcast %add3A_1760 : i32 to vector<16xi32>
      %add3A_1762 = arith.addi %get3A_1690, %add3A_1761 : vector<16xi32>
      %gather3A_1763 = tpu.vector_load_idx %arg17[%add3A_1687, %add3A_1762] : memref<128x128xf32, #tpu.memory_space<vmem>>[vector<16xi32>, vector<16xi32>], vector<16xf32>,
      %add3A_1764 = arith.constant 9 : i32
      %add3A_1765 = vector.broadcast %add3A_1764 : i32 to vector<16xi32>
      %add3A_1766 = arith.addi %get3A_1696, %add3A_1765 : vector<16xi32>
      tpu.vector_store_idx %arg18[%get3A_1693, %add3A_1766], %gather3A_1763 : memref<128x416xf32, #tpu.memory_space<vmem>>[vector<16xi32>, vector<16xi32>], vector<16xf32>,
      %add3A_1767 = arith.constant 10 : i32
      %add3A_1768 = vector.broadcast %add3A_1767 : i32 to vector<16xi32>
      %add3A_1769 = arith.addi %get3A_1690, %add3A_1768 : vector<16xi32>
      %gather3A_1770 = tpu.vector_load_idx %arg17[%add3A_1687, %add3A_1769] : memref<128x128xf32, #tpu.memory_space<vmem>>[vector<16xi32>, vector<16xi32>], vector<16xf32>,
      %add3A_1771 = arith.constant 10 : i32
      %add3A_1772 = vector.broadcast %add3A_1771 : i32 to vector<16xi32>
      %add3A_1773 = arith.addi %get3A_1696, %add3A_1772 : vector<16xi32>
      tpu.vector_store_idx %arg18[%get3A_1693, %add3A_1773], %gather3A_1770 : memref<128x416xf32, #tpu.memory_space<vmem>>[vector<16xi32>, vector<16xi32>], vector<16xf32>,
      %add3A_1774 = arith.constant 11 : i32
      %add3A_1775 = vector.broadcast %add3A_1774 : i32 to vector<16xi32>
      %add3A_1776 = arith.addi %get3A_1690, %add3A_1775 : vector<16xi32>
      %gather3A_1777 = tpu.vector_load_idx %arg17[%add3A_1687, %add3A_1776] : memref<128x128xf32, #tpu.memory_space<vmem>>[vector<16xi32>, vector<16xi32>], vector<16xf32>,
      %add3A_1778 = arith.constant 11 : i32
      %add3A_1779 = vector.broadcast %add3A_1778 : i32 to vector<16xi32>
      %add3A_1780 = arith.addi %get3A_1696, %add3A_1779 : vector<16xi32>
      tpu.vector_store_idx %arg18[%get3A_1693, %add3A_1780], %gather3A_1777 : memref<128x416xf32, #tpu.memory_space<vmem>>[vector<16xi32>, vector<16xi32>], vector<16xf32>,
      %add3A_1781 = arith.constant 12 : i32
      %add3A_1782 = vector.broadcast %add3A_1781 : i32 to vector<16xi32>
      %add3A_1783 = arith.addi %get3A_1690, %add3A_1782 : vector<16xi32>
      %gather3A_1784 = tpu.vector_load_idx %arg17[%add3A_1687, %add3A_1783] : memref<128x128xf32, #tpu.memory_space<vmem>>[vector<16xi32>, vector<16xi32>], vector<16xf32>,
      %add3A_1785 = arith.constant 12 : i32
      %add3A_1786 = vector.broadcast %add3A_1785 : i32 to vector<16xi32>
      %add3A_1787 = arith.addi %get3A_1696, %add3A_1786 : vector<16xi32>
      tpu.vector_store_idx %arg18[%get3A_1693, %add3A_1787], %gather3A_1784 : memref<128x416xf32, #tpu.memory_space<vmem>>[vector<16xi32>, vector<16xi32>], vector<16xf32>,
      %add3A_1788 = arith.constant 13 : i32
      %add3A_1789 = vector.broadcast %add3A_1788 : i32 to vector<16xi32>
      %add3A_1790 = arith.addi %get3A_1690, %add3A_1789 : vector<16xi32>
      %gather3A_1791 = tpu.vector_load_idx %arg17[%add3A_1687, %add3A_1790] : memref<128x128xf32, #tpu.memory_space<vmem>>[vector<16xi32>, vector<16xi32>], vector<16xf32>,
      %add3A_1792 = arith.constant 13 : i32
      %add3A_1793 = vector.broadcast %add3A_1792 : i32 to vector<16xi32>
      %add3A_1794 = arith.addi %get3A_1696, %add3A_1793 : vector<16xi32>
      tpu.vector_store_idx %arg18[%get3A_1693, %add3A_1794], %gather3A_1791 : memref<128x416xf32, #tpu.memory_space<vmem>>[vector<16xi32>, vector<16xi32>], vector<16xf32>,
      %add3A_1795 = arith.constant 14 : i32
      %add3A_1796 = vector.broadcast %add3A_1795 : i32 to vector<16xi32>
      %add3A_1797 = arith.addi %get3A_1690, %add3A_1796 : vector<16xi32>
      %gather3A_1798 = tpu.vector_load_idx %arg17[%add3A_1687, %add3A_1797] : memref<128x128xf32, #tpu.memory_space<vmem>>[vector<16xi32>, vector<16xi32>], vector<16xf32>,
      %add3A_1799 = arith.constant 14 : i32
      %add3A_1800 = vector.broadcast %add3A_1799 : i32 to vector<16xi32>
      %add3A_1801 = arith.addi %get3A_1696, %add3A_1800 : vector<16xi32>
      tpu.vector_store_idx %arg18[%get3A_1693, %add3A_1801], %gather3A_1798 : memref<128x416xf32, #tpu.memory_space<vmem>>[vector<16xi32>, vector<16xi32>], vector<16xf32>,
      %add3A_1802 = arith.constant 15 : i32
      %add3A_1803 = vector.broadcast %add3A_1802 : i32 to vector<16xi32>
      %add3A_1804 = arith.addi %get3A_1690, %add3A_1803 : vector<16xi32>
      %gather3A_1805 = tpu.vector_load_idx %arg17[%add3A_1687, %add3A_1804] : memref<128x128xf32, #tpu.memory_space<vmem>>[vector<16xi32>, vector<16xi32>], vector<16xf32>,
      %add3A_1806 = arith.constant 15 : i32
      %add3A_1807 = vector.broadcast %add3A_1806 : i32 to vector<16xi32>
      %add3A_1808 = arith.addi %get3A_1696, %add3A_1807 : vector<16xi32>
      tpu.vector_store_idx %arg18[%get3A_1693, %add3A_1808], %gather3A_1805 : memref<128x416xf32, #tpu.memory_space<vmem>>[vector<16xi32>, vector<16xi32>], vector<16xf32>,
      %iota3A_1809 = tpu.iota {dimensions = array<i32: 0>} : vector<16xi32>
      %add3A_1810 = arith.constant 64 : i32
      %add3A_1811 = vector.broadcast %add3A_1810 : i32 to vector<16xi32>
      %add3A_1812 = arith.addi %iota3A_1809, %add3A_1811 : vector<16xi32>
      %get3A_1813 = arith.index_cast %add3A_1308 : i32 to index
      %get3A_1814 = arith.constant 64 : index
      %get3A_1815 = tpu.vector_load %arg12[%get3A_1813, %get3A_1814] {strides = array<i32>} : memref<26x128xi32, #tpu.memory_space<vmem>>, vector<16xi32>,
      %get3A_1816 = arith.index_cast %add3A_1308 : i32 to index
      %get3A_1817 = arith.constant 64 : index
      %get3A_1818 = tpu.vector_load %arg13[%get3A_1816, %get3A_1817] {strides = array<i32>} : memref<26x128xi32, #tpu.memory_space<vmem>>, vector<16xi32>,
      %get3A_1819 = arith.index_cast %add3A_1308 : i32 to index
      %get3A_1820 = arith.constant 64 : index
      %get3A_1821 = tpu.vector_load %arg14[%get3A_1819, %get3A_1820] {strides = array<i32>} : memref<26x128xi32, #tpu.memory_space<vmem>>, vector<16xi32>,
      %add3A_1822 = arith.constant 0 : i32
      %add3A_1823 = vector.broadcast %add3A_1822 : i32 to vector<16xi32>
      %add3A_1824 = arith.addi %get3A_1815, %add3A_1823 : vector<16xi32>
      %gather3A_1825 = tpu.vector_load_idx %arg17[%add3A_1812, %add3A_1824] : memref<128x128xf32, #tpu.memory_space<vmem>>[vector<16xi32>, vector<16xi32>], vector<16xf32>,
      %add3A_1826 = arith.constant 0 : i32
      %add3A_1827 = vector.broadcast %add3A_1826 : i32 to vector<16xi32>
      %add3A_1828 = arith.addi %get3A_1821, %add3A_1827 : vector<16xi32>
      tpu.vector_store_idx %arg18[%get3A_1818, %add3A_1828], %gather3A_1825 : memref<128x416xf32, #tpu.memory_space<vmem>>[vector<16xi32>, vector<16xi32>], vector<16xf32>,
      %add3A_1829 = arith.constant 1 : i32
      %add3A_1830 = vector.broadcast %add3A_1829 : i32 to vector<16xi32>
      %add3A_1831 = arith.addi %get3A_1815, %add3A_1830 : vector<16xi32>
      %gather3A_1832 = tpu.vector_load_idx %arg17[%add3A_1812, %add3A_1831] : memref<128x128xf32, #tpu.memory_space<vmem>>[vector<16xi32>, vector<16xi32>], vector<16xf32>,
      %add3A_1833 = arith.constant 1 : i32
      %add3A_1834 = vector.broadcast %add3A_1833 : i32 to vector<16xi32>
      %add3A_1835 = arith.addi %get3A_1821, %add3A_1834 : vector<16xi32>
      tpu.vector_store_idx %arg18[%get3A_1818, %add3A_1835], %gather3A_1832 : memref<128x416xf32, #tpu.memory_space<vmem>>[vector<16xi32>, vector<16xi32>], vector<16xf32>,
      %add3A_1836 = arith.constant 2 : i32
      %add3A_1837 = vector.broadcast %add3A_1836 : i32 to vector<16xi32>
      %add3A_1838 = arith.addi %get3A_1815, %add3A_1837 : vector<16xi32>
      %gather3A_1839 = tpu.vector_load_idx %arg17[%add3A_1812, %add3A_1838] : memref<128x128xf32, #tpu.memory_space<vmem>>[vector<16xi32>, vector<16xi32>], vector<16xf32>,
      %add3A_1840 = arith.constant 2 : i32
      %add3A_1841 = vector.broadcast %add3A_1840 : i32 to vector<16xi32>
      %add3A_1842 = arith.addi %get3A_1821, %add3A_1841 : vector<16xi32>
      tpu.vector_store_idx %arg18[%get3A_1818, %add3A_1842], %gather3A_1839 : memref<128x416xf32, #tpu.memory_space<vmem>>[vector<16xi32>, vector<16xi32>], vector<16xf32>,
      %add3A_1843 = arith.constant 3 : i32
      %add3A_1844 = vector.broadcast %add3A_1843 : i32 to vector<16xi32>
      %add3A_1845 = arith.addi %get3A_1815, %add3A_1844 : vector<16xi32>
      %gather3A_1846 = tpu.vector_load_idx %arg17[%add3A_1812, %add3A_1845] : memref<128x128xf32, #tpu.memory_space<vmem>>[vector<16xi32>, vector<16xi32>], vector<16xf32>,
      %add3A_1847 = arith.constant 3 : i32
      %add3A_1848 = vector.broadcast %add3A_1847 : i32 to vector<16xi32>
      %add3A_1849 = arith.addi %get3A_1821, %add3A_1848 : vector<16xi32>
      tpu.vector_store_idx %arg18[%get3A_1818, %add3A_1849], %gather3A_1846 : memref<128x416xf32, #tpu.memory_space<vmem>>[vector<16xi32>, vector<16xi32>], vector<16xf32>,
      %add3A_1850 = arith.constant 4 : i32
      %add3A_1851 = vector.broadcast %add3A_1850 : i32 to vector<16xi32>
      %add3A_1852 = arith.addi %get3A_1815, %add3A_1851 : vector<16xi32>
      %gather3A_1853 = tpu.vector_load_idx %arg17[%add3A_1812, %add3A_1852] : memref<128x128xf32, #tpu.memory_space<vmem>>[vector<16xi32>, vector<16xi32>], vector<16xf32>,
      %add3A_1854 = arith.constant 4 : i32
      %add3A_1855 = vector.broadcast %add3A_1854 : i32 to vector<16xi32>
      %add3A_1856 = arith.addi %get3A_1821, %add3A_1855 : vector<16xi32>
      tpu.vector_store_idx %arg18[%get3A_1818, %add3A_1856], %gather3A_1853 : memref<128x416xf32, #tpu.memory_space<vmem>>[vector<16xi32>, vector<16xi32>], vector<16xf32>,
      %add3A_1857 = arith.constant 5 : i32
      %add3A_1858 = vector.broadcast %add3A_1857 : i32 to vector<16xi32>
      %add3A_1859 = arith.addi %get3A_1815, %add3A_1858 : vector<16xi32>
      %gather3A_1860 = tpu.vector_load_idx %arg17[%add3A_1812, %add3A_1859] : memref<128x128xf32, #tpu.memory_space<vmem>>[vector<16xi32>, vector<16xi32>], vector<16xf32>,
      %add3A_1861 = arith.constant 5 : i32
      %add3A_1862 = vector.broadcast %add3A_1861 : i32 to vector<16xi32>
      %add3A_1863 = arith.addi %get3A_1821, %add3A_1862 : vector<16xi32>
      tpu.vector_store_idx %arg18[%get3A_1818, %add3A_1863], %gather3A_1860 : memref<128x416xf32, #tpu.memory_space<vmem>>[vector<16xi32>, vector<16xi32>], vector<16xf32>,
      %add3A_1864 = arith.constant 6 : i32
      %add3A_1865 = vector.broadcast %add3A_1864 : i32 to vector<16xi32>
      %add3A_1866 = arith.addi %get3A_1815, %add3A_1865 : vector<16xi32>
      %gather3A_1867 = tpu.vector_load_idx %arg17[%add3A_1812, %add3A_1866] : memref<128x128xf32, #tpu.memory_space<vmem>>[vector<16xi32>, vector<16xi32>], vector<16xf32>,
      %add3A_1868 = arith.constant 6 : i32
      %add3A_1869 = vector.broadcast %add3A_1868 : i32 to vector<16xi32>
      %add3A_1870 = arith.addi %get3A_1821, %add3A_1869 : vector<16xi32>
      tpu.vector_store_idx %arg18[%get3A_1818, %add3A_1870], %gather3A_1867 : memref<128x416xf32, #tpu.memory_space<vmem>>[vector<16xi32>, vector<16xi32>], vector<16xf32>,
      %add3A_1871 = arith.constant 7 : i32
      %add3A_1872 = vector.broadcast %add3A_1871 : i32 to vector<16xi32>
      %add3A_1873 = arith.addi %get3A_1815, %add3A_1872 : vector<16xi32>
      %gather3A_1874 = tpu.vector_load_idx %arg17[%add3A_1812, %add3A_1873] : memref<128x128xf32, #tpu.memory_space<vmem>>[vector<16xi32>, vector<16xi32>], vector<16xf32>,
      %add3A_1875 = arith.constant 7 : i32
      %add3A_1876 = vector.broadcast %add3A_1875 : i32 to vector<16xi32>
      %add3A_1877 = arith.addi %get3A_1821, %add3A_1876 : vector<16xi32>
      tpu.vector_store_idx %arg18[%get3A_1818, %add3A_1877], %gather3A_1874 : memref<128x416xf32, #tpu.memory_space<vmem>>[vector<16xi32>, vector<16xi32>], vector<16xf32>,
      %add3A_1878 = arith.constant 8 : i32
      %add3A_1879 = vector.broadcast %add3A_1878 : i32 to vector<16xi32>
      %add3A_1880 = arith.addi %get3A_1815, %add3A_1879 : vector<16xi32>
      %gather3A_1881 = tpu.vector_load_idx %arg17[%add3A_1812, %add3A_1880] : memref<128x128xf32, #tpu.memory_space<vmem>>[vector<16xi32>, vector<16xi32>], vector<16xf32>,
      %add3A_1882 = arith.constant 8 : i32
      %add3A_1883 = vector.broadcast %add3A_1882 : i32 to vector<16xi32>
      %add3A_1884 = arith.addi %get3A_1821, %add3A_1883 : vector<16xi32>
      tpu.vector_store_idx %arg18[%get3A_1818, %add3A_1884], %gather3A_1881 : memref<128x416xf32, #tpu.memory_space<vmem>>[vector<16xi32>, vector<16xi32>], vector<16xf32>,
      %add3A_1885 = arith.constant 9 : i32
      %add3A_1886 = vector.broadcast %add3A_1885 : i32 to vector<16xi32>
      %add3A_1887 = arith.addi %get3A_1815, %add3A_1886 : vector<16xi32>
      %gather3A_1888 = tpu.vector_load_idx %arg17[%add3A_1812, %add3A_1887] : memref<128x128xf32, #tpu.memory_space<vmem>>[vector<16xi32>, vector<16xi32>], vector<16xf32>,
      %add3A_1889 = arith.constant 9 : i32
      %add3A_1890 = vector.broadcast %add3A_1889 : i32 to vector<16xi32>
      %add3A_1891 = arith.addi %get3A_1821, %add3A_1890 : vector<16xi32>
      tpu.vector_store_idx %arg18[%get3A_1818, %add3A_1891], %gather3A_1888 : memref<128x416xf32, #tpu.memory_space<vmem>>[vector<16xi32>, vector<16xi32>], vector<16xf32>,
      %add3A_1892 = arith.constant 10 : i32
      %add3A_1893 = vector.broadcast %add3A_1892 : i32 to vector<16xi32>
      %add3A_1894 = arith.addi %get3A_1815, %add3A_1893 : vector<16xi32>
      %gather3A_1895 = tpu.vector_load_idx %arg17[%add3A_1812, %add3A_1894] : memref<128x128xf32, #tpu.memory_space<vmem>>[vector<16xi32>, vector<16xi32>], vector<16xf32>,
      %add3A_1896 = arith.constant 10 : i32
      %add3A_1897 = vector.broadcast %add3A_1896 : i32 to vector<16xi32>
      %add3A_1898 = arith.addi %get3A_1821, %add3A_1897 : vector<16xi32>
      tpu.vector_store_idx %arg18[%get3A_1818, %add3A_1898], %gather3A_1895 : memref<128x416xf32, #tpu.memory_space<vmem>>[vector<16xi32>, vector<16xi32>], vector<16xf32>,
      %add3A_1899 = arith.constant 11 : i32
      %add3A_1900 = vector.broadcast %add3A_1899 : i32 to vector<16xi32>
      %add3A_1901 = arith.addi %get3A_1815, %add3A_1900 : vector<16xi32>
      %gather3A_1902 = tpu.vector_load_idx %arg17[%add3A_1812, %add3A_1901] : memref<128x128xf32, #tpu.memory_space<vmem>>[vector<16xi32>, vector<16xi32>], vector<16xf32>,
      %add3A_1903 = arith.constant 11 : i32
      %add3A_1904 = vector.broadcast %add3A_1903 : i32 to vector<16xi32>
      %add3A_1905 = arith.addi %get3A_1821, %add3A_1904 : vector<16xi32>
      tpu.vector_store_idx %arg18[%get3A_1818, %add3A_1905], %gather3A_1902 : memref<128x416xf32, #tpu.memory_space<vmem>>[vector<16xi32>, vector<16xi32>], vector<16xf32>,
      %add3A_1906 = arith.constant 12 : i32
      %add3A_1907 = vector.broadcast %add3A_1906 : i32 to vector<16xi32>
      %add3A_1908 = arith.addi %get3A_1815, %add3A_1907 : vector<16xi32>
      %gather3A_1909 = tpu.vector_load_idx %arg17[%add3A_1812, %add3A_1908] : memref<128x128xf32, #tpu.memory_space<vmem>>[vector<16xi32>, vector<16xi32>], vector<16xf32>,
      %add3A_1910 = arith.constant 12 : i32
      %add3A_1911 = vector.broadcast %add3A_1910 : i32 to vector<16xi32>
      %add3A_1912 = arith.addi %get3A_1821, %add3A_1911 : vector<16xi32>
      tpu.vector_store_idx %arg18[%get3A_1818, %add3A_1912], %gather3A_1909 : memref<128x416xf32, #tpu.memory_space<vmem>>[vector<16xi32>, vector<16xi32>], vector<16xf32>,
      %add3A_1913 = arith.constant 13 : i32
      %add3A_1914 = vector.broadcast %add3A_1913 : i32 to vector<16xi32>
      %add3A_1915 = arith.addi %get3A_1815, %add3A_1914 : vector<16xi32>
      %gather3A_1916 = tpu.vector_load_idx %arg17[%add3A_1812, %add3A_1915] : memref<128x128xf32, #tpu.memory_space<vmem>>[vector<16xi32>, vector<16xi32>], vector<16xf32>,
      %add3A_1917 = arith.constant 13 : i32
      %add3A_1918 = vector.broadcast %add3A_1917 : i32 to vector<16xi32>
      %add3A_1919 = arith.addi %get3A_1821, %add3A_1918 : vector<16xi32>
      tpu.vector_store_idx %arg18[%get3A_1818, %add3A_1919], %gather3A_1916 : memref<128x416xf32, #tpu.memory_space<vmem>>[vector<16xi32>, vector<16xi32>], vector<16xf32>,
      %add3A_1920 = arith.constant 14 : i32
      %add3A_1921 = vector.broadcast %add3A_1920 : i32 to vector<16xi32>
      %add3A_1922 = arith.addi %get3A_1815, %add3A_1921 : vector<16xi32>
      %gather3A_1923 = tpu.vector_load_idx %arg17[%add3A_1812, %add3A_1922] : memref<128x128xf32, #tpu.memory_space<vmem>>[vector<16xi32>, vector<16xi32>], vector<16xf32>,
      %add3A_1924 = arith.constant 14 : i32
      %add3A_1925 = vector.broadcast %add3A_1924 : i32 to vector<16xi32>
      %add3A_1926 = arith.addi %get3A_1821, %add3A_1925 : vector<16xi32>
      tpu.vector_store_idx %arg18[%get3A_1818, %add3A_1926], %gather3A_1923 : memref<128x416xf32, #tpu.memory_space<vmem>>[vector<16xi32>, vector<16xi32>], vector<16xf32>,
      %add3A_1927 = arith.constant 15 : i32
      %add3A_1928 = vector.broadcast %add3A_1927 : i32 to vector<16xi32>
      %add3A_1929 = arith.addi %get3A_1815, %add3A_1928 : vector<16xi32>
      %gather3A_1930 = tpu.vector_load_idx %arg17[%add3A_1812, %add3A_1929] : memref<128x128xf32, #tpu.memory_space<vmem>>[vector<16xi32>, vector<16xi32>], vector<16xf32>,
      %add3A_1931 = arith.constant 15 : i32
      %add3A_1932 = vector.broadcast %add3A_1931 : i32 to vector<16xi32>
      %add3A_1933 = arith.addi %get3A_1821, %add3A_1932 : vector<16xi32>
      tpu.vector_store_idx %arg18[%get3A_1818, %add3A_1933], %gather3A_1930 : memref<128x416xf32, #tpu.memory_space<vmem>>[vector<16xi32>, vector<16xi32>], vector<16xf32>,
      %iota3A_1934 = tpu.iota {dimensions = array<i32: 0>} : vector<16xi32>
      %add3A_1935 = arith.constant 80 : i32
      %add3A_1936 = vector.broadcast %add3A_1935 : i32 to vector<16xi32>
      %add3A_1937 = arith.addi %iota3A_1934, %add3A_1936 : vector<16xi32>
      %get3A_1938 = arith.index_cast %add3A_1308 : i32 to index
      %get3A_1939 = arith.constant 80 : index
      %get3A_1940 = tpu.vector_load %arg12[%get3A_1938, %get3A_1939] {strides = array<i32>} : memref<26x128xi32, #tpu.memory_space<vmem>>, vector<16xi32>,
      %get3A_1941 = arith.index_cast %add3A_1308 : i32 to index
      %get3A_1942 = arith.constant 80 : index
      %get3A_1943 = tpu.vector_load %arg13[%get3A_1941, %get3A_1942] {strides = array<i32>} : memref<26x128xi32, #tpu.memory_space<vmem>>, vector<16xi32>,
      %get3A_1944 = arith.index_cast %add3A_1308 : i32 to index
      %get3A_1945 = arith.constant 80 : index
      %get3A_1946 = tpu.vector_load %arg14[%get3A_1944, %get3A_1945] {strides = array<i32>} : memref<26x128xi32, #tpu.memory_space<vmem>>, vector<16xi32>,
      %add3A_1947 = arith.constant 0 : i32
      %add3A_1948 = vector.broadcast %add3A_1947 : i32 to vector<16xi32>
      %add3A_1949 = arith.addi %get3A_1940, %add3A_1948 : vector<16xi32>
      %gather3A_1950 = tpu.vector_load_idx %arg17[%add3A_1937, %add3A_1949] : memref<128x128xf32, #tpu.memory_space<vmem>>[vector<16xi32>, vector<16xi32>], vector<16xf32>,
      %add3A_1951 = arith.constant 0 : i32
      %add3A_1952 = vector.broadcast %add3A_1951 : i32 to vector<16xi32>
      %add3A_1953 = arith.addi %get3A_1946, %add3A_1952 : vector<16xi32>
      tpu.vector_store_idx %arg18[%get3A_1943, %add3A_1953], %gather3A_1950 : memref<128x416xf32, #tpu.memory_space<vmem>>[vector<16xi32>, vector<16xi32>], vector<16xf32>,
      %add3A_1954 = arith.constant 1 : i32
      %add3A_1955 = vector.broadcast %add3A_1954 : i32 to vector<16xi32>
      %add3A_1956 = arith.addi %get3A_1940, %add3A_1955 : vector<16xi32>
      %gather3A_1957 = tpu.vector_load_idx %arg17[%add3A_1937, %add3A_1956] : memref<128x128xf32, #tpu.memory_space<vmem>>[vector<16xi32>, vector<16xi32>], vector<16xf32>,
      %add3A_1958 = arith.constant 1 : i32
      %add3A_1959 = vector.broadcast %add3A_1958 : i32 to vector<16xi32>
      %add3A_1960 = arith.addi %get3A_1946, %add3A_1959 : vector<16xi32>
      tpu.vector_store_idx %arg18[%get3A_1943, %add3A_1960], %gather3A_1957 : memref<128x416xf32, #tpu.memory_space<vmem>>[vector<16xi32>, vector<16xi32>], vector<16xf32>,
      %add3A_1961 = arith.constant 2 : i32
      %add3A_1962 = vector.broadcast %add3A_1961 : i32 to vector<16xi32>
      %add3A_1963 = arith.addi %get3A_1940, %add3A_1962 : vector<16xi32>
      %gather3A_1964 = tpu.vector_load_idx %arg17[%add3A_1937, %add3A_1963] : memref<128x128xf32, #tpu.memory_space<vmem>>[vector<16xi32>, vector<16xi32>], vector<16xf32>,
      %add3A_1965 = arith.constant 2 : i32
      %add3A_1966 = vector.broadcast %add3A_1965 : i32 to vector<16xi32>
      %add3A_1967 = arith.addi %get3A_1946, %add3A_1966 : vector<16xi32>
      tpu.vector_store_idx %arg18[%get3A_1943, %add3A_1967], %gather3A_1964 : memref<128x416xf32, #tpu.memory_space<vmem>>[vector<16xi32>, vector<16xi32>], vector<16xf32>,
      %add3A_1968 = arith.constant 3 : i32
      %add3A_1969 = vector.broadcast %add3A_1968 : i32 to vector<16xi32>
      %add3A_1970 = arith.addi %get3A_1940, %add3A_1969 : vector<16xi32>
      %gather3A_1971 = tpu.vector_load_idx %arg17[%add3A_1937, %add3A_1970] : memref<128x128xf32, #tpu.memory_space<vmem>>[vector<16xi32>, vector<16xi32>], vector<16xf32>,
      %add3A_1972 = arith.constant 3 : i32
      %add3A_1973 = vector.broadcast %add3A_1972 : i32 to vector<16xi32>
      %add3A_1974 = arith.addi %get3A_1946, %add3A_1973 : vector<16xi32>
      tpu.vector_store_idx %arg18[%get3A_1943, %add3A_1974], %gather3A_1971 : memref<128x416xf32, #tpu.memory_space<vmem>>[vector<16xi32>, vector<16xi32>], vector<16xf32>,
      %add3A_1975 = arith.constant 4 : i32
      %add3A_1976 = vector.broadcast %add3A_1975 : i32 to vector<16xi32>
      %add3A_1977 = arith.addi %get3A_1940, %add3A_1976 : vector<16xi32>
      %gather3A_1978 = tpu.vector_load_idx %arg17[%add3A_1937, %add3A_1977] : memref<128x128xf32, #tpu.memory_space<vmem>>[vector<16xi32>, vector<16xi32>], vector<16xf32>,
      %add3A_1979 = arith.constant 4 : i32
      %add3A_1980 = vector.broadcast %add3A_1979 : i32 to vector<16xi32>
      %add3A_1981 = arith.addi %get3A_1946, %add3A_1980 : vector<16xi32>
      tpu.vector_store_idx %arg18[%get3A_1943, %add3A_1981], %gather3A_1978 : memref<128x416xf32, #tpu.memory_space<vmem>>[vector<16xi32>, vector<16xi32>], vector<16xf32>,
      %add3A_1982 = arith.constant 5 : i32
      %add3A_1983 = vector.broadcast %add3A_1982 : i32 to vector<16xi32>
      %add3A_1984 = arith.addi %get3A_1940, %add3A_1983 : vector<16xi32>
      %gather3A_1985 = tpu.vector_load_idx %arg17[%add3A_1937, %add3A_1984] : memref<128x128xf32, #tpu.memory_space<vmem>>[vector<16xi32>, vector<16xi32>], vector<16xf32>,
      %add3A_1986 = arith.constant 5 : i32
      %add3A_1987 = vector.broadcast %add3A_1986 : i32 to vector<16xi32>
      %add3A_1988 = arith.addi %get3A_1946, %add3A_1987 : vector<16xi32>
      tpu.vector_store_idx %arg18[%get3A_1943, %add3A_1988], %gather3A_1985 : memref<128x416xf32, #tpu.memory_space<vmem>>[vector<16xi32>, vector<16xi32>], vector<16xf32>,
      %add3A_1989 = arith.constant 6 : i32
      %add3A_1990 = vector.broadcast %add3A_1989 : i32 to vector<16xi32>
      %add3A_1991 = arith.addi %get3A_1940, %add3A_1990 : vector<16xi32>
      %gather3A_1992 = tpu.vector_load_idx %arg17[%add3A_1937, %add3A_1991] : memref<128x128xf32, #tpu.memory_space<vmem>>[vector<16xi32>, vector<16xi32>], vector<16xf32>,
      %add3A_1993 = arith.constant 6 : i32
      %add3A_1994 = vector.broadcast %add3A_1993 : i32 to vector<16xi32>
      %add3A_1995 = arith.addi %get3A_1946, %add3A_1994 : vector<16xi32>
      tpu.vector_store_idx %arg18[%get3A_1943, %add3A_1995], %gather3A_1992 : memref<128x416xf32, #tpu.memory_space<vmem>>[vector<16xi32>, vector<16xi32>], vector<16xf32>,
      %add3A_1996 = arith.constant 7 : i32
      %add3A_1997 = vector.broadcast %add3A_1996 : i32 to vector<16xi32>
      %add3A_1998 = arith.addi %get3A_1940, %add3A_1997 : vector<16xi32>
      %gather3A_1999 = tpu.vector_load_idx %arg17[%add3A_1937, %add3A_1998] : memref<128x128xf32, #tpu.memory_space<vmem>>[vector<16xi32>, vector<16xi32>], vector<16xf32>,
      %add3A_2000 = arith.constant 7 : i32
      %add3A_2001 = vector.broadcast %add3A_2000 : i32 to vector<16xi32>
      %add3A_2002 = arith.addi %get3A_1946, %add3A_2001 : vector<16xi32>
      tpu.vector_store_idx %arg18[%get3A_1943, %add3A_2002], %gather3A_1999 : memref<128x416xf32, #tpu.memory_space<vmem>>[vector<16xi32>, vector<16xi32>], vector<16xf32>,
      %add3A_2003 = arith.constant 8 : i32
      %add3A_2004 = vector.broadcast %add3A_2003 : i32 to vector<16xi32>
      %add3A_2005 = arith.addi %get3A_1940, %add3A_2004 : vector<16xi32>
      %gather3A_2006 = tpu.vector_load_idx %arg17[%add3A_1937, %add3A_2005] : memref<128x128xf32, #tpu.memory_space<vmem>>[vector<16xi32>, vector<16xi32>], vector<16xf32>,
      %add3A_2007 = arith.constant 8 : i32
      %add3A_2008 = vector.broadcast %add3A_2007 : i32 to vector<16xi32>
      %add3A_2009 = arith.addi %get3A_1946, %add3A_2008 : vector<16xi32>
      tpu.vector_store_idx %arg18[%get3A_1943, %add3A_2009], %gather3A_2006 : memref<128x416xf32, #tpu.memory_space<vmem>>[vector<16xi32>, vector<16xi32>], vector<16xf32>,
      %add3A_2010 = arith.constant 9 : i32
      %add3A_2011 = vector.broadcast %add3A_2010 : i32 to vector<16xi32>
      %add3A_2012 = arith.addi %get3A_1940, %add3A_2011 : vector<16xi32>
      %gather3A_2013 = tpu.vector_load_idx %arg17[%add3A_1937, %add3A_2012] : memref<128x128xf32, #tpu.memory_space<vmem>>[vector<16xi32>, vector<16xi32>], vector<16xf32>,
      %add3A_2014 = arith.constant 9 : i32
      %add3A_2015 = vector.broadcast %add3A_2014 : i32 to vector<16xi32>
      %add3A_2016 = arith.addi %get3A_1946, %add3A_2015 : vector<16xi32>
      tpu.vector_store_idx %arg18[%get3A_1943, %add3A_2016], %gather3A_2013 : memref<128x416xf32, #tpu.memory_space<vmem>>[vector<16xi32>, vector<16xi32>], vector<16xf32>,
      %add3A_2017 = arith.constant 10 : i32
      %add3A_2018 = vector.broadcast %add3A_2017 : i32 to vector<16xi32>
      %add3A_2019 = arith.addi %get3A_1940, %add3A_2018 : vector<16xi32>
      %gather3A_2020 = tpu.vector_load_idx %arg17[%add3A_1937, %add3A_2019] : memref<128x128xf32, #tpu.memory_space<vmem>>[vector<16xi32>, vector<16xi32>], vector<16xf32>,
      %add3A_2021 = arith.constant 10 : i32
      %add3A_2022 = vector.broadcast %add3A_2021 : i32 to vector<16xi32>
      %add3A_2023 = arith.addi %get3A_1946, %add3A_2022 : vector<16xi32>
      tpu.vector_store_idx %arg18[%get3A_1943, %add3A_2023], %gather3A_2020 : memref<128x416xf32, #tpu.memory_space<vmem>>[vector<16xi32>, vector<16xi32>], vector<16xf32>,
      %add3A_2024 = arith.constant 11 : i32
      %add3A_2025 = vector.broadcast %add3A_2024 : i32 to vector<16xi32>
      %add3A_2026 = arith.addi %get3A_1940, %add3A_2025 : vector<16xi32>
      %gather3A_2027 = tpu.vector_load_idx %arg17[%add3A_1937, %add3A_2026] : memref<128x128xf32, #tpu.memory_space<vmem>>[vector<16xi32>, vector<16xi32>], vector<16xf32>,
      %add3A_2028 = arith.constant 11 : i32
      %add3A_2029 = vector.broadcast %add3A_2028 : i32 to vector<16xi32>
      %add3A_2030 = arith.addi %get3A_1946, %add3A_2029 : vector<16xi32>
      tpu.vector_store_idx %arg18[%get3A_1943, %add3A_2030], %gather3A_2027 : memref<128x416xf32, #tpu.memory_space<vmem>>[vector<16xi32>, vector<16xi32>], vector<16xf32>,
      %add3A_2031 = arith.constant 12 : i32
      %add3A_2032 = vector.broadcast %add3A_2031 : i32 to vector<16xi32>
      %add3A_2033 = arith.addi %get3A_1940, %add3A_2032 : vector<16xi32>
      %gather3A_2034 = tpu.vector_load_idx %arg17[%add3A_1937, %add3A_2033] : memref<128x128xf32, #tpu.memory_space<vmem>>[vector<16xi32>, vector<16xi32>], vector<16xf32>,
      %add3A_2035 = arith.constant 12 : i32
      %add3A_2036 = vector.broadcast %add3A_2035 : i32 to vector<16xi32>
      %add3A_2037 = arith.addi %get3A_1946, %add3A_2036 : vector<16xi32>
      tpu.vector_store_idx %arg18[%get3A_1943, %add3A_2037], %gather3A_2034 : memref<128x416xf32, #tpu.memory_space<vmem>>[vector<16xi32>, vector<16xi32>], vector<16xf32>,
      %add3A_2038 = arith.constant 13 : i32
      %add3A_2039 = vector.broadcast %add3A_2038 : i32 to vector<16xi32>
      %add3A_2040 = arith.addi %get3A_1940, %add3A_2039 : vector<16xi32>
      %gather3A_2041 = tpu.vector_load_idx %arg17[%add3A_1937, %add3A_2040] : memref<128x128xf32, #tpu.memory_space<vmem>>[vector<16xi32>, vector<16xi32>], vector<16xf32>,
      %add3A_2042 = arith.constant 13 : i32
      %add3A_2043 = vector.broadcast %add3A_2042 : i32 to vector<16xi32>
      %add3A_2044 = arith.addi %get3A_1946, %add3A_2043 : vector<16xi32>
      tpu.vector_store_idx %arg18[%get3A_1943, %add3A_2044], %gather3A_2041 : memref<128x416xf32, #tpu.memory_space<vmem>>[vector<16xi32>, vector<16xi32>], vector<16xf32>,
      %add3A_2045 = arith.constant 14 : i32
      %add3A_2046 = vector.broadcast %add3A_2045 : i32 to vector<16xi32>
      %add3A_2047 = arith.addi %get3A_1940, %add3A_2046 : vector<16xi32>
      %gather3A_2048 = tpu.vector_load_idx %arg17[%add3A_1937, %add3A_2047] : memref<128x128xf32, #tpu.memory_space<vmem>>[vector<16xi32>, vector<16xi32>], vector<16xf32>,
      %add3A_2049 = arith.constant 14 : i32
      %add3A_2050 = vector.broadcast %add3A_2049 : i32 to vector<16xi32>
      %add3A_2051 = arith.addi %get3A_1946, %add3A_2050 : vector<16xi32>
      tpu.vector_store_idx %arg18[%get3A_1943, %add3A_2051], %gather3A_2048 : memref<128x416xf32, #tpu.memory_space<vmem>>[vector<16xi32>, vector<16xi32>], vector<16xf32>,
      %add3A_2052 = arith.constant 15 : i32
      %add3A_2053 = vector.broadcast %add3A_2052 : i32 to vector<16xi32>
      %add3A_2054 = arith.addi %get3A_1940, %add3A_2053 : vector<16xi32>
      %gather3A_2055 = tpu.vector_load_idx %arg17[%add3A_1937, %add3A_2054] : memref<128x128xf32, #tpu.memory_space<vmem>>[vector<16xi32>, vector<16xi32>], vector<16xf32>,
      %add3A_2056 = arith.constant 15 : i32
      %add3A_2057 = vector.broadcast %add3A_2056 : i32 to vector<16xi32>
      %add3A_2058 = arith.addi %get3A_1946, %add3A_2057 : vector<16xi32>
      tpu.vector_store_idx %arg18[%get3A_1943, %add3A_2058], %gather3A_2055 : memref<128x416xf32, #tpu.memory_space<vmem>>[vector<16xi32>, vector<16xi32>], vector<16xf32>,
      %iota3A_2059 = tpu.iota {dimensions = array<i32: 0>} : vector<16xi32>
      %add3A_2060 = arith.constant 96 : i32
      %add3A_2061 = vector.broadcast %add3A_2060 : i32 to vector<16xi32>
      %add3A_2062 = arith.addi %iota3A_2059, %add3A_2061 : vector<16xi32>
      %get3A_2063 = arith.index_cast %add3A_1308 : i32 to index
      %get3A_2064 = arith.constant 96 : index
      %get3A_2065 = tpu.vector_load %arg12[%get3A_2063, %get3A_2064] {strides = array<i32>} : memref<26x128xi32, #tpu.memory_space<vmem>>, vector<16xi32>,
      %get3A_2066 = arith.index_cast %add3A_1308 : i32 to index
      %get3A_2067 = arith.constant 96 : index
      %get3A_2068 = tpu.vector_load %arg13[%get3A_2066, %get3A_2067] {strides = array<i32>} : memref<26x128xi32, #tpu.memory_space<vmem>>, vector<16xi32>,
      %get3A_2069 = arith.index_cast %add3A_1308 : i32 to index
      %get3A_2070 = arith.constant 96 : index
      %get3A_2071 = tpu.vector_load %arg14[%get3A_2069, %get3A_2070] {strides = array<i32>} : memref<26x128xi32, #tpu.memory_space<vmem>>, vector<16xi32>,
      %add3A_2072 = arith.constant 0 : i32
      %add3A_2073 = vector.broadcast %add3A_2072 : i32 to vector<16xi32>
      %add3A_2074 = arith.addi %get3A_2065, %add3A_2073 : vector<16xi32>
      %gather3A_2075 = tpu.vector_load_idx %arg17[%add3A_2062, %add3A_2074] : memref<128x128xf32, #tpu.memory_space<vmem>>[vector<16xi32>, vector<16xi32>], vector<16xf32>,
      %add3A_2076 = arith.constant 0 : i32
      %add3A_2077 = vector.broadcast %add3A_2076 : i32 to vector<16xi32>
      %add3A_2078 = arith.addi %get3A_2071, %add3A_2077 : vector<16xi32>
      tpu.vector_store_idx %arg18[%get3A_2068, %add3A_2078], %gather3A_2075 : memref<128x416xf32, #tpu.memory_space<vmem>>[vector<16xi32>, vector<16xi32>], vector<16xf32>,
      %add3A_2079 = arith.constant 1 : i32
      %add3A_2080 = vector.broadcast %add3A_2079 : i32 to vector<16xi32>
      %add3A_2081 = arith.addi %get3A_2065, %add3A_2080 : vector<16xi32>
      %gather3A_2082 = tpu.vector_load_idx %arg17[%add3A_2062, %add3A_2081] : memref<128x128xf32, #tpu.memory_space<vmem>>[vector<16xi32>, vector<16xi32>], vector<16xf32>,
      %add3A_2083 = arith.constant 1 : i32
      %add3A_2084 = vector.broadcast %add3A_2083 : i32 to vector<16xi32>
      %add3A_2085 = arith.addi %get3A_2071, %add3A_2084 : vector<16xi32>
      tpu.vector_store_idx %arg18[%get3A_2068, %add3A_2085], %gather3A_2082 : memref<128x416xf32, #tpu.memory_space<vmem>>[vector<16xi32>, vector<16xi32>], vector<16xf32>,
      %add3A_2086 = arith.constant 2 : i32
      %add3A_2087 = vector.broadcast %add3A_2086 : i32 to vector<16xi32>
      %add3A_2088 = arith.addi %get3A_2065, %add3A_2087 : vector<16xi32>
      %gather3A_2089 = tpu.vector_load_idx %arg17[%add3A_2062, %add3A_2088] : memref<128x128xf32, #tpu.memory_space<vmem>>[vector<16xi32>, vector<16xi32>], vector<16xf32>,
      %add3A_2090 = arith.constant 2 : i32
      %add3A_2091 = vector.broadcast %add3A_2090 : i32 to vector<16xi32>
      %add3A_2092 = arith.addi %get3A_2071, %add3A_2091 : vector<16xi32>
      tpu.vector_store_idx %arg18[%get3A_2068, %add3A_2092], %gather3A_2089 : memref<128x416xf32, #tpu.memory_space<vmem>>[vector<16xi32>, vector<16xi32>], vector<16xf32>,
      %add3A_2093 = arith.constant 3 : i32
      %add3A_2094 = vector.broadcast %add3A_2093 : i32 to vector<16xi32>
      %add3A_2095 = arith.addi %get3A_2065, %add3A_2094 : vector<16xi32>
      %gather3A_2096 = tpu.vector_load_idx %arg17[%add3A_2062, %add3A_2095] : memref<128x128xf32, #tpu.memory_space<vmem>>[vector<16xi32>, vector<16xi32>], vector<16xf32>,
      %add3A_2097 = arith.constant 3 : i32
      %add3A_2098 = vector.broadcast %add3A_2097 : i32 to vector<16xi32>
      %add3A_2099 = arith.addi %get3A_2071, %add3A_2098 : vector<16xi32>
      tpu.vector_store_idx %arg18[%get3A_2068, %add3A_2099], %gather3A_2096 : memref<128x416xf32, #tpu.memory_space<vmem>>[vector<16xi32>, vector<16xi32>], vector<16xf32>,
      %add3A_2100 = arith.constant 4 : i32
      %add3A_2101 = vector.broadcast %add3A_2100 : i32 to vector<16xi32>
      %add3A_2102 = arith.addi %get3A_2065, %add3A_2101 : vector<16xi32>
      %gather3A_2103 = tpu.vector_load_idx %arg17[%add3A_2062, %add3A_2102] : memref<128x128xf32, #tpu.memory_space<vmem>>[vector<16xi32>, vector<16xi32>], vector<16xf32>,
      %add3A_2104 = arith.constant 4 : i32
      %add3A_2105 = vector.broadcast %add3A_2104 : i32 to vector<16xi32>
      %add3A_2106 = arith.addi %get3A_2071, %add3A_2105 : vector<16xi32>
      tpu.vector_store_idx %arg18[%get3A_2068, %add3A_2106], %gather3A_2103 : memref<128x416xf32, #tpu.memory_space<vmem>>[vector<16xi32>, vector<16xi32>], vector<16xf32>,
      %add3A_2107 = arith.constant 5 : i32
      %add3A_2108 = vector.broadcast %add3A_2107 : i32 to vector<16xi32>
      %add3A_2109 = arith.addi %get3A_2065, %add3A_2108 : vector<16xi32>
      %gather3A_2110 = tpu.vector_load_idx %arg17[%add3A_2062, %add3A_2109] : memref<128x128xf32, #tpu.memory_space<vmem>>[vector<16xi32>, vector<16xi32>], vector<16xf32>,
      %add3A_2111 = arith.constant 5 : i32
      %add3A_2112 = vector.broadcast %add3A_2111 : i32 to vector<16xi32>
      %add3A_2113 = arith.addi %get3A_2071, %add3A_2112 : vector<16xi32>
      tpu.vector_store_idx %arg18[%get3A_2068, %add3A_2113], %gather3A_2110 : memref<128x416xf32, #tpu.memory_space<vmem>>[vector<16xi32>, vector<16xi32>], vector<16xf32>,
      %add3A_2114 = arith.constant 6 : i32
      %add3A_2115 = vector.broadcast %add3A_2114 : i32 to vector<16xi32>
      %add3A_2116 = arith.addi %get3A_2065, %add3A_2115 : vector<16xi32>
      %gather3A_2117 = tpu.vector_load_idx %arg17[%add3A_2062, %add3A_2116] : memref<128x128xf32, #tpu.memory_space<vmem>>[vector<16xi32>, vector<16xi32>], vector<16xf32>,
      %add3A_2118 = arith.constant 6 : i32
      %add3A_2119 = vector.broadcast %add3A_2118 : i32 to vector<16xi32>
      %add3A_2120 = arith.addi %get3A_2071, %add3A_2119 : vector<16xi32>
      tpu.vector_store_idx %arg18[%get3A_2068, %add3A_2120], %gather3A_2117 : memref<128x416xf32, #tpu.memory_space<vmem>>[vector<16xi32>, vector<16xi32>], vector<16xf32>,
      %add3A_2121 = arith.constant 7 : i32
      %add3A_2122 = vector.broadcast %add3A_2121 : i32 to vector<16xi32>
      %add3A_2123 = arith.addi %get3A_2065, %add3A_2122 : vector<16xi32>
      %gather3A_2124 = tpu.vector_load_idx %arg17[%add3A_2062, %add3A_2123] : memref<128x128xf32, #tpu.memory_space<vmem>>[vector<16xi32>, vector<16xi32>], vector<16xf32>,
      %add3A_2125 = arith.constant 7 : i32
      %add3A_2126 = vector.broadcast %add3A_2125 : i32 to vector<16xi32>
      %add3A_2127 = arith.addi %get3A_2071, %add3A_2126 : vector<16xi32>
      tpu.vector_store_idx %arg18[%get3A_2068, %add3A_2127], %gather3A_2124 : memref<128x416xf32, #tpu.memory_space<vmem>>[vector<16xi32>, vector<16xi32>], vector<16xf32>,
      %add3A_2128 = arith.constant 8 : i32
      %add3A_2129 = vector.broadcast %add3A_2128 : i32 to vector<16xi32>
      %add3A_2130 = arith.addi %get3A_2065, %add3A_2129 : vector<16xi32>
      %gather3A_2131 = tpu.vector_load_idx %arg17[%add3A_2062, %add3A_2130] : memref<128x128xf32, #tpu.memory_space<vmem>>[vector<16xi32>, vector<16xi32>], vector<16xf32>,
      %add3A_2132 = arith.constant 8 : i32
      %add3A_2133 = vector.broadcast %add3A_2132 : i32 to vector<16xi32>
      %add3A_2134 = arith.addi %get3A_2071, %add3A_2133 : vector<16xi32>
      tpu.vector_store_idx %arg18[%get3A_2068, %add3A_2134], %gather3A_2131 : memref<128x416xf32, #tpu.memory_space<vmem>>[vector<16xi32>, vector<16xi32>], vector<16xf32>,
      %add3A_2135 = arith.constant 9 : i32
      %add3A_2136 = vector.broadcast %add3A_2135 : i32 to vector<16xi32>
      %add3A_2137 = arith.addi %get3A_2065, %add3A_2136 : vector<16xi32>
      %gather3A_2138 = tpu.vector_load_idx %arg17[%add3A_2062, %add3A_2137] : memref<128x128xf32, #tpu.memory_space<vmem>>[vector<16xi32>, vector<16xi32>], vector<16xf32>,
      %add3A_2139 = arith.constant 9 : i32
      %add3A_2140 = vector.broadcast %add3A_2139 : i32 to vector<16xi32>
      %add3A_2141 = arith.addi %get3A_2071, %add3A_2140 : vector<16xi32>
      tpu.vector_store_idx %arg18[%get3A_2068, %add3A_2141], %gather3A_2138 : memref<128x416xf32, #tpu.memory_space<vmem>>[vector<16xi32>, vector<16xi32>], vector<16xf32>,
      %add3A_2142 = arith.constant 10 : i32
      %add3A_2143 = vector.broadcast %add3A_2142 : i32 to vector<16xi32>
      %add3A_2144 = arith.addi %get3A_2065, %add3A_2143 : vector<16xi32>
      %gather3A_2145 = tpu.vector_load_idx %arg17[%add3A_2062, %add3A_2144] : memref<128x128xf32, #tpu.memory_space<vmem>>[vector<16xi32>, vector<16xi32>], vector<16xf32>,
      %add3A_2146 = arith.constant 10 : i32
      %add3A_2147 = vector.broadcast %add3A_2146 : i32 to vector<16xi32>
      %add3A_2148 = arith.addi %get3A_2071, %add3A_2147 : vector<16xi32>
      tpu.vector_store_idx %arg18[%get3A_2068, %add3A_2148], %gather3A_2145 : memref<128x416xf32, #tpu.memory_space<vmem>>[vector<16xi32>, vector<16xi32>], vector<16xf32>,
      %add3A_2149 = arith.constant 11 : i32
      %add3A_2150 = vector.broadcast %add3A_2149 : i32 to vector<16xi32>
      %add3A_2151 = arith.addi %get3A_2065, %add3A_2150 : vector<16xi32>
      %gather3A_2152 = tpu.vector_load_idx %arg17[%add3A_2062, %add3A_2151] : memref<128x128xf32, #tpu.memory_space<vmem>>[vector<16xi32>, vector<16xi32>], vector<16xf32>,
      %add3A_2153 = arith.constant 11 : i32
      %add3A_2154 = vector.broadcast %add3A_2153 : i32 to vector<16xi32>
      %add3A_2155 = arith.addi %get3A_2071, %add3A_2154 : vector<16xi32>
      tpu.vector_store_idx %arg18[%get3A_2068, %add3A_2155], %gather3A_2152 : memref<128x416xf32, #tpu.memory_space<vmem>>[vector<16xi32>, vector<16xi32>], vector<16xf32>,
      %add3A_2156 = arith.constant 12 : i32
      %add3A_2157 = vector.broadcast %add3A_2156 : i32 to vector<16xi32>
      %add3A_2158 = arith.addi %get3A_2065, %add3A_2157 : vector<16xi32>
      %gather3A_2159 = tpu.vector_load_idx %arg17[%add3A_2062, %add3A_2158] : memref<128x128xf32, #tpu.memory_space<vmem>>[vector<16xi32>, vector<16xi32>], vector<16xf32>,
      %add3A_2160 = arith.constant 12 : i32
      %add3A_2161 = vector.broadcast %add3A_2160 : i32 to vector<16xi32>
      %add3A_2162 = arith.addi %get3A_2071, %add3A_2161 : vector<16xi32>
      tpu.vector_store_idx %arg18[%get3A_2068, %add3A_2162], %gather3A_2159 : memref<128x416xf32, #tpu.memory_space<vmem>>[vector<16xi32>, vector<16xi32>], vector<16xf32>,
      %add3A_2163 = arith.constant 13 : i32
      %add3A_2164 = vector.broadcast %add3A_2163 : i32 to vector<16xi32>
      %add3A_2165 = arith.addi %get3A_2065, %add3A_2164 : vector<16xi32>
      %gather3A_2166 = tpu.vector_load_idx %arg17[%add3A_2062, %add3A_2165] : memref<128x128xf32, #tpu.memory_space<vmem>>[vector<16xi32>, vector<16xi32>], vector<16xf32>,
      %add3A_2167 = arith.constant 13 : i32
      %add3A_2168 = vector.broadcast %add3A_2167 : i32 to vector<16xi32>
      %add3A_2169 = arith.addi %get3A_2071, %add3A_2168 : vector<16xi32>
      tpu.vector_store_idx %arg18[%get3A_2068, %add3A_2169], %gather3A_2166 : memref<128x416xf32, #tpu.memory_space<vmem>>[vector<16xi32>, vector<16xi32>], vector<16xf32>,
      %add3A_2170 = arith.constant 14 : i32
      %add3A_2171 = vector.broadcast %add3A_2170 : i32 to vector<16xi32>
      %add3A_2172 = arith.addi %get3A_2065, %add3A_2171 : vector<16xi32>
      %gather3A_2173 = tpu.vector_load_idx %arg17[%add3A_2062, %add3A_2172] : memref<128x128xf32, #tpu.memory_space<vmem>>[vector<16xi32>, vector<16xi32>], vector<16xf32>,
      %add3A_2174 = arith.constant 14 : i32
      %add3A_2175 = vector.broadcast %add3A_2174 : i32 to vector<16xi32>
      %add3A_2176 = arith.addi %get3A_2071, %add3A_2175 : vector<16xi32>
      tpu.vector_store_idx %arg18[%get3A_2068, %add3A_2176], %gather3A_2173 : memref<128x416xf32, #tpu.memory_space<vmem>>[vector<16xi32>, vector<16xi32>], vector<16xf32>,
      %add3A_2177 = arith.constant 15 : i32
      %add3A_2178 = vector.broadcast %add3A_2177 : i32 to vector<16xi32>
      %add3A_2179 = arith.addi %get3A_2065, %add3A_2178 : vector<16xi32>
      %gather3A_2180 = tpu.vector_load_idx %arg17[%add3A_2062, %add3A_2179] : memref<128x128xf32, #tpu.memory_space<vmem>>[vector<16xi32>, vector<16xi32>], vector<16xf32>,
      %add3A_2181 = arith.constant 15 : i32
      %add3A_2182 = vector.broadcast %add3A_2181 : i32 to vector<16xi32>
      %add3A_2183 = arith.addi %get3A_2071, %add3A_2182 : vector<16xi32>
      tpu.vector_store_idx %arg18[%get3A_2068, %add3A_2183], %gather3A_2180 : memref<128x416xf32, #tpu.memory_space<vmem>>[vector<16xi32>, vector<16xi32>], vector<16xf32>,
      %iota3A_2184 = tpu.iota {dimensions = array<i32: 0>} : vector<16xi32>
      %add3A_2185 = arith.constant 112 : i32
      %add3A_2186 = vector.broadcast %add3A_2185 : i32 to vector<16xi32>
      %add3A_2187 = arith.addi %iota3A_2184, %add3A_2186 : vector<16xi32>
      %get3A_2188 = arith.index_cast %add3A_1308 : i32 to index
      %get3A_2189 = arith.constant 112 : index
      %get3A_2190 = tpu.vector_load %arg12[%get3A_2188, %get3A_2189] {strides = array<i32>} : memref<26x128xi32, #tpu.memory_space<vmem>>, vector<16xi32>,
      %get3A_2191 = arith.index_cast %add3A_1308 : i32 to index
      %get3A_2192 = arith.constant 112 : index
      %get3A_2193 = tpu.vector_load %arg13[%get3A_2191, %get3A_2192] {strides = array<i32>} : memref<26x128xi32, #tpu.memory_space<vmem>>, vector<16xi32>,
      %get3A_2194 = arith.index_cast %add3A_1308 : i32 to index
      %get3A_2195 = arith.constant 112 : index
      %get3A_2196 = tpu.vector_load %arg14[%get3A_2194, %get3A_2195] {strides = array<i32>} : memref<26x128xi32, #tpu.memory_space<vmem>>, vector<16xi32>,
      %add3A_2197 = arith.constant 0 : i32
      %add3A_2198 = vector.broadcast %add3A_2197 : i32 to vector<16xi32>
      %add3A_2199 = arith.addi %get3A_2190, %add3A_2198 : vector<16xi32>
      %gather3A_2200 = tpu.vector_load_idx %arg17[%add3A_2187, %add3A_2199] : memref<128x128xf32, #tpu.memory_space<vmem>>[vector<16xi32>, vector<16xi32>], vector<16xf32>,
      %add3A_2201 = arith.constant 0 : i32
      %add3A_2202 = vector.broadcast %add3A_2201 : i32 to vector<16xi32>
      %add3A_2203 = arith.addi %get3A_2196, %add3A_2202 : vector<16xi32>
      tpu.vector_store_idx %arg18[%get3A_2193, %add3A_2203], %gather3A_2200 : memref<128x416xf32, #tpu.memory_space<vmem>>[vector<16xi32>, vector<16xi32>], vector<16xf32>,
      %add3A_2204 = arith.constant 1 : i32
      %add3A_2205 = vector.broadcast %add3A_2204 : i32 to vector<16xi32>
      %add3A_2206 = arith.addi %get3A_2190, %add3A_2205 : vector<16xi32>
      %gather3A_2207 = tpu.vector_load_idx %arg17[%add3A_2187, %add3A_2206] : memref<128x128xf32, #tpu.memory_space<vmem>>[vector<16xi32>, vector<16xi32>], vector<16xf32>,
      %add3A_2208 = arith.constant 1 : i32
      %add3A_2209 = vector.broadcast %add3A_2208 : i32 to vector<16xi32>
      %add3A_2210 = arith.addi %get3A_2196, %add3A_2209 : vector<16xi32>
      tpu.vector_store_idx %arg18[%get3A_2193, %add3A_2210], %gather3A_2207 : memref<128x416xf32, #tpu.memory_space<vmem>>[vector<16xi32>, vector<16xi32>], vector<16xf32>,
      %add3A_2211 = arith.constant 2 : i32
      %add3A_2212 = vector.broadcast %add3A_2211 : i32 to vector<16xi32>
      %add3A_2213 = arith.addi %get3A_2190, %add3A_2212 : vector<16xi32>
      %gather3A_2214 = tpu.vector_load_idx %arg17[%add3A_2187, %add3A_2213] : memref<128x128xf32, #tpu.memory_space<vmem>>[vector<16xi32>, vector<16xi32>], vector<16xf32>,
      %add3A_2215 = arith.constant 2 : i32
      %add3A_2216 = vector.broadcast %add3A_2215 : i32 to vector<16xi32>
      %add3A_2217 = arith.addi %get3A_2196, %add3A_2216 : vector<16xi32>
      tpu.vector_store_idx %arg18[%get3A_2193, %add3A_2217], %gather3A_2214 : memref<128x416xf32, #tpu.memory_space<vmem>>[vector<16xi32>, vector<16xi32>], vector<16xf32>,
      %add3A_2218 = arith.constant 3 : i32
      %add3A_2219 = vector.broadcast %add3A_2218 : i32 to vector<16xi32>
      %add3A_2220 = arith.addi %get3A_2190, %add3A_2219 : vector<16xi32>
      %gather3A_2221 = tpu.vector_load_idx %arg17[%add3A_2187, %add3A_2220] : memref<128x128xf32, #tpu.memory_space<vmem>>[vector<16xi32>, vector<16xi32>], vector<16xf32>,
      %add3A_2222 = arith.constant 3 : i32
      %add3A_2223 = vector.broadcast %add3A_2222 : i32 to vector<16xi32>
      %add3A_2224 = arith.addi %get3A_2196, %add3A_2223 : vector<16xi32>
      tpu.vector_store_idx %arg18[%get3A_2193, %add3A_2224], %gather3A_2221 : memref<128x416xf32, #tpu.memory_space<vmem>>[vector<16xi32>, vector<16xi32>], vector<16xf32>,
      %add3A_2225 = arith.constant 4 : i32
      %add3A_2226 = vector.broadcast %add3A_2225 : i32 to vector<16xi32>
      %add3A_2227 = arith.addi %get3A_2190, %add3A_2226 : vector<16xi32>
      %gather3A_2228 = tpu.vector_load_idx %arg17[%add3A_2187, %add3A_2227] : memref<128x128xf32, #tpu.memory_space<vmem>>[vector<16xi32>, vector<16xi32>], vector<16xf32>,
      %add3A_2229 = arith.constant 4 : i32
      %add3A_2230 = vector.broadcast %add3A_2229 : i32 to vector<16xi32>
      %add3A_2231 = arith.addi %get3A_2196, %add3A_2230 : vector<16xi32>
      tpu.vector_store_idx %arg18[%get3A_2193, %add3A_2231], %gather3A_2228 : memref<128x416xf32, #tpu.memory_space<vmem>>[vector<16xi32>, vector<16xi32>], vector<16xf32>,
      %add3A_2232 = arith.constant 5 : i32
      %add3A_2233 = vector.broadcast %add3A_2232 : i32 to vector<16xi32>
      %add3A_2234 = arith.addi %get3A_2190, %add3A_2233 : vector<16xi32>
      %gather3A_2235 = tpu.vector_load_idx %arg17[%add3A_2187, %add3A_2234] : memref<128x128xf32, #tpu.memory_space<vmem>>[vector<16xi32>, vector<16xi32>], vector<16xf32>,
      %add3A_2236 = arith.constant 5 : i32
      %add3A_2237 = vector.broadcast %add3A_2236 : i32 to vector<16xi32>
      %add3A_2238 = arith.addi %get3A_2196, %add3A_2237 : vector<16xi32>
      tpu.vector_store_idx %arg18[%get3A_2193, %add3A_2238], %gather3A_2235 : memref<128x416xf32, #tpu.memory_space<vmem>>[vector<16xi32>, vector<16xi32>], vector<16xf32>,
      %add3A_2239 = arith.constant 6 : i32
      %add3A_2240 = vector.broadcast %add3A_2239 : i32 to vector<16xi32>
      %add3A_2241 = arith.addi %get3A_2190, %add3A_2240 : vector<16xi32>
      %gather3A_2242 = tpu.vector_load_idx %arg17[%add3A_2187, %add3A_2241] : memref<128x128xf32, #tpu.memory_space<vmem>>[vector<16xi32>, vector<16xi32>], vector<16xf32>,
      %add3A_2243 = arith.constant 6 : i32
      %add3A_2244 = vector.broadcast %add3A_2243 : i32 to vector<16xi32>
      %add3A_2245 = arith.addi %get3A_2196, %add3A_2244 : vector<16xi32>
      tpu.vector_store_idx %arg18[%get3A_2193, %add3A_2245], %gather3A_2242 : memref<128x416xf32, #tpu.memory_space<vmem>>[vector<16xi32>, vector<16xi32>], vector<16xf32>,
      %add3A_2246 = arith.constant 7 : i32
      %add3A_2247 = vector.broadcast %add3A_2246 : i32 to vector<16xi32>
      %add3A_2248 = arith.addi %get3A_2190, %add3A_2247 : vector<16xi32>
      %gather3A_2249 = tpu.vector_load_idx %arg17[%add3A_2187, %add3A_2248] : memref<128x128xf32, #tpu.memory_space<vmem>>[vector<16xi32>, vector<16xi32>], vector<16xf32>,
      %add3A_2250 = arith.constant 7 : i32
      %add3A_2251 = vector.broadcast %add3A_2250 : i32 to vector<16xi32>
      %add3A_2252 = arith.addi %get3A_2196, %add3A_2251 : vector<16xi32>
      tpu.vector_store_idx %arg18[%get3A_2193, %add3A_2252], %gather3A_2249 : memref<128x416xf32, #tpu.memory_space<vmem>>[vector<16xi32>, vector<16xi32>], vector<16xf32>,
      %add3A_2253 = arith.constant 8 : i32
      %add3A_2254 = vector.broadcast %add3A_2253 : i32 to vector<16xi32>
      %add3A_2255 = arith.addi %get3A_2190, %add3A_2254 : vector<16xi32>
      %gather3A_2256 = tpu.vector_load_idx %arg17[%add3A_2187, %add3A_2255] : memref<128x128xf32, #tpu.memory_space<vmem>>[vector<16xi32>, vector<16xi32>], vector<16xf32>,
      %add3A_2257 = arith.constant 8 : i32
      %add3A_2258 = vector.broadcast %add3A_2257 : i32 to vector<16xi32>
      %add3A_2259 = arith.addi %get3A_2196, %add3A_2258 : vector<16xi32>
      tpu.vector_store_idx %arg18[%get3A_2193, %add3A_2259], %gather3A_2256 : memref<128x416xf32, #tpu.memory_space<vmem>>[vector<16xi32>, vector<16xi32>], vector<16xf32>,
      %add3A_2260 = arith.constant 9 : i32
      %add3A_2261 = vector.broadcast %add3A_2260 : i32 to vector<16xi32>
      %add3A_2262 = arith.addi %get3A_2190, %add3A_2261 : vector<16xi32>
      %gather3A_2263 = tpu.vector_load_idx %arg17[%add3A_2187, %add3A_2262] : memref<128x128xf32, #tpu.memory_space<vmem>>[vector<16xi32>, vector<16xi32>], vector<16xf32>,
      %add3A_2264 = arith.constant 9 : i32
      %add3A_2265 = vector.broadcast %add3A_2264 : i32 to vector<16xi32>
      %add3A_2266 = arith.addi %get3A_2196, %add3A_2265 : vector<16xi32>
      tpu.vector_store_idx %arg18[%get3A_2193, %add3A_2266], %gather3A_2263 : memref<128x416xf32, #tpu.memory_space<vmem>>[vector<16xi32>, vector<16xi32>], vector<16xf32>,
      %add3A_2267 = arith.constant 10 : i32
      %add3A_2268 = vector.broadcast %add3A_2267 : i32 to vector<16xi32>
      %add3A_2269 = arith.addi %get3A_2190, %add3A_2268 : vector<16xi32>
      %gather3A_2270 = tpu.vector_load_idx %arg17[%add3A_2187, %add3A_2269] : memref<128x128xf32, #tpu.memory_space<vmem>>[vector<16xi32>, vector<16xi32>], vector<16xf32>,
      %add3A_2271 = arith.constant 10 : i32
      %add3A_2272 = vector.broadcast %add3A_2271 : i32 to vector<16xi32>
      %add3A_2273 = arith.addi %get3A_2196, %add3A_2272 : vector<16xi32>
      tpu.vector_store_idx %arg18[%get3A_2193, %add3A_2273], %gather3A_2270 : memref<128x416xf32, #tpu.memory_space<vmem>>[vector<16xi32>, vector<16xi32>], vector<16xf32>,
      %add3A_2274 = arith.constant 11 : i32
      %add3A_2275 = vector.broadcast %add3A_2274 : i32 to vector<16xi32>
      %add3A_2276 = arith.addi %get3A_2190, %add3A_2275 : vector<16xi32>
      %gather3A_2277 = tpu.vector_load_idx %arg17[%add3A_2187, %add3A_2276] : memref<128x128xf32, #tpu.memory_space<vmem>>[vector<16xi32>, vector<16xi32>], vector<16xf32>,
      %add3A_2278 = arith.constant 11 : i32
      %add3A_2279 = vector.broadcast %add3A_2278 : i32 to vector<16xi32>
      %add3A_2280 = arith.addi %get3A_2196, %add3A_2279 : vector<16xi32>
      tpu.vector_store_idx %arg18[%get3A_2193, %add3A_2280], %gather3A_2277 : memref<128x416xf32, #tpu.memory_space<vmem>>[vector<16xi32>, vector<16xi32>], vector<16xf32>,
      %add3A_2281 = arith.constant 12 : i32
      %add3A_2282 = vector.broadcast %add3A_2281 : i32 to vector<16xi32>
      %add3A_2283 = arith.addi %get3A_2190, %add3A_2282 : vector<16xi32>
      %gather3A_2284 = tpu.vector_load_idx %arg17[%add3A_2187, %add3A_2283] : memref<128x128xf32, #tpu.memory_space<vmem>>[vector<16xi32>, vector<16xi32>], vector<16xf32>,
      %add3A_2285 = arith.constant 12 : i32
      %add3A_2286 = vector.broadcast %add3A_2285 : i32 to vector<16xi32>
      %add3A_2287 = arith.addi %get3A_2196, %add3A_2286 : vector<16xi32>
      tpu.vector_store_idx %arg18[%get3A_2193, %add3A_2287], %gather3A_2284 : memref<128x416xf32, #tpu.memory_space<vmem>>[vector<16xi32>, vector<16xi32>], vector<16xf32>,
      %add3A_2288 = arith.constant 13 : i32
      %add3A_2289 = vector.broadcast %add3A_2288 : i32 to vector<16xi32>
      %add3A_2290 = arith.addi %get3A_2190, %add3A_2289 : vector<16xi32>
      %gather3A_2291 = tpu.vector_load_idx %arg17[%add3A_2187, %add3A_2290] : memref<128x128xf32, #tpu.memory_space<vmem>>[vector<16xi32>, vector<16xi32>], vector<16xf32>,
      %add3A_2292 = arith.constant 13 : i32
      %add3A_2293 = vector.broadcast %add3A_2292 : i32 to vector<16xi32>
      %add3A_2294 = arith.addi %get3A_2196, %add3A_2293 : vector<16xi32>
      tpu.vector_store_idx %arg18[%get3A_2193, %add3A_2294], %gather3A_2291 : memref<128x416xf32, #tpu.memory_space<vmem>>[vector<16xi32>, vector<16xi32>], vector<16xf32>,
      %add3A_2295 = arith.constant 14 : i32
      %add3A_2296 = vector.broadcast %add3A_2295 : i32 to vector<16xi32>
      %add3A_2297 = arith.addi %get3A_2190, %add3A_2296 : vector<16xi32>
      %gather3A_2298 = tpu.vector_load_idx %arg17[%add3A_2187, %add3A_2297] : memref<128x128xf32, #tpu.memory_space<vmem>>[vector<16xi32>, vector<16xi32>], vector<16xf32>,
      %add3A_2299 = arith.constant 14 : i32
      %add3A_2300 = vector.broadcast %add3A_2299 : i32 to vector<16xi32>
      %add3A_2301 = arith.addi %get3A_2196, %add3A_2300 : vector<16xi32>
      tpu.vector_store_idx %arg18[%get3A_2193, %add3A_2301], %gather3A_2298 : memref<128x416xf32, #tpu.memory_space<vmem>>[vector<16xi32>, vector<16xi32>], vector<16xf32>,
      %add3A_2302 = arith.constant 15 : i32
      %add3A_2303 = vector.broadcast %add3A_2302 : i32 to vector<16xi32>
      %add3A_2304 = arith.addi %get3A_2190, %add3A_2303 : vector<16xi32>
      %gather3A_2305 = tpu.vector_load_idx %arg17[%add3A_2187, %add3A_2304] : memref<128x128xf32, #tpu.memory_space<vmem>>[vector<16xi32>, vector<16xi32>], vector<16xf32>,
      %add3A_2306 = arith.constant 15 : i32
      %add3A_2307 = vector.broadcast %add3A_2306 : i32 to vector<16xi32>
      %add3A_2308 = arith.addi %get3A_2196, %add3A_2307 : vector<16xi32>
      tpu.vector_store_idx %arg18[%get3A_2193, %add3A_2308], %gather3A_2305 : memref<128x416xf32, #tpu.memory_space<vmem>>[vector<16xi32>, vector<16xi32>], vector<16xf32>,
      %scan3A_2309 = arith.constant 0 : i32
      scf.yield %scan3A_2309 : i32
    }
    %scan3A_272 = arith.constant 13 : i32
    %dma_wait3A = arith.constant 0 : i32
    %dma_wait3A_273 = arith.constant 0 : i32
    %dma_wait3A_274 = tpu.memref_slice %arg10[%add3A, %dma_wait3A, %dma_wait3A_273] : memref<32x26x128xf32, #tpu.memory_space<hbm>> -> memref<1x26x128xf32, #tpu.memory_space<hbm>>
    %dma_wait3A_275 = tpu.memref_squeeze %dma_wait3A_274 : memref<1x26x128xf32, #tpu.memory_space<hbm>> -> memref<26x128xf32, #tpu.memory_space<hbm>>
    %dma_wait3A_276 = arith.constant 0 : i32
    %dma_wait3A_277 = arith.constant 0 : i32
    %dma_wait3A_278 = tpu.memref_slice %arg10[%add3A, %dma_wait3A_276, %dma_wait3A_277] : memref<32x26x128xf32, #tpu.memory_space<hbm>> -> memref<1x26x128xf32, #tpu.memory_space<hbm>>
    %dma_wait3A_279 = tpu.memref_squeeze %dma_wait3A_278 : memref<1x26x128xf32, #tpu.memory_space<hbm>> -> memref<26x128xf32, #tpu.memory_space<hbm>>
    tpu.wait_dma2 semaphore(%arg21 : memref<!tpu.dma_semaphore, #tpu.memory_space<semaphore_mem>>) src(%dma_wait3A_279 : memref<26x128xf32, #tpu.memory_space<hbm>>) dst(%arg19 : memref<26x128xf32, #tpu.memory_space<vmem>>)
    %mul3A_280 = arith.constant 128 : i32
    %mul3A_281 = arith.muli %add3A, %mul3A_280 : i32
    "tpu.region"() ({
      %run_scoped3A = tpu.sem_alloc : memref<!tpu.dma_semaphore, #tpu.memory_space<semaphore_mem>>
      %dma_start3A_282 = arith.constant 0 : i32
      %dma_start3A_283 = tpu.memref_slice %arg9[%mul3A_281, %dma_start3A_282] : memref<4096x416xf32, #tpu.memory_space<hbm>> -> memref<128x416xf32, #tpu.memory_space<hbm>>
      %dma_start3A_284 = arith.constant 0 : i32
      %dma_start3A_285 = tpu.memref_slice %arg9[%mul3A_281, %dma_start3A_284] : memref<4096x416xf32, #tpu.memory_space<hbm>> -> memref<128x416xf32, #tpu.memory_space<hbm>>
      tpu.enqueue_dma source(%arg18 : memref<128x416xf32, #tpu.memory_space<vmem>>) target(%dma_start3A_285 : memref<128x416xf32, #tpu.memory_space<hbm>>) target_semaphore(%run_scoped3A : memref<!tpu.dma_semaphore, #tpu.memory_space<semaphore_mem>>)
      %dma_wait3A_286 = arith.constant 0 : i32
      %dma_wait3A_287 = tpu.memref_slice %arg9[%mul3A_281, %dma_wait3A_286] : memref<4096x416xf32, #tpu.memory_space<hbm>> -> memref<128x416xf32, #tpu.memory_space<hbm>>
      %dma_wait3A_288 = arith.constant 0 : i32
      %dma_wait3A_289 = tpu.memref_slice %arg9[%mul3A_281, %dma_wait3A_288] : memref<4096x416xf32, #tpu.memory_space<hbm>> -> memref<128x416xf32, #tpu.memory_space<hbm>>
      tpu.wait_dma2 semaphore(%run_scoped3A : memref<!tpu.dma_semaphore, #tpu.memory_space<semaphore_mem>>) src(%arg18 : memref<128x416xf32, #tpu.memory_space<vmem>>) dst(%dma_wait3A_289 : memref<128x416xf32, #tpu.memory_space<hbm>>)
      tpu.yield
    }) : () -> ()
    "tpu.region"() ({
      %run_scoped3A = tpu.sem_alloc : memref<!tpu.dma_semaphore, #tpu.memory_space<semaphore_mem>>
      %dma_start3A_282 = arith.constant 0 : i32
      %dma_start3A_283 = arith.constant 0 : i32
      %dma_start3A_284 = tpu.memref_slice %arg10[%add3A, %dma_start3A_282, %dma_start3A_283] : memref<32x26x128xf32, #tpu.memory_space<hbm>> -> memref<1x26x128xf32, #tpu.memory_space<hbm>>
      %dma_start3A_285 = tpu.memref_squeeze %dma_start3A_284 : memref<1x26x128xf32, #tpu.memory_space<hbm>> -> memref<26x128xf32, #tpu.memory_space<hbm>>
      %dma_start3A_286 = arith.constant 0 : i32
      %dma_start3A_287 = arith.constant 0 : i32
      %dma_start3A_288 = tpu.memref_slice %arg10[%add3A, %dma_start3A_286, %dma_start3A_287] : memref<32x26x128xf32, #tpu.memory_space<hbm>> -> memref<1x26x128xf32, #tpu.memory_space<hbm>>
      %dma_start3A_289 = tpu.memref_squeeze %dma_start3A_288 : memref<1x26x128xf32, #tpu.memory_space<hbm>> -> memref<26x128xf32, #tpu.memory_space<hbm>>
      tpu.enqueue_dma source(%arg19 : memref<26x128xf32, #tpu.memory_space<vmem>>) target(%dma_start3A_289 : memref<26x128xf32, #tpu.memory_space<hbm>>) target_semaphore(%run_scoped3A : memref<!tpu.dma_semaphore, #tpu.memory_space<semaphore_mem>>)
      %dma_wait3A_290 = arith.constant 0 : i32
      %dma_wait3A_291 = arith.constant 0 : i32
      %dma_wait3A_292 = tpu.memref_slice %arg10[%add3A, %dma_wait3A_290, %dma_wait3A_291] : memref<32x26x128xf32, #tpu.memory_space<hbm>> -> memref<1x26x128xf32, #tpu.memory_space<hbm>>
      %dma_wait3A_293 = tpu.memref_squeeze %dma_wait3A_292 : memref<1x26x128xf32, #tpu.memory_space<hbm>> -> memref<26x128xf32, #tpu.memory_space<hbm>>
      %dma_wait3A_294 = arith.constant 0 : i32
      %dma_wait3A_295 = arith.constant 0 : i32
      %dma_wait3A_296 = tpu.memref_slice %arg10[%add3A, %dma_wait3A_294, %dma_wait3A_295] : memref<32x26x128xf32, #tpu.memory_space<hbm>> -> memref<1x26x128xf32, #tpu.memory_space<hbm>>
      %dma_wait3A_297 = tpu.memref_squeeze %dma_wait3A_296 : memref<1x26x128xf32, #tpu.memory_space<hbm>> -> memref<26x128xf32, #tpu.memory_space<hbm>>
      tpu.wait_dma2 semaphore(%run_scoped3A : memref<!tpu.dma_semaphore, #tpu.memory_space<semaphore_mem>>) src(%arg19 : memref<26x128xf32, #tpu.memory_space<vmem>>) dst(%dma_wait3A_297 : memref<26x128xf32, #tpu.memory_space<hbm>>)
      tpu.yield
    }) : () -> ()
    return
  }
}

module attributes {stable_mosaic.version = 14 : i64} {
  func.func @_retile_body(%arg0: i32, %arg1: memref<16x4096xf32, #tpu.memory_space<vmem>>, %arg2: memref<16x4096xf32, #tpu.memory_space<vmem>>, %arg3: memref<16x4096xf32, #tpu.memory_space<vmem>>, %arg4: memref<16x4096xf32, #tpu.memory_space<vmem>>, %arg5: memref<16x4096xf32, #tpu.memory_space<vmem>>, %arg6: memref<16x4096xf32, #tpu.memory_space<vmem>>, %arg7: memref<16x4096xf32, #tpu.memory_space<vmem>>, %arg8: memref<16x4096xf32, #tpu.memory_space<vmem>>, %arg9: memref<1x32768xf32, #tpu.memory_space<vmem>>, %arg10: memref<4096x128xf32, #tpu.memory_space<vmem>>, %arg11: memref<32768xf32, #tpu.memory_space<vmem>>) attributes {dimension_semantics = [#tpu.dimension_semantics<arbitrary>], iteration_bounds = array<i64: 80>, scalar_prefetch = 0 : i64, scratch_operands = 0 : i64, tpu.core_type = #tpu.core_type<tc>, window_params = [{transform_indices = @transform_0, window_bounds = array<i64: 16, 4096>}, {transform_indices = @transform_1, window_bounds = array<i64: 16, 4096>}, {transform_indices = @transform_2, window_bounds = array<i64: 16, 4096>}, {transform_indices = @transform_3, window_bounds = array<i64: 16, 4096>}, {transform_indices = @transform_4, window_bounds = array<i64: 16, 4096>}, {transform_indices = @transform_5, window_bounds = array<i64: 16, 4096>}, {transform_indices = @transform_6, window_bounds = array<i64: 16, 4096>}, {transform_indices = @transform_7, window_bounds = array<i64: 16, 4096>}, {transform_indices = @transform_8, window_bounds = array<i64: 1, 32768>}, {transform_indices = @transform_9, window_bounds = array<i64: 4096, 128>}, {transform_indices = @transform_10, window_bounds = array<i64: 32768>}]} {
    %iota3A = tpu.iota {dimensions = array<i32: 0>} : vector<128x128xi32>
    %iota3A_0 = tpu.iota {dimensions = array<i32: 1>} : vector<128x128xi32>
    %add3A = arith.constant 0 : i32
    %add3A_1 = vector.broadcast %add3A : i32 to vector<128x128xi32>
    %add3A_2 = arith.addi %iota3A, %add3A_1 : vector<128x128xi32>
    %eq3A = arith.cmpi eq, %add3A_2, %iota3A_0 : vector<128x128xi32>
    %convert_element_type3A = arith.extui %eq3A : vector<128x128xi1> to vector<128x128xi32>
    %convert_element_type3A_3 = arith.sitofp %convert_element_type3A : vector<128x128xi32> to vector<128x128xf32>
    %get3A = arith.constant 0 : index
    %get3A_4 = arith.constant 0 : index
    %get3A_5 = vector.load %arg1[%get3A, %get3A_4] : memref<16x4096xf32, #tpu.memory_space<vmem>>, vector<16x4096xf32>
    %get3A_6 = arith.constant 0 : index
    %get3A_7 = arith.constant 0 : index
    %get3A_8 = vector.load %arg2[%get3A_6, %get3A_7] : memref<16x4096xf32, #tpu.memory_space<vmem>>, vector<16x4096xf32>
    %get3A_9 = arith.constant 0 : index
    %get3A_10 = arith.constant 0 : index
    %get3A_11 = vector.load %arg3[%get3A_9, %get3A_10] : memref<16x4096xf32, #tpu.memory_space<vmem>>, vector<16x4096xf32>
    %get3A_12 = arith.constant 0 : index
    %get3A_13 = arith.constant 0 : index
    %get3A_14 = vector.load %arg4[%get3A_12, %get3A_13] : memref<16x4096xf32, #tpu.memory_space<vmem>>, vector<16x4096xf32>
    %get3A_15 = arith.constant 0 : index
    %get3A_16 = arith.constant 0 : index
    %get3A_17 = vector.load %arg5[%get3A_15, %get3A_16] : memref<16x4096xf32, #tpu.memory_space<vmem>>, vector<16x4096xf32>
    %get3A_18 = arith.constant 0 : index
    %get3A_19 = arith.constant 0 : index
    %get3A_20 = vector.load %arg6[%get3A_18, %get3A_19] : memref<16x4096xf32, #tpu.memory_space<vmem>>, vector<16x4096xf32>
    %get3A_21 = arith.constant 0 : index
    %get3A_22 = arith.constant 0 : index
    %get3A_23 = vector.load %arg7[%get3A_21, %get3A_22] : memref<16x4096xf32, #tpu.memory_space<vmem>>, vector<16x4096xf32>
    %get3A_24 = arith.constant 0 : index
    %get3A_25 = arith.constant 0 : index
    %get3A_26 = vector.load %arg8[%get3A_24, %get3A_25] : memref<16x4096xf32, #tpu.memory_space<vmem>>, vector<16x4096xf32>
    %concatenate3A = tpu.concatenate %get3A_5, %get3A_8, %get3A_11, %get3A_14, %get3A_17, %get3A_20, %get3A_23, %get3A_26 in 0 : vector<16x4096xf32>, vector<16x4096xf32>, vector<16x4096xf32>, vector<16x4096xf32>, vector<16x4096xf32>, vector<16x4096xf32>, vector<16x4096xf32>, vector<16x4096xf32> -> vector<128x4096xf32>
    %dot_general3A = arith.constant dense<0.000000e+00> : vector<4096x128xf32>
    %dot_general3A_27 = tpu.matmul %concatenate3A, %convert_element_type3A_3, %dot_general3A {dimension_numbers = #tpu.dot_dimension_numbers<[0], [0], [1], [1], [0, 1, 1, 1], [], []>, transpose_lhs_hint = true} : vector<128x4096xf32>, vector<128x128xf32>, vector<4096x128xf32> -> vector<4096x128xf32>
    %swap3A = arith.constant 0 : index
    %swap3A_28 = arith.constant 0 : index
    %swap3A_29 = vector.load %arg10[%swap3A, %swap3A_28] : memref<4096x128xf32, #tpu.memory_space<vmem>>, vector<4096x128xf32>
    tpu.vector_store %arg10[%swap3A, %swap3A_28], %dot_general3A_27 {strides = array<i32>} : memref<4096x128xf32, #tpu.memory_space<vmem>>, vector<4096x128xf32>,
    %get3A_30 = arith.constant 0 : index
    %get3A_31 = arith.constant 0 : index
    %get3A_32 = vector.load %arg9[%get3A_30, %get3A_31] : memref<1x32768xf32, #tpu.memory_space<vmem>>, vector<1x32768xf32>
    %get3A_33 = vector.shape_cast %get3A_32 : vector<1x32768xf32> to vector<32768xf32>
    %swap3A_34 = arith.constant 0 : index
    %swap3A_35 = vector.load %arg11[%swap3A_34] : memref<32768xf32, #tpu.memory_space<vmem>>, vector<32768xf32>
    tpu.vector_store %arg11[%swap3A_34], %get3A_33 {strides = array<i32>} : memref<32768xf32, #tpu.memory_space<vmem>>, vector<32768xf32>,
    return
  }
  func.func @transform_0(%arg0: i32) -> (i32, i32) {
    %add3A = arith.constant 0 : i32
    %add3A_0 = arith.addi %add3A, %arg0 : i32
    %min3A = arith.constant 634 : i32
    %min3A_1 = arith.minsi %add3A_0, %min3A : i32
    %c0_i32 = arith.constant 0 : i32
    %c0_i32_2 = arith.constant 0 : i32
    return %c0_i32, %min3A_1 : i32, i32
  }
  func.func @transform_1(%arg0: i32) -> (i32, i32) {
    %add3A = arith.constant 80 : i32
    %add3A_0 = arith.addi %add3A, %arg0 : i32
    %min3A = arith.constant 634 : i32
    %min3A_1 = arith.minsi %add3A_0, %min3A : i32
    %c0_i32 = arith.constant 0 : i32
    %c0_i32_2 = arith.constant 0 : i32
    return %c0_i32, %min3A_1 : i32, i32
  }
  func.func @transform_2(%arg0: i32) -> (i32, i32) {
    %add3A = arith.constant 160 : i32
    %add3A_0 = arith.addi %add3A, %arg0 : i32
    %min3A = arith.constant 634 : i32
    %min3A_1 = arith.minsi %add3A_0, %min3A : i32
    %c0_i32 = arith.constant 0 : i32
    %c0_i32_2 = arith.constant 0 : i32
    return %c0_i32, %min3A_1 : i32, i32
  }
  func.func @transform_3(%arg0: i32) -> (i32, i32) {
    %add3A = arith.constant 240 : i32
    %add3A_0 = arith.addi %add3A, %arg0 : i32
    %min3A = arith.constant 634 : i32
    %min3A_1 = arith.minsi %add3A_0, %min3A : i32
    %c0_i32 = arith.constant 0 : i32
    %c0_i32_2 = arith.constant 0 : i32
    return %c0_i32, %min3A_1 : i32, i32
  }
  func.func @transform_4(%arg0: i32) -> (i32, i32) {
    %add3A = arith.constant 320 : i32
    %add3A_0 = arith.addi %add3A, %arg0 : i32
    %min3A = arith.constant 634 : i32
    %min3A_1 = arith.minsi %add3A_0, %min3A : i32
    %c0_i32 = arith.constant 0 : i32
    %c0_i32_2 = arith.constant 0 : i32
    return %c0_i32, %min3A_1 : i32, i32
  }
  func.func @transform_5(%arg0: i32) -> (i32, i32) {
    %add3A = arith.constant 400 : i32
    %add3A_0 = arith.addi %add3A, %arg0 : i32
    %min3A = arith.constant 634 : i32
    %min3A_1 = arith.minsi %add3A_0, %min3A : i32
    %c0_i32 = arith.constant 0 : i32
    %c0_i32_2 = arith.constant 0 : i32
    return %c0_i32, %min3A_1 : i32, i32
  }
  func.func @transform_6(%arg0: i32) -> (i32, i32) {
    %add3A = arith.constant 480 : i32
    %add3A_0 = arith.addi %add3A, %arg0 : i32
    %min3A = arith.constant 634 : i32
    %min3A_1 = arith.minsi %add3A_0, %min3A : i32
    %c0_i32 = arith.constant 0 : i32
    %c0_i32_2 = arith.constant 0 : i32
    return %c0_i32, %min3A_1 : i32, i32
  }
  func.func @transform_7(%arg0: i32) -> (i32, i32) {
    %add3A = arith.constant 560 : i32
    %add3A_0 = arith.addi %add3A, %arg0 : i32
    %min3A = arith.constant 634 : i32
    %min3A_1 = arith.minsi %add3A_0, %min3A : i32
    %c0_i32 = arith.constant 0 : i32
    %c0_i32_2 = arith.constant 0 : i32
    return %c0_i32, %min3A_1 : i32, i32
  }
  func.func @transform_8(%arg0: i32) -> (i32, i32) {
    %c0_i32 = arith.constant 0 : i32
    %c0_i32_0 = arith.constant 0 : i32
    return %c0_i32, %arg0 : i32, i32
  }
  func.func @transform_9(%arg0: i32) -> (i32, i32) {
    %c0_i32 = arith.constant 0 : i32
    %c0_i32_0 = arith.constant 0 : i32
    return %arg0, %c0_i32 : i32, i32
  }
  func.func @transform_10(%arg0: i32) -> i32 {
    %c0_i32 = arith.constant 0 : i32
    return %arg0 : i32
  }
}

module attributes {stable_mosaic.version = 14 : i64} {
  func.func @_mlp_body(%arg0: i32, %arg1: memref<512x416xf32, #tpu.memory_space<vmem>>, %arg2: memref<512x26xf32, #tpu.memory_space<vmem>>, %arg3: memref<416x400xf32, #tpu.memory_space<vmem>>, %arg4: memref<1x400xf32, #tpu.memory_space<vmem>>, %arg5: memref<1x400xf32, #tpu.memory_space<vmem>>, %arg6: memref<1x400xf32, #tpu.memory_space<vmem>>, %arg7: memref<400x400xf32, #tpu.memory_space<vmem>>, %arg8: memref<1x400xf32, #tpu.memory_space<vmem>>, %arg9: memref<1x400xf32, #tpu.memory_space<vmem>>, %arg10: memref<1x400xf32, #tpu.memory_space<vmem>>, %arg11: memref<400x400xf32, #tpu.memory_space<vmem>>, %arg12: memref<1x400xf32, #tpu.memory_space<vmem>>, %arg13: memref<1x400xf32, #tpu.memory_space<vmem>>, %arg14: memref<1x400xf32, #tpu.memory_space<vmem>>, %arg15: memref<400x1xf32, #tpu.memory_space<vmem>>, %arg16: memref<1x1xf32, #tpu.memory_space<vmem>>, %arg17: memref<512x1xf32, #tpu.memory_space<vmem>>) attributes {dimension_semantics = [#tpu.dimension_semantics<arbitrary>], iteration_bounds = array<i64: 8>, scalar_prefetch = 0 : i64, scratch_operands = 0 : i64, tpu.core_type = #tpu.core_type<tc>, window_params = [{transform_indices = @transform_0, window_bounds = array<i64: 512, 416>}, {transform_indices = @transform_1, window_bounds = array<i64: 512, 26>}, {pipeline_mode = #tpu.pipeline_mode<synchronous>, transform_indices = @transform_2, window_bounds = array<i64: 416, 400>}, {pipeline_mode = #tpu.pipeline_mode<synchronous>, transform_indices = @transform_3, window_bounds = array<i64: 1, 400>}, {pipeline_mode = #tpu.pipeline_mode<synchronous>, transform_indices = @transform_4, window_bounds = array<i64: 1, 400>}, {pipeline_mode = #tpu.pipeline_mode<synchronous>, transform_indices = @transform_5, window_bounds = array<i64: 1, 400>}, {pipeline_mode = #tpu.pipeline_mode<synchronous>, transform_indices = @transform_6, window_bounds = array<i64: 400, 400>}, {pipeline_mode = #tpu.pipeline_mode<synchronous>, transform_indices = @transform_7, window_bounds = array<i64: 1, 400>}, {pipeline_mode = #tpu.pipeline_mode<synchronous>, transform_indices = @transform_8, window_bounds = array<i64: 1, 400>}, {pipeline_mode = #tpu.pipeline_mode<synchronous>, transform_indices = @transform_9, window_bounds = array<i64: 1, 400>}, {pipeline_mode = #tpu.pipeline_mode<synchronous>, transform_indices = @transform_10, window_bounds = array<i64: 400, 400>}, {pipeline_mode = #tpu.pipeline_mode<synchronous>, transform_indices = @transform_11, window_bounds = array<i64: 1, 400>}, {pipeline_mode = #tpu.pipeline_mode<synchronous>, transform_indices = @transform_12, window_bounds = array<i64: 1, 400>}, {pipeline_mode = #tpu.pipeline_mode<synchronous>, transform_indices = @transform_13, window_bounds = array<i64: 1, 400>}, {pipeline_mode = #tpu.pipeline_mode<synchronous>, transform_indices = @transform_14, window_bounds = array<i64: 400, 1>}, {pipeline_mode = #tpu.pipeline_mode<synchronous>, transform_indices = @transform_15, window_bounds = array<i64: 1, 1>}, {transform_indices = @transform_16, window_bounds = array<i64: 512, 1>}]} {
    %get3A = arith.constant 0 : index
    %get3A_0 = arith.constant 0 : index
    %get3A_1 = vector.load %arg1[%get3A, %get3A_0] : memref<512x416xf32, #tpu.memory_space<vmem>>, vector<512x416xf32>
    %get3A_2 = arith.constant 0 : index
    %get3A_3 = arith.constant 0 : index
    %get3A_4 = vector.load %arg3[%get3A_2, %get3A_3] : memref<416x400xf32, #tpu.memory_space<vmem>>, vector<416x400xf32>
    %dot_general3A = arith.constant dense<0.000000e+00> : vector<512x400xf32>
    %dot_general3A_5 = tpu.matmul %get3A_1, %get3A_4, %dot_general3A {dimension_numbers = #tpu.dot_dimension_numbers<[1], [0], [0], [1], [0, 0, 1, 1], [], []>, transpose_lhs_hint = false} : vector<512x416xf32>, vector<416x400xf32>, vector<512x400xf32> -> vector<512x400xf32>
    %get3A_6 = arith.constant 0 : index
    %get3A_7 = arith.constant 0 : index
    %get3A_8 = vector.load %arg4[%get3A_6, %get3A_7] : memref<1x400xf32, #tpu.memory_space<vmem>>, vector<1x400xf32>
    %add3A = vector.broadcast %get3A_8 : vector<1x400xf32> to vector<512x400xf32>
    %add3A_9 = arith.addf %dot_general3A_5, %add3A : vector<512x400xf32>
    %get3A_10 = arith.constant 0 : index
    %get3A_11 = arith.constant 0 : index
    %get3A_12 = vector.load %arg5[%get3A_10, %get3A_11] : memref<1x400xf32, #tpu.memory_space<vmem>>, vector<1x400xf32>
    %mul3A = vector.broadcast %get3A_12 : vector<1x400xf32> to vector<512x400xf32>
    %mul3A_13 = arith.mulf %add3A_9, %mul3A : vector<512x400xf32>
    %get3A_14 = arith.constant 0 : index
    %get3A_15 = arith.constant 0 : index
    %get3A_16 = vector.load %arg6[%get3A_14, %get3A_15] : memref<1x400xf32, #tpu.memory_space<vmem>>, vector<1x400xf32>
    %add3A_17 = vector.broadcast %get3A_16 : vector<1x400xf32> to vector<512x400xf32>
    %add3A_18 = arith.addf %mul3A_13, %add3A_17 : vector<512x400xf32>
    %max3A = arith.constant 0.000000e+00 : f32
    %max3A_19 = vector.broadcast %max3A : f32 to vector<512x400xf32>
    %max3A_20 = arith.maximumf %add3A_18, %max3A_19 : vector<512x400xf32>
    %get3A_21 = arith.constant 0 : index
    %get3A_22 = arith.constant 0 : index
    %get3A_23 = vector.load %arg7[%get3A_21, %get3A_22] : memref<400x400xf32, #tpu.memory_space<vmem>>, vector<400x400xf32>
    %dot_general3A_24 = arith.constant dense<0.000000e+00> : vector<512x400xf32>
    %dot_general3A_25 = tpu.matmul %max3A_20, %get3A_23, %dot_general3A_24 {dimension_numbers = #tpu.dot_dimension_numbers<[1], [0], [0], [1], [0, 0, 1, 1], [], []>, transpose_lhs_hint = false} : vector<512x400xf32>, vector<400x400xf32>, vector<512x400xf32> -> vector<512x400xf32>
    %get3A_26 = arith.constant 0 : index
    %get3A_27 = arith.constant 0 : index
    %get3A_28 = vector.load %arg8[%get3A_26, %get3A_27] : memref<1x400xf32, #tpu.memory_space<vmem>>, vector<1x400xf32>
    %add3A_29 = vector.broadcast %get3A_28 : vector<1x400xf32> to vector<512x400xf32>
    %add3A_30 = arith.addf %dot_general3A_25, %add3A_29 : vector<512x400xf32>
    %get3A_31 = arith.constant 0 : index
    %get3A_32 = arith.constant 0 : index
    %get3A_33 = vector.load %arg9[%get3A_31, %get3A_32] : memref<1x400xf32, #tpu.memory_space<vmem>>, vector<1x400xf32>
    %mul3A_34 = vector.broadcast %get3A_33 : vector<1x400xf32> to vector<512x400xf32>
    %mul3A_35 = arith.mulf %add3A_30, %mul3A_34 : vector<512x400xf32>
    %get3A_36 = arith.constant 0 : index
    %get3A_37 = arith.constant 0 : index
    %get3A_38 = vector.load %arg10[%get3A_36, %get3A_37] : memref<1x400xf32, #tpu.memory_space<vmem>>, vector<1x400xf32>
    %add3A_39 = vector.broadcast %get3A_38 : vector<1x400xf32> to vector<512x400xf32>
    %add3A_40 = arith.addf %mul3A_35, %add3A_39 : vector<512x400xf32>
    %max3A_41 = arith.constant 0.000000e+00 : f32
    %max3A_42 = vector.broadcast %max3A_41 : f32 to vector<512x400xf32>
    %max3A_43 = arith.maximumf %add3A_40, %max3A_42 : vector<512x400xf32>
    %get3A_44 = arith.constant 0 : index
    %get3A_45 = arith.constant 0 : index
    %get3A_46 = vector.load %arg11[%get3A_44, %get3A_45] : memref<400x400xf32, #tpu.memory_space<vmem>>, vector<400x400xf32>
    %dot_general3A_47 = arith.constant dense<0.000000e+00> : vector<512x400xf32>
    %dot_general3A_48 = tpu.matmul %max3A_43, %get3A_46, %dot_general3A_47 {dimension_numbers = #tpu.dot_dimension_numbers<[1], [0], [0], [1], [0, 0, 1, 1], [], []>, transpose_lhs_hint = false} : vector<512x400xf32>, vector<400x400xf32>, vector<512x400xf32> -> vector<512x400xf32>
    %get3A_49 = arith.constant 0 : index
    %get3A_50 = arith.constant 0 : index
    %get3A_51 = vector.load %arg12[%get3A_49, %get3A_50] : memref<1x400xf32, #tpu.memory_space<vmem>>, vector<1x400xf32>
    %add3A_52 = vector.broadcast %get3A_51 : vector<1x400xf32> to vector<512x400xf32>
    %add3A_53 = arith.addf %dot_general3A_48, %add3A_52 : vector<512x400xf32>
    %get3A_54 = arith.constant 0 : index
    %get3A_55 = arith.constant 0 : index
    %get3A_56 = vector.load %arg13[%get3A_54, %get3A_55] : memref<1x400xf32, #tpu.memory_space<vmem>>, vector<1x400xf32>
    %mul3A_57 = vector.broadcast %get3A_56 : vector<1x400xf32> to vector<512x400xf32>
    %mul3A_58 = arith.mulf %add3A_53, %mul3A_57 : vector<512x400xf32>
    %get3A_59 = arith.constant 0 : index
    %get3A_60 = arith.constant 0 : index
    %get3A_61 = vector.load %arg14[%get3A_59, %get3A_60] : memref<1x400xf32, #tpu.memory_space<vmem>>, vector<1x400xf32>
    %add3A_62 = vector.broadcast %get3A_61 : vector<1x400xf32> to vector<512x400xf32>
    %add3A_63 = arith.addf %mul3A_58, %add3A_62 : vector<512x400xf32>
    %max3A_64 = arith.constant 0.000000e+00 : f32
    %max3A_65 = vector.broadcast %max3A_64 : f32 to vector<512x400xf32>
    %max3A_66 = arith.maximumf %add3A_63, %max3A_65 : vector<512x400xf32>
    %get3A_67 = arith.constant 0 : index
    %get3A_68 = arith.constant 0 : index
    %get3A_69 = vector.load %arg15[%get3A_67, %get3A_68] : memref<400x1xf32, #tpu.memory_space<vmem>>, vector<400x1xf32>
    %dot_general3A_70 = arith.constant dense<0.000000e+00> : vector<512x1xf32>
    %dot_general3A_71 = tpu.matmul %max3A_66, %get3A_69, %dot_general3A_70 {dimension_numbers = #tpu.dot_dimension_numbers<[1], [0], [0], [1], [0, 0, 1, 1], [], []>, transpose_lhs_hint = false} : vector<512x400xf32>, vector<400x1xf32>, vector<512x1xf32> -> vector<512x1xf32>
    %get3A_72 = arith.constant 0 : index
    %get3A_73 = arith.constant 0 : index
    %get3A_74 = vector.load %arg2[%get3A_72, %get3A_73] : memref<512x26xf32, #tpu.memory_space<vmem>>, vector<512x26xf32>
    %reduce_sum3A = arith.constant dense<0.000000e+00> : vector<512xf32>
    %reduce_sum3A_75 = vector.multi_reduction <add>, %get3A_74, %reduce_sum3A [1] : vector<512x26xf32> to vector<512xf32>
    %broadcast_in_dim3A = vector.shape_cast %reduce_sum3A_75 : vector<512xf32> to vector<512x1xf32>
    %add3A_76 = arith.addf %dot_general3A_71, %broadcast_in_dim3A : vector<512x1xf32>
    %get3A_77 = arith.constant 0 : index
    %get3A_78 = arith.constant 0 : index
    %get3A_79 = vector.load %arg16[%get3A_77, %get3A_78] : memref<1x1xf32, #tpu.memory_space<vmem>>, vector<1x1xf32>
    %add3A_80 = vector.broadcast %get3A_79 : vector<1x1xf32> to vector<512x1xf32>
    %add3A_81 = arith.addf %add3A_76, %add3A_80 : vector<512x1xf32>
    %swap3A = arith.constant 0 : index
    %swap3A_82 = arith.constant 0 : index
    %swap3A_83 = vector.load %arg17[%swap3A, %swap3A_82] : memref<512x1xf32, #tpu.memory_space<vmem>>, vector<512x1xf32>
    tpu.vector_store %arg17[%swap3A, %swap3A_82], %add3A_81 {strides = array<i32>} : memref<512x1xf32, #tpu.memory_space<vmem>>, vector<512x1xf32>,
    return
  }
  func.func @transform_0(%arg0: i32) -> (i32, i32) {
    %c0_i32 = arith.constant 0 : i32
    %c0_i32_0 = arith.constant 0 : i32
    return %arg0, %c0_i32 : i32, i32
  }
  func.func @transform_1(%arg0: i32) -> (i32, i32) {
    %c0_i32 = arith.constant 0 : i32
    %c0_i32_0 = arith.constant 0 : i32
    return %arg0, %c0_i32 : i32, i32
  }
  func.func @transform_2(%arg0: i32) -> (i32, i32) {
    %c0_i32 = arith.constant 0 : i32
    %c0_i32_0 = arith.constant 0 : i32
    %c0_i32_1 = arith.constant 0 : i32
    return %c0_i32, %c0_i32_0 : i32, i32
  }
  func.func @transform_3(%arg0: i32) -> (i32, i32) {
    %c0_i32 = arith.constant 0 : i32
    %c0_i32_0 = arith.constant 0 : i32
    %c0_i32_1 = arith.constant 0 : i32
    return %c0_i32, %c0_i32_0 : i32, i32
  }
  func.func @transform_4(%arg0: i32) -> (i32, i32) {
    %c0_i32 = arith.constant 0 : i32
    %c0_i32_0 = arith.constant 0 : i32
    %c0_i32_1 = arith.constant 0 : i32
    return %c0_i32, %c0_i32_0 : i32, i32
  }
  func.func @transform_5(%arg0: i32) -> (i32, i32) {
    %c0_i32 = arith.constant 0 : i32
    %c0_i32_0 = arith.constant 0 : i32
    %c0_i32_1 = arith.constant 0 : i32
    return %c0_i32, %c0_i32_0 : i32, i32
  }
  func.func @transform_6(%arg0: i32) -> (i32, i32) {
    %c0_i32 = arith.constant 0 : i32
    %c0_i32_0 = arith.constant 0 : i32
    %c0_i32_1 = arith.constant 0 : i32
    return %c0_i32, %c0_i32_0 : i32, i32
  }
  func.func @transform_7(%arg0: i32) -> (i32, i32) {
    %c0_i32 = arith.constant 0 : i32
    %c0_i32_0 = arith.constant 0 : i32
    %c0_i32_1 = arith.constant 0 : i32
    return %c0_i32, %c0_i32_0 : i32, i32
  }
  func.func @transform_8(%arg0: i32) -> (i32, i32) {
    %c0_i32 = arith.constant 0 : i32
    %c0_i32_0 = arith.constant 0 : i32
    %c0_i32_1 = arith.constant 0 : i32
    return %c0_i32, %c0_i32_0 : i32, i32
  }
  func.func @transform_9(%arg0: i32) -> (i32, i32) {
    %c0_i32 = arith.constant 0 : i32
    %c0_i32_0 = arith.constant 0 : i32
    %c0_i32_1 = arith.constant 0 : i32
    return %c0_i32, %c0_i32_0 : i32, i32
  }
  func.func @transform_10(%arg0: i32) -> (i32, i32) {
    %c0_i32 = arith.constant 0 : i32
    %c0_i32_0 = arith.constant 0 : i32
    %c0_i32_1 = arith.constant 0 : i32
    return %c0_i32, %c0_i32_0 : i32, i32
  }
  func.func @transform_11(%arg0: i32) -> (i32, i32) {
    %c0_i32 = arith.constant 0 : i32
    %c0_i32_0 = arith.constant 0 : i32
    %c0_i32_1 = arith.constant 0 : i32
    return %c0_i32, %c0_i32_0 : i32, i32
  }
  func.func @transform_12(%arg0: i32) -> (i32, i32) {
    %c0_i32 = arith.constant 0 : i32
    %c0_i32_0 = arith.constant 0 : i32
    %c0_i32_1 = arith.constant 0 : i32
    return %c0_i32, %c0_i32_0 : i32, i32
  }
  func.func @transform_13(%arg0: i32) -> (i32, i32) {
    %c0_i32 = arith.constant 0 : i32
    %c0_i32_0 = arith.constant 0 : i32
    %c0_i32_1 = arith.constant 0 : i32
    return %c0_i32, %c0_i32_0 : i32, i32
  }
  func.func @transform_14(%arg0: i32) -> (i32, i32) {
    %c0_i32 = arith.constant 0 : i32
    %c0_i32_0 = arith.constant 0 : i32
    %c0_i32_1 = arith.constant 0 : i32
    return %c0_i32, %c0_i32_0 : i32, i32
  }
  func.func @transform_15(%arg0: i32) -> (i32, i32) {
    %c0_i32 = arith.constant 0 : i32
    %c0_i32_0 = arith.constant 0 : i32
    %c0_i32_1 = arith.constant 0 : i32
    return %c0_i32, %c0_i32_0 : i32, i32
  }
  func.func @transform_16(%arg0: i32) -> (i32, i32) {
    %c0_i32 = arith.constant 0 : i32
    %c0_i32_0 = arith.constant 0 : i32
    return %arg0, %c0_i32 : i32, i32
  }
}

</mosaic_0001>

<sc_bundles>
// kernel: kernel.5.cloned.1.call-start
scs
__scs_entry_jumppad:
0x0: {  	(pc) =	sbr.rel $0x88, $3  }
0x1: {  	(tag) =	ssettag $0x0;
	lr =	simm.s32 $0x1  }
0x2: {  	[smem:$0x3F8F] =	sst lr;
	_ =	strace $0xD0000000  }
0x3: {  	_ = 	snop  }
0x4: {  	_ = 	snop  }
0x5: {  	_ = 	snop  }
0x6: {  	_ = 	snop  }
0x7: {  	_ = 	snop  }
__scs_overlays_trampoline_lowered:
0x8: {  	[smem:$0x3F9E] =	sst s0  }
0x9: {  	[smem:$0x3F9F] =	sst s1  }
0xa: {  	[smem:$0x3FA0] =	sst s2  }
0xb: {  	[smem:$0x3FA1] =	sst s3  }
0xc: {  	[smem:$0x3FA2] =	sst s4  }
0xd: {  	[smem:$0x3FA3] =	sst s5  }
0xe: {  	[smem:$0x3FA4] =	sst s6  }
0xf: {  	[smem:$0x3FA5] =	sst s7  }
0x10: {  	[smem:$0x3FA6] =	sst s8  }
0x11: {  	[smem:$0x3FA7] =	sst s9;
	s0 =	simm.s32 @!p0 $0x0  }
0x12: {  	s1 =	sld [smem:$0x3F8D];
	s0 =	simm.s32 @p0 $0x1  }
0x13: {  	[smem:$0x3FA8] =	sst s0;
	s0 =	simm.s32 @!p1 $0x0  }
0x14: {  	s2 =	sld [smem:$0x3F8C];
	s0 =	simm.s32 @p1 $0x1  }
0x15: {  	[smem:$0x3FA9] =	sst s0;
	s0 =	simm.s32 @!p2 $0x0  }
0x16: {  	s3 =	sld [smem:$0x3FDB];
	s0 =	simm.s32 @p2 $0x1  }
0x17: {  	s4 =	simm.s32 $0x1BF5;
	[smem:$0x3FAB] =	sst s0  }
0x18: {  	s0 =	sld [smem:$0x3F8E];
	_ =	swait.ge [sflag:s4], $0x0  }
0x19: {  	s7 =	sld [smem:$0x3F8F]  }
0x1a: {  	s8 =	sadd.s32 $0xFFFFE003, lr  }
0x1b: {  	s9 =	sadd.s32 $0xFFFFFEF7, lr;
	s5 =	simm.s32 $0xFFFFFFFF;
	p2 =	slt.u32 s8, $0xFFFFF086  }
0x1c: {  	p1 =	slt.u32 s9, $0xF7A;
	s5 =	simm.s32 @!p2 $0x0  }
0x1d: {  	s5 =	simm.s32 @p1 $0x1;
	p0 =	seq.s32 s7, s2  }
0x1e: {  	s7 =	smul.u32 @!p0 $0xF7A, s2;
	p2 =	seq.s32 @!p0 s5, $0x0  }
0x1f: {  	s9 =	smul.u32 $0xF7A, s1;
	s8 =	simm.s32 @!p0 $0x1BF5;
	p2 =	por !p2, p0  }
0x20: {  	[sflag:s8] =	ssyncset.s32 @!p0 $0xFFFFF086;
	s6 =	sadd.s32 @!p0 s3, s7;
	s7 =	simm.s32 @!p0 $0x108  }
0x21: {  	s3 =	sadd.s32 s3, s9;
	s6 =	sadd.s32 @!p0 $0x88, s6;
	s7 =	simm.s32 @p2 $0x1082  }
0x22: {  	[simem:s7], [sflag:s8] =	dma.local @!p0 [hbm:s6], $0xF7A  }
0x23: {  	s9 =	sor.u32 $0xD0000000, s2;
	s6 =	simm.s32 $0x108;
	_ =	swait.ge @!p0 [sflag:s8], $0x0  }
0x24: {  	s3 =	sadd.s32 $0x88, s3;
	s6 =	simm.s32 @!p1 $0x1082;
	[sflag:s4] =	ssyncset.s32 $0xFFFFF086  }
0x25: {  	[simem:s6], [sflag:s4] =	dma.local [hbm:s3], $0xF7A  }
0x26: {  	[smem:$0x3F8F] =	sst s1;
	(tag) =	ssettag s2;
	_ =	strace s9  }
0x27: {  	s1 =	sld [smem:$0x3F9F]  }
0x28: {  	s2 =	sld [smem:$0x3FA0]  }
0x29: {  	s4 =	sld [smem:$0x3FA2]  }
0x2a: {  	p0 =	seq.s32 s5, $0x0;
	s5 =	sld [smem:$0x3FA3]  }
0x2b: {  	s6 =	sld [smem:$0x3FA4]  }
0x2c: {  	s7 =	sld [smem:$0x3FA5]  }
0x2d: {  	s3 =	simm.s32 $0x108;
	s8 =	sld [smem:$0x3FA6]  }
0x2e: {  	s3 =	simm.s32 @!p0 $0x1082;
	s9 =	sld [smem:$0x3FA7]  }
0x2f: {  	lr =	sadd.s32 s0, s3;
	s0 =	sld [smem:$0x3F9E]  }
0x30: {  	s3 =	sld [smem:$0x3FA1]  }
0x31: {  	[smem:$0x3FAA] =	sst s10  }
0x32: {  	s10 =	sld [smem:$0x3FA8];
	_ =	sdelay $0x3  }
0x33: {  	p0 =	seq.s32 s10, $0x1;
	s10 =	sld [smem:$0x3FAA];
	_ =	sdelay $0x3  }
0x34: {  	[smem:$0x3FAA] =	sst s10  }
0x35: {  	s10 =	sld [smem:$0x3FA9];
	_ =	sdelay $0x3  }
0x36: {  	p1 =	seq.s32 s10, $0x1;
	s10 =	sld [smem:$0x3FAA];
	_ =	sdelay $0x3  }
0x37: {  	[smem:$0x3FAA] =	sst s10  }
0x38: {  	s10 =	sld [smem:$0x3FAB]  }
0x39: {  	_ = 	snop;
	(pc) =	sbr.ind lr, $3  }
0x3a: {  	_ = 	snop  }
0x3b: {  	_ = 	snop  }
0x3c: {  	p2 =	seq.s32 s10, $0x1;
	s10 =	sld [smem:$0x3FAA]  }
0x3d: {  	_ =	shalt  }
0x3e: {  	_ =	shalt  }
0x3f: {  	_ =	shalt  }
0x40: {  	_ =	shalt  }
0x41: {  	_ =	shalt  }
0x42: {  	_ =	shalt  }
0x43: {  	_ =	shalt  }
0x44: {  	_ =	shalt  }
0x45: {  	_ =	shalt  }
0x46: {  	_ =	shalt  }
0x47: {  	_ =	shalt  }
0x48: {  	_ =	shalt  }
0x49: {  	_ =	shalt  }
0x4a: {  	_ =	shalt  }
0x4b: {  	_ =	shalt  }
0x4c: {  	_ =	shalt  }
0x4d: {  	_ =	shalt  }
0x4e: {  	_ =	shalt  }
0x4f: {  	_ =	shalt  }
0x50: {  	_ =	shalt  }
0x51: {  	_ =	shalt  }
0x52: {  	_ =	shalt  }
0x53: {  	_ =	shalt  }
0x54: {  	_ =	shalt  }
0x55: {  	_ =	shalt  }
0x56: {  	_ =	shalt  }
0x57: {  	_ =	shalt  }
0x58: {  	_ =	shalt  }
0x59: {  	_ =	shalt  }
0x5a: {  	_ =	shalt  }
0x5b: {  	_ =	shalt  }
0x5c: {  	_ =	shalt  }
0x5d: {  	_ =	shalt  }
0x5e: {  	_ =	shalt  }
0x5f: {  	_ =	shalt  }
0x60: {  	_ =	shalt  }
0x61: {  	_ =	shalt  }
0x62: {  	_ =	shalt  }
0x63: {  	_ =	shalt  }
0x64: {  	_ =	shalt  }
0x65: {  	_ =	shalt  }
0x66: {  	_ =	shalt  }
0x67: {  	_ =	shalt  }
0x68: {  	_ =	shalt  }
0x69: {  	_ =	shalt  }
0x6a: {  	_ =	shalt  }
0x6b: {  	_ =	shalt  }
0x6c: {  	_ =	shalt  }
0x6d: {  	_ =	shalt  }
0x6e: {  	_ =	shalt  }
0x6f: {  	_ =	shalt  }
0x70: {  	_ =	shalt  }
0x71: {  	_ =	shalt  }
0x72: {  	_ =	shalt  }
0x73: {  	_ =	shalt  }
0x74: {  	_ =	shalt  }
0x75: {  	_ =	shalt  }
0x76: {  	_ =	shalt  }
0x77: {  	_ =	shalt  }
0x78: {  	_ =	shalt  }
0x79: {  	_ =	shalt  }
0x7a: {  	_ =	shalt  }
0x7b: {  	_ =	shalt  }
0x7c: {  	_ =	shalt  }
0x7d: {  	_ =	shalt  }
0x7e: {  	_ =	shalt  }
0x7f: {  	_ =	shalt  }
0x80: {  	_ =	shalt  }
0x81: {  	_ =	shalt  }
0x82: {  	_ =	shalt  }
0x83: {  	_ =	shalt  }
0x84: {  	_ =	shalt  }
0x85: {  	_ =	shalt  }
0x86: {  	_ =	shalt  }
0x87: {  	_ =	shalt  }
.Lfunc_end0:
.L_simem_size_0:
called_computation_lowered:
.L_overlay_start_0:
0x88: {  	s2 =	sld [smem:$0x3FD9]  }
0x89: {  	s3 =	sld [smem:$0x3FFE];
	_ =	sdelay $0x1  }
0x8a: {  	s1 =	srdreg.scid  }
0x8b: {  	s0 =	sand.u32 $0x1, s1  }
0x8c: {  	s16 =	sshll.u32 s0, $0xA;
	s2 =	sadd.s32 s3, s2  }
0x8d: {  	s2 =	sadd.s32 s2, s16  }
0x8e: {  	[smem:$0x3FB6] =	sst s2  }
0x8f: {  	_ = 	snop  }
0x90: {  	(tm) =	ssettm $0x1  }
0x91: {  	s17 =	sld [smem:$0x3FFB];
	_ =	sdelay $0x3  }
0x92: {  	_ =	strace s17  }
0x93: {  	s2 =	sld [smem:$0x3FFC];
	_ =	sdelay $0x3  }
0x94: {  	_ =	strace s2  }
0x95: {  	s2 =	sld [smem:$0x3FFD];
	_ =	sdelay $0x3  }
0x96: {  	_ =	strace s2  }
0x97: {  	_ =	strace $0x8FFFFFFF  }
0x98: {  	s18 =	sld [smem:$0x3FDB];
	_ =	sdelay $0x1  }
0x99: {  	s19 =	simm.s32 $_scs_section_size  }
0x9a: {  	s4 =	simm.s32 $_size__tile_overlayer_lowered;
	s5 =	simm.s32 $_tile_overlayer_lowered  }
0x9b: {  	s22 =	simm.s32 $0x1BFF;
	s21 =	sshll.u32 s5, $0x1;
	s2 =	sadd.s32 s19, s18  }
0x9c: {  	s6 =	simm.s32 $0x0;
	s20 =	sshll.u32 s4, $0x1;
	s4 =	sadd.s32 s21, s2  }
0x9d: {  	[timem:s6], [sflag:s22] =	dma.local [hbm:s4], s20  }
0x9e: {  	_ =	swait.ge [sflag:s22], s20  }
0x9f: {  	s3 =	ssub.s32 $0x0, s20;
	[sflag:s22] =	ssyncset.done $0x0  }
0xa0: {  	[sflag:s22] =	ssyncadd.s32 s3;
	_ =	sdelay $0x1  }
0xa1: {  	s23 =	simm.s32 $0x1B8B  }
0xa2: {  	_ =	swait.ge [sflag:s23], $0x1  }
0xa3: {  	[sflag:s23] =	ssyncset.done $0x0  }
0xa4: {  	s25 =	simm.s32 $0x1B8E;
	s24 =	sld [smem:$0x3FFE];
	[sflag:s23] =	ssyncadd.s32 $0xFFFFFFFF  }
0xa5: {  	s26 =	simm.s32 $execute0_lowered;
	[smem:$0x3FD2] =	sst s25  }
0xa6: {  	s4 =	sshll.u32 s26, $0x1;
	_ =	strace $0x80000046;
	[dreg:$0x1] =	wrdreg $0xFFFFFFFF  }
0xa7: {  	s28 =	simm.s32 $_size_execute0_lowered;
	s2 =	sadd.s32 s2, s4;
	[dreg:$0x0] =	wrdreg $0x0  }
0xa8: {  	s4 =	sshll.u32 s28, $0x1;
	[dreg:$0x2] =	wrdreg s2  }
0xa9: {  	[dreg:$0x3] =	wrdreg s4  }
0xaa: {  	[dreg:$0x4] =	wrdreg $0xC0  }
0xab: {  	_ =	task [dreg:s6], $0x5FFFF  }
0xac: {  	[dreg:$0x1] =	wrdreg $0xFFFFFFFF  }
0xad: {  	[dreg:$0x0] =	wrdreg $0x60  }
0xae: {  	[dreg:$0x2] =	wrdreg s24  }
0xaf: {  	[dreg:$0x3] =	wrdreg $0x9  }
0xb0: {  	_ =	task.clear_ibuf [dreg:s6], $0x4FFFF;
	_ =	strace $0x90000046  }
0xb1: {  	s29 =	simm.s32 $0x9;
	_ =	strace $0x80000048  }
0xb2: {  	_ =	swait.ge [sflag:s29], $0x1  }
0xb3: {  	[sflag:s29] =	ssyncadd.s32 $0xFFFFFFFF  }
0xb4: {  	_ =	strace $0x90000048  }
0xb5: {  	_ =	sfence  }
0xb6: {  	s30 =	sld [smem:$0x0];
	_ =	sdelay $0x2  }
0xb7: {  	s31 =	sshll.u32 s1, $0xD;
	s1 =	sshrl.u32 s1, $0x2  }
0xb8: {  	s3 =	sand.u32 $0x4000, s31;
	s1 =	sadd.s32 s1, s30  }
0xb9: {  	s0 =	sor.u32 s3, s0;
	s1 =	sshll.u32 s1, $0x11  }
0xba: {  	s0 =	sor.u32 s1, s0  }
0xbb: {  	s0 =	sadd.s32 $0x8F2B, s0  }
0xbc: {  	[sflag:s0] =	ssyncadd.remote.s32 $0x1  }
0xbd: {  	_ =	sfence.sel $0xFFFF  }
0xbe: {  	[dreg:$0x0] =	wrdreg $0xFFFFFFFF;
	(pc) =	sbr.abs _section_cstart, $3  }
0xbf: {  	[dreg:$0x1] =	wrdreg $0xFFFFFFFF  }
0xc0: {  	_ =	task.clear_ibuf [dreg:s6], $0x2FFFF;
	_ =	strace $0x9FFFFFFF  }
0xc1: {  	(tm) =	ssettm $0x7FFFFFFF  }
tec
execute0_lowered:
.L_overlay_start_1:
0x0: {  	(tag) =	ssettag $0x1  }
0x1: {  	v0 =	vlaneseq.u32  }
0x2: {  	v5 =	vmul.u32 $0x80, v0  }
0x3: {  	s2 =	simm.s32 $0x0  }
0x4: {  	[smem:$0x7FF] =	sst s2;
	v0 =	vor.u32 $0x1808, v5  }
0x5: {  	s0 =	rddreg [dreg:$0x0];
	_ =	strace $0x80000047;
	v8 =	vor.u32 $0x1, v5;
	[tilespmem:$0x1FC10] =	vst v0  }
0x6: {  	v10 =	vor.u32 $0x2, v5;
	[tilespmem:$0x1FC90] =	vst v8  }
0x7: {  	v11 =	vor.u32 $0x3, v5;
	[tilespmem:$0x1FCA0] =	vst v10  }
0x8: {  	v12 =	vor.u32 $0x4, v5;
	[tilespmem:$0x1FCB0] =	vst v11  }
0x9: {  	v13 =	vor.u32 $0x5, v5;
	[tilespmem:$0x1FCC0] =	vst v12  }
0xa: {  	v14 =	vor.u32 $0x6, v5;
	[tilespmem:$0x1FCD0] =	vst v13  }
0xb: {  	v15 =	vor.u32 $0x7, v5;
	[tilespmem:$0x1FCE0] =	vst v14  }
0xc: {  	v16 =	vor.u32 $0x8, v5;
	[tilespmem:$0x1FCF0] =	vst v15  }
0xd: {  	v17 =	vor.u32 $0x9, v5;
	[tilespmem:$0x1FD00] =	vst v16  }
0xe: {  	v18 =	vor.u32 $0xA, v5;
	[tilespmem:$0x1FD10] =	vst v17  }
0xf: {  	v19 =	vor.u32 $0xB, v5;
	[tilespmem:$0x1FD20] =	vst v18  }
0x10: {  	v20 =	vor.u32 $0xC, v5;
	[tilespmem:$0x1FD30] =	vst v19  }
0x11: {  	v21 =	vor.u32 $0xD, v5;
	[tilespmem:$0x1FD40] =	vst v20  }
0x12: {  	v22 =	vor.u32 $0xE, v5;
	[tilespmem:$0x1FD50] =	vst v21  }
0x13: {  	v23 =	vor.u32 $0xF, v5;
	[tilespmem:$0x1FD60] =	vst v22  }
0x14: {  	v24 =	vor.u32 $0x800, v5;
	[tilespmem:$0x1FD70] =	vst v23  }
0x15: {  	v25 =	vor.u32 $0x801, v5;
	[tilespmem:$0x1FD80] =	vst v24  }
0x16: {  	v26 =	vor.u32 $0x802, v5;
	[tilespmem:$0x1FD90] =	vst v25  }
0x17: {  	v27 =	vor.u32 $0x803, v5;
	[tilespmem:$0x1FDA0] =	vst v26  }
0x18: {  	v28 =	vor.u32 $0x804, v5;
	[tilespmem:$0x1FDB0] =	vst v27  }
0x19: {  	v29 =	vor.u32 $0x805, v5;
	[tilespmem:$0x1FDC0] =	vst v28  }
0x1a: {  	v30 =	vor.u32 $0x806, v5;
	[tilespmem:$0x1FDD0] =	vst v29  }
0x1b: {  	v31 =	vor.u32 $0x807, v5;
	[tilespmem:$0x1FDE0] =	vst v30  }
0x1c: {  	v32 =	vor.u32 $0x808, v5;
	[tilespmem:$0x1FDF0] =	vst v31  }
0x1d: {  	v33 =	vor.u32 $0x809, v5;
	[tilespmem:$0x1FE00] =	vst v32  }
0x1e: {  	v34 =	vor.u32 $0x80A, v5;
	[tilespmem:$0x1FE10] =	vst v33  }
0x1f: {  	v35 =	vor.u32 $0x80B, v5;
	[tilespmem:$0x1FE20] =	vst v34  }
0x20: {  	v36 =	vor.u32 $0x80C, v5;
	[tilespmem:$0x1FE30] =	vst v35  }
0x21: {  	v37 =	vor.u32 $0x80D, v5;
	[tilespmem:$0x1FE40] =	vst v36  }
0x22: {  	v38 =	vor.u32 $0x80E, v5;
	[tilespmem:$0x1FE50] =	vst v37  }
0x23: {  	v39 =	vor.u32 $0x80F, v5;
	[tilespmem:$0x1FE60] =	vst v38  }
0x24: {  	v40 =	vor.u32 $0x1000, v5;
	[tilespmem:$0x1FE70] =	vst v39  }
0x25: {  	v41 =	vor.u32 $0x1001, v5;
	[tilespmem:$0x1FE80] =	vst v40  }
0x26: {  	v42 =	vor.u32 $0x1002, v5;
	[tilespmem:$0x1FE90] =	vst v41  }
0x27: {  	v43 =	vor.u32 $0x1003, v5;
	[tilespmem:$0x1FEA0] =	vst v42  }
0x28: {  	v44 =	vor.u32 $0x1004, v5;
	[tilespmem:$0x1FEB0] =	vst v43  }
0x29: {  	v45 =	vor.u32 $0x1005, v5;
	[tilespmem:$0x1FEC0] =	vst v44  }
0x2a: {  	v46 =	vor.u32 $0x1006, v5;
	[tilespmem:$0x1FED0] =	vst v45  }
0x2b: {  	v47 =	vor.u32 $0x1007, v5;
	[tilespmem:$0x1FEE0] =	vst v46  }
0x2c: {  	v48 =	vor.u32 $0x1008, v5;
	[tilespmem:$0x1FEF0] =	vst v47  }
0x2d: {  	v49 =	vor.u32 $0x1009, v5;
	[tilespmem:$0x1FF00] =	vst v48  }
0x2e: {  	v50 =	vor.u32 $0x100A, v5;
	[tilespmem:$0x1FF10] =	vst v49  }
0x2f: {  	v51 =	vor.u32 $0x100B, v5;
	[tilespmem:$0x1FF20] =	vst v50  }
0x30: {  	v52 =	vor.u32 $0x100C, v5;
	[tilespmem:$0x1FF30] =	vst v51  }
0x31: {  	v53 =	vor.u32 $0x100D, v5;
	[tilespmem:$0x1FF40] =	vst v52  }
0x32: {  	v54 =	vor.u32 $0x100E, v5;
	[tilespmem:$0x1FF50] =	vst v53  }
0x33: {  	v55 =	vor.u32 $0x100F, v5;
	[tilespmem:$0x1FF60] =	vst v54  }
0x34: {  	v56 =	vor.u32 $0x1800, v5;
	[tilespmem:$0x1FF70] =	vst v55  }
0x35: {  	v57 =	vor.u32 $0x1801, v5;
	[tilespmem:$0x1FF80] =	vst v56  }
0x36: {  	v58 =	vor.u32 $0x1802, v5;
	[tilespmem:$0x1FF90] =	vst v57  }
0x37: {  	s1 =	srdreg.scid;
	v59 =	vor.u32 $0x1803, v5;
	[tilespmem:$0x1FFA0] =	vst v58  }
0x38: {  	s3 =	stileid.u32;
	s13 =	simm.s32 $0x3;
	s17 =	simm.s32 $0x4000;
	v60 =	vor.u32 $0x1804, v5;
	[tilespmem:$0x1FFB0] =	vst v59  }
0x39: {  	s18 =	simm.s32 $0x80;
	s19 =	simm.s32 $0x1D000;
	s14 =	simm.s32 $0x1DB80;
	v61 =	vor.u32 $0x1805, v5;
	[tilespmem:$0x1FFC0] =	vst v60  }
0x3a: {  	s15 =	simm.s32 $0x4C00;
	s16 =	simm.s32 $0x1DC00;
	s20 =	simm.s32 $0x4C80;
	v62 =	vor.u32 $0x1806, v5;
	[tilespmem:$0x1FFD0] =	vst v61  }
0x3b: {  	s21 =	simm.s32 $0x1DC80;
	s22 =	simm.s32 $0x5000;
	s23 =	simm.s32 $0x9000;
	v63 =	vor.u32 $0x1807, v5;
	[tilespmem:$0x1FFE0] =	vst v62  }
0x3c: {  	s24 =	simm.s32 $0x1;
	s25 =	simm.s32 $0xD000;
	s26 =	simm.s32 $0x2;
	v0 =	vor.u32 $0x1809, v5;
	[tilespmem:$0x1FFF0] =	vst v63  }
0x3d: {  	s28 =	simm.s32 $0x0;
	s1 =	sand.u32 $0x1, s1;
	s5 =	sshll.u32 s3, $0x1;
	[tilespmem:$0x1FC20] =	vst v0;
	v0 =	vor.u32 $0x180A, v5  }
0x3e: {  	s3 =	sadd.s32 $0x16E00, s0;
	s4 =	sadd.s32 $0x516E00, s0;
	s5 =	sor.u32 s1, s5;
	[tilespmem:$0x1FC30] =	vst v0;
	v0 =	vor.u32 $0x180B, v5  }
0x3f: {  	s1 =	ssub.s32 $0x2, s1;
	s6 =	sshll.u32 s5, $0xD;
	s5 =	sshll.u32 s5, $0x9;
	[tilespmem:$0x1FC40] =	vst v0;
	v0 =	vor.u32 $0x180C, v5  }
0x40: {  	s31 =	sshrl.u32 s1, $0x1;
	s11 =	sadd.s32 s6, s0;
	s0 =	sadd.s32 s5, s0;
	[tilespmem:$0x1FC50] =	vst v0;
	v0 =	vor.u32 $0x180D, v5  }
0x41: {  	s1 =	ssub.s32 s1, s31;
	s5 =	sadd.s32 $0xEE00, s0;
	s6 =	sadd.s32 $0xAE00, s0;
	[tilespmem:$0x1FC60] =	vst v0;
	v0 =	vor.u32 $0x180E, v5  }
0x42: {  	s7 =	sadd.s32 $0x12E00, s0;
	s8 =	sadd.s32 $0x2E00, s0;
	s9 =	sadd.s32 $0x6E00, s0;
	[tilespmem:$0x1FC70] =	vst v0;
	v0 =	vor.u32 $0x180F, v5  }
0x43: {  	s10 =	sadd.s32 $0x566400, s0;
	s11 =	sadd.s32 $0x56A400, s11;
	s12 =	smax.u32 s1, $0x1;
	[tilespmem:$0x1FC80] =	vst v0  }
.LBB2_1:
0x44: {  	[tilespmem:s2], [sflag:$0x3] =	stream.linear.gather [hbm4b:s5+s2], $0xD00, $0x38;
	[tilespmem:$0x1E000] =	vst v63  }
0x45: {  	_ =	swait.ge [sflag:s13], $0xD00  }
0x46: {  	[sflag:s13] =	ssyncset.done $0x0  }
0x47: {  	s0 =	simm.s32 $0x1000;
	[sflag:s13] =	ssyncadd.s32 $0xFFFFF300  }
0x48: {  	[tilespmem:s0], [sflag:$0x3] =	stream.linear.gather [hbm4b:s6+s2], $0xD00, $0x38;
	[tilespmem:$0x1E000] =	vst v63  }
0x49: {  	_ =	swait.ge [sflag:s13], $0xD00  }
0x4a: {  	[sflag:s13] =	ssyncset.done $0x0  }
0x4b: {  	s1 =	simm.s32 $0x2000;
	[sflag:s13] =	ssyncadd.s32 $0xFFFFF300  }
0x4c: {  	[tilespmem:s1], [sflag:$0x3] =	stream.linear.gather [hbm4b:s7+s2], $0xD00, $0x38;
	[tilespmem:$0x1E000] =	vst v63  }
0x4d: {  	_ =	swait.ge [sflag:s13], $0xD00  }
0x4e: {  	[sflag:s13] =	ssyncset.done $0x0  }
0x4f: {  	s30 =	simm.s32 $0x3000;
	[sflag:s13] =	ssyncadd.s32 $0xFFFFF300  }
0x50: {  	[tilespmem:s30], [sflag:$0x3] =	stream.linear.gather [hbm4b:s8+s2], $0xD00, $0x38;
	[tilespmem:$0x1E000] =	vst v63  }
0x51: {  	_ =	swait.ge [sflag:s13], $0xD00  }
0x52: {  	[sflag:s13] =	ssyncset.done $0x0  }
0x53: {  	[sflag:s13] =	ssyncadd.s32 $0xFFFFF300  }
0x54: {  	[tilespmem:s17], [sflag:$0x3] =	stream.linear.gather [hbm4b:s9+s2], $0xD00, $0x38;
	[tilespmem:$0x1E000] =	vst v63  }
0x55: {  	_ =	swait.ge [sflag:s13], $0xD00  }
0x56: {  	[sflag:s13] =	ssyncset.done $0x0  }
0x57: {  	[sflag:s13] =	ssyncadd.s32 $0xFFFFF300  }
0x58: {  	[tilespmem:s19], [sflag:$0x2] =	stream.indirect.gather [hbm4b:s4+s18], $0x1, s17, s18, $0xb8;
	[tilespmem:$0x1E000] =	vst v63  }
0x59: {  	s31 =	simm.s32 $0x4080;
	s1 =	simm.s32 $0x1D080  }
0x5a: {  	[tilespmem:s1], [sflag:$0x2] =	stream.indirect.gather [hbm4b:s4+s18], $0x1, s31, s18, $0xb8;
	[tilespmem:$0x1E000] =	vst v63  }
0x5b: {  	s30 =	simm.s32 $0x4100;
	s31 =	simm.s32 $0x1D100  }
0x5c: {  	[tilespmem:s31], [sflag:$0x2] =	stream.indirect.gather [hbm4b:s4+s18], $0x1, s30, s18, $0xb8;
	[tilespmem:$0x1E000] =	vst v63  }
0x5d: {  	s30 =	simm.s32 $0x4180;
	s31 =	simm.s32 $0x1D180  }
0x5e: {  	[tilespmem:s31], [sflag:$0x2] =	stream.indirect.gather [hbm4b:s4+s18], $0x1, s30, s18, $0xb8;
	[tilespmem:$0x1E000] =	vst v63  }
0x5f: {  	s30 =	simm.s32 $0x4200;
	s31 =	simm.s32 $0x1D200  }
0x60: {  	[tilespmem:s31], [sflag:$0x2] =	stream.indirect.gather [hbm4b:s4+s18], $0x1, s30, s18, $0xb8;
	[tilespmem:$0x1E000] =	vst v63  }
0x61: {  	s30 =	simm.s32 $0x4280;
	s31 =	simm.s32 $0x1D280  }
0x62: {  	[tilespmem:s31], [sflag:$0x2] =	stream.indirect.gather [hbm4b:s4+s18], $0x1, s30, s18, $0xb8;
	[tilespmem:$0x1E000] =	vst v63  }
0x63: {  	s30 =	simm.s32 $0x4300;
	s31 =	simm.s32 $0x1D300  }
0x64: {  	[tilespmem:s31], [sflag:$0x2] =	stream.indirect.gather [hbm4b:s4+s18], $0x1, s30, s18, $0xb8;
	[tilespmem:$0x1E000] =	vst v63  }
0x65: {  	s30 =	simm.s32 $0x4380;
	s31 =	simm.s32 $0x1D380  }
0x66: {  	[tilespmem:s31], [sflag:$0x2] =	stream.indirect.gather [hbm4b:s4+s18], $0x1, s30, s18, $0xb8;
	[tilespmem:$0x1E000] =	vst v63  }
0x67: {  	s30 =	simm.s32 $0x4400;
	s31 =	simm.s32 $0x1D400  }
0x68: {  	[tilespmem:s31], [sflag:$0x2] =	stream.indirect.gather [hbm4b:s4+s18], $0x1, s30, s18, $0xb8;
	[tilespmem:$0x1E000] =	vst v63  }
0x69: {  	s30 =	simm.s32 $0x4480;
	s31 =	simm.s32 $0x1D480  }
0x6a: {  	[tilespmem:s31], [sflag:$0x2] =	stream.indirect.gather [hbm4b:s4+s18], $0x1, s30, s18, $0xb8;
	[tilespmem:$0x1E000] =	vst v63  }
0x6b: {  	s30 =	simm.s32 $0x4500;
	s31 =	simm.s32 $0x1D500  }
0x6c: {  	[tilespmem:s31], [sflag:$0x2] =	stream.indirect.gather [hbm4b:s4+s18], $0x1, s30, s18, $0xb8;
	[tilespmem:$0x1E000] =	vst v63  }
0x6d: {  	s30 =	simm.s32 $0x4580;
	s31 =	simm.s32 $0x1D580  }
0x6e: {  	[tilespmem:s31], [sflag:$0x2] =	stream.indirect.gather [hbm4b:s4+s18], $0x1, s30, s18, $0xb8;
	[tilespmem:$0x1E000] =	vst v63  }
0x6f: {  	s30 =	simm.s32 $0x4600;
	s31 =	simm.s32 $0x1D600  }
0x70: {  	[tilespmem:s31], [sflag:$0x2] =	stream.indirect.gather [hbm4b:s4+s18], $0x1, s30, s18, $0xb8;
	[tilespmem:$0x1E000] =	vst v63  }
0x71: {  	s30 =	simm.s32 $0x4680;
	s31 =	simm.s32 $0x1D680  }
0x72: {  	[tilespmem:s31], [sflag:$0x2] =	stream.indirect.gather [hbm4b:s4+s18], $0x1, s30, s18, $0xb8;
	[tilespmem:$0x1E000] =	vst v63  }
0x73: {  	s30 =	simm.s32 $0x4700;
	s31 =	simm.s32 $0x1D700  }
0x74: {  	[tilespmem:s31], [sflag:$0x2] =	stream.indirect.gather [hbm4b:s4+s18], $0x1, s30, s18, $0xb8;
	[tilespmem:$0x1E000] =	vst v63  }
0x75: {  	s30 =	simm.s32 $0x4780;
	s31 =	simm.s32 $0x1D780  }
0x76: {  	[tilespmem:s31], [sflag:$0x2] =	stream.indirect.gather [hbm4b:s4+s18], $0x1, s30, s18, $0xb8;
	[tilespmem:$0x1E000] =	vst v63  }
0x77: {  	s30 =	simm.s32 $0x4800;
	s31 =	simm.s32 $0x1D800  }
0x78: {  	[tilespmem:s31], [sflag:$0x2] =	stream.indirect.gather [hbm4b:s4+s18], $0x1, s30, s18, $0xb8;
	[tilespmem:$0x1E000] =	vst v63  }
0x79: {  	s30 =	simm.s32 $0x4880;
	s31 =	simm.s32 $0x1D880  }
0x7a: {  	[tilespmem:s31], [sflag:$0x2] =	stream.indirect.gather [hbm4b:s4+s18], $0x1, s30, s18, $0xb8;
	[tilespmem:$0x1E000] =	vst v63  }
0x7b: {  	s30 =	simm.s32 $0x4900;
	s31 =	simm.s32 $0x1D900  }
0x7c: {  	[tilespmem:s31], [sflag:$0x2] =	stream.indirect.gather [hbm4b:s4+s18], $0x1, s30, s18, $0xb8;
	[tilespmem:$0x1E000] =	vst v63  }
0x7d: {  	s30 =	simm.s32 $0x4980;
	s31 =	simm.s32 $0x1D980  }
0x7e: {  	[tilespmem:s31], [sflag:$0x2] =	stream.indirect.gather [hbm4b:s4+s18], $0x1, s30, s18, $0xb8;
	[tilespmem:$0x1E000] =	vst v63  }
0x7f: {  	s30 =	simm.s32 $0x4A00;
	s31 =	simm.s32 $0x1DA00  }
0x80: {  	[tilespmem:s31], [sflag:$0x2] =	stream.indirect.gather [hbm4b:s4+s18], $0x1, s30, s18, $0xb8;
	[tilespmem:$0x1E000] =	vst v63  }
0x81: {  	s30 =	simm.s32 $0x4A80;
	s31 =	simm.s32 $0x1DA80  }
0x82: {  	[tilespmem:s31], [sflag:$0x2] =	stream.indirect.gather [hbm4b:s4+s18], $0x1, s30, s18, $0xb8;
	[tilespmem:$0x1E000] =	vst v63  }
0x83: {  	s1 =	simm.s32 $0x4B00;
	s30 =	simm.s32 $0x1DB00  }
0x84: {  	[tilespmem:s30], [sflag:$0x2] =	stream.indirect.gather [hbm4b:s4+s18], $0x1, s1, s18, $0xb8;
	[tilespmem:$0x1E000] =	vst v63  }
0x85: {  	s31 =	simm.s32 $0x4B80  }
0x86: {  	[tilespmem:s14], [sflag:$0x2] =	stream.indirect.gather [hbm4b:s4+s18], $0x1, s31, s18, $0xb8;
	[tilespmem:$0x1E000] =	vst v63  }
0x87: {  	_ = 	snop  }
0x88: {  	[tilespmem:s16], [sflag:$0x2] =	stream.indirect.gather [hbm4b:s4+s18], $0x1, s15, s18, $0xb8;
	[tilespmem:$0x1E000] =	vst v63  }
0x89: {  	_ = 	snop  }
0x8a: {  	[tilespmem:s21], [sflag:$0x2] =	stream.indirect.gather [hbm4b:s4+s18], $0x1, s20, s18, $0xb8;
	[tilespmem:$0x1E000] =	vst v63  }
0x8b: {  	s29 =	simm.s32 $0x0  }
0x8c: {  	[tilespmem:s22], [sflag:$0x1] =	stream.indirect.gather [hbm4b:s3+s18], $0x80, s2, s18, $0xb8;
	[tilespmem:$0x1E000] =	vst v63  }
.LBB2_2:
0x8d: {  	s30 =	sshra.s32 s29, $0x2  }
0x8e: {  	s31 =	sadd.s32 $0x80, s30  }
0x8f: {  	[tilespmem:s23], [sflag:$0x1] =	stream.indirect.gather [hbm4b:s3+s18], $0x80, s31, s18, $0xb8;
	[tilespmem:$0x1E000] =	vst v63  }
0x90: {  	_ =	swait.ge [sflag:s24], $0x4000  }
0x91: {  	[sflag:s24] =	ssyncset.done $0x0  }
0x92: {  	[sflag:s24] =	ssyncadd.s32 $0xFFFFC000  }
0x93: {  	v0 =	vld [tilespmem:s30+$0x1000]  }
0x94: {  	v3 =	vld [tilespmem:s30+$0x2000]  }
0x95: {  	v1 =	vld [tilespmem:s30+$0x3000];
	_ =	sdelay $0x3  }
0x96: {  	v4 =	vadd.s32 v5, v0  }
0x97: {  	v2 =	vshll.u32 v3, $0x9;
	v6 =	vshll.u32 v1, $0x3  }
0x98: {  	v2 =	vand.u32 $0xFFFFF000, v2;
	v6 =	vand.u32 $0xFFFFFC00, v6  }
0x99: {  	v7 =	vand.u32 $0x7F, v1;
	v3 =	vshll.u32 v3, $0x7;
	v6 =	vadd.s32 v2, v6  }
0x9a: {  	v3 =	vand.u32 $0x380, v3;
	v6 =	vor.u32 v7, v6  }
0x9b: {  	v6 =	vor.u32 v3, v6;
	v4 =	vld.idx.msk [tilespmem:v4+s22+$0x0], $0xffff  }
0x9c: {  	v7 =	vadd.s32 v8, v0;
	v8 =	vadd.s32 $0x1, v1  }
0x9d: {  	v9 =	vshll.u32 v8, $0x3  }
0x9e: {  	v9 =	vand.u32 $0xFFFFFC00, v9  }
0x9f: {  	v8 =	vand.u32 $0x7F, v8;
	v9 =	vadd.s32 v2, v9  }
0xa0: {  	[tilespmem:v6+s25+$0x0] =	vst.idx.msk $0xffff, v4;
	v4 =	vor.u32 v8, v9  }
0xa1: {  	v6 =	vld.idx.msk [tilespmem:v7+s22+$0x0], $0xffff;
	v4 =	vor.u32 v3, v4  }
0xa2: {  	v8 =	vadd.s32 $0x2, v1;
	v7 =	vadd.s32 v10, v0  }
0xa3: {  	v9 =	vshll.u32 v8, $0x3  }
0xa4: {  	v9 =	vand.u32 $0xFFFFFC00, v9  }
0xa5: {  	v8 =	vand.u32 $0x7F, v8;
	v9 =	vadd.s32 v2, v9  }
0xa6: {  	[tilespmem:v4+s25+$0x0] =	vst.idx.msk $0xffff, v6;
	v4 =	vor.u32 v8, v9  }
0xa7: {  	v6 =	vld.idx.msk [tilespmem:v7+s22+$0x0], $0xffff;
	v4 =	vor.u32 v3, v4  }
0xa8: {  	v8 =	vadd.s32 $0x3, v1;
	v7 =	vadd.s32 v11, v0  }
0xa9: {  	v9 =	vshll.u32 v8, $0x3  }
0xaa: {  	v9 =	vand.u32 $0xFFFFFC00, v9  }
0xab: {  	v8 =	vand.u32 $0x7F, v8;
	v9 =	vadd.s32 v2, v9  }
0xac: {  	[tilespmem:v4+s25+$0x0] =	vst.idx.msk $0xffff, v6;
	v4 =	vor.u32 v8, v9  }
0xad: {  	v6 =	vld.idx.msk [tilespmem:v7+s22+$0x0], $0xffff;
	v4 =	vor.u32 v3, v4  }
0xae: {  	v8 =	vadd.s32 $0x4, v1;
	v7 =	vadd.s32 v12, v0  }
0xaf: {  	v9 =	vshll.u32 v8, $0x3  }
0xb0: {  	v9 =	vand.u32 $0xFFFFFC00, v9  }
0xb1: {  	v8 =	vand.u32 $0x7F, v8;
	v9 =	vadd.s32 v2, v9  }
0xb2: {  	[tilespmem:v4+s25+$0x0] =	vst.idx.msk $0xffff, v6;
	v4 =	vor.u32 v8, v9  }
0xb3: {  	v6 =	vld.idx.msk [tilespmem:v7+s22+$0x0], $0xffff;
	v4 =	vor.u32 v3, v4  }
0xb4: {  	v8 =	vadd.s32 $0x5, v1;
	v7 =	vadd.s32 v13, v0  }
0xb5: {  	v9 =	vshll.u32 v8, $0x3  }
0xb6: {  	v9 =	vand.u32 $0xFFFFFC00, v9  }
0xb7: {  	v8 =	vand.u32 $0x7F, v8;
	v9 =	vadd.s32 v2, v9  }
0xb8: {  	[tilespmem:v4+s25+$0x0] =	vst.idx.msk $0xffff, v6;
	v4 =	vor.u32 v8, v9  }
0xb9: {  	v6 =	vld.idx.msk [tilespmem:v7+s22+$0x0], $0xffff;
	v4 =	vor.u32 v3, v4  }
0xba: {  	v8 =	vadd.s32 $0x6, v1;
	v7 =	vadd.s32 v14, v0  }
0xbb: {  	v9 =	vshll.u32 v8, $0x3  }
0xbc: {  	v9 =	vand.u32 $0xFFFFFC00, v9  }
0xbd: {  	v8 =	vand.u32 $0x7F, v8;
	v9 =	vadd.s32 v2, v9  }
0xbe: {  	[tilespmem:v4+s25+$0x0] =	vst.idx.msk $0xffff, v6;
	v4 =	vor.u32 v8, v9  }
0xbf: {  	v6 =	vld.idx.msk [tilespmem:v7+s22+$0x0], $0xffff;
	v4 =	vor.u32 v3, v4  }
0xc0: {  	v8 =	vadd.s32 $0x7, v1;
	v7 =	vadd.s32 v15, v0  }
0xc1: {  	v9 =	vshll.u32 v8, $0x3  }
0xc2: {  	v9 =	vand.u32 $0xFFFFFC00, v9  }
0xc3: {  	v8 =	vand.u32 $0x7F, v8;
	v9 =	vadd.s32 v2, v9  }
0xc4: {  	[tilespmem:v4+s25+$0x0] =	vst.idx.msk $0xffff, v6;
	v4 =	vor.u32 v8, v9  }
0xc5: {  	v6 =	vld.idx.msk [tilespmem:v7+s22+$0x0], $0xffff;
	v4 =	vor.u32 v3, v4  }
0xc6: {  	v8 =	vadd.s32 $0x8, v1;
	v7 =	vadd.s32 v16, v0  }
0xc7: {  	v9 =	vshll.u32 v8, $0x3  }
0xc8: {  	v9 =	vand.u32 $0xFFFFFC00, v9  }
0xc9: {  	v8 =	vand.u32 $0x7F, v8;
	v9 =	vadd.s32 v2, v9  }
0xca: {  	[tilespmem:v4+s25+$0x0] =	vst.idx.msk $0xffff, v6;
	v4 =	vor.u32 v8, v9  }
0xcb: {  	v6 =	vld.idx.msk [tilespmem:v7+s22+$0x0], $0xffff;
	v4 =	vor.u32 v3, v4  }
0xcc: {  	v8 =	vadd.s32 $0x9, v1;
	v7 =	vadd.s32 v17, v0  }
0xcd: {  	v9 =	vshll.u32 v8, $0x3  }
0xce: {  	v9 =	vand.u32 $0xFFFFFC00, v9  }
0xcf: {  	v8 =	vand.u32 $0x7F, v8;
	v9 =	vadd.s32 v2, v9  }
0xd0: {  	[tilespmem:v4+s25+$0x0] =	vst.idx.msk $0xffff, v6;
	v4 =	vor.u32 v8, v9  }
0xd1: {  	v6 =	vld.idx.msk [tilespmem:v7+s22+$0x0], $0xffff;
	v4 =	vor.u32 v3, v4  }
0xd2: {  	v8 =	vadd.s32 $0xA, v1;
	v7 =	vadd.s32 v18, v0  }
0xd3: {  	v9 =	vshll.u32 v8, $0x3  }
0xd4: {  	v9 =	vand.u32 $0xFFFFFC00, v9  }
0xd5: {  	v8 =	vand.u32 $0x7F, v8;
	v9 =	vadd.s32 v2, v9  }
0xd6: {  	[tilespmem:v4+s25+$0x0] =	vst.idx.msk $0xffff, v6;
	v4 =	vor.u32 v8, v9  }
0xd7: {  	v6 =	vld.idx.msk [tilespmem:v7+s22+$0x0], $0xffff;
	v4 =	vor.u32 v3, v4  }
0xd8: {  	v8 =	vadd.s32 $0xB, v1;
	v7 =	vadd.s32 v19, v0  }
0xd9: {  	v9 =	vshll.u32 v8, $0x3  }
0xda: {  	v9 =	vand.u32 $0xFFFFFC00, v9  }
0xdb: {  	v8 =	vand.u32 $0x7F, v8;
	v9 =	vadd.s32 v2, v9  }
0xdc: {  	[tilespmem:v4+s25+$0x0] =	vst.idx.msk $0xffff, v6;
	v4 =	vor.u32 v8, v9  }
0xdd: {  	v6 =	vld.idx.msk [tilespmem:v7+s22+$0x0], $0xffff;
	v4 =	vor.u32 v3, v4  }
0xde: {  	v8 =	vadd.s32 $0xC, v1;
	v7 =	vadd.s32 v20, v0  }
0xdf: {  	v9 =	vshll.u32 v8, $0x3  }
0xe0: {  	v9 =	vand.u32 $0xFFFFFC00, v9  }
0xe1: {  	v8 =	vand.u32 $0x7F, v8;
	v9 =	vadd.s32 v2, v9  }
0xe2: {  	[tilespmem:v4+s25+$0x0] =	vst.idx.msk $0xffff, v6;
	v4 =	vor.u32 v8, v9  }
0xe3: {  	v6 =	vld.idx.msk [tilespmem:v7+s22+$0x0], $0xffff;
	v4 =	vor.u32 v3, v4  }
0xe4: {  	v8 =	vadd.s32 $0xD, v1;
	v7 =	vadd.s32 v21, v0  }
0xe5: {  	v9 =	vshll.u32 v8, $0x3  }
0xe6: {  	v9 =	vand.u32 $0xFFFFFC00, v9  }
0xe7: {  	v8 =	vand.u32 $0x7F, v8;
	v9 =	vadd.s32 v2, v9  }
0xe8: {  	[tilespmem:v4+s25+$0x0] =	vst.idx.msk $0xffff, v6;
	v4 =	vor.u32 v8, v9  }
0xe9: {  	v6 =	vld.idx.msk [tilespmem:v7+s22+$0x0], $0xffff;
	v4 =	vor.u32 v3, v4  }
0xea: {  	v8 =	vadd.s32 $0xE, v1;
	v7 =	vadd.s32 v22, v0  }
0xeb: {  	v9 =	vshll.u32 v8, $0x3  }
0xec: {  	v9 =	vand.u32 $0xFFFFFC00, v9  }
0xed: {  	v8 =	vand.u32 $0x7F, v8;
	v9 =	vadd.s32 v2, v9  }
0xee: {  	[tilespmem:v4+s25+$0x0] =	vst.idx.msk $0xffff, v6;
	v4 =	vor.u32 v8, v9  }
0xef: {  	v6 =	vld.idx.msk [tilespmem:v7+s22+$0x0], $0xffff;
	v4 =	vor.u32 v3, v4  }
0xf0: {  	v1 =	vadd.s32 $0xF, v1;
	v0 =	vadd.s32 v23, v0  }
0xf1: {  	v7 =	vshll.u32 v1, $0x3  }
0xf2: {  	v7 =	vand.u32 $0xFFFFFC00, v7  }
0xf3: {  	v1 =	vand.u32 $0x7F, v1;
	v2 =	vadd.s32 v2, v7  }
0xf4: {  	v1 =	vor.u32 v1, v2;
	[tilespmem:v4+s25+$0x0] =	vst.idx.msk $0xffff, v6  }
0xf5: {  	v1 =	vor.u32 v3, v1;
	v0 =	vld.idx.msk [tilespmem:v0+s22+$0x0], $0xffff;
	_ =	sdelay $0x4  }
0xf6: {  	[tilespmem:v1+s25+$0x0] =	vst.idx.msk $0xffff, v0  }
0xf7: {  	v0 =	vld [tilespmem:s30+$0x1010]  }
0xf8: {  	v3 =	vld [tilespmem:s30+$0x2010]  }
0xf9: {  	v1 =	vld [tilespmem:s30+$0x3010];
	_ =	sdelay $0x3  }
0xfa: {  	v4 =	vadd.s32 v24, v0  }
0xfb: {  	v2 =	vshll.u32 v3, $0x9;
	v6 =	vshll.u32 v1, $0x3  }
0xfc: {  	v2 =	vand.u32 $0xFFFFF000, v2;
	v6 =	vand.u32 $0xFFFFFC00, v6  }
0xfd: {  	v7 =	vand.u32 $0x7F, v1;
	v3 =	vshll.u32 v3, $0x7;
	v6 =	vadd.s32 v2, v6  }
0xfe: {  	v3 =	vand.u32 $0x380, v3;
	v6 =	vor.u32 v7, v6  }
0xff: {  	v6 =	vor.u32 v3, v6;
	v4 =	vld.idx.msk [tilespmem:v4+s22+$0x0], $0xffff  }
0x100: {  	v8 =	vadd.s32 $0x1, v1;
	v7 =	vadd.s32 v25, v0  }
0x101: {  	v9 =	vshll.u32 v8, $0x3  }
0x102: {  	v9 =	vand.u32 $0xFFFFFC00, v9  }
0x103: {  	v8 =	vand.u32 $0x7F, v8;
	v9 =	vadd.s32 v2, v9  }
0x104: {  	[tilespmem:v6+s25+$0x0] =	vst.idx.msk $0xffff, v4;
	v4 =	vor.u32 v8, v9  }
0x105: {  	v6 =	vld.idx.msk [tilespmem:v7+s22+$0x0], $0xffff;
	v4 =	vor.u32 v3, v4  }
0x106: {  	v8 =	vadd.s32 $0x2, v1;
	v7 =	vadd.s32 v26, v0  }
0x107: {  	v9 =	vshll.u32 v8, $0x3  }
0x108: {  	v9 =	vand.u32 $0xFFFFFC00, v9  }
0x109: {  	v8 =	vand.u32 $0x7F, v8;
	v9 =	vadd.s32 v2, v9  }
0x10a: {  	[tilespmem:v4+s25+$0x0] =	vst.idx.msk $0xffff, v6;
	v4 =	vor.u32 v8, v9  }
0x10b: {  	v6 =	vld.idx.msk [tilespmem:v7+s22+$0x0], $0xffff;
	v4 =	vor.u32 v3, v4  }
0x10c: {  	v8 =	vadd.s32 $0x3, v1;
	v7 =	vadd.s32 v27, v0  }
0x10d: {  	v9 =	vshll.u32 v8, $0x3  }
0x10e: {  	v9 =	vand.u32 $0xFFFFFC00, v9  }
0x10f: {  	v8 =	vand.u32 $0x7F, v8;
	v9 =	vadd.s32 v2, v9  }
0x110: {  	[tilespmem:v4+s25+$0x0] =	vst.idx.msk $0xffff, v6;
	v4 =	vor.u32 v8, v9  }
0x111: {  	v6 =	vld.idx.msk [tilespmem:v7+s22+$0x0], $0xffff;
	v4 =	vor.u32 v3, v4  }
0x112: {  	v8 =	vadd.s32 $0x4, v1;
	v7 =	vadd.s32 v28, v0  }
0x113: {  	v9 =	vshll.u32 v8, $0x3  }
0x114: {  	v9 =	vand.u32 $0xFFFFFC00, v9  }
0x115: {  	v8 =	vand.u32 $0x7F, v8;
	v9 =	vadd.s32 v2, v9  }
0x116: {  	[tilespmem:v4+s25+$0x0] =	vst.idx.msk $0xffff, v6;
	v4 =	vor.u32 v8, v9  }
0x117: {  	v6 =	vld.idx.msk [tilespmem:v7+s22+$0x0], $0xffff;
	v4 =	vor.u32 v3, v4  }
0x118: {  	v8 =	vadd.s32 $0x5, v1;
	v7 =	vadd.s32 v29, v0  }
0x119: {  	v9 =	vshll.u32 v8, $0x3  }
0x11a: {  	v9 =	vand.u32 $0xFFFFFC00, v9  }
0x11b: {  	v8 =	vand.u32 $0x7F, v8;
	v9 =	vadd.s32 v2, v9  }
0x11c: {  	[tilespmem:v4+s25+$0x0] =	vst.idx.msk $0xffff, v6;
	v4 =	vor.u32 v8, v9  }
0x11d: {  	v6 =	vld.idx.msk [tilespmem:v7+s22+$0x0], $0xffff;
	v4 =	vor.u32 v3, v4  }
0x11e: {  	v8 =	vadd.s32 $0x6, v1;
	v7 =	vadd.s32 v30, v0  }
0x11f: {  	v9 =	vshll.u32 v8, $0x3  }
0x120: {  	v9 =	vand.u32 $0xFFFFFC00, v9  }
0x121: {  	v8 =	vand.u32 $0x7F, v8;
	v9 =	vadd.s32 v2, v9  }
0x122: {  	[tilespmem:v4+s25+$0x0] =	vst.idx.msk $0xffff, v6;
	v4 =	vor.u32 v8, v9  }
0x123: {  	v6 =	vld.idx.msk [tilespmem:v7+s22+$0x0], $0xffff;
	v4 =	vor.u32 v3, v4  }
0x124: {  	v8 =	vadd.s32 $0x7, v1;
	v7 =	vadd.s32 v31, v0  }
0x125: {  	v9 =	vshll.u32 v8, $0x3  }
0x126: {  	v9 =	vand.u32 $0xFFFFFC00, v9  }
0x127: {  	v8 =	vand.u32 $0x7F, v8;
	v9 =	vadd.s32 v2, v9  }
0x128: {  	[tilespmem:v4+s25+$0x0] =	vst.idx.msk $0xffff, v6;
	v4 =	vor.u32 v8, v9  }
0x129: {  	v6 =	vld.idx.msk [tilespmem:v7+s22+$0x0], $0xffff;
	v4 =	vor.u32 v3, v4  }
0x12a: {  	v8 =	vadd.s32 $0x8, v1;
	v7 =	vadd.s32 v32, v0  }
0x12b: {  	v9 =	vshll.u32 v8, $0x3  }
0x12c: {  	v9 =	vand.u32 $0xFFFFFC00, v9  }
0x12d: {  	v8 =	vand.u32 $0x7F, v8;
	v9 =	vadd.s32 v2, v9  }
0x12e: {  	[tilespmem:v4+s25+$0x0] =	vst.idx.msk $0xffff, v6;
	v4 =	vor.u32 v8, v9  }
0x12f: {  	v6 =	vld.idx.msk [tilespmem:v7+s22+$0x0], $0xffff;
	v4 =	vor.u32 v3, v4  }
0x130: {  	v8 =	vadd.s32 $0x9, v1;
	v7 =	vadd.s32 v33, v0  }
0x131: {  	v9 =	vshll.u32 v8, $0x3  }
0x132: {  	v9 =	vand.u32 $0xFFFFFC00, v9  }
0x133: {  	v8 =	vand.u32 $0x7F, v8;
	v9 =	vadd.s32 v2, v9  }
0x134: {  	[tilespmem:v4+s25+$0x0] =	vst.idx.msk $0xffff, v6;
	v4 =	vor.u32 v8, v9  }
0x135: {  	v6 =	vld.idx.msk [tilespmem:v7+s22+$0x0], $0xffff;
	v4 =	vor.u32 v3, v4  }
0x136: {  	v8 =	vadd.s32 $0xA, v1;
	v7 =	vadd.s32 v34, v0  }
0x137: {  	v9 =	vshll.u32 v8, $0x3  }
0x138: {  	v9 =	vand.u32 $0xFFFFFC00, v9  }
0x139: {  	v8 =	vand.u32 $0x7F, v8;
	v9 =	vadd.s32 v2, v9  }
0x13a: {  	[tilespmem:v4+s25+$0x0] =	vst.idx.msk $0xffff, v6;
	v4 =	vor.u32 v8, v9  }
0x13b: {  	v6 =	vld.idx.msk [tilespmem:v7+s22+$0x0], $0xffff;
	v4 =	vor.u32 v3, v4  }
0x13c: {  	v8 =	vadd.s32 $0xB, v1;
	v7 =	vadd.s32 v35, v0  }
0x13d: {  	v9 =	vshll.u32 v8, $0x3  }
0x13e: {  	v9 =	vand.u32 $0xFFFFFC00, v9  }
0x13f: {  	v8 =	vand.u32 $0x7F, v8;
	v9 =	vadd.s32 v2, v9  }
0x140: {  	[tilespmem:v4+s25+$0x0] =	vst.idx.msk $0xffff, v6;
	v4 =	vor.u32 v8, v9  }
0x141: {  	v6 =	vld.idx.msk [tilespmem:v7+s22+$0x0], $0xffff;
	v4 =	vor.u32 v3, v4  }
0x142: {  	v8 =	vadd.s32 $0xC, v1;
	v7 =	vadd.s32 v36, v0  }
0x143: {  	v9 =	vshll.u32 v8, $0x3  }
0x144: {  	v9 =	vand.u32 $0xFFFFFC00, v9  }
0x145: {  	v8 =	vand.u32 $0x7F, v8;
	v9 =	vadd.s32 v2, v9  }
0x146: {  	[tilespmem:v4+s25+$0x0] =	vst.idx.msk $0xffff, v6;
	v4 =	vor.u32 v8, v9  }
0x147: {  	v6 =	vld.idx.msk [tilespmem:v7+s22+$0x0], $0xffff;
	v4 =	vor.u32 v3, v4  }
0x148: {  	v8 =	vadd.s32 $0xD, v1;
	v7 =	vadd.s32 v37, v0  }
0x149: {  	v9 =	vshll.u32 v8, $0x3  }
0x14a: {  	v9 =	vand.u32 $0xFFFFFC00, v9  }
0x14b: {  	v8 =	vand.u32 $0x7F, v8;
	v9 =	vadd.s32 v2, v9  }
0x14c: {  	[tilespmem:v4+s25+$0x0] =	vst.idx.msk $0xffff, v6;
	v4 =	vor.u32 v8, v9  }
0x14d: {  	v6 =	vld.idx.msk [tilespmem:v7+s22+$0x0], $0xffff;
	v4 =	vor.u32 v3, v4  }
0x14e: {  	v8 =	vadd.s32 $0xE, v1;
	v7 =	vadd.s32 v38, v0  }
0x14f: {  	v9 =	vshll.u32 v8, $0x3  }
0x150: {  	v9 =	vand.u32 $0xFFFFFC00, v9  }
0x151: {  	v8 =	vand.u32 $0x7F, v8;
	v9 =	vadd.s32 v2, v9  }
0x152: {  	[tilespmem:v4+s25+$0x0] =	vst.idx.msk $0xffff, v6;
	v4 =	vor.u32 v8, v9  }
0x153: {  	v6 =	vld.idx.msk [tilespmem:v7+s22+$0x0], $0xffff;
	v4 =	vor.u32 v3, v4  }
0x154: {  	v1 =	vadd.s32 $0xF, v1;
	v0 =	vadd.s32 v39, v0  }
0x155: {  	v7 =	vshll.u32 v1, $0x3  }
0x156: {  	v7 =	vand.u32 $0xFFFFFC00, v7  }
0x157: {  	v1 =	vand.u32 $0x7F, v1;
	v2 =	vadd.s32 v2, v7  }
0x158: {  	v1 =	vor.u32 v1, v2;
	[tilespmem:v4+s25+$0x0] =	vst.idx.msk $0xffff, v6  }
0x159: {  	v1 =	vor.u32 v3, v1;
	v0 =	vld.idx.msk [tilespmem:v0+s22+$0x0], $0xffff;
	_ =	sdelay $0x4  }
0x15a: {  	[tilespmem:v1+s25+$0x0] =	vst.idx.msk $0xffff, v0  }
0x15b: {  	v0 =	vld [tilespmem:s30+$0x1020]  }
0x15c: {  	v3 =	vld [tilespmem:s30+$0x2020]  }
0x15d: {  	v1 =	vld [tilespmem:s30+$0x3020];
	_ =	sdelay $0x3  }
0x15e: {  	v4 =	vadd.s32 v40, v0  }
0x15f: {  	v40 =	vshll.u32 v3, $0x9;
	v6 =	vshll.u32 v1, $0x3  }
0x160: {  	v2 =	vand.u32 $0xFFFFF000, v40;
	v6 =	vand.u32 $0xFFFFFC00, v6  }
0x161: {  	v7 =	vand.u32 $0x7F, v1;
	v3 =	vshll.u32 v3, $0x7;
	v6 =	vadd.s32 v2, v6  }
0x162: {  	v3 =	vand.u32 $0x380, v3;
	v6 =	vor.u32 v7, v6  }
0x163: {  	v6 =	vor.u32 v3, v6;
	v4 =	vld.idx.msk [tilespmem:v4+s22+$0x0], $0xffff  }
0x164: {  	v8 =	vadd.s32 $0x1, v1;
	v7 =	vadd.s32 v41, v0  }
0x165: {  	v9 =	vshll.u32 v8, $0x3  }
0x166: {  	v9 =	vand.u32 $0xFFFFFC00, v9  }
0x167: {  	v8 =	vand.u32 $0x7F, v8;
	v9 =	vadd.s32 v2, v9  }
0x168: {  	[tilespmem:v6+s25+$0x0] =	vst.idx.msk $0xffff, v4;
	v4 =	vor.u32 v8, v9  }
0x169: {  	v6 =	vld.idx.msk [tilespmem:v7+s22+$0x0], $0xffff;
	v4 =	vor.u32 v3, v4  }
0x16a: {  	v8 =	vadd.s32 $0x2, v1;
	v7 =	vadd.s32 v42, v0  }
0x16b: {  	v9 =	vshll.u32 v8, $0x3  }
0x16c: {  	v9 =	vand.u32 $0xFFFFFC00, v9  }
0x16d: {  	v8 =	vand.u32 $0x7F, v8;
	v9 =	vadd.s32 v2, v9  }
0x16e: {  	[tilespmem:v4+s25+$0x0] =	vst.idx.msk $0xffff, v6;
	v4 =	vor.u32 v8, v9  }
0x16f: {  	v6 =	vld.idx.msk [tilespmem:v7+s22+$0x0], $0xffff;
	v4 =	vor.u32 v3, v4  }
0x170: {  	v8 =	vadd.s32 $0x3, v1;
	v7 =	vadd.s32 v43, v0  }
0x171: {  	v9 =	vshll.u32 v8, $0x3  }
0x172: {  	v9 =	vand.u32 $0xFFFFFC00, v9  }
0x173: {  	v8 =	vand.u32 $0x7F, v8;
	v9 =	vadd.s32 v2, v9  }
0x174: {  	[tilespmem:v4+s25+$0x0] =	vst.idx.msk $0xffff, v6;
	v4 =	vor.u32 v8, v9  }
0x175: {  	v6 =	vld.idx.msk [tilespmem:v7+s22+$0x0], $0xffff;
	v4 =	vor.u32 v3, v4  }
0x176: {  	v8 =	vadd.s32 $0x4, v1;
	v7 =	vadd.s32 v44, v0  }
0x177: {  	v9 =	vshll.u32 v8, $0x3  }
0x178: {  	v9 =	vand.u32 $0xFFFFFC00, v9  }
0x179: {  	v8 =	vand.u32 $0x7F, v8;
	v9 =	vadd.s32 v2, v9  }
0x17a: {  	[tilespmem:v4+s25+$0x0] =	vst.idx.msk $0xffff, v6;
	v4 =	vor.u32 v8, v9  }
0x17b: {  	v6 =	vld.idx.msk [tilespmem:v7+s22+$0x0], $0xffff;
	v4 =	vor.u32 v3, v4  }
0x17c: {  	v8 =	vadd.s32 $0x5, v1;
	v7 =	vadd.s32 v45, v0  }
0x17d: {  	v9 =	vshll.u32 v8, $0x3  }
0x17e: {  	v9 =	vand.u32 $0xFFFFFC00, v9  }
0x17f: {  	v8 =	vand.u32 $0x7F, v8;
	v9 =	vadd.s32 v2, v9  }
0x180: {  	[tilespmem:v4+s25+$0x0] =	vst.idx.msk $0xffff, v6;
	v4 =	vor.u32 v8, v9  }
0x181: {  	v6 =	vld.idx.msk [tilespmem:v7+s22+$0x0], $0xffff;
	v4 =	vor.u32 v3, v4  }
0x182: {  	v8 =	vadd.s32 $0x6, v1;
	v7 =	vadd.s32 v46, v0  }
0x183: {  	v9 =	vshll.u32 v8, $0x3  }
0x184: {  	v9 =	vand.u32 $0xFFFFFC00, v9  }
0x185: {  	v8 =	vand.u32 $0x7F, v8;
	v9 =	vadd.s32 v2, v9  }
0x186: {  	[tilespmem:v4+s25+$0x0] =	vst.idx.msk $0xffff, v6;
	v4 =	vor.u32 v8, v9  }
0x187: {  	v6 =	vld.idx.msk [tilespmem:v7+s22+$0x0], $0xffff;
	v4 =	vor.u32 v3, v4  }
0x188: {  	v8 =	vadd.s32 $0x7, v1;
	v7 =	vadd.s32 v47, v0  }
0x189: {  	v9 =	vshll.u32 v8, $0x3  }
0x18a: {  	v9 =	vand.u32 $0xFFFFFC00, v9  }
0x18b: {  	v8 =	vand.u32 $0x7F, v8;
	v9 =	vadd.s32 v2, v9  }
0x18c: {  	[tilespmem:v4+s25+$0x0] =	vst.idx.msk $0xffff, v6;
	v4 =	vor.u32 v8, v9  }
0x18d: {  	v6 =	vld.idx.msk [tilespmem:v7+s22+$0x0], $0xffff;
	v4 =	vor.u32 v3, v4  }
0x18e: {  	v8 =	vadd.s32 $0x8, v1;
	v7 =	vadd.s32 v48, v0  }
0x18f: {  	v9 =	vshll.u32 v8, $0x3  }
0x190: {  	v9 =	vand.u32 $0xFFFFFC00, v9  }
0x191: {  	v8 =	vand.u32 $0x7F, v8;
	v9 =	vadd.s32 v2, v9  }
0x192: {  	[tilespmem:v4+s25+$0x0] =	vst.idx.msk $0xffff, v6;
	v4 =	vor.u32 v8, v9  }
0x193: {  	v6 =	vld.idx.msk [tilespmem:v7+s22+$0x0], $0xffff;
	v4 =	vor.u32 v3, v4  }
0x194: {  	v8 =	vadd.s32 $0x9, v1;
	v7 =	vadd.s32 v49, v0  }
0x195: {  	v9 =	vshll.u32 v8, $0x3  }
0x196: {  	v9 =	vand.u32 $0xFFFFFC00, v9  }
0x197: {  	v8 =	vand.u32 $0x7F, v8;
	v9 =	vadd.s32 v2, v9  }
0x198: {  	[tilespmem:v4+s25+$0x0] =	vst.idx.msk $0xffff, v6;
	v4 =	vor.u32 v8, v9  }
0x199: {  	v6 =	vld.idx.msk [tilespmem:v7+s22+$0x0], $0xffff;
	v4 =	vor.u32 v3, v4  }
0x19a: {  	v8 =	vadd.s32 $0xA, v1;
	v7 =	vadd.s32 v50, v0  }
0x19b: {  	v9 =	vshll.u32 v8, $0x3  }
0x19c: {  	v9 =	vand.u32 $0xFFFFFC00, v9  }
0x19d: {  	v8 =	vand.u32 $0x7F, v8;
	v9 =	vadd.s32 v2, v9  }
0x19e: {  	[tilespmem:v4+s25+$0x0] =	vst.idx.msk $0xffff, v6;
	v4 =	vor.u32 v8, v9  }
0x19f: {  	v6 =	vld.idx.msk [tilespmem:v7+s22+$0x0], $0xffff;
	v4 =	vor.u32 v3, v4  }
0x1a0: {  	v8 =	vadd.s32 $0xB, v1;
	v7 =	vadd.s32 v51, v0  }
0x1a1: {  	v9 =	vshll.u32 v8, $0x3  }
0x1a2: {  	v9 =	vand.u32 $0xFFFFFC00, v9  }
0x1a3: {  	v8 =	vand.u32 $0x7F, v8;
	v9 =	vadd.s32 v2, v9  }
0x1a4: {  	[tilespmem:v4+s25+$0x0] =	vst.idx.msk $0xffff, v6;
	v4 =	vor.u32 v8, v9  }
0x1a5: {  	v6 =	vld.idx.msk [tilespmem:v7+s22+$0x0], $0xffff;
	v4 =	vor.u32 v3, v4  }
0x1a6: {  	v8 =	vadd.s32 $0xC, v1;
	v7 =	vadd.s32 v52, v0  }
0x1a7: {  	v9 =	vshll.u32 v8, $0x3  }
0x1a8: {  	v9 =	vand.u32 $0xFFFFFC00, v9  }
0x1a9: {  	v8 =	vand.u32 $0x7F, v8;
	v9 =	vadd.s32 v2, v9  }
0x1aa: {  	[tilespmem:v4+s25+$0x0] =	vst.idx.msk $0xffff, v6;
	v4 =	vor.u32 v8, v9  }
0x1ab: {  	v6 =	vld.idx.msk [tilespmem:v7+s22+$0x0], $0xffff;
	v4 =	vor.u32 v3, v4  }
0x1ac: {  	v8 =	vadd.s32 $0xD, v1;
	v7 =	vadd.s32 v53, v0  }
0x1ad: {  	v9 =	vshll.u32 v8, $0x3  }
0x1ae: {  	v9 =	vand.u32 $0xFFFFFC00, v9  }
0x1af: {  	v8 =	vand.u32 $0x7F, v8;
	v9 =	vadd.s32 v2, v9  }
0x1b0: {  	[tilespmem:v4+s25+$0x0] =	vst.idx.msk $0xffff, v6;
	v4 =	vor.u32 v8, v9  }
0x1b1: {  	v6 =	vld.idx.msk [tilespmem:v7+s22+$0x0], $0xffff;
	v4 =	vor.u32 v3, v4  }
0x1b2: {  	v8 =	vadd.s32 $0xE, v1;
	v7 =	vadd.s32 v54, v0  }
0x1b3: {  	v9 =	vshll.u32 v8, $0x3  }
0x1b4: {  	v9 =	vand.u32 $0xFFFFFC00, v9  }
0x1b5: {  	v8 =	vand.u32 $0x7F, v8;
	v9 =	vadd.s32 v2, v9  }
0x1b6: {  	[tilespmem:v4+s25+$0x0] =	vst.idx.msk $0xffff, v6;
	v4 =	vor.u32 v8, v9  }
0x1b7: {  	v6 =	vld.idx.msk [tilespmem:v7+s22+$0x0], $0xffff;
	v4 =	vor.u32 v3, v4  }
0x1b8: {  	v1 =	vadd.s32 $0xF, v1;
	v0 =	vadd.s32 v55, v0  }
0x1b9: {  	v7 =	vshll.u32 v1, $0x3  }
0x1ba: {  	v7 =	vand.u32 $0xFFFFFC00, v7  }
0x1bb: {  	v1 =	vand.u32 $0x7F, v1;
	v2 =	vadd.s32 v2, v7  }
0x1bc: {  	v1 =	vor.u32 v1, v2;
	[tilespmem:v4+s25+$0x0] =	vst.idx.msk $0xffff, v6  }
0x1bd: {  	v1 =	vor.u32 v3, v1;
	v0 =	vld.idx.msk [tilespmem:v0+s22+$0x0], $0xffff;
	_ =	sdelay $0x4  }
0x1be: {  	[tilespmem:v1+s25+$0x0] =	vst.idx.msk $0xffff, v0  }
0x1bf: {  	v0 =	vld [tilespmem:s30+$0x1030]  }
0x1c0: {  	v3 =	vld [tilespmem:s30+$0x2030]  }
0x1c1: {  	v1 =	vld [tilespmem:s30+$0x3030];
	_ =	sdelay $0x3  }
0x1c2: {  	v4 =	vadd.s32 v56, v0  }
0x1c3: {  	v46 =	vshll.u32 v3, $0x9;
	v6 =	vshll.u32 v1, $0x3  }
0x1c4: {  	v2 =	vand.u32 $0xFFFFF000, v46;
	v6 =	vand.u32 $0xFFFFFC00, v6  }
0x1c5: {  	v7 =	vand.u32 $0x7F, v1;
	v3 =	vshll.u32 v3, $0x7;
	v6 =	vadd.s32 v2, v6  }
0x1c6: {  	v3 =	vand.u32 $0x380, v3;
	v6 =	vor.u32 v7, v6  }
0x1c7: {  	v6 =	vor.u32 v3, v6;
	v4 =	vld.idx.msk [tilespmem:v4+s22+$0x0], $0xffff  }
0x1c8: {  	v8 =	vadd.s32 $0x1, v1;
	v7 =	vadd.s32 v57, v0  }
0x1c9: {  	v9 =	vshll.u32 v8, $0x3  }
0x1ca: {  	v9 =	vand.u32 $0xFFFFFC00, v9  }
0x1cb: {  	v8 =	vand.u32 $0x7F, v8;
	v9 =	vadd.s32 v2, v9  }
0x1cc: {  	[tilespmem:v6+s25+$0x0] =	vst.idx.msk $0xffff, v4;
	v4 =	vor.u32 v8, v9  }
0x1cd: {  	v6 =	vld.idx.msk [tilespmem:v7+s22+$0x0], $0xffff;
	v4 =	vor.u32 v3, v4  }
0x1ce: {  	v8 =	vadd.s32 $0x2, v1;
	v7 =	vadd.s32 v58, v0  }
0x1cf: {  	v9 =	vshll.u32 v8, $0x3  }
0x1d0: {  	v9 =	vand.u32 $0xFFFFFC00, v9  }
0x1d1: {  	v8 =	vand.u32 $0x7F, v8;
	v9 =	vadd.s32 v2, v9  }
0x1d2: {  	[tilespmem:v4+s25+$0x0] =	vst.idx.msk $0xffff, v6;
	v4 =	vor.u32 v8, v9  }
0x1d3: {  	v6 =	vld.idx.msk [tilespmem:v7+s22+$0x0], $0xffff;
	v4 =	vor.u32 v3, v4  }
0x1d4: {  	v8 =	vadd.s32 $0x3, v1;
	v7 =	vadd.s32 v59, v0  }
0x1d5: {  	v9 =	vshll.u32 v8, $0x3  }
0x1d6: {  	v9 =	vand.u32 $0xFFFFFC00, v9  }
0x1d7: {  	v8 =	vand.u32 $0x7F, v8;
	v9 =	vadd.s32 v2, v9  }
0x1d8: {  	[tilespmem:v4+s25+$0x0] =	vst.idx.msk $0xffff, v6;
	v4 =	vor.u32 v8, v9  }
0x1d9: {  	v6 =	vld.idx.msk [tilespmem:v7+s22+$0x0], $0xffff;
	v4 =	vor.u32 v3, v4  }
0x1da: {  	v8 =	vadd.s32 $0x4, v1;
	v7 =	vadd.s32 v60, v0  }
0x1db: {  	v9 =	vshll.u32 v8, $0x3  }
0x1dc: {  	v9 =	vand.u32 $0xFFFFFC00, v9  }
0x1dd: {  	v8 =	vand.u32 $0x7F, v8;
	v9 =	vadd.s32 v2, v9  }
0x1de: {  	[tilespmem:v4+s25+$0x0] =	vst.idx.msk $0xffff, v6;
	v4 =	vor.u32 v8, v9  }
0x1df: {  	v6 =	vld.idx.msk [tilespmem:v7+s22+$0x0], $0xffff;
	v4 =	vor.u32 v3, v4  }
0x1e0: {  	v8 =	vadd.s32 $0x5, v1;
	v7 =	vadd.s32 v61, v0  }
0x1e1: {  	v9 =	vshll.u32 v8, $0x3  }
0x1e2: {  	v9 =	vand.u32 $0xFFFFFC00, v9  }
0x1e3: {  	v8 =	vand.u32 $0x7F, v8;
	v9 =	vadd.s32 v2, v9  }
0x1e4: {  	[tilespmem:v4+s25+$0x0] =	vst.idx.msk $0xffff, v6;
	v4 =	vor.u32 v8, v9  }
0x1e5: {  	v6 =	vld.idx.msk [tilespmem:v7+s22+$0x0], $0xffff;
	v4 =	vor.u32 v3, v4  }
0x1e6: {  	v8 =	vadd.s32 $0x6, v1;
	v7 =	vadd.s32 v62, v0  }
0x1e7: {  	v9 =	vshll.u32 v8, $0x3  }
0x1e8: {  	v9 =	vand.u32 $0xFFFFFC00, v9  }
0x1e9: {  	v8 =	vand.u32 $0x7F, v8;
	v9 =	vadd.s32 v2, v9  }
0x1ea: {  	[tilespmem:v4+s25+$0x0] =	vst.idx.msk $0xffff, v6;
	v4 =	vor.u32 v8, v9  }
0x1eb: {  	v6 =	vld.idx.msk [tilespmem:v7+s22+$0x0], $0xffff;
	v4 =	vor.u32 v3, v4  }
0x1ec: {  	v7 =	vadd.s32 v63, v0;
	_ =	sdelay $0x3  }
0x1ed: {  	[tilespmem:v4+s25+$0x0] =	vst.idx.msk $0xffff, v6  }
0x1ee: {  	v8 =	vadd.s32 $0x7, v1;
	v6 =	vld.idx.msk [tilespmem:v7+s22+$0x0], $0xffff  }
0x1ef: {  	v9 =	vshll.u32 v8, $0x3;
	v7 =	vld [tilespmem:$0x1FC10]  }
0x1f0: {  	v9 =	vand.u32 $0xFFFFFC00, v9  }
0x1f1: {  	v8 =	vand.u32 $0x7F, v8;
	v9 =	vadd.s32 v2, v9  }
0x1f2: {  	v4 =	vor.u32 v8, v9  }
0x1f3: {  	v4 =	vor.u32 v3, v4  }
0x1f4: {  	v7 =	vadd.s32 v7, v0;
	_ =	sdelay $0x3  }
0x1f5: {  	[tilespmem:v4+s25+$0x0] =	vst.idx.msk $0xffff, v6  }
0x1f6: {  	v8 =	vadd.s32 $0x8, v1;
	v6 =	vld.idx.msk [tilespmem:v7+s22+$0x0], $0xffff  }
0x1f7: {  	v9 =	vshll.u32 v8, $0x3;
	v7 =	vld [tilespmem:$0x1FC20]  }
0x1f8: {  	v9 =	vand.u32 $0xFFFFFC00, v9  }
0x1f9: {  	v8 =	vand.u32 $0x7F, v8;
	v9 =	vadd.s32 v2, v9  }
0x1fa: {  	v4 =	vor.u32 v8, v9  }
0x1fb: {  	v4 =	vor.u32 v3, v4  }
0x1fc: {  	v7 =	vadd.s32 v7, v0;
	_ =	sdelay $0x3  }
0x1fd: {  	[tilespmem:v4+s25+$0x0] =	vst.idx.msk $0xffff, v6  }
0x1fe: {  	v8 =	vadd.s32 $0x9, v1;
	v6 =	vld.idx.msk [tilespmem:v7+s22+$0x0], $0xffff  }
0x1ff: {  	v9 =	vshll.u32 v8, $0x3;
	v7 =	vld [tilespmem:$0x1FC30]  }
0x200: {  	v9 =	vand.u32 $0xFFFFFC00, v9  }
0x201: {  	v8 =	vand.u32 $0x7F, v8;
	v9 =	vadd.s32 v2, v9  }
0x202: {  	v4 =	vor.u32 v8, v9  }
0x203: {  	v4 =	vor.u32 v3, v4  }
0x204: {  	v7 =	vadd.s32 v7, v0;
	_ =	sdelay $0x3  }
0x205: {  	[tilespmem:v4+s25+$0x0] =	vst.idx.msk $0xffff, v6  }
0x206: {  	v8 =	vadd.s32 $0xA, v1;
	v6 =	vld.idx.msk [tilespmem:v7+s22+$0x0], $0xffff  }
0x207: {  	v9 =	vshll.u32 v8, $0x3;
	v7 =	vld [tilespmem:$0x1FC40]  }
0x208: {  	v9 =	vand.u32 $0xFFFFFC00, v9  }
0x209: {  	v8 =	vand.u32 $0x7F, v8;
	v9 =	vadd.s32 v2, v9  }
0x20a: {  	v4 =	vor.u32 v8, v9  }
0x20b: {  	v4 =	vor.u32 v3, v4  }
0x20c: {  	v7 =	vadd.s32 v7, v0;
	_ =	sdelay $0x3  }
0x20d: {  	[tilespmem:v4+s25+$0x0] =	vst.idx.msk $0xffff, v6  }
0x20e: {  	v8 =	vadd.s32 $0xB, v1;
	v6 =	vld.idx.msk [tilespmem:v7+s22+$0x0], $0xffff  }
0x20f: {  	v9 =	vshll.u32 v8, $0x3;
	v7 =	vld [tilespmem:$0x1FC50]  }
0x210: {  	v9 =	vand.u32 $0xFFFFFC00, v9  }
0x211: {  	v8 =	vand.u32 $0x7F, v8;
	v9 =	vadd.s32 v2, v9  }
0x212: {  	v4 =	vor.u32 v8, v9  }
0x213: {  	v4 =	vor.u32 v3, v4  }
0x214: {  	v7 =	vadd.s32 v7, v0;
	_ =	sdelay $0x3  }
0x215: {  	[tilespmem:v4+s25+$0x0] =	vst.idx.msk $0xffff, v6  }
0x216: {  	v8 =	vadd.s32 $0xC, v1;
	v6 =	vld.idx.msk [tilespmem:v7+s22+$0x0], $0xffff  }
0x217: {  	v9 =	vshll.u32 v8, $0x3;
	v7 =	vld [tilespmem:$0x1FC60]  }
0x218: {  	v9 =	vand.u32 $0xFFFFFC00, v9  }
0x219: {  	v8 =	vand.u32 $0x7F, v8;
	v9 =	vadd.s32 v2, v9  }
0x21a: {  	v4 =	vor.u32 v8, v9  }
0x21b: {  	v4 =	vor.u32 v3, v4  }
0x21c: {  	v7 =	vadd.s32 v7, v0;
	_ =	sdelay $0x3  }
0x21d: {  	[tilespmem:v4+s25+$0x0] =	vst.idx.msk $0xffff, v6  }
0x21e: {  	v8 =	vadd.s32 $0xD, v1;
	v6 =	vld.idx.msk [tilespmem:v7+s22+$0x0], $0xffff  }
0x21f: {  	v9 =	vshll.u32 v8, $0x3;
	v7 =	vld [tilespmem:$0x1FC70]  }
0x220: {  	v9 =	vand.u32 $0xFFFFFC00, v9  }
0x221: {  	v8 =	vand.u32 $0x7F, v8;
	v9 =	vadd.s32 v2, v9  }
0x222: {  	v4 =	vor.u32 v8, v9  }
0x223: {  	v4 =	vor.u32 v3, v4  }
0x224: {  	v7 =	vadd.s32 v7, v0;
	_ =	sdelay $0x3  }
0x225: {  	[tilespmem:v4+s25+$0x0] =	vst.idx.msk $0xffff, v6  }
0x226: {  	v8 =	vadd.s32 $0xE, v1;
	v6 =	vld.idx.msk [tilespmem:v7+s22+$0x0], $0xffff  }
0x227: {  	v9 =	vshll.u32 v8, $0x3;
	v7 =	vld [tilespmem:$0x1FC80]  }
0x228: {  	v9 =	vand.u32 $0xFFFFFC00, v9  }
0x229: {  	v8 =	vand.u32 $0x7F, v8;
	v9 =	vadd.s32 v2, v9  }
0x22a: {  	v4 =	vor.u32 v8, v9  }
0x22b: {  	v4 =	vor.u32 v3, v4  }
0x22c: {  	v1 =	vadd.s32 $0xF, v1;
	v0 =	vadd.s32 v7, v0  }
0x22d: {  	v7 =	vshll.u32 v1, $0x3  }
0x22e: {  	v7 =	vand.u32 $0xFFFFFC00, v7  }
0x22f: {  	v1 =	vand.u32 $0x7F, v1;
	v2 =	vadd.s32 v2, v7  }
0x230: {  	[tilespmem:v4+s25+$0x0] =	vst.idx.msk $0xffff, v6;
	v1 =	vor.u32 v1, v2  }
0x231: {  	v1 =	vor.u32 v3, v1;
	v0 =	vld.idx.msk [tilespmem:v0+s22+$0x0], $0xffff;
	_ =	sdelay $0x4  }
0x232: {  	[tilespmem:v1+s25+$0x0] =	vst.idx.msk $0xffff, v0  }
0x233: {  	v1 =	vld [tilespmem:s30+$0x1040]  }
0x234: {  	v3 =	vld [tilespmem:s30+$0x2040]  }
0x235: {  	v0 =	vld [tilespmem:s30+$0x3040];
	_ =	sdelay $0x2  }
0x236: {  	v47 =	vor.u32 $0x2000, v5  }
0x237: {  	v4 =	vadd.s32 v47, v1  }
0x238: {  	v48 =	vshll.u32 v3, $0x9;
	v6 =	vshll.u32 v0, $0x3  }
0x239: {  	v2 =	vand.u32 $0xFFFFF000, v48;
	v6 =	vand.u32 $0xFFFFFC00, v6  }
0x23a: {  	v7 =	vand.u32 $0x7F, v0;
	v3 =	vshll.u32 v3, $0x7;
	v6 =	vadd.s32 v2, v6  }
0x23b: {  	v17 =	vand.u32 $0x380, v3;
	v3 =	vor.u32 v7, v6  }
0x23c: {  	v6 =	vor.u32 $0x2001, v5;
	v3 =	vor.u32 v17, v3;
	v4 =	vld.idx.msk [tilespmem:v4+s22+$0x0], $0xffff  }
0x23d: {  	v7 =	vadd.s32 $0x1, v0;
	[tilespmem:$0x1FB80] =	vst v6;
	v6 =	vadd.s32 v6, v1  }
0x23e: {  	v8 =	vshll.u32 v7, $0x3  }
0x23f: {  	v8 =	vand.u32 $0xFFFFFC00, v8  }
0x240: {  	v7 =	vand.u32 $0x7F, v7;
	v8 =	vadd.s32 v2, v8  }
0x241: {  	[tilespmem:v3+s25+$0x0] =	vst.idx.msk $0xffff, v4;
	v3 =	vor.u32 v7, v8  }
0x242: {  	v4 =	vld.idx.msk [tilespmem:v6+s22+$0x0], $0xffff;
	v3 =	vor.u32 v17, v3;
	v6 =	vor.u32 $0x2002, v5  }
0x243: {  	v7 =	vadd.s32 $0x2, v0;
	[tilespmem:$0x1FB90] =	vst v6;
	v6 =	vadd.s32 v6, v1  }
0x244: {  	v8 =	vshll.u32 v7, $0x3  }
0x245: {  	v8 =	vand.u32 $0xFFFFFC00, v8  }
0x246: {  	v7 =	vand.u32 $0x7F, v7;
	v8 =	vadd.s32 v2, v8  }
0x247: {  	[tilespmem:v3+s25+$0x0] =	vst.idx.msk $0xffff, v4;
	v3 =	vor.u32 v7, v8  }
0x248: {  	v4 =	vld.idx.msk [tilespmem:v6+s22+$0x0], $0xffff;
	v3 =	vor.u32 v17, v3;
	v6 =	vor.u32 $0x2003, v5  }
0x249: {  	v7 =	vadd.s32 $0x3, v0;
	[tilespmem:$0x1FBA0] =	vst v6;
	v6 =	vadd.s32 v6, v1  }
0x24a: {  	v8 =	vshll.u32 v7, $0x3  }
0x24b: {  	v8 =	vand.u32 $0xFFFFFC00, v8  }
0x24c: {  	v7 =	vand.u32 $0x7F, v7;
	v8 =	vadd.s32 v2, v8  }
0x24d: {  	[tilespmem:v3+s25+$0x0] =	vst.idx.msk $0xffff, v4;
	v3 =	vor.u32 v7, v8  }
0x24e: {  	v4 =	vld.idx.msk [tilespmem:v6+s22+$0x0], $0xffff;
	v3 =	vor.u32 v17, v3;
	v6 =	vor.u32 $0x2004, v5  }
0x24f: {  	v7 =	vadd.s32 $0x4, v0;
	[tilespmem:$0x1FBB0] =	vst v6;
	v6 =	vadd.s32 v6, v1  }
0x250: {  	v8 =	vshll.u32 v7, $0x3  }
0x251: {  	v8 =	vand.u32 $0xFFFFFC00, v8  }
0x252: {  	v7 =	vand.u32 $0x7F, v7;
	v8 =	vadd.s32 v2, v8  }
0x253: {  	[tilespmem:v3+s25+$0x0] =	vst.idx.msk $0xffff, v4;
	v3 =	vor.u32 v7, v8  }
0x254: {  	v4 =	vld.idx.msk [tilespmem:v6+s22+$0x0], $0xffff;
	v3 =	vor.u32 v17, v3;
	v6 =	vor.u32 $0x2005, v5  }
0x255: {  	v8 =	vadd.s32 $0x5, v0;
	v7 =	vadd.s32 v6, v1  }
0x256: {  	v9 =	vshll.u32 v8, $0x3  }
0x257: {  	v9 =	vand.u32 $0xFFFFFC00, v9  }
0x258: {  	v8 =	vand.u32 $0x7F, v8;
	v9 =	vadd.s32 v2, v9  }
0x259: {  	[tilespmem:v3+s25+$0x0] =	vst.idx.msk $0xffff, v4;
	v3 =	vor.u32 v8, v9  }
0x25a: {  	[tilespmem:$0x1FBC0] =	vst v6;
	v6 =	vor.u32 $0x2006, v5;
	v4 =	vld.idx.msk [tilespmem:v7+s22+$0x0], $0xffff;
	v3 =	vor.u32 v17, v3  }
0x25b: {  	v8 =	vadd.s32 v6, v1;
	v9 =	vadd.s32 $0x6, v0  }
0x25c: {  	v10 =	vshll.u32 v9, $0x3  }
0x25d: {  	v10 =	vand.u32 $0xFFFFFC00, v10  }
0x25e: {  	v9 =	vand.u32 $0x7F, v9;
	v10 =	vadd.s32 v2, v10  }
0x25f: {  	[tilespmem:v3+s25+$0x0] =	vst.idx.msk $0xffff, v4;
	v3 =	vor.u32 v9, v10  }
0x260: {  	[tilespmem:$0x1FBD0] =	vst v6;
	v6 =	vor.u32 $0x2007, v5;
	v4 =	vld.idx.msk [tilespmem:v8+s22+$0x0], $0xffff;
	v3 =	vor.u32 v17, v3  }
0x261: {  	v9 =	vadd.s32 v6, v1;
	v10 =	vadd.s32 $0x7, v0  }
0x262: {  	v11 =	vshll.u32 v10, $0x3  }
0x263: {  	v11 =	vand.u32 $0xFFFFFC00, v11  }
0x264: {  	v10 =	vand.u32 $0x7F, v10;
	v11 =	vadd.s32 v2, v11  }
0x265: {  	[tilespmem:v3+s25+$0x0] =	vst.idx.msk $0xffff, v4;
	v3 =	vor.u32 v10, v11  }
0x266: {  	[tilespmem:$0x1FBE0] =	vst v6;
	v6 =	vor.u32 $0x2008, v5;
	v4 =	vld.idx.msk [tilespmem:v9+s22+$0x0], $0xffff;
	v3 =	vor.u32 v17, v3  }
0x267: {  	v10 =	vadd.s32 v6, v1;
	v11 =	vadd.s32 $0x8, v0  }
0x268: {  	v12 =	vshll.u32 v11, $0x3  }
0x269: {  	v12 =	vand.u32 $0xFFFFFC00, v12  }
0x26a: {  	v11 =	vand.u32 $0x7F, v11;
	v12 =	vadd.s32 v2, v12  }
0x26b: {  	[tilespmem:v3+s25+$0x0] =	vst.idx.msk $0xffff, v4;
	v3 =	vor.u32 v11, v12  }
0x26c: {  	[tilespmem:$0x1FBF0] =	vst v6;
	v6 =	vor.u32 $0x2009, v5;
	v4 =	vld.idx.msk [tilespmem:v10+s22+$0x0], $0xffff;
	v3 =	vor.u32 v17, v3  }
0x26d: {  	v11 =	vadd.s32 v6, v1;
	v12 =	vadd.s32 $0x9, v0  }
0x26e: {  	v13 =	vshll.u32 v12, $0x3  }
0x26f: {  	v13 =	vand.u32 $0xFFFFFC00, v13  }
0x270: {  	v12 =	vand.u32 $0x7F, v12;
	v13 =	vadd.s32 v2, v13  }
0x271: {  	[tilespmem:v3+s25+$0x0] =	vst.idx.msk $0xffff, v4;
	v3 =	vor.u32 v12, v13  }
0x272: {  	v4 =	vld.idx.msk [tilespmem:v11+s22+$0x0], $0xffff;
	v3 =	vor.u32 v17, v3;
	v11 =	vor.u32 $0x200A, v5  }
0x273: {  	v13 =	vadd.s32 $0xA, v0;
	v12 =	vadd.s32 v11, v1  }
0x274: {  	v14 =	vshll.u32 v13, $0x3  }
0x275: {  	v14 =	vand.u32 $0xFFFFFC00, v14  }
0x276: {  	v13 =	vand.u32 $0x7F, v13;
	v14 =	vadd.s32 v2, v14  }
0x277: {  	[tilespmem:v3+s25+$0x0] =	vst.idx.msk $0xffff, v4;
	v3 =	vor.u32 v13, v14  }
0x278: {  	v4 =	vld.idx.msk [tilespmem:v12+s22+$0x0], $0xffff;
	v3 =	vor.u32 v17, v3;
	v12 =	vor.u32 $0x200B, v5  }
0x279: {  	v14 =	vadd.s32 $0xB, v0;
	v13 =	vadd.s32 v12, v1  }
0x27a: {  	v15 =	vshll.u32 v14, $0x3  }
0x27b: {  	v15 =	vand.u32 $0xFFFFFC00, v15  }
0x27c: {  	v14 =	vand.u32 $0x7F, v14;
	v15 =	vadd.s32 v2, v15  }
0x27d: {  	[tilespmem:v3+s25+$0x0] =	vst.idx.msk $0xffff, v4;
	v3 =	vor.u32 v14, v15  }
0x27e: {  	v4 =	vld.idx.msk [tilespmem:v13+s22+$0x0], $0xffff;
	v3 =	vor.u32 v17, v3;
	v13 =	vor.u32 $0x200C, v5  }
0x27f: {  	v15 =	vadd.s32 $0xC, v0;
	v14 =	vadd.s32 v13, v1  }
0x280: {  	v16 =	vshll.u32 v15, $0x3  }
0x281: {  	v16 =	vand.u32 $0xFFFFFC00, v16  }
0x282: {  	v15 =	vand.u32 $0x7F, v15;
	v16 =	vadd.s32 v2, v16  }
0x283: {  	[tilespmem:v3+s25+$0x0] =	vst.idx.msk $0xffff, v4;
	v3 =	vor.u32 v15, v16  }
0x284: {  	v4 =	vld.idx.msk [tilespmem:v14+s22+$0x0], $0xffff;
	v3 =	vor.u32 v17, v3;
	v14 =	vor.u32 $0x200D, v5  }
0x285: {  	v16 =	vadd.s32 $0xD, v0;
	v15 =	vadd.s32 v14, v1  }
0x286: {  	v18 =	vshll.u32 v16, $0x3  }
0x287: {  	v18 =	vand.u32 $0xFFFFFC00, v18  }
0x288: {  	v16 =	vand.u32 $0x7F, v16;
	v18 =	vadd.s32 v2, v18  }
0x289: {  	[tilespmem:v3+s25+$0x0] =	vst.idx.msk $0xffff, v4;
	v3 =	vor.u32 v16, v18  }
0x28a: {  	v4 =	vld.idx.msk [tilespmem:v15+s22+$0x0], $0xffff;
	v3 =	vor.u32 v17, v3;
	v15 =	vor.u32 $0x200E, v5  }
0x28b: {  	v18 =	vadd.s32 $0xE, v0;
	v16 =	vadd.s32 v15, v1  }
0x28c: {  	v19 =	vshll.u32 v18, $0x3  }
0x28d: {  	v19 =	vand.u32 $0xFFFFFC00, v19  }
0x28e: {  	v18 =	vand.u32 $0x7F, v18;
	v19 =	vadd.s32 v2, v19  }
0x28f: {  	[tilespmem:v3+s25+$0x0] =	vst.idx.msk $0xffff, v4;
	v3 =	vor.u32 v18, v19  }
0x290: {  	v4 =	vld.idx.msk [tilespmem:v16+s22+$0x0], $0xffff;
	v3 =	vor.u32 v17, v3;
	v16 =	vor.u32 $0x200F, v5  }
0x291: {  	v0 =	vadd.s32 $0xF, v0;
	v1 =	vadd.s32 v16, v1  }
0x292: {  	v18 =	vshll.u32 v0, $0x3  }
0x293: {  	v18 =	vand.u32 $0xFFFFFC00, v18  }
0x294: {  	v0 =	vand.u32 $0x7F, v0;
	v2 =	vadd.s32 v2, v18  }
0x295: {  	v0 =	vor.u32 v0, v2;
	[tilespmem:v3+s25+$0x0] =	vst.idx.msk $0xffff, v4  }
0x296: {  	v0 =	vor.u32 v17, v0;
	v1 =	vld.idx.msk [tilespmem:v1+s22+$0x0], $0xffff;
	_ =	sdelay $0x4  }
0x297: {  	[tilespmem:v0+s25+$0x0] =	vst.idx.msk $0xffff, v1  }
0x298: {  	v1 =	vld [tilespmem:s30+$0x1050]  }
0x299: {  	v3 =	vld [tilespmem:s30+$0x2050]  }
0x29a: {  	v0 =	vld [tilespmem:s30+$0x3050];
	_ =	sdelay $0x2  }
0x29b: {  	v17 =	vor.u32 $0x2800, v5  }
0x29c: {  	v4 =	vadd.s32 v17, v1  }
0x29d: {  	v49 =	vshll.u32 v3, $0x9;
	v18 =	vshll.u32 v0, $0x3  }
0x29e: {  	v2 =	vand.u32 $0xFFFFF000, v49;
	v18 =	vand.u32 $0xFFFFFC00, v18  }
0x29f: {  	v19 =	vand.u32 $0x7F, v0;
	v3 =	vshll.u32 v3, $0x7;
	v18 =	vadd.s32 v2, v18  }
0x2a0: {  	v50 =	vand.u32 $0x380, v3;
	v3 =	vor.u32 v19, v18  }
0x2a1: {  	v18 =	vor.u32 $0x2801, v5;
	v3 =	vor.u32 v50, v3;
	v4 =	vld.idx.msk [tilespmem:v4+s22+$0x0], $0xffff  }
0x2a2: {  	v20 =	vadd.s32 $0x1, v0;
	v19 =	vadd.s32 v18, v1  }
0x2a3: {  	v21 =	vshll.u32 v20, $0x3  }
0x2a4: {  	v21 =	vand.u32 $0xFFFFFC00, v21  }
0x2a5: {  	v20 =	vand.u32 $0x7F, v20;
	v21 =	vadd.s32 v2, v21  }
0x2a6: {  	[tilespmem:v3+s25+$0x0] =	vst.idx.msk $0xffff, v4;
	v3 =	vor.u32 v20, v21  }
0x2a7: {  	v4 =	vld.idx.msk [tilespmem:v19+s22+$0x0], $0xffff;
	v3 =	vor.u32 v50, v3;
	v19 =	vor.u32 $0x2802, v5  }
0x2a8: {  	v21 =	vadd.s32 $0x2, v0;
	v20 =	vadd.s32 v19, v1  }
0x2a9: {  	v22 =	vshll.u32 v21, $0x3  }
0x2aa: {  	v22 =	vand.u32 $0xFFFFFC00, v22  }
0x2ab: {  	v21 =	vand.u32 $0x7F, v21;
	v22 =	vadd.s32 v2, v22  }
0x2ac: {  	[tilespmem:v3+s25+$0x0] =	vst.idx.msk $0xffff, v4;
	v3 =	vor.u32 v21, v22  }
0x2ad: {  	v4 =	vld.idx.msk [tilespmem:v20+s22+$0x0], $0xffff;
	v3 =	vor.u32 v50, v3;
	v20 =	vor.u32 $0x2803, v5  }
0x2ae: {  	v22 =	vadd.s32 $0x3, v0;
	v21 =	vadd.s32 v20, v1  }
0x2af: {  	v23 =	vshll.u32 v22, $0x3  }
0x2b0: {  	v23 =	vand.u32 $0xFFFFFC00, v23  }
0x2b1: {  	v22 =	vand.u32 $0x7F, v22;
	v23 =	vadd.s32 v2, v23  }
0x2b2: {  	[tilespmem:v3+s25+$0x0] =	vst.idx.msk $0xffff, v4;
	v3 =	vor.u32 v22, v23  }
0x2b3: {  	v4 =	vld.idx.msk [tilespmem:v21+s22+$0x0], $0xffff;
	v3 =	vor.u32 v50, v3;
	v21 =	vor.u32 $0x2804, v5  }
0x2b4: {  	v23 =	vadd.s32 $0x4, v0;
	v22 =	vadd.s32 v21, v1  }
0x2b5: {  	v24 =	vshll.u32 v23, $0x3  }
0x2b6: {  	v24 =	vand.u32 $0xFFFFFC00, v24  }
0x2b7: {  	v23 =	vand.u32 $0x7F, v23;
	v24 =	vadd.s32 v2, v24  }
0x2b8: {  	[tilespmem:v3+s25+$0x0] =	vst.idx.msk $0xffff, v4;
	v3 =	vor.u32 v23, v24  }
0x2b9: {  	v4 =	vld.idx.msk [tilespmem:v22+s22+$0x0], $0xffff;
	v3 =	vor.u32 v50, v3;
	v22 =	vor.u32 $0x2805, v5  }
0x2ba: {  	v24 =	vadd.s32 $0x5, v0;
	v23 =	vadd.s32 v22, v1  }
0x2bb: {  	v25 =	vshll.u32 v24, $0x3  }
0x2bc: {  	v25 =	vand.u32 $0xFFFFFC00, v25  }
0x2bd: {  	v24 =	vand.u32 $0x7F, v24;
	v25 =	vadd.s32 v2, v25  }
0x2be: {  	[tilespmem:v3+s25+$0x0] =	vst.idx.msk $0xffff, v4;
	v3 =	vor.u32 v24, v25  }
0x2bf: {  	v4 =	vld.idx.msk [tilespmem:v23+s22+$0x0], $0xffff;
	v3 =	vor.u32 v50, v3;
	v23 =	vor.u32 $0x2806, v5  }
0x2c0: {  	v25 =	vadd.s32 $0x6, v0;
	v24 =	vadd.s32 v23, v1  }
0x2c1: {  	v26 =	vshll.u32 v25, $0x3  }
0x2c2: {  	v26 =	vand.u32 $0xFFFFFC00, v26  }
0x2c3: {  	v25 =	vand.u32 $0x7F, v25;
	v26 =	vadd.s32 v2, v26  }
0x2c4: {  	[tilespmem:v3+s25+$0x0] =	vst.idx.msk $0xffff, v4;
	v3 =	vor.u32 v25, v26  }
0x2c5: {  	v4 =	vld.idx.msk [tilespmem:v24+s22+$0x0], $0xffff;
	v3 =	vor.u32 v50, v3;
	v24 =	vor.u32 $0x2807, v5  }
0x2c6: {  	v26 =	vadd.s32 $0x7, v0;
	v25 =	vadd.s32 v24, v1  }
0x2c7: {  	v27 =	vshll.u32 v26, $0x3  }
0x2c8: {  	[tilespmem:$0x1FB70] =	vst v47;
	v27 =	vand.u32 $0xFFFFFC00, v27  }
0x2c9: {  	[tilespmem:$0x1FC00] =	vst v6;
	v26 =	vand.u32 $0x7F, v26;
	v27 =	vadd.s32 v2, v27  }
0x2ca: {  	[tilespmem:v3+s25+$0x0] =	vst.idx.msk $0xffff, v4;
	v3 =	vor.u32 v26, v27  }
0x2cb: {  	v4 =	vld.idx.msk [tilespmem:v25+s22+$0x0], $0xffff;
	v3 =	vor.u32 v50, v3;
	v25 =	vor.u32 $0x2808, v5  }
0x2cc: {  	v27 =	vadd.s32 $0x8, v0;
	v26 =	vadd.s32 v25, v1  }
0x2cd: {  	v28 =	vshll.u32 v27, $0x3  }
0x2ce: {  	v28 =	vand.u32 $0xFFFFFC00, v28  }
0x2cf: {  	v27 =	vand.u32 $0x7F, v27;
	v28 =	vadd.s32 v2, v28  }
0x2d0: {  	[tilespmem:v3+s25+$0x0] =	vst.idx.msk $0xffff, v4;
	v3 =	vor.u32 v27, v28  }
0x2d1: {  	v4 =	vld.idx.msk [tilespmem:v26+s22+$0x0], $0xffff;
	v3 =	vor.u32 v50, v3;
	v26 =	vor.u32 $0x2809, v5  }
0x2d2: {  	v28 =	vadd.s32 $0x9, v0;
	v27 =	vadd.s32 v26, v1  }
0x2d3: {  	v29 =	vshll.u32 v28, $0x3  }
0x2d4: {  	v29 =	vand.u32 $0xFFFFFC00, v29  }
0x2d5: {  	v28 =	vand.u32 $0x7F, v28;
	v29 =	vadd.s32 v2, v29  }
0x2d6: {  	[tilespmem:v3+s25+$0x0] =	vst.idx.msk $0xffff, v4;
	v3 =	vor.u32 v28, v29  }
0x2d7: {  	v4 =	vld.idx.msk [tilespmem:v27+s22+$0x0], $0xffff;
	v3 =	vor.u32 v50, v3;
	v27 =	vor.u32 $0x280A, v5  }
0x2d8: {  	v29 =	vadd.s32 $0xA, v0;
	v28 =	vadd.s32 v27, v1  }
0x2d9: {  	v30 =	vshll.u32 v29, $0x3  }
0x2da: {  	v30 =	vand.u32 $0xFFFFFC00, v30  }
0x2db: {  	v29 =	vand.u32 $0x7F, v29;
	v30 =	vadd.s32 v2, v30  }
0x2dc: {  	[tilespmem:v3+s25+$0x0] =	vst.idx.msk $0xffff, v4;
	v3 =	vor.u32 v29, v30  }
0x2dd: {  	v4 =	vld.idx.msk [tilespmem:v28+s22+$0x0], $0xffff;
	v3 =	vor.u32 v50, v3;
	v28 =	vor.u32 $0x280B, v5  }
0x2de: {  	v30 =	vadd.s32 $0xB, v0;
	v29 =	vadd.s32 v28, v1  }
0x2df: {  	v31 =	vshll.u32 v30, $0x3  }
0x2e0: {  	v31 =	vand.u32 $0xFFFFFC00, v31  }
0x2e1: {  	v30 =	vand.u32 $0x7F, v30;
	v31 =	vadd.s32 v2, v31  }
0x2e2: {  	[tilespmem:v3+s25+$0x0] =	vst.idx.msk $0xffff, v4;
	v3 =	vor.u32 v30, v31  }
0x2e3: {  	v4 =	vld.idx.msk [tilespmem:v29+s22+$0x0], $0xffff;
	v3 =	vor.u32 v50, v3;
	v29 =	vor.u32 $0x280C, v5  }
0x2e4: {  	v31 =	vadd.s32 $0xC, v0;
	v30 =	vadd.s32 v29, v1  }
0x2e5: {  	v51 =	vshll.u32 v31, $0x3  }
0x2e6: {  	v32 =	vand.u32 $0xFFFFFC00, v51  }
0x2e7: {  	v31 =	vand.u32 $0x7F, v31;
	v32 =	vadd.s32 v2, v32  }
0x2e8: {  	[tilespmem:v3+s25+$0x0] =	vst.idx.msk $0xffff, v4;
	v3 =	vor.u32 v31, v32  }
0x2e9: {  	v4 =	vld.idx.msk [tilespmem:v30+s22+$0x0], $0xffff;
	v3 =	vor.u32 v50, v3;
	v30 =	vor.u32 $0x280D, v5  }
0x2ea: {  	v52 =	vadd.s32 $0xD, v0;
	v31 =	vadd.s32 v30, v1  }
0x2eb: {  	v53 =	vshll.u32 v52, $0x3  }
0x2ec: {  	v34 =	vand.u32 $0xFFFFFC00, v53  }
0x2ed: {  	v34 =	vadd.s32 v2, v34;
	v32 =	vand.u32 $0x7F, v52  }
0x2ee: {  	[tilespmem:v3+s25+$0x0] =	vst.idx.msk $0xffff, v4;
	v3 =	vor.u32 v32, v34  }
0x2ef: {  	v4 =	vld.idx.msk [tilespmem:v31+s22+$0x0], $0xffff;
	v3 =	vor.u32 v50, v3;
	v31 =	vor.u32 $0x280E, v5  }
0x2f0: {  	v55 =	vadd.s32 $0xE, v0;
	v54 =	vadd.s32 v31, v1  }
0x2f1: {  	v56 =	vshll.u32 v55, $0x3  }
0x2f2: {  	v35 =	vand.u32 $0xFFFFFC00, v56  }
0x2f3: {  	v35 =	vadd.s32 v2, v35;
	v34 =	vand.u32 $0x7F, v55  }
0x2f4: {  	[tilespmem:v3+s25+$0x0] =	vst.idx.msk $0xffff, v4;
	v3 =	vor.u32 v34, v35  }
0x2f5: {  	v32 =	vor.u32 $0x280F, v5;
	v4 =	vld.idx.msk [tilespmem:v54+s22+$0x0], $0xffff;
	v3 =	vor.u32 v50, v3  }
0x2f6: {  	v0 =	vadd.s32 $0xF, v0;
	v1 =	vadd.s32 v32, v1  }
0x2f7: {  	v57 =	vshll.u32 v0, $0x3  }
0x2f8: {  	v34 =	vand.u32 $0xFFFFFC00, v57  }
0x2f9: {  	v0 =	vand.u32 $0x7F, v0;
	v2 =	vadd.s32 v2, v34  }
0x2fa: {  	v0 =	vor.u32 v0, v2;
	[tilespmem:v3+s25+$0x0] =	vst.idx.msk $0xffff, v4  }
0x2fb: {  	v0 =	vor.u32 v50, v0;
	v1 =	vld.idx.msk [tilespmem:v1+s22+$0x0], $0xffff;
	_ =	sdelay $0x4  }
0x2fc: {  	[tilespmem:v0+s25+$0x0] =	vst.idx.msk $0xffff, v1  }
0x2fd: {  	v1 =	vld [tilespmem:s30+$0x1060]  }
0x2fe: {  	v3 =	vld [tilespmem:s30+$0x2060]  }
0x2ff: {  	v0 =	vld [tilespmem:s30+$0x3060];
	_ =	sdelay $0x2  }
0x300: {  	v33 =	vor.u32 $0x3000, v5  }
0x301: {  	v4 =	vadd.s32 v33, v1  }
0x302: {  	v58 =	vshll.u32 v3, $0x9;
	v59 =	vshll.u32 v0, $0x3  }
0x303: {  	v2 =	vand.u32 $0xFFFFF000, v58;
	v34 =	vand.u32 $0xFFFFFC00, v59  }
0x304: {  	v60 =	vand.u32 $0x7F, v0;
	v3 =	vshll.u32 v3, $0x7;
	v34 =	vadd.s32 v2, v34  }
0x305: {  	v49 =	vand.u32 $0x380, v3;
	v3 =	vor.u32 v60, v34  }
0x306: {  	v34 =	vor.u32 $0x3001, v5;
	v3 =	vor.u32 v49, v3;
	v4 =	vld.idx.msk [tilespmem:v4+s22+$0x0], $0xffff  }
0x307: {  	v62 =	vadd.s32 $0x1, v0;
	v61 =	vadd.s32 v34, v1  }
0x308: {  	v63 =	vshll.u32 v62, $0x3  }
0x309: {  	v37 =	vand.u32 $0xFFFFFC00, v63  }
0x30a: {  	v36 =	vand.u32 $0x7F, v62;
	v37 =	vadd.s32 v2, v37  }
0x30b: {  	[tilespmem:v3+s25+$0x0] =	vst.idx.msk $0xffff, v4;
	v3 =	vor.u32 v36, v37  }
0x30c: {  	v35 =	vor.u32 $0x3002, v5;
	v4 =	vld.idx.msk [tilespmem:v61+s22+$0x0], $0xffff;
	v3 =	vor.u32 v49, v3  }
0x30d: {  	v40 =	vadd.s32 v35, v1;
	v41 =	vadd.s32 $0x2, v0  }
0x30e: {  	v42 =	vshll.u32 v41, $0x3  }
0x30f: {  	v38 =	vand.u32 $0xFFFFFC00, v42  }
0x310: {  	v38 =	vadd.s32 v2, v38;
	v37 =	vand.u32 $0x7F, v41  }
0x311: {  	[tilespmem:v3+s25+$0x0] =	vst.idx.msk $0xffff, v4;
	v3 =	vor.u32 v37, v38  }
0x312: {  	v36 =	vor.u32 $0x3003, v5;
	v4 =	vld.idx.msk [tilespmem:v40+s22+$0x0], $0xffff;
	v3 =	vor.u32 v49, v3  }
0x313: {  	v44 =	vadd.s32 $0x3, v0;
	v43 =	vadd.s32 v36, v1  }
0x314: {  	v45 =	vshll.u32 v44, $0x3  }
0x315: {  	v39 =	vand.u32 $0xFFFFFC00, v45  }
0x316: {  	v39 =	vadd.s32 v2, v39;
	v38 =	vand.u32 $0x7F, v44  }
0x317: {  	[tilespmem:v3+s25+$0x0] =	vst.idx.msk $0xffff, v4;
	v3 =	vor.u32 v38, v39  }
0x318: {  	v37 =	vor.u32 $0x3004, v5;
	v4 =	vld.idx.msk [tilespmem:v43+s22+$0x0], $0xffff;
	v3 =	vor.u32 v49, v3  }
0x319: {  	v47 =	vadd.s32 $0x4, v0;
	v46 =	vadd.s32 v37, v1  }
0x31a: {  	v48 =	vshll.u32 v47, $0x3  }
0x31b: {  	v40 =	vand.u32 $0xFFFFFC00, v48  }
0x31c: {  	v40 =	vadd.s32 v2, v40;
	v39 =	vand.u32 $0x7F, v47  }
0x31d: {  	[tilespmem:v3+s25+$0x0] =	vst.idx.msk $0xffff, v4;
	v3 =	vor.u32 v39, v40  }
0x31e: {  	v38 =	vor.u32 $0x3005, v5;
	v4 =	vld.idx.msk [tilespmem:v46+s22+$0x0], $0xffff;
	v3 =	vor.u32 v49, v3  }
0x31f: {  	v51 =	vadd.s32 $0x5, v0;
	v50 =	vadd.s32 v38, v1  }
0x320: {  	v52 =	vshll.u32 v51, $0x3  }
0x321: {  	v41 =	vand.u32 $0xFFFFFC00, v52  }
0x322: {  	v41 =	vadd.s32 v2, v41;
	v40 =	vand.u32 $0x7F, v51  }
0x323: {  	[tilespmem:v3+s25+$0x0] =	vst.idx.msk $0xffff, v4;
	v3 =	vor.u32 v40, v41  }
0x324: {  	v39 =	vor.u32 $0x3006, v5;
	v4 =	vld.idx.msk [tilespmem:v50+s22+$0x0], $0xffff;
	v3 =	vor.u32 v49, v3  }
0x325: {  	v54 =	vadd.s32 $0x6, v0;
	v53 =	vadd.s32 v39, v1  }
0x326: {  	v55 =	vshll.u32 v54, $0x3  }
0x327: {  	v42 =	vand.u32 $0xFFFFFC00, v55  }
0x328: {  	v42 =	vadd.s32 v2, v42;
	v41 =	vand.u32 $0x7F, v54  }
0x329: {  	[tilespmem:v3+s25+$0x0] =	vst.idx.msk $0xffff, v4;
	v3 =	vor.u32 v41, v42  }
0x32a: {  	v40 =	vor.u32 $0x3007, v5;
	v4 =	vld.idx.msk [tilespmem:v53+s22+$0x0], $0xffff;
	v3 =	vor.u32 v49, v3  }
0x32b: {  	v57 =	vadd.s32 $0x7, v0;
	v56 =	vadd.s32 v40, v1  }
0x32c: {  	v58 =	vshll.u32 v57, $0x3  }
0x32d: {  	v43 =	vand.u32 $0xFFFFFC00, v58  }
0x32e: {  	v43 =	vadd.s32 v2, v43;
	v42 =	vand.u32 $0x7F, v57  }
0x32f: {  	[tilespmem:v3+s25+$0x0] =	vst.idx.msk $0xffff, v4;
	v3 =	vor.u32 v42, v43  }
0x330: {  	v41 =	vor.u32 $0x3008, v5;
	v4 =	vld.idx.msk [tilespmem:v56+s22+$0x0], $0xffff;
	v3 =	vor.u32 v49, v3  }
0x331: {  	v60 =	vadd.s32 $0x8, v0;
	v59 =	vadd.s32 v41, v1  }
0x332: {  	v61 =	vshll.u32 v60, $0x3  }
0x333: {  	v44 =	vand.u32 $0xFFFFFC00, v61  }
0x334: {  	v44 =	vadd.s32 v2, v44;
	v43 =	vand.u32 $0x7F, v60  }
0x335: {  	[tilespmem:v3+s25+$0x0] =	vst.idx.msk $0xffff, v4;
	v3 =	vor.u32 v43, v44  }
0x336: {  	v42 =	vor.u32 $0x3009, v5;
	v4 =	vld.idx.msk [tilespmem:v59+s22+$0x0], $0xffff;
	v3 =	vor.u32 v49, v3  }
0x337: {  	v63 =	vadd.s32 $0x9, v0;
	v62 =	vadd.s32 v42, v1  }
0x338: {  	v48 =	vshll.u32 v63, $0x3  }
0x339: {  	v45 =	vand.u32 $0xFFFFFC00, v48  }
0x33a: {  	v45 =	vadd.s32 v2, v45;
	v44 =	vand.u32 $0x7F, v63  }
0x33b: {  	[tilespmem:v3+s25+$0x0] =	vst.idx.msk $0xffff, v4;
	v3 =	vor.u32 v44, v45  }
0x33c: {  	v43 =	vor.u32 $0x300A, v5;
	v4 =	vld.idx.msk [tilespmem:v62+s22+$0x0], $0xffff;
	v3 =	vor.u32 v49, v3  }
0x33d: {  	v51 =	vadd.s32 $0xA, v0;
	v50 =	vadd.s32 v43, v1  }
0x33e: {  	v52 =	vshll.u32 v51, $0x3  }
0x33f: {  	v46 =	vand.u32 $0xFFFFFC00, v52  }
0x340: {  	v46 =	vadd.s32 v2, v46;
	v45 =	vand.u32 $0x7F, v51  }
0x341: {  	[tilespmem:v3+s25+$0x0] =	vst.idx.msk $0xffff, v4;
	v3 =	vor.u32 v45, v46  }
0x342: {  	v44 =	vor.u32 $0x300B, v5;
	v4 =	vld.idx.msk [tilespmem:v50+s22+$0x0], $0xffff;
	v3 =	vor.u32 v49, v3  }
0x343: {  	v54 =	vadd.s32 $0xB, v0;
	v53 =	vadd.s32 v44, v1  }
0x344: {  	v55 =	vshll.u32 v54, $0x3  }
0x345: {  	v47 =	vand.u32 $0xFFFFFC00, v55  }
0x346: {  	v47 =	vadd.s32 v2, v47;
	v46 =	vand.u32 $0x7F, v54  }
0x347: {  	[tilespmem:v3+s25+$0x0] =	vst.idx.msk $0xffff, v4;
	v3 =	vor.u32 v46, v47  }
0x348: {  	v45 =	vor.u32 $0x300C, v5;
	v4 =	vld.idx.msk [tilespmem:v53+s22+$0x0], $0xffff;
	v3 =	vor.u32 v49, v3  }
0x349: {  	v57 =	vadd.s32 $0xC, v0;
	v56 =	vadd.s32 v45, v1  }
0x34a: {  	v58 =	vshll.u32 v57, $0x3  }
0x34b: {  	v48 =	vand.u32 $0xFFFFFC00, v58  }
0x34c: {  	v48 =	vadd.s32 v2, v48;
	v47 =	vand.u32 $0x7F, v57  }
0x34d: {  	[tilespmem:v3+s25+$0x0] =	vst.idx.msk $0xffff, v4;
	v3 =	vor.u32 v47, v48  }
0x34e: {  	v46 =	vor.u32 $0x300D, v5;
	v4 =	vld.idx.msk [tilespmem:v56+s22+$0x0], $0xffff;
	v3 =	vor.u32 v49, v3  }
0x34f: {  	v60 =	vadd.s32 $0xD, v0;
	v59 =	vadd.s32 v46, v1  }
0x350: {  	v61 =	vshll.u32 v60, $0x3  }
0x351: {  	v50 =	vand.u32 $0xFFFFFC00, v61  }
0x352: {  	v50 =	vadd.s32 v2, v50;
	v48 =	vand.u32 $0x7F, v60  }
0x353: {  	[tilespmem:v3+s25+$0x0] =	vst.idx.msk $0xffff, v4;
	v3 =	vor.u32 v48, v50  }
0x354: {  	v47 =	vor.u32 $0x300E, v5;
	v4 =	vld.idx.msk [tilespmem:v59+s22+$0x0], $0xffff;
	v3 =	vor.u32 v49, v3  }
0x355: {  	v63 =	vadd.s32 $0xE, v0;
	v62 =	vadd.s32 v47, v1  }
0x356: {  	v54 =	vshll.u32 v63, $0x3  }
0x357: {  	v51 =	vand.u32 $0xFFFFFC00, v54  }
0x358: {  	v51 =	vadd.s32 v2, v51;
	v50 =	vand.u32 $0x7F, v63  }
0x359: {  	[tilespmem:v3+s25+$0x0] =	vst.idx.msk $0xffff, v4;
	v3 =	vor.u32 v50, v51  }
0x35a: {  	v48 =	vor.u32 $0x300F, v5;
	v4 =	vld.idx.msk [tilespmem:v62+s22+$0x0], $0xffff;
	v3 =	vor.u32 v49, v3  }
0x35b: {  	v0 =	vadd.s32 $0xF, v0;
	v1 =	vadd.s32 v48, v1  }
0x35c: {  	v55 =	vshll.u32 v0, $0x3  }
0x35d: {  	v50 =	vand.u32 $0xFFFFFC00, v55  }
0x35e: {  	v0 =	vand.u32 $0x7F, v0;
	v2 =	vadd.s32 v2, v50  }
0x35f: {  	v0 =	vor.u32 v0, v2;
	[tilespmem:v3+s25+$0x0] =	vst.idx.msk $0xffff, v4  }
0x360: {  	v0 =	vor.u32 v49, v0;
	v1 =	vld.idx.msk [tilespmem:v1+s22+$0x0], $0xffff;
	_ =	sdelay $0x4  }
0x361: {  	[tilespmem:v0+s25+$0x0] =	vst.idx.msk $0xffff, v1  }
0x362: {  	v0 =	vld [tilespmem:s30+$0x1070]  }
0x363: {  	v1 =	vld [tilespmem:s30+$0x2070]  }
0x364: {  	v2 =	vld [tilespmem:s30+$0x3070];
	_ =	sdelay $0x2  }
0x365: {  	v49 =	vor.u32 $0x3800, v5  }
0x366: {  	v56 =	vadd.s32 v49, v0  }
0x367: {  	v3 =	vshll.u32 v1, $0x9;
	v4 =	vshll.u32 v2, $0x3  }
0x368: {  	v3 =	vand.u32 $0xFFFFF000, v3;
	v4 =	vand.u32 $0xFFFFFC00, v4  }
0x369: {  	v57 =	vand.u32 $0x7F, v2;
	v1 =	vshll.u32 v1, $0x7;
	v58 =	vadd.s32 v3, v4  }
0x36a: {  	v4 =	vand.u32 $0x380, v1;
	v59 =	vor.u32 v57, v58  }
0x36b: {  	v50 =	vor.u32 $0x3801, v5;
	v1 =	vor.u32 v4, v59;
	v60 =	vld.idx.msk [tilespmem:v56+s22+$0x0], $0xffff  }
0x36c: {  	v61 =	vadd.s32 v50, v0;
	v62 =	vadd.s32 $0x1, v2  }
0x36d: {  	v63 =	vshll.u32 v62, $0x3  }
0x36e: {  	v54 =	vand.u32 $0xFFFFFC00, v63  }
0x36f: {  	v53 =	vand.u32 $0x7F, v62;
	v54 =	vadd.s32 v3, v54  }
0x370: {  	v57 =	vor.u32 v53, v54;
	[tilespmem:v1+s25+$0x0] =	vst.idx.msk $0xffff, v60  }
0x371: {  	v51 =	vor.u32 $0x3802, v5;
	v1 =	vor.u32 v4, v57;
	v52 =	vld.idx.msk [tilespmem:v61+s22+$0x0], $0xffff  }
0x372: {  	v58 =	vadd.s32 v51, v0;
	v59 =	vadd.s32 $0x2, v2  }
0x373: {  	v60 =	vshll.u32 v59, $0x3  }
0x374: {  	v55 =	vand.u32 $0xFFFFFC00, v60  }
0x375: {  	v54 =	vand.u32 $0x7F, v59;
	v55 =	vadd.s32 v3, v55  }
0x376: {  	v61 =	vor.u32 v54, v55;
	[tilespmem:v1+s25+$0x0] =	vst.idx.msk $0xffff, v52  }
0x377: {  	v1 =	vor.u32 v4, v61;
	v52 =	vor.u32 $0x3803, v5;
	v53 =	vld.idx.msk [tilespmem:v58+s22+$0x0], $0xffff  }
0x378: {  	v63 =	vadd.s32 $0x3, v2;
	v62 =	vadd.s32 v52, v0  }
0x379: {  	v60 =	vshll.u32 v63, $0x3  }
0x37a: {  	v56 =	vand.u32 $0xFFFFFC00, v60  }
0x37b: {  	v55 =	vand.u32 $0x7F, v63;
	v56 =	vadd.s32 v3, v56  }
0x37c: {  	v61 =	vor.u32 v55, v56;
	[tilespmem:v1+s25+$0x0] =	vst.idx.msk $0xffff, v53  }
0x37d: {  	v1 =	vor.u32 v4, v61;
	v53 =	vor.u32 $0x3804, v5;
	v54 =	vld.idx.msk [tilespmem:v62+s22+$0x0], $0xffff  }
0x37e: {  	v63 =	vadd.s32 $0x4, v2;
	v62 =	vadd.s32 v53, v0  }
0x37f: {  	v60 =	vshll.u32 v63, $0x3  }
0x380: {  	v57 =	vand.u32 $0xFFFFFC00, v60  }
0x381: {  	v56 =	vand.u32 $0x7F, v63;
	v57 =	vadd.s32 v3, v57  }
0x382: {  	v61 =	vor.u32 v56, v57;
	[tilespmem:v1+s25+$0x0] =	vst.idx.msk $0xffff, v54  }
0x383: {  	v1 =	vor.u32 v4, v61;
	v54 =	vor.u32 $0x3805, v5;
	v55 =	vld.idx.msk [tilespmem:v62+s22+$0x0], $0xffff  }
0x384: {  	v63 =	vadd.s32 $0x5, v2;
	v62 =	vadd.s32 v54, v0  }
0x385: {  	v60 =	vshll.u32 v63, $0x3  }
0x386: {  	v58 =	vand.u32 $0xFFFFFC00, v60  }
0x387: {  	v58 =	vadd.s32 v3, v58;
	v57 =	vand.u32 $0x7F, v63  }
0x388: {  	v61 =	vor.u32 v57, v58;
	[tilespmem:v1+s25+$0x0] =	vst.idx.msk $0xffff, v55  }
0x389: {  	v1 =	vor.u32 v4, v61;
	v55 =	vor.u32 $0x3806, v5;
	v56 =	vld.idx.msk [tilespmem:v62+s22+$0x0], $0xffff  }
0x38a: {  	v63 =	vadd.s32 $0x6, v2;
	v62 =	vadd.s32 v55, v0  }
0x38b: {  	v60 =	vshll.u32 v63, $0x3  }
0x38c: {  	v59 =	vand.u32 $0xFFFFFC00, v60  }
0x38d: {  	v59 =	vadd.s32 v3, v59;
	v58 =	vand.u32 $0x7F, v63  }
0x38e: {  	v61 =	vor.u32 v58, v59;
	[tilespmem:v1+s25+$0x0] =	vst.idx.msk $0xffff, v56  }
0x38f: {  	v1 =	vor.u32 v4, v61;
	v56 =	vor.u32 $0x3807, v5;
	v57 =	vld.idx.msk [tilespmem:v62+s22+$0x0], $0xffff  }
0x390: {  	v59 =	vadd.s32 $0x7, v2;
	v58 =	vadd.s32 v56, v0  }
0x391: {  	v60 =	vshll.u32 v59, $0x3  }
0x392: {  	v60 =	vand.u32 $0xFFFFFC00, v60  }
0x393: {  	v59 =	vand.u32 $0x7F, v59;
	v60 =	vadd.s32 v3, v60  }
0x394: {  	v62 =	vor.u32 v59, v60;
	[tilespmem:v1+s25+$0x0] =	vst.idx.msk $0xffff, v57  }
0x395: {  	v1 =	vor.u32 v4, v62;
	v57 =	vor.u32 $0x3808, v5;
	v58 =	vld.idx.msk [tilespmem:v58+s22+$0x0], $0xffff  }
0x396: {  	v60 =	vadd.s32 $0x8, v2;
	v59 =	vadd.s32 v57, v0  }
0x397: {  	v61 =	vshll.u32 v60, $0x3  }
0x398: {  	v61 =	vand.u32 $0xFFFFFC00, v61  }
0x399: {  	v60 =	vand.u32 $0x7F, v60;
	v61 =	vadd.s32 v3, v61  }
0x39a: {  	v63 =	vor.u32 v60, v61;
	[tilespmem:v1+s25+$0x0] =	vst.idx.msk $0xffff, v58  }
0x39b: {  	v1 =	vor.u32 v4, v63;
	v58 =	vor.u32 $0x3809, v5;
	v59 =	vld.idx.msk [tilespmem:v59+s22+$0x0], $0xffff  }
0x39c: {  	v61 =	vadd.s32 $0x9, v2;
	v60 =	vadd.s32 v58, v0  }
0x39d: {  	v62 =	vshll.u32 v61, $0x3  }
0x39e: {  	v62 =	vand.u32 $0xFFFFFC00, v62  }
0x39f: {  	v61 =	vand.u32 $0x7F, v61;
	v62 =	vadd.s32 v3, v62  }
0x3a0: {  	[tilespmem:v1+s25+$0x0] =	vst.idx.msk $0xffff, v59;
	v59 =	vor.u32 v61, v62  }
0x3a1: {  	v60 =	vld.idx.msk [tilespmem:v60+s22+$0x0], $0xffff;
	v1 =	vor.u32 v4, v59;
	v59 =	vor.u32 $0x380A, v5  }
0x3a2: {  	v62 =	vadd.s32 $0xA, v2;
	v61 =	vadd.s32 v59, v0  }
0x3a3: {  	v63 =	vshll.u32 v62, $0x3  }
0x3a4: {  	v63 =	vand.u32 $0xFFFFFC00, v63  }
0x3a5: {  	v62 =	vand.u32 $0x7F, v62;
	v63 =	vadd.s32 v3, v63  }
0x3a6: {  	[tilespmem:v1+s25+$0x0] =	vst.idx.msk $0xffff, v60;
	v1 =	vor.u32 v62, v63  }
0x3a7: {  	v60 =	vor.u32 $0x380B, v5;
	v61 =	vld.idx.msk [tilespmem:v61+s22+$0x0], $0xffff;
	v1 =	vor.u32 v4, v1  }
0x3a8: {  	v63 =	vadd.s32 $0xB, v2;
	v62 =	vadd.s32 v60, v0  }
0x3a9: {  	v6 =	vshll.u32 v63, $0x3  }
0x3aa: {  	v6 =	vand.u32 $0xFFFFFC00, v6  }
0x3ab: {  	v63 =	vand.u32 $0x7F, v63;
	v6 =	vadd.s32 v3, v6  }
0x3ac: {  	[tilespmem:v1+s25+$0x0] =	vst.idx.msk $0xffff, v61;
	v61 =	vor.u32 v63, v6  }
0x3ad: {  	v6 =	vld.idx.msk [tilespmem:v62+s22+$0x0], $0xffff;
	v1 =	vor.u32 v4, v61;
	v61 =	vor.u32 $0x380C, v5  }
0x3ae: {  	v63 =	vadd.s32 $0xC, v2;
	v62 =	vadd.s32 v61, v0  }
0x3af: {  	v7 =	vshll.u32 v63, $0x3  }
0x3b0: {  	v7 =	vand.u32 $0xFFFFFC00, v7  }
0x3b1: {  	v63 =	vand.u32 $0x7F, v63;
	v7 =	vadd.s32 v3, v7  }
0x3b2: {  	v63 =	vor.u32 v63, v7;
	[tilespmem:v1+s25+$0x0] =	vst.idx.msk $0xffff, v6  }
0x3b3: {  	v1 =	vor.u32 v4, v63;
	v6 =	vld.idx.msk [tilespmem:v62+s22+$0x0], $0xffff;
	v62 =	vor.u32 $0x380D, v5  }
0x3b4: {  	v63 =	vadd.s32 $0xD, v2;
	v7 =	vadd.s32 v62, v0  }
0x3b5: {  	v8 =	vshll.u32 v63, $0x3  }
0x3b6: {  	v8 =	vand.u32 $0xFFFFFC00, v8  }
0x3b7: {  	v63 =	vand.u32 $0x7F, v63;
	v8 =	vadd.s32 v3, v8  }
0x3b8: {  	v63 =	vor.u32 v63, v8;
	[tilespmem:v1+s25+$0x0] =	vst.idx.msk $0xffff, v6  }
0x3b9: {  	v1 =	vor.u32 v4, v63;
	v63 =	vor.u32 $0x380E, v5;
	v6 =	vld.idx.msk [tilespmem:v7+s22+$0x0], $0xffff  }
0x3ba: {  	v8 =	vadd.s32 $0xE, v2;
	v7 =	vadd.s32 v63, v0  }
0x3bb: {  	v9 =	vshll.u32 v8, $0x3  }
0x3bc: {  	v9 =	vand.u32 $0xFFFFFC00, v9  }
0x3bd: {  	v8 =	vand.u32 $0x7F, v8;
	v9 =	vadd.s32 v3, v9  }
0x3be: {  	[tilespmem:v1+s25+$0x0] =	vst.idx.msk $0xffff, v6;
	v1 =	vor.u32 v8, v9  }
0x3bf: {  	v6 =	vld.idx.msk [tilespmem:v7+s22+$0x0], $0xffff;
	v7 =	vor.u32 v4, v1;
	v1 =	vor.u32 $0x380F, v5  }
0x3c0: {  	v2 =	vadd.s32 $0xF, v2;
	v0 =	vadd.s32 v1, v0  }
0x3c1: {  	v8 =	vshll.u32 v2, $0x3  }
0x3c2: {  	v8 =	vand.u32 $0xFFFFFC00, v8  }
0x3c3: {  	v2 =	vand.u32 $0x7F, v2;
	v3 =	vadd.s32 v3, v8  }
0x3c4: {  	v2 =	vor.u32 v2, v3;
	[tilespmem:v7+s25+$0x0] =	vst.idx.msk $0xffff, v6  }
0x3c5: {  	v2 =	vor.u32 v4, v2;
	v0 =	vld.idx.msk [tilespmem:v0+s22+$0x0], $0xffff;
	_ =	sdelay $0x2  }
0x3c6: {  	p0 =	seq.s32 s29, $0x3000  }
0x3c7: {  	s31 =	sshra.s32 @!p0 s29, $0x2  }
0x3c8: {  	s0 =	simm.s32 @!p0 $0x80;
	s1 =	simm.s32 @!p0 $0x5000;
	s31 =	sadd.s32 @!p0 $0x100, s31;
	[tilespmem:v2+s25+$0x0] =	vst.idx.msk $0xffff, v0  }
0x3c9: {  	[tilespmem:s1], [sflag:$0x1] =	stream.indirect.gather @!p0 [hbm4b:s3+s0], $0x80, s31, s0, $0xb8;
	[tilespmem:$0x1E000] =	vst v63  }
0x3ca: {  	_ =	swait.ge [sflag:s24], $0x4000  }
0x3cb: {  	[sflag:s24] =	ssyncset.done $0x0  }
0x3cc: {  	[sflag:s24] =	ssyncadd.s32 $0xFFFFC000  }
0x3cd: {  	v4 =	vld [tilespmem:s30+$0x2080]  }
0x3ce: {  	v2 =	vld [tilespmem:s30+$0x3080];
	_ =	sdelay $0x1  }
0x3cf: {  	v0 =	vld [tilespmem:s30+$0x1080];
	_ =	sdelay $0x2  }
0x3d0: {  	v3 =	vshll.u32 v4, $0x9;
	v7 =	vshll.u32 v2, $0x3  }
0x3d1: {  	v3 =	vand.u32 $0xFFFFF000, v3;
	v7 =	vand.u32 $0xFFFFFC00, v7  }
0x3d2: {  	v6 =	vadd.s32 v5, v0;
	v8 =	vand.u32 $0x7F, v2;
	v7 =	vadd.s32 v3, v7  }
0x3d3: {  	v7 =	vor.u32 v8, v7;
	v8 =	vld [tilespmem:$0x1FC90];
	_ =	sdelay $0x1  }
0x3d4: {  	v4 =	vshll.u32 v4, $0x7  }
0x3d5: {  	v4 =	vand.u32 $0x380, v4  }
0x3d6: {  	v7 =	vor.u32 v4, v7;
	v6 =	vld.idx.msk [tilespmem:v6+s23+$0x0], $0xffff  }
0x3d7: {  	v8 =	vadd.s32 v8, v0;
	_ =	sdelay $0x3  }
0x3d8: {  	[tilespmem:v7+s25+$0x0] =	vst.idx.msk $0xffff, v6  }
0x3d9: {  	v9 =	vadd.s32 $0x1, v2;
	v7 =	vld.idx.msk [tilespmem:v8+s23+$0x0], $0xffff  }
0x3da: {  	v10 =	vshll.u32 v9, $0x3;
	v8 =	vld [tilespmem:$0x1FCA0]  }
0x3db: {  	v10 =	vand.u32 $0xFFFFFC00, v10  }
0x3dc: {  	v9 =	vand.u32 $0x7F, v9;
	v10 =	vadd.s32 v3, v10  }
0x3dd: {  	v6 =	vor.u32 v9, v10  }
0x3de: {  	v6 =	vor.u32 v4, v6  }
0x3df: {  	v8 =	vadd.s32 v8, v0;
	_ =	sdelay $0x3  }
0x3e0: {  	[tilespmem:v6+s25+$0x0] =	vst.idx.msk $0xffff, v7  }
0x3e1: {  	v9 =	vadd.s32 $0x2, v2;
	v7 =	vld.idx.msk [tilespmem:v8+s23+$0x0], $0xffff  }
0x3e2: {  	v10 =	vshll.u32 v9, $0x3;
	v8 =	vld [tilespmem:$0x1FCB0]  }
0x3e3: {  	v10 =	vand.u32 $0xFFFFFC00, v10  }
0x3e4: {  	v9 =	vand.u32 $0x7F, v9;
	v10 =	vadd.s32 v3, v10  }
0x3e5: {  	v6 =	vor.u32 v9, v10  }
0x3e6: {  	v6 =	vor.u32 v4, v6  }
0x3e7: {  	v8 =	vadd.s32 v8, v0;
	_ =	sdelay $0x3  }
0x3e8: {  	[tilespmem:v6+s25+$0x0] =	vst.idx.msk $0xffff, v7  }
0x3e9: {  	v9 =	vadd.s32 $0x3, v2;
	v7 =	vld.idx.msk [tilespmem:v8+s23+$0x0], $0xffff  }
0x3ea: {  	v10 =	vshll.u32 v9, $0x3;
	v8 =	vld [tilespmem:$0x1FCC0]  }
0x3eb: {  	v10 =	vand.u32 $0xFFFFFC00, v10  }
0x3ec: {  	v9 =	vand.u32 $0x7F, v9;
	v10 =	vadd.s32 v3, v10  }
0x3ed: {  	v6 =	vor.u32 v9, v10  }
0x3ee: {  	v6 =	vor.u32 v4, v6  }
0x3ef: {  	v8 =	vadd.s32 v8, v0;
	_ =	sdelay $0x3  }
0x3f0: {  	[tilespmem:v6+s25+$0x0] =	vst.idx.msk $0xffff, v7  }
0x3f1: {  	v9 =	vadd.s32 $0x4, v2;
	v7 =	vld.idx.msk [tilespmem:v8+s23+$0x0], $0xffff  }
0x3f2: {  	v10 =	vshll.u32 v9, $0x3;
	v8 =	vld [tilespmem:$0x1FCD0]  }
0x3f3: {  	v10 =	vand.u32 $0xFFFFFC00, v10  }
0x3f4: {  	v9 =	vand.u32 $0x7F, v9;
	v10 =	vadd.s32 v3, v10  }
0x3f5: {  	v6 =	vor.u32 v9, v10  }
0x3f6: {  	v6 =	vor.u32 v4, v6  }
0x3f7: {  	v8 =	vadd.s32 v8, v0;
	_ =	sdelay $0x3  }
0x3f8: {  	[tilespmem:v6+s25+$0x0] =	vst.idx.msk $0xffff, v7  }
0x3f9: {  	v9 =	vadd.s32 $0x5, v2;
	v7 =	vld.idx.msk [tilespmem:v8+s23+$0x0], $0xffff  }
0x3fa: {  	v10 =	vshll.u32 v9, $0x3;
	v8 =	vld [tilespmem:$0x1FCE0]  }
0x3fb: {  	v10 =	vand.u32 $0xFFFFFC00, v10  }
0x3fc: {  	v9 =	vand.u32 $0x7F, v9;
	v10 =	vadd.s32 v3, v10  }
0x3fd: {  	v6 =	vor.u32 v9, v10  }
0x3fe: {  	v6 =	vor.u32 v4, v6  }
0x3ff: {  	v8 =	vadd.s32 v8, v0;
	_ =	sdelay $0x3  }
0x400: {  	[tilespmem:v6+s25+$0x0] =	vst.idx.msk $0xffff, v7  }
0x401: {  	v9 =	vadd.s32 $0x6, v2;
	v7 =	vld.idx.msk [tilespmem:v8+s23+$0x0], $0xffff  }
0x402: {  	v10 =	vshll.u32 v9, $0x3;
	v8 =	vld [tilespmem:$0x1FCF0]  }
0x403: {  	v10 =	vand.u32 $0xFFFFFC00, v10  }
0x404: {  	v9 =	vand.u32 $0x7F, v9;
	v10 =	vadd.s32 v3, v10  }
0x405: {  	v6 =	vor.u32 v9, v10  }
0x406: {  	v6 =	vor.u32 v4, v6  }
0x407: {  	v8 =	vadd.s32 v8, v0;
	_ =	sdelay $0x3  }
0x408: {  	[tilespmem:v6+s25+$0x0] =	vst.idx.msk $0xffff, v7  }
0x409: {  	v9 =	vadd.s32 $0x7, v2;
	v7 =	vld.idx.msk [tilespmem:v8+s23+$0x0], $0xffff  }
0x40a: {  	v10 =	vshll.u32 v9, $0x3;
	v8 =	vld [tilespmem:$0x1FD00]  }
0x40b: {  	v10 =	vand.u32 $0xFFFFFC00, v10  }
0x40c: {  	v9 =	vand.u32 $0x7F, v9;
	v10 =	vadd.s32 v3, v10  }
0x40d: {  	v6 =	vor.u32 v9, v10  }
0x40e: {  	v6 =	vor.u32 v4, v6  }
0x40f: {  	v8 =	vadd.s32 v8, v0;
	_ =	sdelay $0x3  }
0x410: {  	[tilespmem:v6+s25+$0x0] =	vst.idx.msk $0xffff, v7  }
0x411: {  	v9 =	vadd.s32 $0x8, v2;
	v7 =	vld.idx.msk [tilespmem:v8+s23+$0x0], $0xffff  }
0x412: {  	v10 =	vshll.u32 v9, $0x3;
	v8 =	vld [tilespmem:$0x1FD10]  }
0x413: {  	v10 =	vand.u32 $0xFFFFFC00, v10  }
0x414: {  	v9 =	vand.u32 $0x7F, v9;
	v10 =	vadd.s32 v3, v10  }
0x415: {  	v6 =	vor.u32 v9, v10  }
0x416: {  	v6 =	vor.u32 v4, v6  }
0x417: {  	v8 =	vadd.s32 v8, v0;
	_ =	sdelay $0x3  }
0x418: {  	[tilespmem:v6+s25+$0x0] =	vst.idx.msk $0xffff, v7  }
0x419: {  	v9 =	vadd.s32 $0x9, v2;
	v7 =	vld.idx.msk [tilespmem:v8+s23+$0x0], $0xffff  }
0x41a: {  	v10 =	vshll.u32 v9, $0x3;
	v8 =	vld [tilespmem:$0x1FD20]  }
0x41b: {  	v10 =	vand.u32 $0xFFFFFC00, v10  }
0x41c: {  	v9 =	vand.u32 $0x7F, v9;
	v10 =	vadd.s32 v3, v10  }
0x41d: {  	v6 =	vor.u32 v9, v10  }
0x41e: {  	v6 =	vor.u32 v4, v6  }
0x41f: {  	v8 =	vadd.s32 v8, v0;
	_ =	sdelay $0x3  }
0x420: {  	[tilespmem:v6+s25+$0x0] =	vst.idx.msk $0xffff, v7  }
0x421: {  	v9 =	vadd.s32 $0xA, v2;
	v7 =	vld.idx.msk [tilespmem:v8+s23+$0x0], $0xffff  }
0x422: {  	v10 =	vshll.u32 v9, $0x3;
	v8 =	vld [tilespmem:$0x1FD30]  }
0x423: {  	v10 =	vand.u32 $0xFFFFFC00, v10  }
0x424: {  	v9 =	vand.u32 $0x7F, v9;
	v10 =	vadd.s32 v3, v10  }
0x425: {  	v6 =	vor.u32 v9, v10  }
0x426: {  	v6 =	vor.u32 v4, v6  }
0x427: {  	v8 =	vadd.s32 v8, v0;
	_ =	sdelay $0x3  }
0x428: {  	[tilespmem:v6+s25+$0x0] =	vst.idx.msk $0xffff, v7  }
0x429: {  	v9 =	vadd.s32 $0xB, v2;
	v7 =	vld.idx.msk [tilespmem:v8+s23+$0x0], $0xffff  }
0x42a: {  	v10 =	vshll.u32 v9, $0x3;
	v8 =	vld [tilespmem:$0x1FD40]  }
0x42b: {  	v10 =	vand.u32 $0xFFFFFC00, v10  }
0x42c: {  	v9 =	vand.u32 $0x7F, v9;
	v10 =	vadd.s32 v3, v10  }
0x42d: {  	v6 =	vor.u32 v9, v10  }
0x42e: {  	v6 =	vor.u32 v4, v6  }
0x42f: {  	v8 =	vadd.s32 v8, v0;
	_ =	sdelay $0x3  }
0x430: {  	[tilespmem:v6+s25+$0x0] =	vst.idx.msk $0xffff, v7  }
0x431: {  	v9 =	vadd.s32 $0xC, v2;
	v7 =	vld.idx.msk [tilespmem:v8+s23+$0x0], $0xffff  }
0x432: {  	v10 =	vshll.u32 v9, $0x3;
	v8 =	vld [tilespmem:$0x1FD50]  }
0x433: {  	v10 =	vand.u32 $0xFFFFFC00, v10  }
0x434: {  	v9 =	vand.u32 $0x7F, v9;
	v10 =	vadd.s32 v3, v10  }
0x435: {  	v6 =	vor.u32 v9, v10  }
0x436: {  	v6 =	vor.u32 v4, v6  }
0x437: {  	v8 =	vadd.s32 v8, v0;
	_ =	sdelay $0x3  }
0x438: {  	[tilespmem:v6+s25+$0x0] =	vst.idx.msk $0xffff, v7  }
0x439: {  	v9 =	vadd.s32 $0xD, v2;
	v7 =	vld.idx.msk [tilespmem:v8+s23+$0x0], $0xffff  }
0x43a: {  	v10 =	vshll.u32 v9, $0x3;
	v8 =	vld [tilespmem:$0x1FD60]  }
0x43b: {  	v10 =	vand.u32 $0xFFFFFC00, v10  }
0x43c: {  	v9 =	vand.u32 $0x7F, v9;
	v10 =	vadd.s32 v3, v10  }
0x43d: {  	v6 =	vor.u32 v9, v10  }
0x43e: {  	v6 =	vor.u32 v4, v6  }
0x43f: {  	v8 =	vadd.s32 v8, v0;
	_ =	sdelay $0x3  }
0x440: {  	[tilespmem:v6+s25+$0x0] =	vst.idx.msk $0xffff, v7  }
0x441: {  	v9 =	vadd.s32 $0xE, v2;
	v7 =	vld.idx.msk [tilespmem:v8+s23+$0x0], $0xffff  }
0x442: {  	v10 =	vshll.u32 v9, $0x3;
	v8 =	vld [tilespmem:$0x1FD70]  }
0x443: {  	v10 =	vand.u32 $0xFFFFFC00, v10  }
0x444: {  	v9 =	vand.u32 $0x7F, v9;
	v10 =	vadd.s32 v3, v10  }
0x445: {  	v6 =	vor.u32 v9, v10  }
0x446: {  	v6 =	vor.u32 v4, v6  }
0x447: {  	v2 =	vadd.s32 $0xF, v2;
	v0 =	vadd.s32 v8, v0  }
0x448: {  	v8 =	vshll.u32 v2, $0x3  }
0x449: {  	v8 =	vand.u32 $0xFFFFFC00, v8  }
0x44a: {  	v2 =	vand.u32 $0x7F, v2;
	v3 =	vadd.s32 v3, v8  }
0x44b: {  	[tilespmem:v6+s25+$0x0] =	vst.idx.msk $0xffff, v7;
	v2 =	vor.u32 v2, v3  }
0x44c: {  	v2 =	vor.u32 v4, v2;
	v0 =	vld.idx.msk [tilespmem:v0+s23+$0x0], $0xffff;
	_ =	sdelay $0x4  }
0x44d: {  	v3 =	vld [tilespmem:$0x1FD80];
	[tilespmem:v2+s25+$0x0] =	vst.idx.msk $0xffff, v0  }
0x44e: {  	v0 =	vld [tilespmem:s30+$0x1090]  }
0x44f: {  	v4 =	vld [tilespmem:s30+$0x2090]  }
0x450: {  	v2 =	vld [tilespmem:s30+$0x3090];
	_ =	sdelay $0x4  }
0x451: {  	v6 =	vadd.s32 v3, v0;
	v3 =	vshll.u32 v4, $0x9;
	v7 =	vshll.u32 v2, $0x3  }
0x452: {  	v3 =	vand.u32 $0xFFFFF000, v3;
	v7 =	vand.u32 $0xFFFFFC00, v7  }
0x453: {  	v8 =	vand.u32 $0x7F, v2;
	v7 =	vadd.s32 v3, v7  }
0x454: {  	v7 =	vor.u32 v8, v7;
	v8 =	vld [tilespmem:$0x1FD90];
	_ =	sdelay $0x1  }
0x455: {  	v4 =	vshll.u32 v4, $0x7  }
0x456: {  	v4 =	vand.u32 $0x380, v4  }
0x457: {  	v7 =	vor.u32 v4, v7;
	v6 =	vld.idx.msk [tilespmem:v6+s23+$0x0], $0xffff  }
0x458: {  	v8 =	vadd.s32 v8, v0;
	_ =	sdelay $0x3  }
0x459: {  	[tilespmem:v7+s25+$0x0] =	vst.idx.msk $0xffff, v6  }
0x45a: {  	v9 =	vadd.s32 $0x1, v2;
	v7 =	vld.idx.msk [tilespmem:v8+s23+$0x0], $0xffff  }
0x45b: {  	v10 =	vshll.u32 v9, $0x3;
	v8 =	vld [tilespmem:$0x1FDA0]  }
0x45c: {  	v10 =	vand.u32 $0xFFFFFC00, v10  }
0x45d: {  	v9 =	vand.u32 $0x7F, v9;
	v10 =	vadd.s32 v3, v10  }
0x45e: {  	v6 =	vor.u32 v9, v10  }
0x45f: {  	v6 =	vor.u32 v4, v6  }
0x460: {  	v8 =	vadd.s32 v8, v0;
	_ =	sdelay $0x3  }
0x461: {  	[tilespmem:v6+s25+$0x0] =	vst.idx.msk $0xffff, v7  }
0x462: {  	v9 =	vadd.s32 $0x2, v2;
	v7 =	vld.idx.msk [tilespmem:v8+s23+$0x0], $0xffff  }
0x463: {  	v10 =	vshll.u32 v9, $0x3;
	v8 =	vld [tilespmem:$0x1FDB0]  }
0x464: {  	v10 =	vand.u32 $0xFFFFFC00, v10  }
0x465: {  	v9 =	vand.u32 $0x7F, v9;
	v10 =	vadd.s32 v3, v10  }
0x466: {  	v6 =	vor.u32 v9, v10  }
0x467: {  	v6 =	vor.u32 v4, v6  }
0x468: {  	v8 =	vadd.s32 v8, v0;
	_ =	sdelay $0x3  }
0x469: {  	[tilespmem:v6+s25+$0x0] =	vst.idx.msk $0xffff, v7  }
0x46a: {  	v9 =	vadd.s32 $0x3, v2;
	v7 =	vld.idx.msk [tilespmem:v8+s23+$0x0], $0xffff  }
0x46b: {  	v10 =	vshll.u32 v9, $0x3;
	v8 =	vld [tilespmem:$0x1FDC0]  }
0x46c: {  	v10 =	vand.u32 $0xFFFFFC00, v10  }
0x46d: {  	v9 =	vand.u32 $0x7F, v9;
	v10 =	vadd.s32 v3, v10  }
0x46e: {  	v6 =	vor.u32 v9, v10  }
0x46f: {  	v6 =	vor.u32 v4, v6  }
0x470: {  	v8 =	vadd.s32 v8, v0;
	_ =	sdelay $0x3  }
0x471: {  	[tilespmem:v6+s25+$0x0] =	vst.idx.msk $0xffff, v7  }
0x472: {  	v9 =	vadd.s32 $0x4, v2;
	v7 =	vld.idx.msk [tilespmem:v8+s23+$0x0], $0xffff  }
0x473: {  	v10 =	vshll.u32 v9, $0x3;
	v8 =	vld [tilespmem:$0x1FDD0]  }
0x474: {  	v10 =	vand.u32 $0xFFFFFC00, v10  }
0x475: {  	v9 =	vand.u32 $0x7F, v9;
	v10 =	vadd.s32 v3, v10  }
0x476: {  	v6 =	vor.u32 v9, v10  }
0x477: {  	v6 =	vor.u32 v4, v6  }
0x478: {  	v8 =	vadd.s32 v8, v0;
	_ =	sdelay $0x3  }
0x479: {  	[tilespmem:v6+s25+$0x0] =	vst.idx.msk $0xffff, v7  }
0x47a: {  	v9 =	vadd.s32 $0x5, v2;
	v7 =	vld.idx.msk [tilespmem:v8+s23+$0x0], $0xffff  }
0x47b: {  	v10 =	vshll.u32 v9, $0x3;
	v8 =	vld [tilespmem:$0x1FDE0]  }
0x47c: {  	v10 =	vand.u32 $0xFFFFFC00, v10  }
0x47d: {  	v9 =	vand.u32 $0x7F, v9;
	v10 =	vadd.s32 v3, v10  }
0x47e: {  	v6 =	vor.u32 v9, v10  }
0x47f: {  	v6 =	vor.u32 v4, v6  }
0x480: {  	v8 =	vadd.s32 v8, v0;
	_ =	sdelay $0x3  }
0x481: {  	[tilespmem:v6+s25+$0x0] =	vst.idx.msk $0xffff, v7  }
0x482: {  	v9 =	vadd.s32 $0x6, v2;
	v7 =	vld.idx.msk [tilespmem:v8+s23+$0x0], $0xffff  }
0x483: {  	v10 =	vshll.u32 v9, $0x3;
	v8 =	vld [tilespmem:$0x1FDF0]  }
0x484: {  	v10 =	vand.u32 $0xFFFFFC00, v10  }
0x485: {  	v9 =	vand.u32 $0x7F, v9;
	v10 =	vadd.s32 v3, v10  }
0x486: {  	v6 =	vor.u32 v9, v10  }
0x487: {  	v6 =	vor.u32 v4, v6  }
0x488: {  	v8 =	vadd.s32 v8, v0;
	_ =	sdelay $0x3  }
0x489: {  	[tilespmem:v6+s25+$0x0] =	vst.idx.msk $0xffff, v7  }
0x48a: {  	v9 =	vadd.s32 $0x7, v2;
	v7 =	vld.idx.msk [tilespmem:v8+s23+$0x0], $0xffff  }
0x48b: {  	v10 =	vshll.u32 v9, $0x3;
	v8 =	vld [tilespmem:$0x1FE00]  }
0x48c: {  	v10 =	vand.u32 $0xFFFFFC00, v10  }
0x48d: {  	v9 =	vand.u32 $0x7F, v9;
	v10 =	vadd.s32 v3, v10  }
0x48e: {  	v6 =	vor.u32 v9, v10  }
0x48f: {  	v6 =	vor.u32 v4, v6  }
0x490: {  	v8 =	vadd.s32 v8, v0;
	_ =	sdelay $0x3  }
0x491: {  	[tilespmem:v6+s25+$0x0] =	vst.idx.msk $0xffff, v7  }
0x492: {  	v9 =	vadd.s32 $0x8, v2;
	v7 =	vld.idx.msk [tilespmem:v8+s23+$0x0], $0xffff  }
0x493: {  	v10 =	vshll.u32 v9, $0x3;
	v8 =	vld [tilespmem:$0x1FE10]  }
0x494: {  	v10 =	vand.u32 $0xFFFFFC00, v10  }
0x495: {  	v9 =	vand.u32 $0x7F, v9;
	v10 =	vadd.s32 v3, v10  }
0x496: {  	v6 =	vor.u32 v9, v10  }
0x497: {  	v6 =	vor.u32 v4, v6  }
0x498: {  	v8 =	vadd.s32 v8, v0;
	_ =	sdelay $0x3  }
0x499: {  	[tilespmem:v6+s25+$0x0] =	vst.idx.msk $0xffff, v7  }
0x49a: {  	v9 =	vadd.s32 $0x9, v2;
	v7 =	vld.idx.msk [tilespmem:v8+s23+$0x0], $0xffff  }
0x49b: {  	v10 =	vshll.u32 v9, $0x3;
	v8 =	vld [tilespmem:$0x1FE20]  }
0x49c: {  	v10 =	vand.u32 $0xFFFFFC00, v10  }
0x49d: {  	v9 =	vand.u32 $0x7F, v9;
	v10 =	vadd.s32 v3, v10  }
0x49e: {  	v6 =	vor.u32 v9, v10  }
0x49f: {  	v6 =	vor.u32 v4, v6  }
0x4a0: {  	v8 =	vadd.s32 v8, v0;
	_ =	sdelay $0x3  }
0x4a1: {  	[tilespmem:v6+s25+$0x0] =	vst.idx.msk $0xffff, v7  }
0x4a2: {  	v9 =	vadd.s32 $0xA, v2;
	v7 =	vld.idx.msk [tilespmem:v8+s23+$0x0], $0xffff  }
0x4a3: {  	v10 =	vshll.u32 v9, $0x3;
	v8 =	vld [tilespmem:$0x1FE30]  }
0x4a4: {  	v10 =	vand.u32 $0xFFFFFC00, v10  }
0x4a5: {  	v9 =	vand.u32 $0x7F, v9;
	v10 =	vadd.s32 v3, v10  }
0x4a6: {  	v6 =	vor.u32 v9, v10  }
0x4a7: {  	v6 =	vor.u32 v4, v6  }
0x4a8: {  	v8 =	vadd.s32 v8, v0;
	_ =	sdelay $0x3  }
0x4a9: {  	[tilespmem:v6+s25+$0x0] =	vst.idx.msk $0xffff, v7  }
0x4aa: {  	v9 =	vadd.s32 $0xB, v2;
	v7 =	vld.idx.msk [tilespmem:v8+s23+$0x0], $0xffff  }
0x4ab: {  	v10 =	vshll.u32 v9, $0x3;
	v8 =	vld [tilespmem:$0x1FE40]  }
0x4ac: {  	v10 =	vand.u32 $0xFFFFFC00, v10  }
0x4ad: {  	v9 =	vand.u32 $0x7F, v9;
	v10 =	vadd.s32 v3, v10  }
0x4ae: {  	v6 =	vor.u32 v9, v10  }
0x4af: {  	v6 =	vor.u32 v4, v6  }
0x4b0: {  	v8 =	vadd.s32 v8, v0;
	_ =	sdelay $0x3  }
0x4b1: {  	[tilespmem:v6+s25+$0x0] =	vst.idx.msk $0xffff, v7  }
0x4b2: {  	v9 =	vadd.s32 $0xC, v2;
	v7 =	vld.idx.msk [tilespmem:v8+s23+$0x0], $0xffff  }
0x4b3: {  	v10 =	vshll.u32 v9, $0x3;
	v8 =	vld [tilespmem:$0x1FE50]  }
0x4b4: {  	v10 =	vand.u32 $0xFFFFFC00, v10  }
0x4b5: {  	v9 =	vand.u32 $0x7F, v9;
	v10 =	vadd.s32 v3, v10  }
0x4b6: {  	v6 =	vor.u32 v9, v10  }
0x4b7: {  	v6 =	vor.u32 v4, v6  }
0x4b8: {  	v8 =	vadd.s32 v8, v0;
	_ =	sdelay $0x3  }
0x4b9: {  	[tilespmem:v6+s25+$0x0] =	vst.idx.msk $0xffff, v7  }
0x4ba: {  	v9 =	vadd.s32 $0xD, v2;
	v7 =	vld.idx.msk [tilespmem:v8+s23+$0x0], $0xffff  }
0x4bb: {  	v10 =	vshll.u32 v9, $0x3;
	v8 =	vld [tilespmem:$0x1FE60]  }
0x4bc: {  	v10 =	vand.u32 $0xFFFFFC00, v10  }
0x4bd: {  	v9 =	vand.u32 $0x7F, v9;
	v10 =	vadd.s32 v3, v10  }
0x4be: {  	v6 =	vor.u32 v9, v10  }
0x4bf: {  	v6 =	vor.u32 v4, v6  }
0x4c0: {  	v8 =	vadd.s32 v8, v0;
	_ =	sdelay $0x3  }
0x4c1: {  	[tilespmem:v6+s25+$0x0] =	vst.idx.msk $0xffff, v7  }
0x4c2: {  	v9 =	vadd.s32 $0xE, v2;
	v7 =	vld.idx.msk [tilespmem:v8+s23+$0x0], $0xffff  }
0x4c3: {  	v10 =	vshll.u32 v9, $0x3;
	v8 =	vld [tilespmem:$0x1FE70]  }
0x4c4: {  	v10 =	vand.u32 $0xFFFFFC00, v10  }
0x4c5: {  	v9 =	vand.u32 $0x7F, v9;
	v10 =	vadd.s32 v3, v10  }
0x4c6: {  	v6 =	vor.u32 v9, v10  }
0x4c7: {  	v6 =	vor.u32 v4, v6  }
0x4c8: {  	v2 =	vadd.s32 $0xF, v2;
	v0 =	vadd.s32 v8, v0  }
0x4c9: {  	v8 =	vshll.u32 v2, $0x3  }
0x4ca: {  	v8 =	vand.u32 $0xFFFFFC00, v8  }
0x4cb: {  	v2 =	vand.u32 $0x7F, v2;
	v3 =	vadd.s32 v3, v8  }
0x4cc: {  	[tilespmem:v6+s25+$0x0] =	vst.idx.msk $0xffff, v7;
	v2 =	vor.u32 v2, v3  }
0x4cd: {  	v2 =	vor.u32 v4, v2;
	v0 =	vld.idx.msk [tilespmem:v0+s23+$0x0], $0xffff;
	_ =	sdelay $0x4  }
0x4ce: {  	v3 =	vld [tilespmem:$0x1FE80];
	[tilespmem:v2+s25+$0x0] =	vst.idx.msk $0xffff, v0  }
0x4cf: {  	v0 =	vld [tilespmem:s30+$0x10A0]  }
0x4d0: {  	v4 =	vld [tilespmem:s30+$0x20A0]  }
0x4d1: {  	v2 =	vld [tilespmem:s30+$0x30A0];
	_ =	sdelay $0x4  }
0x4d2: {  	v6 =	vadd.s32 v3, v0;
	v3 =	vshll.u32 v4, $0x9;
	v7 =	vshll.u32 v2, $0x3  }
0x4d3: {  	v3 =	vand.u32 $0xFFFFF000, v3;
	v7 =	vand.u32 $0xFFFFFC00, v7  }
0x4d4: {  	v8 =	vand.u32 $0x7F, v2;
	v7 =	vadd.s32 v3, v7  }
0x4d5: {  	v7 =	vor.u32 v8, v7;
	v8 =	vld [tilespmem:$0x1FE90];
	_ =	sdelay $0x1  }
0x4d6: {  	v4 =	vshll.u32 v4, $0x7  }
0x4d7: {  	v4 =	vand.u32 $0x380, v4  }
0x4d8: {  	v7 =	vor.u32 v4, v7;
	v6 =	vld.idx.msk [tilespmem:v6+s23+$0x0], $0xffff  }
0x4d9: {  	v8 =	vadd.s32 v8, v0;
	_ =	sdelay $0x3  }
0x4da: {  	[tilespmem:v7+s25+$0x0] =	vst.idx.msk $0xffff, v6  }
0x4db: {  	v9 =	vadd.s32 $0x1, v2;
	v7 =	vld.idx.msk [tilespmem:v8+s23+$0x0], $0xffff  }
0x4dc: {  	v10 =	vshll.u32 v9, $0x3;
	v8 =	vld [tilespmem:$0x1FEA0]  }
0x4dd: {  	v10 =	vand.u32 $0xFFFFFC00, v10  }
0x4de: {  	v9 =	vand.u32 $0x7F, v9;
	v10 =	vadd.s32 v3, v10  }
0x4df: {  	v6 =	vor.u32 v9, v10  }
0x4e0: {  	v6 =	vor.u32 v4, v6  }
0x4e1: {  	v8 =	vadd.s32 v8, v0;
	_ =	sdelay $0x3  }
0x4e2: {  	[tilespmem:v6+s25+$0x0] =	vst.idx.msk $0xffff, v7  }
0x4e3: {  	v9 =	vadd.s32 $0x2, v2;
	v7 =	vld.idx.msk [tilespmem:v8+s23+$0x0], $0xffff  }
0x4e4: {  	v10 =	vshll.u32 v9, $0x3;
	v8 =	vld [tilespmem:$0x1FEB0]  }
0x4e5: {  	v10 =	vand.u32 $0xFFFFFC00, v10  }
0x4e6: {  	v9 =	vand.u32 $0x7F, v9;
	v10 =	vadd.s32 v3, v10  }
0x4e7: {  	v6 =	vor.u32 v9, v10  }
0x4e8: {  	v6 =	vor.u32 v4, v6  }
0x4e9: {  	v8 =	vadd.s32 v8, v0;
	_ =	sdelay $0x3  }
0x4ea: {  	[tilespmem:v6+s25+$0x0] =	vst.idx.msk $0xffff, v7  }
0x4eb: {  	v9 =	vadd.s32 $0x3, v2;
	v7 =	vld.idx.msk [tilespmem:v8+s23+$0x0], $0xffff  }
0x4ec: {  	v10 =	vshll.u32 v9, $0x3;
	v8 =	vld [tilespmem:$0x1FEC0]  }
0x4ed: {  	v10 =	vand.u32 $0xFFFFFC00, v10  }
0x4ee: {  	v9 =	vand.u32 $0x7F, v9;
	v10 =	vadd.s32 v3, v10  }
0x4ef: {  	v6 =	vor.u32 v9, v10  }
0x4f0: {  	v6 =	vor.u32 v4, v6  }
0x4f1: {  	v8 =	vadd.s32 v8, v0;
	_ =	sdelay $0x3  }
0x4f2: {  	[tilespmem:v6+s25+$0x0] =	vst.idx.msk $0xffff, v7  }
0x4f3: {  	v9 =	vadd.s32 $0x4, v2;
	v7 =	vld.idx.msk [tilespmem:v8+s23+$0x0], $0xffff  }
0x4f4: {  	v10 =	vshll.u32 v9, $0x3;
	v8 =	vld [tilespmem:$0x1FED0]  }
0x4f5: {  	v10 =	vand.u32 $0xFFFFFC00, v10  }
0x4f6: {  	v9 =	vand.u32 $0x7F, v9;
	v10 =	vadd.s32 v3, v10  }
0x4f7: {  	v6 =	vor.u32 v9, v10  }
0x4f8: {  	v6 =	vor.u32 v4, v6  }
0x4f9: {  	v8 =	vadd.s32 v8, v0;
	_ =	sdelay $0x3  }
0x4fa: {  	[tilespmem:v6+s25+$0x0] =	vst.idx.msk $0xffff, v7  }
0x4fb: {  	v9 =	vadd.s32 $0x5, v2;
	v7 =	vld.idx.msk [tilespmem:v8+s23+$0x0], $0xffff  }
0x4fc: {  	v10 =	vshll.u32 v9, $0x3;
	v8 =	vld [tilespmem:$0x1FEE0]  }
0x4fd: {  	v10 =	vand.u32 $0xFFFFFC00, v10  }
0x4fe: {  	v9 =	vand.u32 $0x7F, v9;
	v10 =	vadd.s32 v3, v10  }
0x4ff: {  	v6 =	vor.u32 v9, v10  }
0x500: {  	v6 =	vor.u32 v4, v6  }
0x501: {  	v8 =	vadd.s32 v8, v0;
	_ =	sdelay $0x3  }
0x502: {  	[tilespmem:v6+s25+$0x0] =	vst.idx.msk $0xffff, v7  }
0x503: {  	v9 =	vadd.s32 $0x6, v2;
	v7 =	vld.idx.msk [tilespmem:v8+s23+$0x0], $0xffff  }
0x504: {  	v10 =	vshll.u32 v9, $0x3;
	v8 =	vld [tilespmem:$0x1FEF0]  }
0x505: {  	v10 =	vand.u32 $0xFFFFFC00, v10  }
0x506: {  	v9 =	vand.u32 $0x7F, v9;
	v10 =	vadd.s32 v3, v10  }
0x507: {  	v6 =	vor.u32 v9, v10  }
0x508: {  	v6 =	vor.u32 v4, v6  }
0x509: {  	v8 =	vadd.s32 v8, v0;
	_ =	sdelay $0x3  }
0x50a: {  	[tilespmem:v6+s25+$0x0] =	vst.idx.msk $0xffff, v7  }
0x50b: {  	v9 =	vadd.s32 $0x7, v2;
	v7 =	vld.idx.msk [tilespmem:v8+s23+$0x0], $0xffff  }
0x50c: {  	v10 =	vshll.u32 v9, $0x3;
	v8 =	vld [tilespmem:$0x1FF00]  }
0x50d: {  	v10 =	vand.u32 $0xFFFFFC00, v10  }
0x50e: {  	v9 =	vand.u32 $0x7F, v9;
	v10 =	vadd.s32 v3, v10  }
0x50f: {  	v6 =	vor.u32 v9, v10  }
0x510: {  	v6 =	vor.u32 v4, v6  }
0x511: {  	v8 =	vadd.s32 v8, v0;
	_ =	sdelay $0x3  }
0x512: {  	[tilespmem:v6+s25+$0x0] =	vst.idx.msk $0xffff, v7  }
0x513: {  	v9 =	vadd.s32 $0x8, v2;
	v7 =	vld.idx.msk [tilespmem:v8+s23+$0x0], $0xffff  }
0x514: {  	v10 =	vshll.u32 v9, $0x3;
	v8 =	vld [tilespmem:$0x1FF10]  }
0x515: {  	v10 =	vand.u32 $0xFFFFFC00, v10  }
0x516: {  	v9 =	vand.u32 $0x7F, v9;
	v10 =	vadd.s32 v3, v10  }
0x517: {  	v6 =	vor.u32 v9, v10  }
0x518: {  	v6 =	vor.u32 v4, v6  }
0x519: {  	v8 =	vadd.s32 v8, v0;
	_ =	sdelay $0x3  }
0x51a: {  	[tilespmem:v6+s25+$0x0] =	vst.idx.msk $0xffff, v7  }
0x51b: {  	v9 =	vadd.s32 $0x9, v2;
	v7 =	vld.idx.msk [tilespmem:v8+s23+$0x0], $0xffff  }
0x51c: {  	v10 =	vshll.u32 v9, $0x3;
	v8 =	vld [tilespmem:$0x1FF20]  }
0x51d: {  	v10 =	vand.u32 $0xFFFFFC00, v10  }
0x51e: {  	v9 =	vand.u32 $0x7F, v9;
	v10 =	vadd.s32 v3, v10  }
0x51f: {  	v6 =	vor.u32 v9, v10  }
0x520: {  	v6 =	vor.u32 v4, v6  }
0x521: {  	v8 =	vadd.s32 v8, v0;
	_ =	sdelay $0x3  }
0x522: {  	[tilespmem:v6+s25+$0x0] =	vst.idx.msk $0xffff, v7  }
0x523: {  	v9 =	vadd.s32 $0xA, v2;
	v7 =	vld.idx.msk [tilespmem:v8+s23+$0x0], $0xffff  }
0x524: {  	v10 =	vshll.u32 v9, $0x3;
	v8 =	vld [tilespmem:$0x1FF30]  }
0x525: {  	v10 =	vand.u32 $0xFFFFFC00, v10  }
0x526: {  	v9 =	vand.u32 $0x7F, v9;
	v10 =	vadd.s32 v3, v10  }
0x527: {  	v6 =	vor.u32 v9, v10  }
0x528: {  	v6 =	vor.u32 v4, v6  }
0x529: {  	v8 =	vadd.s32 v8, v0;
	_ =	sdelay $0x3  }
0x52a: {  	[tilespmem:v6+s25+$0x0] =	vst.idx.msk $0xffff, v7  }
0x52b: {  	v9 =	vadd.s32 $0xB, v2;
	v7 =	vld.idx.msk [tilespmem:v8+s23+$0x0], $0xffff  }
0x52c: {  	v10 =	vshll.u32 v9, $0x3;
	v8 =	vld [tilespmem:$0x1FF40]  }
0x52d: {  	v10 =	vand.u32 $0xFFFFFC00, v10  }
0x52e: {  	v9 =	vand.u32 $0x7F, v9;
	v10 =	vadd.s32 v3, v10  }
0x52f: {  	v6 =	vor.u32 v9, v10  }
0x530: {  	v6 =	vor.u32 v4, v6  }
0x531: {  	v8 =	vadd.s32 v8, v0;
	_ =	sdelay $0x3  }
0x532: {  	[tilespmem:v6+s25+$0x0] =	vst.idx.msk $0xffff, v7  }
0x533: {  	v9 =	vadd.s32 $0xC, v2;
	v7 =	vld.idx.msk [tilespmem:v8+s23+$0x0], $0xffff  }
0x534: {  	v10 =	vshll.u32 v9, $0x3;
	v8 =	vld [tilespmem:$0x1FF50]  }
0x535: {  	v10 =	vand.u32 $0xFFFFFC00, v10  }
0x536: {  	v9 =	vand.u32 $0x7F, v9;
	v10 =	vadd.s32 v3, v10  }
0x537: {  	v6 =	vor.u32 v9, v10  }
0x538: {  	v6 =	vor.u32 v4, v6  }
0x539: {  	v8 =	vadd.s32 v8, v0;
	_ =	sdelay $0x3  }
0x53a: {  	[tilespmem:v6+s25+$0x0] =	vst.idx.msk $0xffff, v7  }
0x53b: {  	v9 =	vadd.s32 $0xD, v2;
	v7 =	vld.idx.msk [tilespmem:v8+s23+$0x0], $0xffff  }
0x53c: {  	v10 =	vshll.u32 v9, $0x3;
	v8 =	vld [tilespmem:$0x1FF60]  }
0x53d: {  	v10 =	vand.u32 $0xFFFFFC00, v10  }
0x53e: {  	v9 =	vand.u32 $0x7F, v9;
	v10 =	vadd.s32 v3, v10  }
0x53f: {  	v6 =	vor.u32 v9, v10  }
0x540: {  	v6 =	vor.u32 v4, v6  }
0x541: {  	v8 =	vadd.s32 v8, v0;
	_ =	sdelay $0x3  }
0x542: {  	[tilespmem:v6+s25+$0x0] =	vst.idx.msk $0xffff, v7  }
0x543: {  	v9 =	vadd.s32 $0xE, v2;
	v7 =	vld.idx.msk [tilespmem:v8+s23+$0x0], $0xffff  }
0x544: {  	v10 =	vshll.u32 v9, $0x3;
	v8 =	vld [tilespmem:$0x1FF70]  }
0x545: {  	v10 =	vand.u32 $0xFFFFFC00, v10  }
0x546: {  	v9 =	vand.u32 $0x7F, v9;
	v10 =	vadd.s32 v3, v10  }
0x547: {  	v6 =	vor.u32 v9, v10  }
0x548: {  	v6 =	vor.u32 v4, v6  }
0x549: {  	v2 =	vadd.s32 $0xF, v2;
	v0 =	vadd.s32 v8, v0  }
0x54a: {  	v8 =	vshll.u32 v2, $0x3  }
0x54b: {  	v8 =	vand.u32 $0xFFFFFC00, v8  }
0x54c: {  	v2 =	vand.u32 $0x7F, v2;
	v3 =	vadd.s32 v3, v8  }
0x54d: {  	[tilespmem:v6+s25+$0x0] =	vst.idx.msk $0xffff, v7;
	v2 =	vor.u32 v2, v3  }
0x54e: {  	v2 =	vor.u32 v4, v2;
	v0 =	vld.idx.msk [tilespmem:v0+s23+$0x0], $0xffff;
	_ =	sdelay $0x4  }
0x54f: {  	v3 =	vld [tilespmem:$0x1FF80];
	[tilespmem:v2+s25+$0x0] =	vst.idx.msk $0xffff, v0  }
0x550: {  	v0 =	vld [tilespmem:s30+$0x10B0]  }
0x551: {  	v4 =	vld [tilespmem:s30+$0x20B0]  }
0x552: {  	v2 =	vld [tilespmem:s30+$0x30B0];
	_ =	sdelay $0x4  }
0x553: {  	v6 =	vadd.s32 v3, v0;
	v3 =	vshll.u32 v4, $0x9;
	v7 =	vshll.u32 v2, $0x3  }
0x554: {  	v3 =	vand.u32 $0xFFFFF000, v3;
	v7 =	vand.u32 $0xFFFFFC00, v7  }
0x555: {  	v8 =	vand.u32 $0x7F, v2;
	v7 =	vadd.s32 v3, v7  }
0x556: {  	v7 =	vor.u32 v8, v7;
	v8 =	vld [tilespmem:$0x1FF90];
	_ =	sdelay $0x1  }
0x557: {  	v4 =	vshll.u32 v4, $0x7  }
0x558: {  	v4 =	vand.u32 $0x380, v4  }
0x559: {  	v7 =	vor.u32 v4, v7;
	v6 =	vld.idx.msk [tilespmem:v6+s23+$0x0], $0xffff  }
0x55a: {  	v8 =	vadd.s32 v8, v0;
	_ =	sdelay $0x3  }
0x55b: {  	[tilespmem:v7+s25+$0x0] =	vst.idx.msk $0xffff, v6  }
0x55c: {  	v9 =	vadd.s32 $0x1, v2;
	v7 =	vld.idx.msk [tilespmem:v8+s23+$0x0], $0xffff  }
0x55d: {  	v10 =	vshll.u32 v9, $0x3;
	v8 =	vld [tilespmem:$0x1FFA0]  }
0x55e: {  	v10 =	vand.u32 $0xFFFFFC00, v10  }
0x55f: {  	v9 =	vand.u32 $0x7F, v9;
	v10 =	vadd.s32 v3, v10  }
0x560: {  	v6 =	vor.u32 v9, v10  }
0x561: {  	v6 =	vor.u32 v4, v6  }
0x562: {  	v8 =	vadd.s32 v8, v0;
	_ =	sdelay $0x3  }
0x563: {  	[tilespmem:v6+s25+$0x0] =	vst.idx.msk $0xffff, v7  }
0x564: {  	v9 =	vadd.s32 $0x2, v2;
	v7 =	vld.idx.msk [tilespmem:v8+s23+$0x0], $0xffff  }
0x565: {  	v10 =	vshll.u32 v9, $0x3;
	v8 =	vld [tilespmem:$0x1FFB0]  }
0x566: {  	v10 =	vand.u32 $0xFFFFFC00, v10  }
0x567: {  	v9 =	vand.u32 $0x7F, v9;
	v10 =	vadd.s32 v3, v10  }
0x568: {  	v6 =	vor.u32 v9, v10  }
0x569: {  	v6 =	vor.u32 v4, v6  }
0x56a: {  	v8 =	vadd.s32 v8, v0;
	_ =	sdelay $0x3  }
0x56b: {  	[tilespmem:v6+s25+$0x0] =	vst.idx.msk $0xffff, v7  }
0x56c: {  	v9 =	vadd.s32 $0x3, v2;
	v7 =	vld.idx.msk [tilespmem:v8+s23+$0x0], $0xffff  }
0x56d: {  	v10 =	vshll.u32 v9, $0x3;
	v8 =	vld [tilespmem:$0x1FFC0]  }
0x56e: {  	v10 =	vand.u32 $0xFFFFFC00, v10  }
0x56f: {  	v9 =	vand.u32 $0x7F, v9;
	v10 =	vadd.s32 v3, v10  }
0x570: {  	v6 =	vor.u32 v9, v10  }
0x571: {  	v6 =	vor.u32 v4, v6  }
0x572: {  	v8 =	vadd.s32 v8, v0;
	_ =	sdelay $0x3  }
0x573: {  	[tilespmem:v6+s25+$0x0] =	vst.idx.msk $0xffff, v7  }
0x574: {  	v9 =	vadd.s32 $0x4, v2;
	v7 =	vld.idx.msk [tilespmem:v8+s23+$0x0], $0xffff  }
0x575: {  	v10 =	vshll.u32 v9, $0x3;
	v8 =	vld [tilespmem:$0x1FFD0]  }
0x576: {  	v10 =	vand.u32 $0xFFFFFC00, v10  }
0x577: {  	v9 =	vand.u32 $0x7F, v9;
	v10 =	vadd.s32 v3, v10  }
0x578: {  	v6 =	vor.u32 v9, v10  }
0x579: {  	v6 =	vor.u32 v4, v6  }
0x57a: {  	v8 =	vadd.s32 v8, v0;
	_ =	sdelay $0x3  }
0x57b: {  	[tilespmem:v6+s25+$0x0] =	vst.idx.msk $0xffff, v7  }
0x57c: {  	v9 =	vadd.s32 $0x5, v2;
	v7 =	vld.idx.msk [tilespmem:v8+s23+$0x0], $0xffff  }
0x57d: {  	v10 =	vshll.u32 v9, $0x3;
	v8 =	vld [tilespmem:$0x1FFE0]  }
0x57e: {  	v10 =	vand.u32 $0xFFFFFC00, v10  }
0x57f: {  	v9 =	vand.u32 $0x7F, v9;
	v10 =	vadd.s32 v3, v10  }
0x580: {  	v6 =	vor.u32 v9, v10  }
0x581: {  	v6 =	vor.u32 v4, v6  }
0x582: {  	v8 =	vadd.s32 v8, v0;
	_ =	sdelay $0x3  }
0x583: {  	[tilespmem:v6+s25+$0x0] =	vst.idx.msk $0xffff, v7  }
0x584: {  	v9 =	vadd.s32 $0x6, v2;
	v7 =	vld.idx.msk [tilespmem:v8+s23+$0x0], $0xffff  }
0x585: {  	v10 =	vshll.u32 v9, $0x3;
	v8 =	vld [tilespmem:$0x1FFF0]  }
0x586: {  	v10 =	vand.u32 $0xFFFFFC00, v10  }
0x587: {  	v9 =	vand.u32 $0x7F, v9;
	v10 =	vadd.s32 v3, v10  }
0x588: {  	v6 =	vor.u32 v9, v10  }
0x589: {  	v6 =	vor.u32 v4, v6  }
0x58a: {  	v8 =	vadd.s32 v8, v0;
	_ =	sdelay $0x3  }
0x58b: {  	[tilespmem:v6+s25+$0x0] =	vst.idx.msk $0xffff, v7  }
0x58c: {  	v9 =	vadd.s32 $0x7, v2;
	v7 =	vld.idx.msk [tilespmem:v8+s23+$0x0], $0xffff  }
0x58d: {  	v10 =	vshll.u32 v9, $0x3;
	v8 =	vld [tilespmem:$0x1FC10]  }
0x58e: {  	v10 =	vand.u32 $0xFFFFFC00, v10  }
0x58f: {  	v9 =	vand.u32 $0x7F, v9;
	v10 =	vadd.s32 v3, v10  }
0x590: {  	v6 =	vor.u32 v9, v10  }
0x591: {  	v6 =	vor.u32 v4, v6  }
0x592: {  	v8 =	vadd.s32 v8, v0;
	_ =	sdelay $0x3  }
0x593: {  	[tilespmem:v6+s25+$0x0] =	vst.idx.msk $0xffff, v7  }
0x594: {  	v9 =	vadd.s32 $0x8, v2;
	v7 =	vld.idx.msk [tilespmem:v8+s23+$0x0], $0xffff  }
0x595: {  	v10 =	vshll.u32 v9, $0x3;
	v8 =	vld [tilespmem:$0x1FC20]  }
0x596: {  	v10 =	vand.u32 $0xFFFFFC00, v10  }
0x597: {  	v9 =	vand.u32 $0x7F, v9;
	v10 =	vadd.s32 v3, v10  }
0x598: {  	v6 =	vor.u32 v9, v10  }
0x599: {  	v6 =	vor.u32 v4, v6  }
0x59a: {  	v8 =	vadd.s32 v8, v0;
	_ =	sdelay $0x3  }
0x59b: {  	[tilespmem:v6+s25+$0x0] =	vst.idx.msk $0xffff, v7  }
0x59c: {  	v9 =	vadd.s32 $0x9, v2;
	v7 =	vld.idx.msk [tilespmem:v8+s23+$0x0], $0xffff  }
0x59d: {  	v10 =	vshll.u32 v9, $0x3;
	v8 =	vld [tilespmem:$0x1FC30]  }
0x59e: {  	v10 =	vand.u32 $0xFFFFFC00, v10  }
0x59f: {  	v9 =	vand.u32 $0x7F, v9;
	v10 =	vadd.s32 v3, v10  }
0x5a0: {  	v6 =	vor.u32 v9, v10  }
0x5a1: {  	v6 =	vor.u32 v4, v6  }
0x5a2: {  	v8 =	vadd.s32 v8, v0;
	_ =	sdelay $0x3  }
0x5a3: {  	[tilespmem:v6+s25+$0x0] =	vst.idx.msk $0xffff, v7  }
0x5a4: {  	v9 =	vadd.s32 $0xA, v2;
	v7 =	vld.idx.msk [tilespmem:v8+s23+$0x0], $0xffff  }
0x5a5: {  	v10 =	vshll.u32 v9, $0x3;
	v8 =	vld [tilespmem:$0x1FC40]  }
0x5a6: {  	v10 =	vand.u32 $0xFFFFFC00, v10  }
0x5a7: {  	v9 =	vand.u32 $0x7F, v9;
	v10 =	vadd.s32 v3, v10  }
0x5a8: {  	v6 =	vor.u32 v9, v10  }
0x5a9: {  	v6 =	vor.u32 v4, v6  }
0x5aa: {  	v8 =	vadd.s32 v8, v0;
	_ =	sdelay $0x3  }
0x5ab: {  	[tilespmem:v6+s25+$0x0] =	vst.idx.msk $0xffff, v7  }
0x5ac: {  	v9 =	vadd.s32 $0xB, v2;
	v7 =	vld.idx.msk [tilespmem:v8+s23+$0x0], $0xffff  }
0x5ad: {  	v10 =	vshll.u32 v9, $0x3;
	v8 =	vld [tilespmem:$0x1FC50]  }
0x5ae: {  	v10 =	vand.u32 $0xFFFFFC00, v10  }
0x5af: {  	v9 =	vand.u32 $0x7F, v9;
	v10 =	vadd.s32 v3, v10  }
0x5b0: {  	v6 =	vor.u32 v9, v10  }
0x5b1: {  	v6 =	vor.u32 v4, v6  }
0x5b2: {  	v8 =	vadd.s32 v8, v0;
	_ =	sdelay $0x3  }
0x5b3: {  	[tilespmem:v6+s25+$0x0] =	vst.idx.msk $0xffff, v7  }
0x5b4: {  	v9 =	vadd.s32 $0xC, v2;
	v7 =	vld.idx.msk [tilespmem:v8+s23+$0x0], $0xffff  }
0x5b5: {  	v10 =	vshll.u32 v9, $0x3;
	v8 =	vld [tilespmem:$0x1FC60]  }
0x5b6: {  	v10 =	vand.u32 $0xFFFFFC00, v10  }
0x5b7: {  	v9 =	vand.u32 $0x7F, v9;
	v10 =	vadd.s32 v3, v10  }
0x5b8: {  	v6 =	vor.u32 v9, v10  }
0x5b9: {  	v6 =	vor.u32 v4, v6  }
0x5ba: {  	v8 =	vadd.s32 v8, v0;
	_ =	sdelay $0x3  }
0x5bb: {  	[tilespmem:v6+s25+$0x0] =	vst.idx.msk $0xffff, v7  }
0x5bc: {  	v9 =	vadd.s32 $0xD, v2;
	v7 =	vld.idx.msk [tilespmem:v8+s23+$0x0], $0xffff  }
0x5bd: {  	v10 =	vshll.u32 v9, $0x3;
	v8 =	vld [tilespmem:$0x1FC70]  }
0x5be: {  	v10 =	vand.u32 $0xFFFFFC00, v10  }
0x5bf: {  	v9 =	vand.u32 $0x7F, v9;
	v10 =	vadd.s32 v3, v10  }
0x5c0: {  	v6 =	vor.u32 v9, v10  }
0x5c1: {  	v6 =	vor.u32 v4, v6  }
0x5c2: {  	v8 =	vadd.s32 v8, v0;
	_ =	sdelay $0x3  }
0x5c3: {  	[tilespmem:v6+s25+$0x0] =	vst.idx.msk $0xffff, v7  }
0x5c4: {  	v9 =	vadd.s32 $0xE, v2;
	v7 =	vld.idx.msk [tilespmem:v8+s23+$0x0], $0xffff  }
0x5c5: {  	v10 =	vshll.u32 v9, $0x3;
	v8 =	vld [tilespmem:$0x1FC80]  }
0x5c6: {  	v10 =	vand.u32 $0xFFFFFC00, v10  }
0x5c7: {  	v9 =	vand.u32 $0x7F, v9;
	v10 =	vadd.s32 v3, v10  }
0x5c8: {  	v6 =	vor.u32 v9, v10  }
0x5c9: {  	v6 =	vor.u32 v4, v6  }
0x5ca: {  	v2 =	vadd.s32 $0xF, v2;
	v0 =	vadd.s32 v8, v0  }
0x5cb: {  	v8 =	vshll.u32 v2, $0x3  }
0x5cc: {  	v8 =	vand.u32 $0xFFFFFC00, v8  }
0x5cd: {  	v2 =	vand.u32 $0x7F, v2;
	v3 =	vadd.s32 v3, v8  }
0x5ce: {  	[tilespmem:v6+s25+$0x0] =	vst.idx.msk $0xffff, v7;
	v2 =	vor.u32 v2, v3  }
0x5cf: {  	v2 =	vor.u32 v4, v2;
	v0 =	vld.idx.msk [tilespmem:v0+s23+$0x0], $0xffff;
	_ =	sdelay $0x4  }
0x5d0: {  	v3 =	vld [tilespmem:$0x1FB70];
	[tilespmem:v2+s25+$0x0] =	vst.idx.msk $0xffff, v0  }
0x5d1: {  	v0 =	vld [tilespmem:s30+$0x10C0]  }
0x5d2: {  	v4 =	vld [tilespmem:s30+$0x20C0]  }
0x5d3: {  	v2 =	vld [tilespmem:s30+$0x30C0];
	_ =	sdelay $0x4  }
0x5d4: {  	v6 =	vadd.s32 v3, v0;
	v3 =	vshll.u32 v4, $0x9;
	v7 =	vshll.u32 v2, $0x3  }
0x5d5: {  	v3 =	vand.u32 $0xFFFFF000, v3;
	v7 =	vand.u32 $0xFFFFFC00, v7  }
0x5d6: {  	v8 =	vand.u32 $0x7F, v2;
	v7 =	vadd.s32 v3, v7  }
0x5d7: {  	v7 =	vor.u32 v8, v7;
	v8 =	vld [tilespmem:$0x1FB80];
	_ =	sdelay $0x1  }
0x5d8: {  	v4 =	vshll.u32 v4, $0x7  }
0x5d9: {  	v4 =	vand.u32 $0x380, v4  }
0x5da: {  	v7 =	vor.u32 v4, v7;
	v6 =	vld.idx.msk [tilespmem:v6+s23+$0x0], $0xffff  }
0x5db: {  	v8 =	vadd.s32 v8, v0;
	_ =	sdelay $0x3  }
0x5dc: {  	[tilespmem:v7+s25+$0x0] =	vst.idx.msk $0xffff, v6  }
0x5dd: {  	v9 =	vadd.s32 $0x1, v2;
	v7 =	vld.idx.msk [tilespmem:v8+s23+$0x0], $0xffff  }
0x5de: {  	v10 =	vshll.u32 v9, $0x3;
	v8 =	vld [tilespmem:$0x1FB90]  }
0x5df: {  	v10 =	vand.u32 $0xFFFFFC00, v10  }
0x5e0: {  	v9 =	vand.u32 $0x7F, v9;
	v10 =	vadd.s32 v3, v10  }
0x5e1: {  	v6 =	vor.u32 v9, v10  }
0x5e2: {  	v6 =	vor.u32 v4, v6  }
0x5e3: {  	v8 =	vadd.s32 v8, v0;
	_ =	sdelay $0x3  }
0x5e4: {  	[tilespmem:v6+s25+$0x0] =	vst.idx.msk $0xffff, v7  }
0x5e5: {  	v9 =	vadd.s32 $0x2, v2;
	v7 =	vld.idx.msk [tilespmem:v8+s23+$0x0], $0xffff  }
0x5e6: {  	v10 =	vshll.u32 v9, $0x3;
	v8 =	vld [tilespmem:$0x1FBA0]  }
0x5e7: {  	v10 =	vand.u32 $0xFFFFFC00, v10  }
0x5e8: {  	v9 =	vand.u32 $0x7F, v9;
	v10 =	vadd.s32 v3, v10  }
0x5e9: {  	v6 =	vor.u32 v9, v10  }
0x5ea: {  	v6 =	vor.u32 v4, v6  }
0x5eb: {  	v8 =	vadd.s32 v8, v0;
	_ =	sdelay $0x3  }
0x5ec: {  	[tilespmem:v6+s25+$0x0] =	vst.idx.msk $0xffff, v7  }
0x5ed: {  	v9 =	vadd.s32 $0x3, v2;
	v7 =	vld.idx.msk [tilespmem:v8+s23+$0x0], $0xffff  }
0x5ee: {  	v10 =	vshll.u32 v9, $0x3;
	v8 =	vld [tilespmem:$0x1FBB0]  }
0x5ef: {  	v10 =	vand.u32 $0xFFFFFC00, v10  }
0x5f0: {  	v9 =	vand.u32 $0x7F, v9;
	v10 =	vadd.s32 v3, v10  }
0x5f1: {  	v6 =	vor.u32 v9, v10  }
0x5f2: {  	v6 =	vor.u32 v4, v6  }
0x5f3: {  	v8 =	vadd.s32 v8, v0;
	_ =	sdelay $0x3  }
0x5f4: {  	[tilespmem:v6+s25+$0x0] =	vst.idx.msk $0xffff, v7  }
0x5f5: {  	v9 =	vadd.s32 $0x4, v2;
	v7 =	vld.idx.msk [tilespmem:v8+s23+$0x0], $0xffff  }
0x5f6: {  	v10 =	vshll.u32 v9, $0x3;
	v8 =	vld [tilespmem:$0x1FBC0]  }
0x5f7: {  	v10 =	vand.u32 $0xFFFFFC00, v10  }
0x5f8: {  	v9 =	vand.u32 $0x7F, v9;
	v10 =	vadd.s32 v3, v10  }
0x5f9: {  	v6 =	vor.u32 v9, v10  }
0x5fa: {  	v6 =	vor.u32 v4, v6  }
0x5fb: {  	v8 =	vadd.s32 v8, v0;
	_ =	sdelay $0x3  }
0x5fc: {  	[tilespmem:v6+s25+$0x0] =	vst.idx.msk $0xffff, v7  }
0x5fd: {  	v9 =	vadd.s32 $0x5, v2;
	v7 =	vld.idx.msk [tilespmem:v8+s23+$0x0], $0xffff  }
0x5fe: {  	v10 =	vshll.u32 v9, $0x3;
	v8 =	vld [tilespmem:$0x1FBD0]  }
0x5ff: {  	v10 =	vand.u32 $0xFFFFFC00, v10  }
0x600: {  	v9 =	vand.u32 $0x7F, v9;
	v10 =	vadd.s32 v3, v10  }
0x601: {  	v6 =	vor.u32 v9, v10  }
0x602: {  	v6 =	vor.u32 v4, v6  }
0x603: {  	v8 =	vadd.s32 v8, v0;
	_ =	sdelay $0x3  }
0x604: {  	[tilespmem:v6+s25+$0x0] =	vst.idx.msk $0xffff, v7  }
0x605: {  	v9 =	vadd.s32 $0x6, v2;
	v7 =	vld.idx.msk [tilespmem:v8+s23+$0x0], $0xffff  }
0x606: {  	v10 =	vshll.u32 v9, $0x3;
	v8 =	vld [tilespmem:$0x1FBE0]  }
0x607: {  	v10 =	vand.u32 $0xFFFFFC00, v10  }
0x608: {  	v9 =	vand.u32 $0x7F, v9;
	v10 =	vadd.s32 v3, v10  }
0x609: {  	v6 =	vor.u32 v9, v10  }
0x60a: {  	v6 =	vor.u32 v4, v6  }
0x60b: {  	v8 =	vadd.s32 v8, v0;
	_ =	sdelay $0x3  }
0x60c: {  	[tilespmem:v6+s25+$0x0] =	vst.idx.msk $0xffff, v7  }
0x60d: {  	v9 =	vadd.s32 $0x7, v2;
	v7 =	vld.idx.msk [tilespmem:v8+s23+$0x0], $0xffff  }
0x60e: {  	v10 =	vshll.u32 v9, $0x3;
	v8 =	vld [tilespmem:$0x1FBF0]  }
0x60f: {  	v10 =	vand.u32 $0xFFFFFC00, v10  }
0x610: {  	v9 =	vand.u32 $0x7F, v9;
	v10 =	vadd.s32 v3, v10  }
0x611: {  	v6 =	vor.u32 v9, v10  }
0x612: {  	v6 =	vor.u32 v4, v6  }
0x613: {  	v8 =	vadd.s32 v8, v0;
	_ =	sdelay $0x3  }
0x614: {  	[tilespmem:v6+s25+$0x0] =	vst.idx.msk $0xffff, v7  }
0x615: {  	v9 =	vadd.s32 $0x8, v2;
	v7 =	vld.idx.msk [tilespmem:v8+s23+$0x0], $0xffff  }
0x616: {  	v10 =	vshll.u32 v9, $0x3;
	v8 =	vld [tilespmem:$0x1FC00]  }
0x617: {  	v10 =	vand.u32 $0xFFFFFC00, v10  }
0x618: {  	v9 =	vand.u32 $0x7F, v9;
	v10 =	vadd.s32 v3, v10  }
0x619: {  	v6 =	vor.u32 v9, v10  }
0x61a: {  	v6 =	vor.u32 v4, v6  }
0x61b: {  	v9 =	vadd.s32 $0x9, v2;
	v8 =	vadd.s32 v8, v0  }
0x61c: {  	v10 =	vshll.u32 v9, $0x3  }
0x61d: {  	v10 =	vand.u32 $0xFFFFFC00, v10  }
0x61e: {  	v9 =	vand.u32 $0x7F, v9;
	v10 =	vadd.s32 v3, v10  }
0x61f: {  	[tilespmem:v6+s25+$0x0] =	vst.idx.msk $0xffff, v7;
	v6 =	vor.u32 v9, v10  }
0x620: {  	v6 =	vor.u32 v4, v6;
	v7 =	vld.idx.msk [tilespmem:v8+s23+$0x0], $0xffff  }
0x621: {  	v9 =	vadd.s32 $0xA, v2;
	v8 =	vadd.s32 v11, v0  }
0x622: {  	v10 =	vshll.u32 v9, $0x3  }
0x623: {  	v10 =	vand.u32 $0xFFFFFC00, v10  }
0x624: {  	v9 =	vand.u32 $0x7F, v9;
	v10 =	vadd.s32 v3, v10  }
0x625: {  	[tilespmem:v6+s25+$0x0] =	vst.idx.msk $0xffff, v7;
	v6 =	vor.u32 v9, v10  }
0x626: {  	v7 =	vld.idx.msk [tilespmem:v8+s23+$0x0], $0xffff;
	v6 =	vor.u32 v4, v6  }
0x627: {  	v9 =	vadd.s32 $0xB, v2;
	v8 =	vadd.s32 v12, v0  }
0x628: {  	v10 =	vshll.u32 v9, $0x3  }
0x629: {  	v10 =	vand.u32 $0xFFFFFC00, v10  }
0x62a: {  	v9 =	vand.u32 $0x7F, v9;
	v10 =	vadd.s32 v3, v10  }
0x62b: {  	[tilespmem:v6+s25+$0x0] =	vst.idx.msk $0xffff, v7;
	v6 =	vor.u32 v9, v10  }
0x62c: {  	v7 =	vld.idx.msk [tilespmem:v8+s23+$0x0], $0xffff;
	v6 =	vor.u32 v4, v6  }
0x62d: {  	v9 =	vadd.s32 $0xC, v2;
	v8 =	vadd.s32 v13, v0  }
0x62e: {  	v10 =	vshll.u32 v9, $0x3  }
0x62f: {  	v10 =	vand.u32 $0xFFFFFC00, v10  }
0x630: {  	v9 =	vand.u32 $0x7F, v9;
	v10 =	vadd.s32 v3, v10  }
0x631: {  	[tilespmem:v6+s25+$0x0] =	vst.idx.msk $0xffff, v7;
	v6 =	vor.u32 v9, v10  }
0x632: {  	v7 =	vld.idx.msk [tilespmem:v8+s23+$0x0], $0xffff;
	v6 =	vor.u32 v4, v6  }
0x633: {  	v9 =	vadd.s32 $0xD, v2;
	v8 =	vadd.s32 v14, v0  }
0x634: {  	v10 =	vshll.u32 v9, $0x3  }
0x635: {  	v10 =	vand.u32 $0xFFFFFC00, v10  }
0x636: {  	v9 =	vand.u32 $0x7F, v9;
	v10 =	vadd.s32 v3, v10  }
0x637: {  	[tilespmem:v6+s25+$0x0] =	vst.idx.msk $0xffff, v7;
	v6 =	vor.u32 v9, v10  }
0x638: {  	v7 =	vld.idx.msk [tilespmem:v8+s23+$0x0], $0xffff;
	v6 =	vor.u32 v4, v6  }
0x639: {  	v9 =	vadd.s32 $0xE, v2;
	v8 =	vadd.s32 v15, v0  }
0x63a: {  	v10 =	vshll.u32 v9, $0x3  }
0x63b: {  	v10 =	vand.u32 $0xFFFFFC00, v10  }
0x63c: {  	v9 =	vand.u32 $0x7F, v9;
	v10 =	vadd.s32 v3, v10  }
0x63d: {  	[tilespmem:v6+s25+$0x0] =	vst.idx.msk $0xffff, v7;
	v6 =	vor.u32 v9, v10  }
0x63e: {  	v7 =	vld.idx.msk [tilespmem:v8+s23+$0x0], $0xffff;
	v6 =	vor.u32 v4, v6  }
0x63f: {  	v2 =	vadd.s32 $0xF, v2;
	v0 =	vadd.s32 v16, v0  }
0x640: {  	v8 =	vshll.u32 v2, $0x3  }
0x641: {  	v8 =	vand.u32 $0xFFFFFC00, v8  }
0x642: {  	v2 =	vand.u32 $0x7F, v2;
	v3 =	vadd.s32 v3, v8  }
0x643: {  	v2 =	vor.u32 v2, v3;
	[tilespmem:v6+s25+$0x0] =	vst.idx.msk $0xffff, v7  }
0x644: {  	v2 =	vor.u32 v4, v2;
	v0 =	vld.idx.msk [tilespmem:v0+s23+$0x0], $0xffff;
	_ =	sdelay $0x4  }
0x645: {  	[tilespmem:v2+s25+$0x0] =	vst.idx.msk $0xffff, v0  }
0x646: {  	v0 =	vld [tilespmem:s30+$0x10D0]  }
0x647: {  	v4 =	vld [tilespmem:s30+$0x20D0]  }
0x648: {  	v2 =	vld [tilespmem:s30+$0x30D0];
	_ =	sdelay $0x3  }
0x649: {  	v6 =	vadd.s32 v17, v0  }
0x64a: {  	v3 =	vshll.u32 v4, $0x9;
	v7 =	vshll.u32 v2, $0x3  }
0x64b: {  	v3 =	vand.u32 $0xFFFFF000, v3;
	v7 =	vand.u32 $0xFFFFFC00, v7  }
0x64c: {  	v8 =	vand.u32 $0x7F, v2;
	v4 =	vshll.u32 v4, $0x7;
	v7 =	vadd.s32 v3, v7  }
0x64d: {  	v4 =	vand.u32 $0x380, v4;
	v7 =	vor.u32 v8, v7  }
0x64e: {  	v7 =	vor.u32 v4, v7;
	v6 =	vld.idx.msk [tilespmem:v6+s23+$0x0], $0xffff  }
0x64f: {  	v9 =	vadd.s32 $0x1, v2;
	v8 =	vadd.s32 v18, v0  }
0x650: {  	v10 =	vshll.u32 v9, $0x3  }
0x651: {  	v10 =	vand.u32 $0xFFFFFC00, v10  }
0x652: {  	v9 =	vand.u32 $0x7F, v9;
	v10 =	vadd.s32 v3, v10  }
0x653: {  	[tilespmem:v7+s25+$0x0] =	vst.idx.msk $0xffff, v6;
	v6 =	vor.u32 v9, v10  }
0x654: {  	v7 =	vld.idx.msk [tilespmem:v8+s23+$0x0], $0xffff;
	v6 =	vor.u32 v4, v6  }
0x655: {  	v9 =	vadd.s32 $0x2, v2;
	v8 =	vadd.s32 v19, v0  }
0x656: {  	v10 =	vshll.u32 v9, $0x3  }
0x657: {  	v10 =	vand.u32 $0xFFFFFC00, v10  }
0x658: {  	v9 =	vand.u32 $0x7F, v9;
	v10 =	vadd.s32 v3, v10  }
0x659: {  	[tilespmem:v6+s25+$0x0] =	vst.idx.msk $0xffff, v7;
	v6 =	vor.u32 v9, v10  }
0x65a: {  	v7 =	vld.idx.msk [tilespmem:v8+s23+$0x0], $0xffff;
	v6 =	vor.u32 v4, v6  }
0x65b: {  	v9 =	vadd.s32 $0x3, v2;
	v8 =	vadd.s32 v20, v0  }
0x65c: {  	v10 =	vshll.u32 v9, $0x3  }
0x65d: {  	v10 =	vand.u32 $0xFFFFFC00, v10  }
0x65e: {  	v9 =	vand.u32 $0x7F, v9;
	v10 =	vadd.s32 v3, v10  }
0x65f: {  	[tilespmem:v6+s25+$0x0] =	vst.idx.msk $0xffff, v7;
	v6 =	vor.u32 v9, v10  }
0x660: {  	v7 =	vld.idx.msk [tilespmem:v8+s23+$0x0], $0xffff;
	v6 =	vor.u32 v4, v6  }
0x661: {  	v9 =	vadd.s32 $0x4, v2;
	v8 =	vadd.s32 v21, v0  }
0x662: {  	v10 =	vshll.u32 v9, $0x3  }
0x663: {  	v10 =	vand.u32 $0xFFFFFC00, v10  }
0x664: {  	v9 =	vand.u32 $0x7F, v9;
	v10 =	vadd.s32 v3, v10  }
0x665: {  	[tilespmem:v6+s25+$0x0] =	vst.idx.msk $0xffff, v7;
	v6 =	vor.u32 v9, v10  }
0x666: {  	v7 =	vld.idx.msk [tilespmem:v8+s23+$0x0], $0xffff;
	v6 =	vor.u32 v4, v6  }
0x667: {  	v9 =	vadd.s32 $0x5, v2;
	v8 =	vadd.s32 v22, v0  }
0x668: {  	v10 =	vshll.u32 v9, $0x3  }
0x669: {  	v10 =	vand.u32 $0xFFFFFC00, v10  }
0x66a: {  	v9 =	vand.u32 $0x7F, v9;
	v10 =	vadd.s32 v3, v10  }
0x66b: {  	[tilespmem:v6+s25+$0x0] =	vst.idx.msk $0xffff, v7;
	v6 =	vor.u32 v9, v10  }
0x66c: {  	v7 =	vld.idx.msk [tilespmem:v8+s23+$0x0], $0xffff;
	v6 =	vor.u32 v4, v6  }
0x66d: {  	v9 =	vadd.s32 $0x6, v2;
	v8 =	vadd.s32 v23, v0  }
0x66e: {  	v10 =	vshll.u32 v9, $0x3  }
0x66f: {  	v10 =	vand.u32 $0xFFFFFC00, v10  }
0x670: {  	v9 =	vand.u32 $0x7F, v9;
	v10 =	vadd.s32 v3, v10  }
0x671: {  	[tilespmem:v6+s25+$0x0] =	vst.idx.msk $0xffff, v7;
	v6 =	vor.u32 v9, v10  }
0x672: {  	v7 =	vld.idx.msk [tilespmem:v8+s23+$0x0], $0xffff;
	v6 =	vor.u32 v4, v6  }
0x673: {  	v9 =	vadd.s32 $0x7, v2;
	v8 =	vadd.s32 v24, v0  }
0x674: {  	v10 =	vshll.u32 v9, $0x3  }
0x675: {  	v10 =	vand.u32 $0xFFFFFC00, v10  }
0x676: {  	v9 =	vand.u32 $0x7F, v9;
	v10 =	vadd.s32 v3, v10  }
0x677: {  	[tilespmem:v6+s25+$0x0] =	vst.idx.msk $0xffff, v7;
	v6 =	vor.u32 v9, v10  }
0x678: {  	v7 =	vld.idx.msk [tilespmem:v8+s23+$0x0], $0xffff;
	v6 =	vor.u32 v4, v6  }
0x679: {  	v9 =	vadd.s32 $0x8, v2;
	v8 =	vadd.s32 v25, v0  }
0x67a: {  	v10 =	vshll.u32 v9, $0x3  }
0x67b: {  	v10 =	vand.u32 $0xFFFFFC00, v10  }
0x67c: {  	v9 =	vand.u32 $0x7F, v9;
	v10 =	vadd.s32 v3, v10  }
0x67d: {  	[tilespmem:v6+s25+$0x0] =	vst.idx.msk $0xffff, v7;
	v6 =	vor.u32 v9, v10  }
0x67e: {  	v7 =	vld.idx.msk [tilespmem:v8+s23+$0x0], $0xffff;
	v6 =	vor.u32 v4, v6  }
0x67f: {  	v9 =	vadd.s32 $0x9, v2;
	v8 =	vadd.s32 v26, v0  }
0x680: {  	v10 =	vshll.u32 v9, $0x3  }
0x681: {  	v10 =	vand.u32 $0xFFFFFC00, v10  }
0x682: {  	v9 =	vand.u32 $0x7F, v9;
	v10 =	vadd.s32 v3, v10  }
0x683: {  	[tilespmem:v6+s25+$0x0] =	vst.idx.msk $0xffff, v7;
	v6 =	vor.u32 v9, v10  }
0x684: {  	v7 =	vld.idx.msk [tilespmem:v8+s23+$0x0], $0xffff;
	v6 =	vor.u32 v4, v6  }
0x685: {  	v9 =	vadd.s32 $0xA, v2;
	v8 =	vadd.s32 v27, v0  }
0x686: {  	v10 =	vshll.u32 v9, $0x3  }
0x687: {  	v10 =	vand.u32 $0xFFFFFC00, v10  }
0x688: {  	v9 =	vand.u32 $0x7F, v9;
	v10 =	vadd.s32 v3, v10  }
0x689: {  	[tilespmem:v6+s25+$0x0] =	vst.idx.msk $0xffff, v7;
	v6 =	vor.u32 v9, v10  }
0x68a: {  	v7 =	vld.idx.msk [tilespmem:v8+s23+$0x0], $0xffff;
	v6 =	vor.u32 v4, v6  }
0x68b: {  	v9 =	vadd.s32 $0xB, v2;
	v8 =	vadd.s32 v28, v0  }
0x68c: {  	v10 =	vshll.u32 v9, $0x3  }
0x68d: {  	v10 =	vand.u32 $0xFFFFFC00, v10  }
0x68e: {  	v9 =	vand.u32 $0x7F, v9;
	v10 =	vadd.s32 v3, v10  }
0x68f: {  	[tilespmem:v6+s25+$0x0] =	vst.idx.msk $0xffff, v7;
	v6 =	vor.u32 v9, v10  }
0x690: {  	v7 =	vld.idx.msk [tilespmem:v8+s23+$0x0], $0xffff;
	v6 =	vor.u32 v4, v6  }
0x691: {  	v9 =	vadd.s32 $0xC, v2;
	v8 =	vadd.s32 v29, v0  }
0x692: {  	v10 =	vshll.u32 v9, $0x3  }
0x693: {  	v10 =	vand.u32 $0xFFFFFC00, v10  }
0x694: {  	v9 =	vand.u32 $0x7F, v9;
	v10 =	vadd.s32 v3, v10  }
0x695: {  	[tilespmem:v6+s25+$0x0] =	vst.idx.msk $0xffff, v7;
	v6 =	vor.u32 v9, v10  }
0x696: {  	v7 =	vld.idx.msk [tilespmem:v8+s23+$0x0], $0xffff;
	v6 =	vor.u32 v4, v6  }
0x697: {  	v9 =	vadd.s32 $0xD, v2;
	v8 =	vadd.s32 v30, v0  }
0x698: {  	v10 =	vshll.u32 v9, $0x3  }
0x699: {  	v10 =	vand.u32 $0xFFFFFC00, v10  }
0x69a: {  	v9 =	vand.u32 $0x7F, v9;
	v10 =	vadd.s32 v3, v10  }
0x69b: {  	[tilespmem:v6+s25+$0x0] =	vst.idx.msk $0xffff, v7;
	v6 =	vor.u32 v9, v10  }
0x69c: {  	v7 =	vld.idx.msk [tilespmem:v8+s23+$0x0], $0xffff;
	v6 =	vor.u32 v4, v6  }
0x69d: {  	v9 =	vadd.s32 $0xE, v2;
	v8 =	vadd.s32 v31, v0  }
0x69e: {  	v10 =	vshll.u32 v9, $0x3  }
0x69f: {  	v10 =	vand.u32 $0xFFFFFC00, v10  }
0x6a0: {  	v9 =	vand.u32 $0x7F, v9;
	v10 =	vadd.s32 v3, v10  }
0x6a1: {  	[tilespmem:v6+s25+$0x0] =	vst.idx.msk $0xffff, v7;
	v6 =	vor.u32 v9, v10  }
0x6a2: {  	v7 =	vld.idx.msk [tilespmem:v8+s23+$0x0], $0xffff;
	v6 =	vor.u32 v4, v6  }
0x6a3: {  	v2 =	vadd.s32 $0xF, v2;
	v0 =	vadd.s32 v32, v0  }
0x6a4: {  	v8 =	vshll.u32 v2, $0x3  }
0x6a5: {  	v8 =	vand.u32 $0xFFFFFC00, v8  }
0x6a6: {  	v2 =	vand.u32 $0x7F, v2;
	v3 =	vadd.s32 v3, v8  }
0x6a7: {  	v2 =	vor.u32 v2, v3;
	[tilespmem:v6+s25+$0x0] =	vst.idx.msk $0xffff, v7  }
0x6a8: {  	v2 =	vor.u32 v4, v2;
	v0 =	vld.idx.msk [tilespmem:v0+s23+$0x0], $0xffff;
	_ =	sdelay $0x4  }
0x6a9: {  	[tilespmem:v2+s25+$0x0] =	vst.idx.msk $0xffff, v0  }
0x6aa: {  	v0 =	vld [tilespmem:s30+$0x10E0]  }
0x6ab: {  	v4 =	vld [tilespmem:s30+$0x20E0]  }
0x6ac: {  	v2 =	vld [tilespmem:s30+$0x30E0];
	_ =	sdelay $0x3  }
0x6ad: {  	v6 =	vadd.s32 v33, v0  }
0x6ae: {  	v3 =	vshll.u32 v4, $0x9;
	v7 =	vshll.u32 v2, $0x3  }
0x6af: {  	v3 =	vand.u32 $0xFFFFF000, v3;
	v7 =	vand.u32 $0xFFFFFC00, v7  }
0x6b0: {  	v8 =	vand.u32 $0x7F, v2;
	v4 =	vshll.u32 v4, $0x7;
	v7 =	vadd.s32 v3, v7  }
0x6b1: {  	v4 =	vand.u32 $0x380, v4;
	v7 =	vor.u32 v8, v7  }
0x6b2: {  	v7 =	vor.u32 v4, v7;
	v6 =	vld.idx.msk [tilespmem:v6+s23+$0x0], $0xffff  }
0x6b3: {  	v9 =	vadd.s32 $0x1, v2;
	v8 =	vadd.s32 v34, v0  }
0x6b4: {  	v10 =	vshll.u32 v9, $0x3  }
0x6b5: {  	v10 =	vand.u32 $0xFFFFFC00, v10  }
0x6b6: {  	v9 =	vand.u32 $0x7F, v9;
	v10 =	vadd.s32 v3, v10  }
0x6b7: {  	[tilespmem:v7+s25+$0x0] =	vst.idx.msk $0xffff, v6;
	v6 =	vor.u32 v9, v10  }
0x6b8: {  	v7 =	vld.idx.msk [tilespmem:v8+s23+$0x0], $0xffff;
	v6 =	vor.u32 v4, v6  }
0x6b9: {  	v9 =	vadd.s32 $0x2, v2;
	v8 =	vadd.s32 v35, v0  }
0x6ba: {  	v10 =	vshll.u32 v9, $0x3  }
0x6bb: {  	v10 =	vand.u32 $0xFFFFFC00, v10  }
0x6bc: {  	v9 =	vand.u32 $0x7F, v9;
	v10 =	vadd.s32 v3, v10  }
0x6bd: {  	[tilespmem:v6+s25+$0x0] =	vst.idx.msk $0xffff, v7;
	v6 =	vor.u32 v9, v10  }
0x6be: {  	v7 =	vld.idx.msk [tilespmem:v8+s23+$0x0], $0xffff;
	v6 =	vor.u32 v4, v6  }
0x6bf: {  	v9 =	vadd.s32 $0x3, v2;
	v8 =	vadd.s32 v36, v0  }
0x6c0: {  	v10 =	vshll.u32 v9, $0x3  }
0x6c1: {  	v10 =	vand.u32 $0xFFFFFC00, v10  }
0x6c2: {  	v9 =	vand.u32 $0x7F, v9;
	v10 =	vadd.s32 v3, v10  }
0x6c3: {  	[tilespmem:v6+s25+$0x0] =	vst.idx.msk $0xffff, v7;
	v6 =	vor.u32 v9, v10  }
0x6c4: {  	v7 =	vld.idx.msk [tilespmem:v8+s23+$0x0], $0xffff;
	v6 =	vor.u32 v4, v6  }
0x6c5: {  	v9 =	vadd.s32 $0x4, v2;
	v8 =	vadd.s32 v37, v0  }
0x6c6: {  	v10 =	vshll.u32 v9, $0x3  }
0x6c7: {  	v10 =	vand.u32 $0xFFFFFC00, v10  }
0x6c8: {  	v9 =	vand.u32 $0x7F, v9;
	v10 =	vadd.s32 v3, v10  }
0x6c9: {  	[tilespmem:v6+s25+$0x0] =	vst.idx.msk $0xffff, v7;
	v6 =	vor.u32 v9, v10  }
0x6ca: {  	v7 =	vld.idx.msk [tilespmem:v8+s23+$0x0], $0xffff;
	v6 =	vor.u32 v4, v6  }
0x6cb: {  	v9 =	vadd.s32 $0x5, v2;
	v8 =	vadd.s32 v38, v0  }
0x6cc: {  	v10 =	vshll.u32 v9, $0x3  }
0x6cd: {  	v10 =	vand.u32 $0xFFFFFC00, v10  }
0x6ce: {  	v9 =	vand.u32 $0x7F, v9;
	v10 =	vadd.s32 v3, v10  }
0x6cf: {  	[tilespmem:v6+s25+$0x0] =	vst.idx.msk $0xffff, v7;
	v6 =	vor.u32 v9, v10  }
0x6d0: {  	v7 =	vld.idx.msk [tilespmem:v8+s23+$0x0], $0xffff;
	v6 =	vor.u32 v4, v6  }
0x6d1: {  	v9 =	vadd.s32 $0x6, v2;
	v8 =	vadd.s32 v39, v0  }
0x6d2: {  	v10 =	vshll.u32 v9, $0x3  }
0x6d3: {  	v10 =	vand.u32 $0xFFFFFC00, v10  }
0x6d4: {  	v9 =	vand.u32 $0x7F, v9;
	v10 =	vadd.s32 v3, v10  }
0x6d5: {  	[tilespmem:v6+s25+$0x0] =	vst.idx.msk $0xffff, v7;
	v6 =	vor.u32 v9, v10  }
0x6d6: {  	v7 =	vld.idx.msk [tilespmem:v8+s23+$0x0], $0xffff;
	v6 =	vor.u32 v4, v6  }
0x6d7: {  	v9 =	vadd.s32 $0x7, v2;
	v8 =	vadd.s32 v40, v0  }
0x6d8: {  	v10 =	vshll.u32 v9, $0x3  }
0x6d9: {  	v10 =	vand.u32 $0xFFFFFC00, v10  }
0x6da: {  	v9 =	vand.u32 $0x7F, v9;
	v10 =	vadd.s32 v3, v10  }
0x6db: {  	[tilespmem:v6+s25+$0x0] =	vst.idx.msk $0xffff, v7;
	v6 =	vor.u32 v9, v10  }
0x6dc: {  	v7 =	vld.idx.msk [tilespmem:v8+s23+$0x0], $0xffff;
	v6 =	vor.u32 v4, v6  }
0x6dd: {  	v9 =	vadd.s32 $0x8, v2;
	v8 =	vadd.s32 v41, v0  }
0x6de: {  	v10 =	vshll.u32 v9, $0x3  }
0x6df: {  	v10 =	vand.u32 $0xFFFFFC00, v10  }
0x6e0: {  	v9 =	vand.u32 $0x7F, v9;
	v10 =	vadd.s32 v3, v10  }
0x6e1: {  	[tilespmem:v6+s25+$0x0] =	vst.idx.msk $0xffff, v7;
	v6 =	vor.u32 v9, v10  }
0x6e2: {  	v7 =	vld.idx.msk [tilespmem:v8+s23+$0x0], $0xffff;
	v6 =	vor.u32 v4, v6  }
0x6e3: {  	v9 =	vadd.s32 $0x9, v2;
	v8 =	vadd.s32 v42, v0  }
0x6e4: {  	v10 =	vshll.u32 v9, $0x3  }
0x6e5: {  	v10 =	vand.u32 $0xFFFFFC00, v10  }
0x6e6: {  	v9 =	vand.u32 $0x7F, v9;
	v10 =	vadd.s32 v3, v10  }
0x6e7: {  	[tilespmem:v6+s25+$0x0] =	vst.idx.msk $0xffff, v7;
	v6 =	vor.u32 v9, v10  }
0x6e8: {  	v7 =	vld.idx.msk [tilespmem:v8+s23+$0x0], $0xffff;
	v6 =	vor.u32 v4, v6  }
0x6e9: {  	v9 =	vadd.s32 $0xA, v2;
	v8 =	vadd.s32 v43, v0  }
0x6ea: {  	v10 =	vshll.u32 v9, $0x3  }
0x6eb: {  	v10 =	vand.u32 $0xFFFFFC00, v10  }
0x6ec: {  	v9 =	vand.u32 $0x7F, v9;
	v10 =	vadd.s32 v3, v10  }
0x6ed: {  	[tilespmem:v6+s25+$0x0] =	vst.idx.msk $0xffff, v7;
	v6 =	vor.u32 v9, v10  }
0x6ee: {  	v7 =	vld.idx.msk [tilespmem:v8+s23+$0x0], $0xffff;
	v6 =	vor.u32 v4, v6  }
0x6ef: {  	v9 =	vadd.s32 $0xB, v2;
	v8 =	vadd.s32 v44, v0  }
0x6f0: {  	v10 =	vshll.u32 v9, $0x3  }
0x6f1: {  	v10 =	vand.u32 $0xFFFFFC00, v10  }
0x6f2: {  	v9 =	vand.u32 $0x7F, v9;
	v10 =	vadd.s32 v3, v10  }
0x6f3: {  	[tilespmem:v6+s25+$0x0] =	vst.idx.msk $0xffff, v7;
	v6 =	vor.u32 v9, v10  }
0x6f4: {  	v7 =	vld.idx.msk [tilespmem:v8+s23+$0x0], $0xffff;
	v6 =	vor.u32 v4, v6  }
0x6f5: {  	v9 =	vadd.s32 $0xC, v2;
	v8 =	vadd.s32 v45, v0  }
0x6f6: {  	v10 =	vshll.u32 v9, $0x3  }
0x6f7: {  	v10 =	vand.u32 $0xFFFFFC00, v10  }
0x6f8: {  	v9 =	vand.u32 $0x7F, v9;
	v10 =	vadd.s32 v3, v10  }
0x6f9: {  	[tilespmem:v6+s25+$0x0] =	vst.idx.msk $0xffff, v7;
	v6 =	vor.u32 v9, v10  }
0x6fa: {  	v7 =	vld.idx.msk [tilespmem:v8+s23+$0x0], $0xffff;
	v6 =	vor.u32 v4, v6  }
0x6fb: {  	v9 =	vadd.s32 $0xD, v2;
	v8 =	vadd.s32 v46, v0  }
0x6fc: {  	v10 =	vshll.u32 v9, $0x3  }
0x6fd: {  	v10 =	vand.u32 $0xFFFFFC00, v10  }
0x6fe: {  	v9 =	vand.u32 $0x7F, v9;
	v10 =	vadd.s32 v3, v10  }
0x6ff: {  	[tilespmem:v6+s25+$0x0] =	vst.idx.msk $0xffff, v7;
	v6 =	vor.u32 v9, v10  }
0x700: {  	v7 =	vld.idx.msk [tilespmem:v8+s23+$0x0], $0xffff;
	v6 =	vor.u32 v4, v6  }
0x701: {  	v9 =	vadd.s32 $0xE, v2;
	v8 =	vadd.s32 v47, v0  }
0x702: {  	v10 =	vshll.u32 v9, $0x3  }
0x703: {  	v10 =	vand.u32 $0xFFFFFC00, v10  }
0x704: {  	v9 =	vand.u32 $0x7F, v9;
	v10 =	vadd.s32 v3, v10  }
0x705: {  	[tilespmem:v6+s25+$0x0] =	vst.idx.msk $0xffff, v7;
	v6 =	vor.u32 v9, v10  }
0x706: {  	v7 =	vld.idx.msk [tilespmem:v8+s23+$0x0], $0xffff;
	v6 =	vor.u32 v4, v6  }
0x707: {  	v2 =	vadd.s32 $0xF, v2;
	v0 =	vadd.s32 v48, v0  }
0x708: {  	v8 =	vshll.u32 v2, $0x3  }
0x709: {  	v8 =	vand.u32 $0xFFFFFC00, v8  }
0x70a: {  	v2 =	vand.u32 $0x7F, v2;
	v3 =	vadd.s32 v3, v8  }
0x70b: {  	v2 =	vor.u32 v2, v3;
	[tilespmem:v6+s25+$0x0] =	vst.idx.msk $0xffff, v7  }
0x70c: {  	v2 =	vor.u32 v4, v2;
	v0 =	vld.idx.msk [tilespmem:v0+s23+$0x0], $0xffff;
	_ =	sdelay $0x4  }
0x70d: {  	[tilespmem:v2+s25+$0x0] =	vst.idx.msk $0xffff, v0  }
0x70e: {  	v0 =	vld [tilespmem:s30+$0x10F0]  }
0x70f: {  	v4 =	vld [tilespmem:s30+$0x20F0]  }
0x710: {  	v2 =	vld [tilespmem:s30+$0x30F0];
	_ =	sdelay $0x3  }
0x711: {  	v6 =	vadd.s32 v49, v0  }
0x712: {  	v3 =	vshll.u32 v4, $0x9;
	v7 =	vshll.u32 v2, $0x3  }
0x713: {  	v3 =	vand.u32 $0xFFFFF000, v3;
	v7 =	vand.u32 $0xFFFFFC00, v7  }
0x714: {  	v8 =	vand.u32 $0x7F, v2;
	v4 =	vshll.u32 v4, $0x7;
	v7 =	vadd.s32 v3, v7  }
0x715: {  	v4 =	vand.u32 $0x380, v4;
	v7 =	vor.u32 v8, v7  }
0x716: {  	v7 =	vor.u32 v4, v7;
	v6 =	vld.idx.msk [tilespmem:v6+s23+$0x0], $0xffff  }
0x717: {  	v9 =	vadd.s32 $0x1, v2;
	v8 =	vadd.s32 v50, v0  }
0x718: {  	v10 =	vshll.u32 v9, $0x3  }
0x719: {  	v10 =	vand.u32 $0xFFFFFC00, v10  }
0x71a: {  	v9 =	vand.u32 $0x7F, v9;
	v10 =	vadd.s32 v3, v10  }
0x71b: {  	[tilespmem:v7+s25+$0x0] =	vst.idx.msk $0xffff, v6;
	v6 =	vor.u32 v9, v10  }
0x71c: {  	v7 =	vld.idx.msk [tilespmem:v8+s23+$0x0], $0xffff;
	v6 =	vor.u32 v4, v6  }
0x71d: {  	v9 =	vadd.s32 $0x2, v2;
	v8 =	vadd.s32 v51, v0  }
0x71e: {  	v10 =	vshll.u32 v9, $0x3  }
0x71f: {  	v10 =	vand.u32 $0xFFFFFC00, v10  }
0x720: {  	v9 =	vand.u32 $0x7F, v9;
	v10 =	vadd.s32 v3, v10  }
0x721: {  	[tilespmem:v6+s25+$0x0] =	vst.idx.msk $0xffff, v7;
	v6 =	vor.u32 v9, v10  }
0x722: {  	v7 =	vld.idx.msk [tilespmem:v8+s23+$0x0], $0xffff;
	v6 =	vor.u32 v4, v6  }
0x723: {  	v9 =	vadd.s32 $0x3, v2;
	v8 =	vadd.s32 v52, v0  }
0x724: {  	v10 =	vshll.u32 v9, $0x3  }
0x725: {  	v10 =	vand.u32 $0xFFFFFC00, v10  }
0x726: {  	v9 =	vand.u32 $0x7F, v9;
	v10 =	vadd.s32 v3, v10  }
0x727: {  	[tilespmem:v6+s25+$0x0] =	vst.idx.msk $0xffff, v7;
	v6 =	vor.u32 v9, v10  }
0x728: {  	v7 =	vld.idx.msk [tilespmem:v8+s23+$0x0], $0xffff;
	v6 =	vor.u32 v4, v6  }
0x729: {  	v9 =	vadd.s32 $0x4, v2;
	v8 =	vadd.s32 v53, v0  }
0x72a: {  	v10 =	vshll.u32 v9, $0x3  }
0x72b: {  	v10 =	vand.u32 $0xFFFFFC00, v10  }
0x72c: {  	v9 =	vand.u32 $0x7F, v9;
	v10 =	vadd.s32 v3, v10  }
0x72d: {  	[tilespmem:v6+s25+$0x0] =	vst.idx.msk $0xffff, v7;
	v6 =	vor.u32 v9, v10  }
0x72e: {  	v7 =	vld.idx.msk [tilespmem:v8+s23+$0x0], $0xffff;
	v6 =	vor.u32 v4, v6  }
0x72f: {  	v9 =	vadd.s32 $0x5, v2;
	v8 =	vadd.s32 v54, v0  }
0x730: {  	v10 =	vshll.u32 v9, $0x3  }
0x731: {  	v10 =	vand.u32 $0xFFFFFC00, v10  }
0x732: {  	v9 =	vand.u32 $0x7F, v9;
	v10 =	vadd.s32 v3, v10  }
0x733: {  	[tilespmem:v6+s25+$0x0] =	vst.idx.msk $0xffff, v7;
	v6 =	vor.u32 v9, v10  }
0x734: {  	v7 =	vld.idx.msk [tilespmem:v8+s23+$0x0], $0xffff;
	v6 =	vor.u32 v4, v6  }
0x735: {  	v11 =	vld [tilespmem:$0x1FCB0];
	v9 =	vadd.s32 $0x6, v2;
	v8 =	vadd.s32 v55, v0  }
0x736: {  	v12 =	vld [tilespmem:$0x1FCC0];
	v10 =	vshll.u32 v9, $0x3  }
0x737: {  	v13 =	vld [tilespmem:$0x1FCD0];
	v10 =	vand.u32 $0xFFFFFC00, v10  }
0x738: {  	v14 =	vld [tilespmem:$0x1FCE0];
	v9 =	vand.u32 $0x7F, v9;
	v10 =	vadd.s32 v3, v10  }
0x739: {  	v15 =	vld [tilespmem:$0x1FCF0];
	[tilespmem:v6+s25+$0x0] =	vst.idx.msk $0xffff, v7;
	v6 =	vor.u32 v9, v10  }
0x73a: {  	v7 =	vld.idx.msk [tilespmem:v8+s23+$0x0], $0xffff;
	v6 =	vor.u32 v4, v6  }
0x73b: {  	v16 =	vld [tilespmem:$0x1FD00];
	v9 =	vadd.s32 $0x7, v2;
	v8 =	vadd.s32 v56, v0  }
0x73c: {  	v17 =	vld [tilespmem:$0x1FD10];
	v10 =	vshll.u32 v9, $0x3  }
0x73d: {  	v18 =	vld [tilespmem:$0x1FD20];
	v10 =	vand.u32 $0xFFFFFC00, v10  }
0x73e: {  	v19 =	vld [tilespmem:$0x1FD30];
	v9 =	vand.u32 $0x7F, v9;
	v10 =	vadd.s32 v3, v10  }
0x73f: {  	v20 =	vld [tilespmem:$0x1FD40];
	[tilespmem:v6+s25+$0x0] =	vst.idx.msk $0xffff, v7;
	v6 =	vor.u32 v9, v10  }
0x740: {  	v7 =	vld.idx.msk [tilespmem:v8+s23+$0x0], $0xffff;
	v6 =	vor.u32 v4, v6  }
0x741: {  	v21 =	vld [tilespmem:$0x1FD50];
	v9 =	vadd.s32 $0x8, v2;
	v8 =	vadd.s32 v57, v0  }
0x742: {  	v22 =	vld [tilespmem:$0x1FD60];
	v10 =	vshll.u32 v9, $0x3  }
0x743: {  	v23 =	vld [tilespmem:$0x1FD70];
	v10 =	vand.u32 $0xFFFFFC00, v10  }
0x744: {  	v24 =	vld [tilespmem:$0x1FD80];
	v9 =	vand.u32 $0x7F, v9;
	v10 =	vadd.s32 v3, v10  }
0x745: {  	v25 =	vld [tilespmem:$0x1FD90];
	[tilespmem:v6+s25+$0x0] =	vst.idx.msk $0xffff, v7;
	v6 =	vor.u32 v9, v10  }
0x746: {  	v7 =	vld.idx.msk [tilespmem:v8+s23+$0x0], $0xffff;
	v6 =	vor.u32 v4, v6  }
0x747: {  	v26 =	vld [tilespmem:$0x1FDA0];
	v9 =	vadd.s32 $0x9, v2;
	v8 =	vadd.s32 v58, v0  }
0x748: {  	v27 =	vld [tilespmem:$0x1FDB0];
	v10 =	vshll.u32 v9, $0x3  }
0x749: {  	v28 =	vld [tilespmem:$0x1FDC0];
	v10 =	vand.u32 $0xFFFFFC00, v10  }
0x74a: {  	v29 =	vld [tilespmem:$0x1FDD0];
	v9 =	vand.u32 $0x7F, v9;
	v10 =	vadd.s32 v3, v10  }
0x74b: {  	v30 =	vld [tilespmem:$0x1FDE0];
	[tilespmem:v6+s25+$0x0] =	vst.idx.msk $0xffff, v7;
	v6 =	vor.u32 v9, v10  }
0x74c: {  	v7 =	vld.idx.msk [tilespmem:v8+s23+$0x0], $0xffff;
	v6 =	vor.u32 v4, v6  }
0x74d: {  	v31 =	vld [tilespmem:$0x1FDF0];
	v9 =	vadd.s32 $0xA, v2;
	v8 =	vadd.s32 v59, v0  }
0x74e: {  	v32 =	vld [tilespmem:$0x1FE00];
	v10 =	vshll.u32 v9, $0x3  }
0x74f: {  	v33 =	vld [tilespmem:$0x1FE10];
	v10 =	vand.u32 $0xFFFFFC00, v10  }
0x750: {  	v34 =	vld [tilespmem:$0x1FE20];
	v9 =	vand.u32 $0x7F, v9;
	v10 =	vadd.s32 v3, v10  }
0x751: {  	v35 =	vld [tilespmem:$0x1FE30];
	[tilespmem:v6+s25+$0x0] =	vst.idx.msk $0xffff, v7;
	v6 =	vor.u32 v9, v10  }
0x752: {  	v7 =	vld.idx.msk [tilespmem:v8+s23+$0x0], $0xffff;
	v6 =	vor.u32 v4, v6  }
0x753: {  	v36 =	vld [tilespmem:$0x1FE40];
	v9 =	vadd.s32 $0xB, v2;
	v8 =	vadd.s32 v60, v0  }
0x754: {  	v37 =	vld [tilespmem:$0x1FE50];
	v10 =	vshll.u32 v9, $0x3  }
0x755: {  	v38 =	vld [tilespmem:$0x1FE60];
	v10 =	vand.u32 $0xFFFFFC00, v10  }
0x756: {  	v39 =	vld [tilespmem:$0x1FE70];
	v9 =	vand.u32 $0x7F, v9;
	v10 =	vadd.s32 v3, v10  }
0x757: {  	v40 =	vld [tilespmem:$0x1FE80];
	[tilespmem:v6+s25+$0x0] =	vst.idx.msk $0xffff, v7;
	v6 =	vor.u32 v9, v10  }
0x758: {  	v7 =	vld.idx.msk [tilespmem:v8+s23+$0x0], $0xffff;
	v6 =	vor.u32 v4, v6  }
0x759: {  	v41 =	vld [tilespmem:$0x1FE90];
	v9 =	vadd.s32 $0xC, v2;
	v8 =	vadd.s32 v61, v0  }
0x75a: {  	v42 =	vld [tilespmem:$0x1FEA0];
	v10 =	vshll.u32 v9, $0x3  }
0x75b: {  	v43 =	vld [tilespmem:$0x1FEB0];
	v10 =	vand.u32 $0xFFFFFC00, v10  }
0x75c: {  	v44 =	vld [tilespmem:$0x1FEC0];
	v9 =	vand.u32 $0x7F, v9;
	v10 =	vadd.s32 v3, v10  }
0x75d: {  	v45 =	vld [tilespmem:$0x1FED0];
	[tilespmem:v6+s25+$0x0] =	vst.idx.msk $0xffff, v7;
	v6 =	vor.u32 v9, v10  }
0x75e: {  	v7 =	vld.idx.msk [tilespmem:v8+s23+$0x0], $0xffff;
	v6 =	vor.u32 v4, v6  }
0x75f: {  	v46 =	vld [tilespmem:$0x1FEE0];
	v9 =	vadd.s32 $0xD, v2;
	v8 =	vadd.s32 v62, v0  }
0x760: {  	v47 =	vld [tilespmem:$0x1FEF0];
	v10 =	vshll.u32 v9, $0x3  }
0x761: {  	v48 =	vld [tilespmem:$0x1FF00];
	v10 =	vand.u32 $0xFFFFFC00, v10  }
0x762: {  	v49 =	vld [tilespmem:$0x1FF10];
	v9 =	vand.u32 $0x7F, v9;
	v10 =	vadd.s32 v3, v10  }
0x763: {  	v50 =	vld [tilespmem:$0x1FF20];
	[tilespmem:v6+s25+$0x0] =	vst.idx.msk $0xffff, v7;
	v6 =	vor.u32 v9, v10  }
0x764: {  	v7 =	vld.idx.msk [tilespmem:v8+s23+$0x0], $0xffff;
	v6 =	vor.u32 v4, v6  }
0x765: {  	v51 =	vld [tilespmem:$0x1FF30];
	v9 =	vadd.s32 $0xE, v2;
	v8 =	vadd.s32 v63, v0  }
0x766: {  	v52 =	vld [tilespmem:$0x1FF40];
	v10 =	vshll.u32 v9, $0x3  }
0x767: {  	v53 =	vld [tilespmem:$0x1FF50];
	v10 =	vand.u32 $0xFFFFFC00, v10  }
0x768: {  	v54 =	vld [tilespmem:$0x1FF60];
	v9 =	vand.u32 $0x7F, v9;
	v10 =	vadd.s32 v3, v10  }
0x769: {  	v55 =	vld [tilespmem:$0x1FF70];
	[tilespmem:v6+s25+$0x0] =	vst.idx.msk $0xffff, v7;
	v6 =	vor.u32 v9, v10  }
0x76a: {  	v7 =	vld.idx.msk [tilespmem:v8+s23+$0x0], $0xffff;
	v6 =	vor.u32 v4, v6  }
0x76b: {  	v56 =	vld [tilespmem:$0x1FF80];
	v0 =	vadd.s32 v1, v0;
	v1 =	vadd.s32 $0xF, v2  }
0x76c: {  	v57 =	vld [tilespmem:$0x1FF90];
	v2 =	vshll.u32 v1, $0x3  }
0x76d: {  	v58 =	vld [tilespmem:$0x1FFA0];
	v2 =	vand.u32 $0xFFFFFC00, v2  }
0x76e: {  	v59 =	vld [tilespmem:$0x1FFB0];
	v1 =	vand.u32 $0x7F, v1;
	v2 =	vadd.s32 v3, v2  }
0x76f: {  	s29 =	sadd.s32 $0x400, s29;
	v60 =	vld [tilespmem:$0x1FFC0];
	v1 =	vor.u32 v1, v2;
	[tilespmem:v6+s25+$0x0] =	vst.idx.msk $0xffff, v7  }
0x770: {  	p0 =	sne.s32 s29, $0x3400;
	v1 =	vor.u32 v4, v1;
	v0 =	vld.idx.msk [tilespmem:v0+s23+$0x0], $0xffff  }
.Ltmp0:
0x771: {  	v61 =	vld [tilespmem:$0x1FFD0];
	(pc) =	sbr.rel @p0 .LBB2_2-.Ltmp0, $4  }
0x772: {  	v62 =	vld [tilespmem:$0x1FFE0]  }
0x773: {  	v63 =	vld [tilespmem:$0x1FFF0]  }
0x774: {  	v10 =	vld [tilespmem:$0x1FCA0]  }
0x775: {  	v8 =	vld [tilespmem:$0x1FC90];
	[tilespmem:v1+s25+$0x0] =	vst.idx.msk $0xffff, v0  }
0x776: {  	_ =	swait.ge [sflag:s26], $0xD00  }
0x777: {  	[sflag:s26] =	ssyncset.done $0x0  }
0x778: {  	[sflag:s26] =	ssyncadd.s32 $0xFFFFF300  }
0x779: {  	[hbm4b:s11+s2] =	stream.linear.scatter [tilespmem:s25], [sflag:$0x3], $0x10000, $0x38;
	[tilespmem:$0x1E000] =	vst v63  }
0x77a: {  	s28 =	sadd.s32 $0x1, s28;
	_ =	swait.ge [sflag:s13], $0x10000  }
0x77b: {  	p0 =	sne.s32 s28, s12;
	[sflag:s13] =	ssyncset.done $0x0  }
.Ltmp1:
0x77c: {  	[sflag:s13] =	ssyncadd.s32 $0xFFFF0000;
	(pc) =	sbr.rel @p0 .LBB2_1-.Ltmp1, $4  }
0x77d: {  	[hbm4b:s10+s2] =	stream.linear.scatter [tilespmem:s19], [sflag:$0x3], $0xD00, $0x38;
	[tilespmem:$0x1E000] =	vst v63  }
0x77e: {  	_ =	swait.ge [sflag:s13], $0xD00  }
0x77f: {  	[sflag:s13] =	ssyncset.done $0x0  }
0x780: {  	[sflag:s13] =	ssyncadd.s32 $0xFFFFF300  }
0x781: {  	_ =	sfence.sel $0x180000  }
0x782: {  	[bflag:$0x0] =	sbarrier.arrive $0xFFFF  }
0x783: {  	_ =	strace $0x90000047  }
0x784: {  	s0 =	stileid.u32;
	[bflag:$0x2] =	sbarrier.arrive $0xFFFF  }
0x785: {  	p0 =	sne.s32 s0, $0x0;
	s0 =	rddreg [dreg:$0x1]  }
0x786: {  	s0 =	sadd.s32 @!p0 $0x100000, s0  }
0x787: {  	[sflag:s0] =	ssyncadd.tile.s32 @!p0 $0x1;
	_ =	shalt  }
.Lfunc_end2:
_tile_overlayer_lowered:
.L_overlay_start_2:
0x788: {  	(tag) =	ssettag $0x2  }
0x789: {  	s0 =	rddreg [dreg:$0x0];
	s2 =	stileid.u32  }
0x78a: {  	s1 =	rddreg [dreg:$0x1];
	p0 =	sne.s32 s2, $0x0  }
0x78b: {  	s3 =	rddreg [dreg:$0x2];
	[bflag:$0x3] =	sbarrier.arrive $0xFFFF;
	s2 =	simm.s32 @!p0 $0x1C03  }
0x78c: {  	[timem:s3], [sflag:s2] =	dma.local @!p0 [hbm:s0], s1  }
0x78d: {  	s0 =	simm.s32 @!p0 $0x3  }
0x78e: {  	_ =	swait.ge @!p0 [sflag:s0], s1  }
0x78f: {  	s1 =	ssub.s32 @!p0 $0x0, s1;
	[sflag:s0] =	ssyncset.done @!p0 $0x0  }
0x790: {  	[sflag:s0] =	ssyncadd.s32 @!p0 s1  }
0x791: {  	[bflag:$0x3] =	sbarrier.arrive $0xFFFF  }
0x792: {  	_ =	shalt  }

</sc_bundles>
